<compile_context>
chip_gen: v7x
topology: tpu7x:2x2x1
jax: 0.10.2.dev20260603
libtpu: 0.0.44.dev20260713+nightly
codegen_flags: <defaults>
</compile_context>

<pallas_src>
import functools

import jax
import jax.numpy as jnp
from jax import lax
from jax.experimental import pallas as pl
from jax.experimental.pallas import tpu as pltpu
from jax.experimental.pallas import tpu_sc as plsc


@functools.partial(jax.jit, static_argnums=(5, 6, 7, 8))
def _sc_gather_concat(emb_t, emb_c, idx, top, bottom, HW, NC, NS, B):
    H, W = HW
    D = H * W
    NW = NC * NS
    b_per_w = B // NW
    LANES = 16
    W_VECS = W // LANES
    NBUF = 2
    CHUNK = H // NBUF

    mesh = plsc.VectorSubcoreMesh(core_axis_name="c", subcore_axis_name="s")

    @functools.partial(
        pl.kernel,
        out_type=jax.ShapeDtypeStruct((B, 4, H, W), jnp.float32),
        mesh=mesh,
        scratch_types=[
            pltpu.VMEM((16, 8), jnp.int32),
            pltpu.VMEM((1, D), jnp.float32),
            pltpu.VMEM((CHUNK, W), jnp.float32),
            pltpu.VMEM((CHUNK, W), jnp.float32),
            pltpu.SemaphoreType.DMA,
            pltpu.SemaphoreType.DMA,
            pltpu.SemaphoreType.DMA,
            pltpu.SemaphoreType.DMA,
            pltpu.SemaphoreType.DMA,
        ],
    )
    def sc_fn(emb_t_r, emb_c_r, idx_r, top_r, bot_r, out_r,
              idx_v, bufrow, hb0, hb1,
              sg, si0, si1, so0, so1):
        wid = lax.axis_index("s") * NC + lax.axis_index("c")
        b0 = wid * b_per_w
        pltpu.sync_copy(idx_r.at[wid], idx_v)

        hbs = (hb0, hb1)
        in_sems = (si0, si1)
        out_sems = (so0, so1)

        def permute_chunk(hb, h):
            @plsc.parallel_loop(0, CHUNK, 1, unroll=8)
            def _(r):
                base = pl.multiple_of((h * CHUNK + r) * W, LANES)
                for c in range(W_VECS):
                    hb[r, pl.ds(c * LANES, LANES)] = (
                        bufrow[0, pl.ds(base + c * LANES, LANES)])

        gathers = []
        tasks = []
        for jj in range(b_per_w):
            gathers.append((emb_t_r, jj))
            gathers.append((emb_c_r, b_per_w + jj))
            tasks.append(("d", top_r, jj, 2))
            tasks.append(("g", None, jj, 0))
            tasks.append(("d", bot_r, jj, 3))
            tasks.append(("g", None, jj, 1))

        def start_gather(i):
            src, p = gathers[i]
            return pltpu.async_copy(
                src.at[idx_v.at[p, pl.ds(0, 1)]], bufrow, sg)

        state = {"slot": 0, "out": [None] * NBUF}

        def emit_chunk(kind, src, b, ch, h):
            s = state["slot"]
            state["slot"] = (s + 1) % NBUF
            if state["out"][s] is not None:
                state["out"][s].wait()
            if kind == "d":
                pltpu.async_copy(
                    src.at[b, 0, pl.ds(h * CHUNK, CHUNK)], hbs[s], in_sems[s]
                ).wait()
            else:
                permute_chunk(hbs[s], h)
            state["out"][s] = pltpu.async_copy(
                hbs[s], out_r.at[b, ch, pl.ds(h * CHUNK, CHUNK)], out_sems[s])

        gi = 0
        gh = start_gather(0)
        gi = 1
        for kind, src, jj, ch in tasks:
            b = b0 + jj
            if kind == "g":
                gh.wait()
                for h in range(NBUF):
                    emit_chunk("g", None, b, ch, h)
                if gi < len(gathers):
                    gh = start_gather(gi)
                    gi += 1
            else:
                for h in range(NBUF):
                    emit_chunk("d", src, b, ch, h)
        for s in range(NBUF):
            if state["out"][s] is not None:
                state["out"][s].wait()

    return sc_fn(emb_t, emb_c, idx, top, bottom)


def kernel(x, t, c_idx, top, bottom, emb_t, emb_c):
    B = x.shape[0]
    H = x.shape[2]
    W = x.shape[3]

    info = plsc.get_sparse_core_info()
    NC, NS = info.num_cores, info.num_subcores
    NW = NC * NS
    b_per_w = B // NW

    t_i = t.astype(jnp.int32).reshape(NW, b_per_w)
    c_i = c_idx.astype(jnp.int32).reshape(NW, b_per_w)
    pad = jnp.zeros((NW, 16 - 2 * b_per_w), jnp.int32)
    vals = jnp.concatenate([t_i, c_i, pad], axis=1)
    idx = jnp.broadcast_to(vals[:, :, None], (NW, 16, 8))

    return _sc_gather_concat(emb_t, emb_c, idx, top, bottom, (H, W), NC, NS, B)

# --- scband reference (transcript-rebuilt; emitter-appended) ---
"""Pipeline reference for scband-slices-embeddings-55095840473613 (READ-ONLY COPY).

The authoritative reference and input builder live on the scoring server;
editing this copy changes nothing except your own understanding.
"""

import jax, jax.numpy as jnp
import numpy as np
import math


def _build_sinusoid_table(n_pos, embed_dim):
    pos = np.arange(n_pos)[:, None].astype(np.float32)
    div = np.exp(np.arange(0, embed_dim, 2).astype(np.float32) * -(math.log(10000.0) / embed_dim))
    tab = np.zeros((n_pos, embed_dim), dtype=np.float32)
    tab[:, 0::2] = np.cos(pos * div)
    tab[:, 1::2] = np.sin(pos * div)
    return jnp.asarray(tab)


def setup_inputs(seed: int = 0):
    key = jax.random.key(seed)
    B = 64
    H = W = 224
    time_steps = 1000
    L = 256
    embed_dim = H * W
    k1, k2, k3, k4, k5 = jax.random.split(key, 5)
    x = jax.random.normal(k1, (B, 1, H, W), dtype=jnp.float32)
    t = jax.random.randint(k2, (B,), 0, time_steps)
    c_idx = jax.random.randint(k3, (B,), 0, L)
    top = jax.random.normal(k4, (B, 1, H, W), dtype=jnp.float32)
    bottom = jax.random.normal(k5, (B, 1, H, W), dtype=jnp.float32)
    emb_t = _build_sinusoid_table(time_steps, embed_dim)
    emb_c = _build_sinusoid_table(L, embed_dim)
    return {"x": x, "t": t, "c_idx": c_idx, "top": top, "bottom": bottom, "emb_t": emb_t, "emb_c": emb_c}


def reference(x, t, c_idx, top, bottom, emb_t, emb_c):
    B = x.shape[0]
    H = x.shape[2]
    W = x.shape[3]
    embeds_t = jnp.take(emb_t, t, axis=0).reshape(B, 1, H, W)
    embeds_c = jnp.take(emb_c, c_idx, axis=0).reshape(B, 1, H, W)
    embeds_total = jnp.concatenate((embeds_t, embeds_c, top, bottom), axis=1)
    return embeds_total

if __name__ == "__main__":
    import jax
    _d = setup_inputs()
    print(jax.jit(kernel)(*tuple(_d.values())))

</pallas_src>

<mosaic_0001>
#map = affine_map<(d0, d1) -> (0, 0)>
#map1 = affine_map<(d0, d1) -> (0, 0, 0)>
#map2 = affine_map<(d0, d1) -> (0, 0, 0, 0)>
module attributes {stable_mosaic.version = 14 : i64} {
  func.func @sc_fn(%arg0: i32, %arg1: i32, %arg2: memref<1000x50176xf32, #tpu.memory_space<hbm>>, %arg3: memref<256x50176xf32, #tpu.memory_space<hbm>>, %arg4: memref<32x16x8xi32, #tpu.memory_space<hbm>>, %arg5: memref<64x1x224x224xf32, #tpu.memory_space<hbm>>, %arg6: memref<64x1x224x224xf32, #tpu.memory_space<hbm>>, %arg7: memref<64x4x224x224xf32, #tpu.memory_space<hbm>>, %arg8: memref<16x8xi32, #tpu.memory_space<vmem>>, %arg9: memref<1x50176xf32, #tpu.memory_space<vmem>>, %arg10: memref<112x224xf32, #tpu.memory_space<vmem>>, %arg11: memref<112x224xf32, #tpu.memory_space<vmem>>, %arg12: memref<!tpu.dma_semaphore, #tpu.memory_space<semaphore_mem>>, %arg13: memref<!tpu.dma_semaphore, #tpu.memory_space<semaphore_mem>>, %arg14: memref<!tpu.dma_semaphore, #tpu.memory_space<semaphore_mem>>, %arg15: memref<!tpu.dma_semaphore, #tpu.memory_space<semaphore_mem>>, %arg16: memref<!tpu.dma_semaphore, #tpu.memory_space<semaphore_mem>>) attributes {dimension_semantics = [#tpu.dimension_semantics<core_parallel>, #tpu.dimension_semantics<subcore_parallel>], iteration_bounds = array<i64: 2, 16>, scalar_prefetch = 0 : i64, scratch_operands = 9 : i64, tpu.core_type = #tpu.core_type<sc_vector_subcore>, window_params = [{transform_indices = #map}, {transform_indices = #map}, {transform_indices = #map1}, {transform_indices = #map2}, {transform_indices = #map2}, {transform_indices = #map2}]} {
    %mul3A = arith.constant 2 : i32
    %mul3A_0 = arith.muli %arg1, %mul3A : i32
    %add3A = arith.addi %mul3A_0, %arg0 : i32
    %mul3A_1 = arith.constant 2 : i32
    %mul3A_2 = arith.muli %add3A, %mul3A_1 : i32
    "tpu.region"() ({
      %run_scoped3A = tpu.sem_alloc : memref<!tpu.dma_semaphore, #tpu.memory_space<semaphore_mem>>
      %dma_start3A_528 = arith.constant 0 : i32
      %dma_start3A_529 = arith.constant 0 : i32
      %dma_start3A_530 = tpu.memref_slice %arg4[%add3A, %dma_start3A_528, %dma_start3A_529] : memref<32x16x8xi32, #tpu.memory_space<hbm>> -> memref<1x16x8xi32, #tpu.memory_space<hbm>>
      %dma_start3A_531 = tpu.memref_squeeze %dma_start3A_530 : memref<1x16x8xi32, #tpu.memory_space<hbm>> -> memref<16x8xi32, #tpu.memory_space<hbm>>
      %dma_start3A_532 = arith.constant 0 : i32
      %dma_start3A_533 = arith.constant 0 : i32
      %dma_start3A_534 = tpu.memref_slice %arg4[%add3A, %dma_start3A_532, %dma_start3A_533] : memref<32x16x8xi32, #tpu.memory_space<hbm>> -> memref<1x16x8xi32, #tpu.memory_space<hbm>>
      %dma_start3A_535 = tpu.memref_squeeze %dma_start3A_534 : memref<1x16x8xi32, #tpu.memory_space<hbm>> -> memref<16x8xi32, #tpu.memory_space<hbm>>
      tpu.enqueue_dma source(%dma_start3A_535 : memref<16x8xi32, #tpu.memory_space<hbm>>) target(%arg8 : memref<16x8xi32, #tpu.memory_space<vmem>>) target_semaphore(%run_scoped3A : memref<!tpu.dma_semaphore, #tpu.memory_space<semaphore_mem>>)
      %dma_wait3A_536 = arith.constant 0 : i32
      %dma_wait3A_537 = arith.constant 0 : i32
      %dma_wait3A_538 = tpu.memref_slice %arg4[%add3A, %dma_wait3A_536, %dma_wait3A_537] : memref<32x16x8xi32, #tpu.memory_space<hbm>> -> memref<1x16x8xi32, #tpu.memory_space<hbm>>
      %dma_wait3A_539 = tpu.memref_squeeze %dma_wait3A_538 : memref<1x16x8xi32, #tpu.memory_space<hbm>> -> memref<16x8xi32, #tpu.memory_space<hbm>>
      %dma_wait3A_540 = arith.constant 0 : i32
      %dma_wait3A_541 = arith.constant 0 : i32
      %dma_wait3A_542 = tpu.memref_slice %arg4[%add3A, %dma_wait3A_540, %dma_wait3A_541] : memref<32x16x8xi32, #tpu.memory_space<hbm>> -> memref<1x16x8xi32, #tpu.memory_space<hbm>>
      %dma_wait3A_543 = tpu.memref_squeeze %dma_wait3A_542 : memref<1x16x8xi32, #tpu.memory_space<hbm>> -> memref<16x8xi32, #tpu.memory_space<hbm>>
      tpu.wait_dma2 semaphore(%run_scoped3A : memref<!tpu.dma_semaphore, #tpu.memory_space<semaphore_mem>>) src(%dma_wait3A_543 : memref<16x8xi32, #tpu.memory_space<hbm>>) dst(%arg8 : memref<16x8xi32, #tpu.memory_space<vmem>>)
      tpu.yield
    }) : () -> ()
    %dma_start3A = arith.constant 0 : i32
    %dma_start3A_3 = arith.constant 0 : i32
    %dma_start3A_4 = tpu.memref_slice %arg8[%dma_start3A, %dma_start3A_3] : memref<16x8xi32, #tpu.memory_space<vmem>> -> memref<1x1xi32, #tpu.memory_space<vmem>>
    %dma_start3A_5 = tpu.memref_squeeze %dma_start3A_4 : memref<1x1xi32, #tpu.memory_space<vmem>> -> memref<1xi32, #tpu.memory_space<vmem>>
    %dma_start3A_6 = arith.constant 0 : i32
    %dma_start3A_7 = arith.constant 0 : i32
    %dma_start3A_8 = tpu.memref_slice %arg2[%dma_start3A_6, %dma_start3A_7] : memref<1000x50176xf32, #tpu.memory_space<hbm>> -> memref<1000x50176xf32, #tpu.memory_space<hbm>>
    tpu.enqueue_indirect_dma source(%dma_start3A_8 : memref<1000x50176xf32, #tpu.memory_space<hbm>>) target(%arg9 : memref<1x50176xf32, #tpu.memory_space<vmem>>) offsets(%dma_start3A_5 : memref<1xi32, #tpu.memory_space<vmem>>) semaphore(%arg12 : memref<!tpu.dma_semaphore, #tpu.memory_space<semaphore_mem>>)
    %add3A_9 = arith.constant 0 : i32
    %add3A_10 = arith.addi %mul3A_2, %add3A_9 : i32
    %dma_start3A_11 = arith.constant 0 : i32
    %dma_start3A_12 = arith.constant 0 : i32
    %dma_start3A_13 = arith.constant 0 : i32
    %dma_start3A_14 = tpu.memref_slice %arg5[%add3A_10, %dma_start3A_11, %dma_start3A_12, %dma_start3A_13] : memref<64x1x224x224xf32, #tpu.memory_space<hbm>> -> memref<1x1x112x224xf32, #tpu.memory_space<hbm>>
    %dma_start3A_15 = tpu.memref_squeeze %dma_start3A_14 : memref<1x1x112x224xf32, #tpu.memory_space<hbm>> -> memref<112x224xf32, #tpu.memory_space<hbm>>
    %dma_start3A_16 = arith.constant 0 : i32
    %dma_start3A_17 = arith.constant 0 : i32
    %dma_start3A_18 = tpu.memref_slice %arg5[%add3A_10, %dma_start3A_11, %dma_start3A_16, %dma_start3A_17] : memref<64x1x224x224xf32, #tpu.memory_space<hbm>> -> memref<1x1x112x224xf32, #tpu.memory_space<hbm>>
    %dma_start3A_19 = tpu.memref_squeeze %dma_start3A_18 : memref<1x1x112x224xf32, #tpu.memory_space<hbm>> -> memref<112x224xf32, #tpu.memory_space<hbm>>
    tpu.enqueue_dma source(%dma_start3A_19 : memref<112x224xf32, #tpu.memory_space<hbm>>) target(%arg10 : memref<112x224xf32, #tpu.memory_space<vmem>>) target_semaphore(%arg13 : memref<!tpu.dma_semaphore, #tpu.memory_space<semaphore_mem>>)
    %dma_wait3A = arith.constant 0 : i32
    %dma_wait3A_20 = arith.constant 0 : i32
    %dma_wait3A_21 = arith.constant 0 : i32
    %dma_wait3A_22 = tpu.memref_slice %arg5[%add3A_10, %dma_wait3A, %dma_wait3A_20, %dma_wait3A_21] : memref<64x1x224x224xf32, #tpu.memory_space<hbm>> -> memref<1x1x112x224xf32, #tpu.memory_space<hbm>>
    %dma_wait3A_23 = tpu.memref_squeeze %dma_wait3A_22 : memref<1x1x112x224xf32, #tpu.memory_space<hbm>> -> memref<112x224xf32, #tpu.memory_space<hbm>>
    %dma_wait3A_24 = arith.constant 0 : i32
    %dma_wait3A_25 = arith.constant 0 : i32
    %dma_wait3A_26 = tpu.memref_slice %arg5[%add3A_10, %dma_wait3A, %dma_wait3A_24, %dma_wait3A_25] : memref<64x1x224x224xf32, #tpu.memory_space<hbm>> -> memref<1x1x112x224xf32, #tpu.memory_space<hbm>>
    %dma_wait3A_27 = tpu.memref_squeeze %dma_wait3A_26 : memref<1x1x112x224xf32, #tpu.memory_space<hbm>> -> memref<112x224xf32, #tpu.memory_space<hbm>>
    tpu.wait_dma2 semaphore(%arg13 : memref<!tpu.dma_semaphore, #tpu.memory_space<semaphore_mem>>) src(%dma_wait3A_27 : memref<112x224xf32, #tpu.memory_space<hbm>>) dst(%arg10 : memref<112x224xf32, #tpu.memory_space<vmem>>)
    %dma_start3A_28 = arith.constant 2 : i32
    %dma_start3A_29 = arith.constant 0 : i32
    %dma_start3A_30 = arith.constant 0 : i32
    %dma_start3A_31 = tpu.memref_slice %arg7[%add3A_10, %dma_start3A_28, %dma_start3A_29, %dma_start3A_30] : memref<64x4x224x224xf32, #tpu.memory_space<hbm>> -> memref<1x1x112x224xf32, #tpu.memory_space<hbm>>
    %dma_start3A_32 = tpu.memref_squeeze %dma_start3A_31 : memref<1x1x112x224xf32, #tpu.memory_space<hbm>> -> memref<112x224xf32, #tpu.memory_space<hbm>>
    %dma_start3A_33 = arith.constant 0 : i32
    %dma_start3A_34 = arith.constant 0 : i32
    %dma_start3A_35 = tpu.memref_slice %arg7[%add3A_10, %dma_start3A_28, %dma_start3A_33, %dma_start3A_34] : memref<64x4x224x224xf32, #tpu.memory_space<hbm>> -> memref<1x1x112x224xf32, #tpu.memory_space<hbm>>
    %dma_start3A_36 = tpu.memref_squeeze %dma_start3A_35 : memref<1x1x112x224xf32, #tpu.memory_space<hbm>> -> memref<112x224xf32, #tpu.memory_space<hbm>>
    tpu.enqueue_dma source(%arg10 : memref<112x224xf32, #tpu.memory_space<vmem>>) target(%dma_start3A_36 : memref<112x224xf32, #tpu.memory_space<hbm>>) target_semaphore(%arg15 : memref<!tpu.dma_semaphore, #tpu.memory_space<semaphore_mem>>)
    %dma_start3A_37 = arith.constant 0 : i32
    %dma_start3A_38 = arith.constant 112 : i32
    %dma_start3A_39 = arith.constant 0 : i32
    %dma_start3A_40 = tpu.memref_slice %arg5[%add3A_10, %dma_start3A_37, %dma_start3A_38, %dma_start3A_39] : memref<64x1x224x224xf32, #tpu.memory_space<hbm>> -> memref<1x1x112x224xf32, #tpu.memory_space<hbm>>
    %dma_start3A_41 = tpu.memref_squeeze %dma_start3A_40 : memref<1x1x112x224xf32, #tpu.memory_space<hbm>> -> memref<112x224xf32, #tpu.memory_space<hbm>>
    %dma_start3A_42 = arith.constant 112 : i32
    %dma_start3A_43 = arith.constant 0 : i32
    %dma_start3A_44 = tpu.memref_slice %arg5[%add3A_10, %dma_start3A_37, %dma_start3A_42, %dma_start3A_43] : memref<64x1x224x224xf32, #tpu.memory_space<hbm>> -> memref<1x1x112x224xf32, #tpu.memory_space<hbm>>
    %dma_start3A_45 = tpu.memref_squeeze %dma_start3A_44 : memref<1x1x112x224xf32, #tpu.memory_space<hbm>> -> memref<112x224xf32, #tpu.memory_space<hbm>>
    tpu.enqueue_dma source(%dma_start3A_45 : memref<112x224xf32, #tpu.memory_space<hbm>>) target(%arg11 : memref<112x224xf32, #tpu.memory_space<vmem>>) target_semaphore(%arg14 : memref<!tpu.dma_semaphore, #tpu.memory_space<semaphore_mem>>)
    %dma_wait3A_46 = arith.constant 0 : i32
    %dma_wait3A_47 = arith.constant 112 : i32
    %dma_wait3A_48 = arith.constant 0 : i32
    %dma_wait3A_49 = tpu.memref_slice %arg5[%add3A_10, %dma_wait3A_46, %dma_wait3A_47, %dma_wait3A_48] : memref<64x1x224x224xf32, #tpu.memory_space<hbm>> -> memref<1x1x112x224xf32, #tpu.memory_space<hbm>>
    %dma_wait3A_50 = tpu.memref_squeeze %dma_wait3A_49 : memref<1x1x112x224xf32, #tpu.memory_space<hbm>> -> memref<112x224xf32, #tpu.memory_space<hbm>>
    %dma_wait3A_51 = arith.constant 112 : i32
    %dma_wait3A_52 = arith.constant 0 : i32
    %dma_wait3A_53 = tpu.memref_slice %arg5[%add3A_10, %dma_wait3A_46, %dma_wait3A_51, %dma_wait3A_52] : memref<64x1x224x224xf32, #tpu.memory_space<hbm>> -> memref<1x1x112x224xf32, #tpu.memory_space<hbm>>
    %dma_wait3A_54 = tpu.memref_squeeze %dma_wait3A_53 : memref<1x1x112x224xf32, #tpu.memory_space<hbm>> -> memref<112x224xf32, #tpu.memory_space<hbm>>
    tpu.wait_dma2 semaphore(%arg14 : memref<!tpu.dma_semaphore, #tpu.memory_space<semaphore_mem>>) src(%dma_wait3A_54 : memref<112x224xf32, #tpu.memory_space<hbm>>) dst(%arg11 : memref<112x224xf32, #tpu.memory_space<vmem>>)
    %dma_start3A_55 = arith.constant 2 : i32
    %dma_start3A_56 = arith.constant 112 : i32
    %dma_start3A_57 = arith.constant 0 : i32
    %dma_start3A_58 = tpu.memref_slice %arg7[%add3A_10, %dma_start3A_55, %dma_start3A_56, %dma_start3A_57] : memref<64x4x224x224xf32, #tpu.memory_space<hbm>> -> memref<1x1x112x224xf32, #tpu.memory_space<hbm>>
    %dma_start3A_59 = tpu.memref_squeeze %dma_start3A_58 : memref<1x1x112x224xf32, #tpu.memory_space<hbm>> -> memref<112x224xf32, #tpu.memory_space<hbm>>
    %dma_start3A_60 = arith.constant 112 : i32
    %dma_start3A_61 = arith.constant 0 : i32
    %dma_start3A_62 = tpu.memref_slice %arg7[%add3A_10, %dma_start3A_55, %dma_start3A_60, %dma_start3A_61] : memref<64x4x224x224xf32, #tpu.memory_space<hbm>> -> memref<1x1x112x224xf32, #tpu.memory_space<hbm>>
    %dma_start3A_63 = tpu.memref_squeeze %dma_start3A_62 : memref<1x1x112x224xf32, #tpu.memory_space<hbm>> -> memref<112x224xf32, #tpu.memory_space<hbm>>
    tpu.enqueue_dma source(%arg11 : memref<112x224xf32, #tpu.memory_space<vmem>>) target(%dma_start3A_63 : memref<112x224xf32, #tpu.memory_space<hbm>>) target_semaphore(%arg16 : memref<!tpu.dma_semaphore, #tpu.memory_space<semaphore_mem>>)
    %add3A_64 = arith.constant 0 : i32
    %add3A_65 = arith.addi %mul3A_2, %add3A_64 : i32
    %dma_wait3A_66 = arith.constant 0 : i32
    %dma_wait3A_67 = arith.constant 0 : i32
    %dma_wait3A_68 = tpu.memref_slice %arg8[%dma_wait3A_66, %dma_wait3A_67] : memref<16x8xi32, #tpu.memory_space<vmem>> -> memref<1x1xi32, #tpu.memory_space<vmem>>
    %dma_wait3A_69 = tpu.memref_squeeze %dma_wait3A_68 : memref<1x1xi32, #tpu.memory_space<vmem>> -> memref<1xi32, #tpu.memory_space<vmem>>
    %dma_wait3A_70 = arith.constant 0 : i32
    %dma_wait3A_71 = arith.constant 0 : i32
    %dma_wait3A_72 = tpu.memref_slice %arg2[%dma_wait3A_70, %dma_wait3A_71] : memref<1000x50176xf32, #tpu.memory_space<hbm>> -> memref<1000x50176xf32, #tpu.memory_space<hbm>>
    tpu.wait_indirect_dma semaphore(%arg12 : memref<!tpu.dma_semaphore, #tpu.memory_space<semaphore_mem>>) src(%dma_wait3A_72 : memref<1000x50176xf32, #tpu.memory_space<hbm>>) dst(%arg9 : memref<1x50176xf32, #tpu.memory_space<vmem>>)
    %dma_wait3A_73 = arith.constant 2 : i32
    %dma_wait3A_74 = arith.constant 0 : i32
    %dma_wait3A_75 = arith.constant 0 : i32
    %dma_wait3A_76 = tpu.memref_slice %arg7[%add3A_10, %dma_wait3A_73, %dma_wait3A_74, %dma_wait3A_75] : memref<64x4x224x224xf32, #tpu.memory_space<hbm>> -> memref<1x1x112x224xf32, #tpu.memory_space<hbm>>
    %dma_wait3A_77 = tpu.memref_squeeze %dma_wait3A_76 : memref<1x1x112x224xf32, #tpu.memory_space<hbm>> -> memref<112x224xf32, #tpu.memory_space<hbm>>
    %dma_wait3A_78 = arith.constant 0 : i32
    %dma_wait3A_79 = arith.constant 0 : i32
    %dma_wait3A_80 = tpu.memref_slice %arg7[%add3A_10, %dma_wait3A_73, %dma_wait3A_78, %dma_wait3A_79] : memref<64x4x224x224xf32, #tpu.memory_space<hbm>> -> memref<1x1x112x224xf32, #tpu.memory_space<hbm>>
    %dma_wait3A_81 = tpu.memref_squeeze %dma_wait3A_80 : memref<1x1x112x224xf32, #tpu.memory_space<hbm>> -> memref<112x224xf32, #tpu.memory_space<hbm>>
    tpu.wait_dma2 semaphore(%arg15 : memref<!tpu.dma_semaphore, #tpu.memory_space<semaphore_mem>>) src(%arg10 : memref<112x224xf32, #tpu.memory_space<vmem>>) dst(%dma_wait3A_81 : memref<112x224xf32, #tpu.memory_space<hbm>>)
    %parallel_loop3A = arith.constant 0 : i32
    %parallel_loop3A_82 = arith.constant 112 : i32
    %parallel_loop3A_83 = arith.constant 1 : i32
    scf.for %parallel_loop3A_528 = %parallel_loop3A to %parallel_loop3A_82 step %parallel_loop3A_83  : i32 {
      %parallel_loop3A_529 = arith.constant 0 : i32
      %parallel_loop3A_530 = arith.addi %parallel_loop3A_529, %parallel_loop3A_528 : i32
      %parallel_loop3A_531 = arith.constant 224 : i32
      %parallel_loop3A_532 = arith.muli %parallel_loop3A_530, %parallel_loop3A_531 : i32
      %parallel_loop3A_533 = tpu.assume_multiple %parallel_loop3A_532, 16 : i32
      %parallel_loop3A_534 = arith.constant 0 : i32
      %parallel_loop3A_535 = arith.addi %parallel_loop3A_533, %parallel_loop3A_534 : i32
      %parallel_loop3A_536 = arith.constant 0 : i32
      %parallel_loop3A_537 = arith.index_cast %parallel_loop3A_536 : i32 to index
      %parallel_loop3A_538 = arith.index_cast %parallel_loop3A_535 : i32 to index
      %parallel_loop3A_539 = tpu.vector_load %arg9[%parallel_loop3A_537, %parallel_loop3A_538] {strides = array<i32>} : memref<1x50176xf32, #tpu.memory_space<vmem>>, vector<1x16xf32>,
      %parallel_loop3A_540 = vector.shape_cast %parallel_loop3A_539 : vector<1x16xf32> to vector<16xf32>
      %parallel_loop3A_541 = arith.index_cast %parallel_loop3A_528 : i32 to index
      %parallel_loop3A_542 = arith.constant 0 : index
      %parallel_loop3A_543 = tpu.vector_load %arg10[%parallel_loop3A_541, %parallel_loop3A_542] {strides = array<i32>} : memref<112x224xf32, #tpu.memory_space<vmem>>, vector<1x16xf32>,
      %parallel_loop3A_544 = vector.shape_cast %parallel_loop3A_543 : vector<1x16xf32> to vector<16xf32>
      %parallel_loop3A_545 = vector.shape_cast %parallel_loop3A_540 : vector<16xf32> to vector<1x16xf32>
      tpu.vector_store %arg10[%parallel_loop3A_541, %parallel_loop3A_542], %parallel_loop3A_545 {strides = array<i32>} : memref<112x224xf32, #tpu.memory_space<vmem>>, vector<1x16xf32>,
      %parallel_loop3A_546 = arith.constant 16 : i32
      %parallel_loop3A_547 = arith.addi %parallel_loop3A_533, %parallel_loop3A_546 : i32
      %parallel_loop3A_548 = arith.constant 0 : i32
      %parallel_loop3A_549 = arith.index_cast %parallel_loop3A_548 : i32 to index
      %parallel_loop3A_550 = arith.index_cast %parallel_loop3A_547 : i32 to index
      %parallel_loop3A_551 = tpu.vector_load %arg9[%parallel_loop3A_549, %parallel_loop3A_550] {strides = array<i32>} : memref<1x50176xf32, #tpu.memory_space<vmem>>, vector<1x16xf32>,
      %parallel_loop3A_552 = vector.shape_cast %parallel_loop3A_551 : vector<1x16xf32> to vector<16xf32>
      %parallel_loop3A_553 = arith.index_cast %parallel_loop3A_528 : i32 to index
      %parallel_loop3A_554 = arith.constant 16 : index
      %parallel_loop3A_555 = tpu.vector_load %arg10[%parallel_loop3A_553, %parallel_loop3A_554] {strides = array<i32>} : memref<112x224xf32, #tpu.memory_space<vmem>>, vector<1x16xf32>,
      %parallel_loop3A_556 = vector.shape_cast %parallel_loop3A_555 : vector<1x16xf32> to vector<16xf32>
      %parallel_loop3A_557 = vector.shape_cast %parallel_loop3A_552 : vector<16xf32> to vector<1x16xf32>
      tpu.vector_store %arg10[%parallel_loop3A_553, %parallel_loop3A_554], %parallel_loop3A_557 {strides = array<i32>} : memref<112x224xf32, #tpu.memory_space<vmem>>, vector<1x16xf32>,
      %parallel_loop3A_558 = arith.constant 32 : i32
      %parallel_loop3A_559 = arith.addi %parallel_loop3A_533, %parallel_loop3A_558 : i32
      %parallel_loop3A_560 = arith.constant 0 : i32
      %parallel_loop3A_561 = arith.index_cast %parallel_loop3A_560 : i32 to index
      %parallel_loop3A_562 = arith.index_cast %parallel_loop3A_559 : i32 to index
      %parallel_loop3A_563 = tpu.vector_load %arg9[%parallel_loop3A_561, %parallel_loop3A_562] {strides = array<i32>} : memref<1x50176xf32, #tpu.memory_space<vmem>>, vector<1x16xf32>,
      %parallel_loop3A_564 = vector.shape_cast %parallel_loop3A_563 : vector<1x16xf32> to vector<16xf32>
      %parallel_loop3A_565 = arith.index_cast %parallel_loop3A_528 : i32 to index
      %parallel_loop3A_566 = arith.constant 32 : index
      %parallel_loop3A_567 = tpu.vector_load %arg10[%parallel_loop3A_565, %parallel_loop3A_566] {strides = array<i32>} : memref<112x224xf32, #tpu.memory_space<vmem>>, vector<1x16xf32>,
      %parallel_loop3A_568 = vector.shape_cast %parallel_loop3A_567 : vector<1x16xf32> to vector<16xf32>
      %parallel_loop3A_569 = vector.shape_cast %parallel_loop3A_564 : vector<16xf32> to vector<1x16xf32>
      tpu.vector_store %arg10[%parallel_loop3A_565, %parallel_loop3A_566], %parallel_loop3A_569 {strides = array<i32>} : memref<112x224xf32, #tpu.memory_space<vmem>>, vector<1x16xf32>,
      %parallel_loop3A_570 = arith.constant 48 : i32
      %parallel_loop3A_571 = arith.addi %parallel_loop3A_533, %parallel_loop3A_570 : i32
      %parallel_loop3A_572 = arith.constant 0 : i32
      %parallel_loop3A_573 = arith.index_cast %parallel_loop3A_572 : i32 to index
      %parallel_loop3A_574 = arith.index_cast %parallel_loop3A_571 : i32 to index
      %parallel_loop3A_575 = tpu.vector_load %arg9[%parallel_loop3A_573, %parallel_loop3A_574] {strides = array<i32>} : memref<1x50176xf32, #tpu.memory_space<vmem>>, vector<1x16xf32>,
      %parallel_loop3A_576 = vector.shape_cast %parallel_loop3A_575 : vector<1x16xf32> to vector<16xf32>
      %parallel_loop3A_577 = arith.index_cast %parallel_loop3A_528 : i32 to index
      %parallel_loop3A_578 = arith.constant 48 : index
      %parallel_loop3A_579 = tpu.vector_load %arg10[%parallel_loop3A_577, %parallel_loop3A_578] {strides = array<i32>} : memref<112x224xf32, #tpu.memory_space<vmem>>, vector<1x16xf32>,
      %parallel_loop3A_580 = vector.shape_cast %parallel_loop3A_579 : vector<1x16xf32> to vector<16xf32>
      %parallel_loop3A_581 = vector.shape_cast %parallel_loop3A_576 : vector<16xf32> to vector<1x16xf32>
      tpu.vector_store %arg10[%parallel_loop3A_577, %parallel_loop3A_578], %parallel_loop3A_581 {strides = array<i32>} : memref<112x224xf32, #tpu.memory_space<vmem>>, vector<1x16xf32>,
      %parallel_loop3A_582 = arith.constant 64 : i32
      %parallel_loop3A_583 = arith.addi %parallel_loop3A_533, %parallel_loop3A_582 : i32
      %parallel_loop3A_584 = arith.constant 0 : i32
      %parallel_loop3A_585 = arith.index_cast %parallel_loop3A_584 : i32 to index
      %parallel_loop3A_586 = arith.index_cast %parallel_loop3A_583 : i32 to index
      %parallel_loop3A_587 = tpu.vector_load %arg9[%parallel_loop3A_585, %parallel_loop3A_586] {strides = array<i32>} : memref<1x50176xf32, #tpu.memory_space<vmem>>, vector<1x16xf32>,
      %parallel_loop3A_588 = vector.shape_cast %parallel_loop3A_587 : vector<1x16xf32> to vector<16xf32>
      %parallel_loop3A_589 = arith.index_cast %parallel_loop3A_528 : i32 to index
      %parallel_loop3A_590 = arith.constant 64 : index
      %parallel_loop3A_591 = tpu.vector_load %arg10[%parallel_loop3A_589, %parallel_loop3A_590] {strides = array<i32>} : memref<112x224xf32, #tpu.memory_space<vmem>>, vector<1x16xf32>,
      %parallel_loop3A_592 = vector.shape_cast %parallel_loop3A_591 : vector<1x16xf32> to vector<16xf32>
      %parallel_loop3A_593 = vector.shape_cast %parallel_loop3A_588 : vector<16xf32> to vector<1x16xf32>
      tpu.vector_store %arg10[%parallel_loop3A_589, %parallel_loop3A_590], %parallel_loop3A_593 {strides = array<i32>} : memref<112x224xf32, #tpu.memory_space<vmem>>, vector<1x16xf32>,
      %parallel_loop3A_594 = arith.constant 80 : i32
      %parallel_loop3A_595 = arith.addi %parallel_loop3A_533, %parallel_loop3A_594 : i32
      %parallel_loop3A_596 = arith.constant 0 : i32
      %parallel_loop3A_597 = arith.index_cast %parallel_loop3A_596 : i32 to index
      %parallel_loop3A_598 = arith.index_cast %parallel_loop3A_595 : i32 to index
      %parallel_loop3A_599 = tpu.vector_load %arg9[%parallel_loop3A_597, %parallel_loop3A_598] {strides = array<i32>} : memref<1x50176xf32, #tpu.memory_space<vmem>>, vector<1x16xf32>,
      %parallel_loop3A_600 = vector.shape_cast %parallel_loop3A_599 : vector<1x16xf32> to vector<16xf32>
      %parallel_loop3A_601 = arith.index_cast %parallel_loop3A_528 : i32 to index
      %parallel_loop3A_602 = arith.constant 80 : index
      %parallel_loop3A_603 = tpu.vector_load %arg10[%parallel_loop3A_601, %parallel_loop3A_602] {strides = array<i32>} : memref<112x224xf32, #tpu.memory_space<vmem>>, vector<1x16xf32>,
      %parallel_loop3A_604 = vector.shape_cast %parallel_loop3A_603 : vector<1x16xf32> to vector<16xf32>
      %parallel_loop3A_605 = vector.shape_cast %parallel_loop3A_600 : vector<16xf32> to vector<1x16xf32>
      tpu.vector_store %arg10[%parallel_loop3A_601, %parallel_loop3A_602], %parallel_loop3A_605 {strides = array<i32>} : memref<112x224xf32, #tpu.memory_space<vmem>>, vector<1x16xf32>,
      %parallel_loop3A_606 = arith.constant 96 : i32
      %parallel_loop3A_607 = arith.addi %parallel_loop3A_533, %parallel_loop3A_606 : i32
      %parallel_loop3A_608 = arith.constant 0 : i32
      %parallel_loop3A_609 = arith.index_cast %parallel_loop3A_608 : i32 to index
      %parallel_loop3A_610 = arith.index_cast %parallel_loop3A_607 : i32 to index
      %parallel_loop3A_611 = tpu.vector_load %arg9[%parallel_loop3A_609, %parallel_loop3A_610] {strides = array<i32>} : memref<1x50176xf32, #tpu.memory_space<vmem>>, vector<1x16xf32>,
      %parallel_loop3A_612 = vector.shape_cast %parallel_loop3A_611 : vector<1x16xf32> to vector<16xf32>
      %parallel_loop3A_613 = arith.index_cast %parallel_loop3A_528 : i32 to index
      %parallel_loop3A_614 = arith.constant 96 : index
      %parallel_loop3A_615 = tpu.vector_load %arg10[%parallel_loop3A_613, %parallel_loop3A_614] {strides = array<i32>} : memref<112x224xf32, #tpu.memory_space<vmem>>, vector<1x16xf32>,
      %parallel_loop3A_616 = vector.shape_cast %parallel_loop3A_615 : vector<1x16xf32> to vector<16xf32>
      %parallel_loop3A_617 = vector.shape_cast %parallel_loop3A_612 : vector<16xf32> to vector<1x16xf32>
      tpu.vector_store %arg10[%parallel_loop3A_613, %parallel_loop3A_614], %parallel_loop3A_617 {strides = array<i32>} : memref<112x224xf32, #tpu.memory_space<vmem>>, vector<1x16xf32>,
      %parallel_loop3A_618 = arith.constant 112 : i32
      %parallel_loop3A_619 = arith.addi %parallel_loop3A_533, %parallel_loop3A_618 : i32
      %parallel_loop3A_620 = arith.constant 0 : i32
      %parallel_loop3A_621 = arith.index_cast %parallel_loop3A_620 : i32 to index
      %parallel_loop3A_622 = arith.index_cast %parallel_loop3A_619 : i32 to index
      %parallel_loop3A_623 = tpu.vector_load %arg9[%parallel_loop3A_621, %parallel_loop3A_622] {strides = array<i32>} : memref<1x50176xf32, #tpu.memory_space<vmem>>, vector<1x16xf32>,
      %parallel_loop3A_624 = vector.shape_cast %parallel_loop3A_623 : vector<1x16xf32> to vector<16xf32>
      %parallel_loop3A_625 = arith.index_cast %parallel_loop3A_528 : i32 to index
      %parallel_loop3A_626 = arith.constant 112 : index
      %parallel_loop3A_627 = tpu.vector_load %arg10[%parallel_loop3A_625, %parallel_loop3A_626] {strides = array<i32>} : memref<112x224xf32, #tpu.memory_space<vmem>>, vector<1x16xf32>,
      %parallel_loop3A_628 = vector.shape_cast %parallel_loop3A_627 : vector<1x16xf32> to vector<16xf32>
      %parallel_loop3A_629 = vector.shape_cast %parallel_loop3A_624 : vector<16xf32> to vector<1x16xf32>
      tpu.vector_store %arg10[%parallel_loop3A_625, %parallel_loop3A_626], %parallel_loop3A_629 {strides = array<i32>} : memref<112x224xf32, #tpu.memory_space<vmem>>, vector<1x16xf32>,
      %parallel_loop3A_630 = arith.constant 128 : i32
      %parallel_loop3A_631 = arith.addi %parallel_loop3A_533, %parallel_loop3A_630 : i32
      %parallel_loop3A_632 = arith.constant 0 : i32
      %parallel_loop3A_633 = arith.index_cast %parallel_loop3A_632 : i32 to index
      %parallel_loop3A_634 = arith.index_cast %parallel_loop3A_631 : i32 to index
      %parallel_loop3A_635 = tpu.vector_load %arg9[%parallel_loop3A_633, %parallel_loop3A_634] {strides = array<i32>} : memref<1x50176xf32, #tpu.memory_space<vmem>>, vector<1x16xf32>,
      %parallel_loop3A_636 = vector.shape_cast %parallel_loop3A_635 : vector<1x16xf32> to vector<16xf32>
      %parallel_loop3A_637 = arith.index_cast %parallel_loop3A_528 : i32 to index
      %parallel_loop3A_638 = arith.constant 128 : index
      %parallel_loop3A_639 = tpu.vector_load %arg10[%parallel_loop3A_637, %parallel_loop3A_638] {strides = array<i32>} : memref<112x224xf32, #tpu.memory_space<vmem>>, vector<1x16xf32>,
      %parallel_loop3A_640 = vector.shape_cast %parallel_loop3A_639 : vector<1x16xf32> to vector<16xf32>
      %parallel_loop3A_641 = vector.shape_cast %parallel_loop3A_636 : vector<16xf32> to vector<1x16xf32>
      tpu.vector_store %arg10[%parallel_loop3A_637, %parallel_loop3A_638], %parallel_loop3A_641 {strides = array<i32>} : memref<112x224xf32, #tpu.memory_space<vmem>>, vector<1x16xf32>,
      %parallel_loop3A_642 = arith.constant 144 : i32
      %parallel_loop3A_643 = arith.addi %parallel_loop3A_533, %parallel_loop3A_642 : i32
      %parallel_loop3A_644 = arith.constant 0 : i32
      %parallel_loop3A_645 = arith.index_cast %parallel_loop3A_644 : i32 to index
      %parallel_loop3A_646 = arith.index_cast %parallel_loop3A_643 : i32 to index
      %parallel_loop3A_647 = tpu.vector_load %arg9[%parallel_loop3A_645, %parallel_loop3A_646] {strides = array<i32>} : memref<1x50176xf32, #tpu.memory_space<vmem>>, vector<1x16xf32>,
      %parallel_loop3A_648 = vector.shape_cast %parallel_loop3A_647 : vector<1x16xf32> to vector<16xf32>
      %parallel_loop3A_649 = arith.index_cast %parallel_loop3A_528 : i32 to index
      %parallel_loop3A_650 = arith.constant 144 : index
      %parallel_loop3A_651 = tpu.vector_load %arg10[%parallel_loop3A_649, %parallel_loop3A_650] {strides = array<i32>} : memref<112x224xf32, #tpu.memory_space<vmem>>, vector<1x16xf32>,
      %parallel_loop3A_652 = vector.shape_cast %parallel_loop3A_651 : vector<1x16xf32> to vector<16xf32>
      %parallel_loop3A_653 = vector.shape_cast %parallel_loop3A_648 : vector<16xf32> to vector<1x16xf32>
      tpu.vector_store %arg10[%parallel_loop3A_649, %parallel_loop3A_650], %parallel_loop3A_653 {strides = array<i32>} : memref<112x224xf32, #tpu.memory_space<vmem>>, vector<1x16xf32>,
      %parallel_loop3A_654 = arith.constant 160 : i32
      %parallel_loop3A_655 = arith.addi %parallel_loop3A_533, %parallel_loop3A_654 : i32
      %parallel_loop3A_656 = arith.constant 0 : i32
      %parallel_loop3A_657 = arith.index_cast %parallel_loop3A_656 : i32 to index
      %parallel_loop3A_658 = arith.index_cast %parallel_loop3A_655 : i32 to index
      %parallel_loop3A_659 = tpu.vector_load %arg9[%parallel_loop3A_657, %parallel_loop3A_658] {strides = array<i32>} : memref<1x50176xf32, #tpu.memory_space<vmem>>, vector<1x16xf32>,
      %parallel_loop3A_660 = vector.shape_cast %parallel_loop3A_659 : vector<1x16xf32> to vector<16xf32>
      %parallel_loop3A_661 = arith.index_cast %parallel_loop3A_528 : i32 to index
      %parallel_loop3A_662 = arith.constant 160 : index
      %parallel_loop3A_663 = tpu.vector_load %arg10[%parallel_loop3A_661, %parallel_loop3A_662] {strides = array<i32>} : memref<112x224xf32, #tpu.memory_space<vmem>>, vector<1x16xf32>,
      %parallel_loop3A_664 = vector.shape_cast %parallel_loop3A_663 : vector<1x16xf32> to vector<16xf32>
      %parallel_loop3A_665 = vector.shape_cast %parallel_loop3A_660 : vector<16xf32> to vector<1x16xf32>
      tpu.vector_store %arg10[%parallel_loop3A_661, %parallel_loop3A_662], %parallel_loop3A_665 {strides = array<i32>} : memref<112x224xf32, #tpu.memory_space<vmem>>, vector<1x16xf32>,
      %parallel_loop3A_666 = arith.constant 176 : i32
      %parallel_loop3A_667 = arith.addi %parallel_loop3A_533, %parallel_loop3A_666 : i32
      %parallel_loop3A_668 = arith.constant 0 : i32
      %parallel_loop3A_669 = arith.index_cast %parallel_loop3A_668 : i32 to index
      %parallel_loop3A_670 = arith.index_cast %parallel_loop3A_667 : i32 to index
      %parallel_loop3A_671 = tpu.vector_load %arg9[%parallel_loop3A_669, %parallel_loop3A_670] {strides = array<i32>} : memref<1x50176xf32, #tpu.memory_space<vmem>>, vector<1x16xf32>,
      %parallel_loop3A_672 = vector.shape_cast %parallel_loop3A_671 : vector<1x16xf32> to vector<16xf32>
      %parallel_loop3A_673 = arith.index_cast %parallel_loop3A_528 : i32 to index
      %parallel_loop3A_674 = arith.constant 176 : index
      %parallel_loop3A_675 = tpu.vector_load %arg10[%parallel_loop3A_673, %parallel_loop3A_674] {strides = array<i32>} : memref<112x224xf32, #tpu.memory_space<vmem>>, vector<1x16xf32>,
      %parallel_loop3A_676 = vector.shape_cast %parallel_loop3A_675 : vector<1x16xf32> to vector<16xf32>
      %parallel_loop3A_677 = vector.shape_cast %parallel_loop3A_672 : vector<16xf32> to vector<1x16xf32>
      tpu.vector_store %arg10[%parallel_loop3A_673, %parallel_loop3A_674], %parallel_loop3A_677 {strides = array<i32>} : memref<112x224xf32, #tpu.memory_space<vmem>>, vector<1x16xf32>,
      %parallel_loop3A_678 = arith.constant 192 : i32
      %parallel_loop3A_679 = arith.addi %parallel_loop3A_533, %parallel_loop3A_678 : i32
      %parallel_loop3A_680 = arith.constant 0 : i32
      %parallel_loop3A_681 = arith.index_cast %parallel_loop3A_680 : i32 to index
      %parallel_loop3A_682 = arith.index_cast %parallel_loop3A_679 : i32 to index
      %parallel_loop3A_683 = tpu.vector_load %arg9[%parallel_loop3A_681, %parallel_loop3A_682] {strides = array<i32>} : memref<1x50176xf32, #tpu.memory_space<vmem>>, vector<1x16xf32>,
      %parallel_loop3A_684 = vector.shape_cast %parallel_loop3A_683 : vector<1x16xf32> to vector<16xf32>
      %parallel_loop3A_685 = arith.index_cast %parallel_loop3A_528 : i32 to index
      %parallel_loop3A_686 = arith.constant 192 : index
      %parallel_loop3A_687 = tpu.vector_load %arg10[%parallel_loop3A_685, %parallel_loop3A_686] {strides = array<i32>} : memref<112x224xf32, #tpu.memory_space<vmem>>, vector<1x16xf32>,
      %parallel_loop3A_688 = vector.shape_cast %parallel_loop3A_687 : vector<1x16xf32> to vector<16xf32>
      %parallel_loop3A_689 = vector.shape_cast %parallel_loop3A_684 : vector<16xf32> to vector<1x16xf32>
      tpu.vector_store %arg10[%parallel_loop3A_685, %parallel_loop3A_686], %parallel_loop3A_689 {strides = array<i32>} : memref<112x224xf32, #tpu.memory_space<vmem>>, vector<1x16xf32>,
      %parallel_loop3A_690 = arith.constant 208 : i32
      %parallel_loop3A_691 = arith.addi %parallel_loop3A_533, %parallel_loop3A_690 : i32
      %parallel_loop3A_692 = arith.constant 0 : i32
      %parallel_loop3A_693 = arith.index_cast %parallel_loop3A_692 : i32 to index
      %parallel_loop3A_694 = arith.index_cast %parallel_loop3A_691 : i32 to index
      %parallel_loop3A_695 = tpu.vector_load %arg9[%parallel_loop3A_693, %parallel_loop3A_694] {strides = array<i32>} : memref<1x50176xf32, #tpu.memory_space<vmem>>, vector<1x16xf32>,
      %parallel_loop3A_696 = vector.shape_cast %parallel_loop3A_695 : vector<1x16xf32> to vector<16xf32>
      %parallel_loop3A_697 = arith.index_cast %parallel_loop3A_528 : i32 to index
      %parallel_loop3A_698 = arith.constant 208 : index
      %parallel_loop3A_699 = tpu.vector_load %arg10[%parallel_loop3A_697, %parallel_loop3A_698] {strides = array<i32>} : memref<112x224xf32, #tpu.memory_space<vmem>>, vector<1x16xf32>,
      %parallel_loop3A_700 = vector.shape_cast %parallel_loop3A_699 : vector<1x16xf32> to vector<16xf32>
      %parallel_loop3A_701 = vector.shape_cast %parallel_loop3A_696 : vector<16xf32> to vector<1x16xf32>
      tpu.vector_store %arg10[%parallel_loop3A_697, %parallel_loop3A_698], %parallel_loop3A_701 {strides = array<i32>} : memref<112x224xf32, #tpu.memory_space<vmem>>, vector<1x16xf32>,
    } {sc.loop_unroll_factor = 8 : i64, sc.parallel_access}
    %dma_start3A_84 = arith.constant 0 : i32
    %dma_start3A_85 = arith.constant 0 : i32
    %dma_start3A_86 = arith.constant 0 : i32
    %dma_start3A_87 = tpu.memref_slice %arg7[%add3A_65, %dma_start3A_84, %dma_start3A_85, %dma_start3A_86] : memref<64x4x224x224xf32, #tpu.memory_space<hbm>> -> memref<1x1x112x224xf32, #tpu.memory_space<hbm>>
    %dma_start3A_88 = tpu.memref_squeeze %dma_start3A_87 : memref<1x1x112x224xf32, #tpu.memory_space<hbm>> -> memref<112x224xf32, #tpu.memory_space<hbm>>
    %dma_start3A_89 = arith.constant 0 : i32
    %dma_start3A_90 = arith.constant 0 : i32
    %dma_start3A_91 = tpu.memref_slice %arg7[%add3A_65, %dma_start3A_84, %dma_start3A_89, %dma_start3A_90] : memref<64x4x224x224xf32, #tpu.memory_space<hbm>> -> memref<1x1x112x224xf32, #tpu.memory_space<hbm>>
    %dma_start3A_92 = tpu.memref_squeeze %dma_start3A_91 : memref<1x1x112x224xf32, #tpu.memory_space<hbm>> -> memref<112x224xf32, #tpu.memory_space<hbm>>
    tpu.enqueue_dma source(%arg10 : memref<112x224xf32, #tpu.memory_space<vmem>>) target(%dma_start3A_92 : memref<112x224xf32, #tpu.memory_space<hbm>>) target_semaphore(%arg15 : memref<!tpu.dma_semaphore, #tpu.memory_space<semaphore_mem>>)
    %dma_wait3A_93 = arith.constant 2 : i32
    %dma_wait3A_94 = arith.constant 112 : i32
    %dma_wait3A_95 = arith.constant 0 : i32
    %dma_wait3A_96 = tpu.memref_slice %arg7[%add3A_10, %dma_wait3A_93, %dma_wait3A_94, %dma_wait3A_95] : memref<64x4x224x224xf32, #tpu.memory_space<hbm>> -> memref<1x1x112x224xf32, #tpu.memory_space<hbm>>
    %dma_wait3A_97 = tpu.memref_squeeze %dma_wait3A_96 : memref<1x1x112x224xf32, #tpu.memory_space<hbm>> -> memref<112x224xf32, #tpu.memory_space<hbm>>
    %dma_wait3A_98 = arith.constant 112 : i32
    %dma_wait3A_99 = arith.constant 0 : i32
    %dma_wait3A_100 = tpu.memref_slice %arg7[%add3A_10, %dma_wait3A_93, %dma_wait3A_98, %dma_wait3A_99] : memref<64x4x224x224xf32, #tpu.memory_space<hbm>> -> memref<1x1x112x224xf32, #tpu.memory_space<hbm>>
    %dma_wait3A_101 = tpu.memref_squeeze %dma_wait3A_100 : memref<1x1x112x224xf32, #tpu.memory_space<hbm>> -> memref<112x224xf32, #tpu.memory_space<hbm>>
    tpu.wait_dma2 semaphore(%arg16 : memref<!tpu.dma_semaphore, #tpu.memory_space<semaphore_mem>>) src(%arg11 : memref<112x224xf32, #tpu.memory_space<vmem>>) dst(%dma_wait3A_101 : memref<112x224xf32, #tpu.memory_space<hbm>>)
    %parallel_loop3A_102 = arith.constant 0 : i32
    %parallel_loop3A_103 = arith.constant 112 : i32
    %parallel_loop3A_104 = arith.constant 1 : i32
    scf.for %parallel_loop3A_528 = %parallel_loop3A_102 to %parallel_loop3A_103 step %parallel_loop3A_104  : i32 {
      %parallel_loop3A_529 = arith.constant 112 : i32
      %parallel_loop3A_530 = arith.addi %parallel_loop3A_529, %parallel_loop3A_528 : i32
      %parallel_loop3A_531 = arith.constant 224 : i32
      %parallel_loop3A_532 = arith.muli %parallel_loop3A_530, %parallel_loop3A_531 : i32
      %parallel_loop3A_533 = tpu.assume_multiple %parallel_loop3A_532, 16 : i32
      %parallel_loop3A_534 = arith.constant 0 : i32
      %parallel_loop3A_535 = arith.addi %parallel_loop3A_533, %parallel_loop3A_534 : i32
      %parallel_loop3A_536 = arith.constant 0 : i32
      %parallel_loop3A_537 = arith.index_cast %parallel_loop3A_536 : i32 to index
      %parallel_loop3A_538 = arith.index_cast %parallel_loop3A_535 : i32 to index
      %parallel_loop3A_539 = tpu.vector_load %arg9[%parallel_loop3A_537, %parallel_loop3A_538] {strides = array<i32>} : memref<1x50176xf32, #tpu.memory_space<vmem>>, vector<1x16xf32>,
      %parallel_loop3A_540 = vector.shape_cast %parallel_loop3A_539 : vector<1x16xf32> to vector<16xf32>
      %parallel_loop3A_541 = arith.index_cast %parallel_loop3A_528 : i32 to index
      %parallel_loop3A_542 = arith.constant 0 : index
      %parallel_loop3A_543 = tpu.vector_load %arg11[%parallel_loop3A_541, %parallel_loop3A_542] {strides = array<i32>} : memref<112x224xf32, #tpu.memory_space<vmem>>, vector<1x16xf32>,
      %parallel_loop3A_544 = vector.shape_cast %parallel_loop3A_543 : vector<1x16xf32> to vector<16xf32>
      %parallel_loop3A_545 = vector.shape_cast %parallel_loop3A_540 : vector<16xf32> to vector<1x16xf32>
      tpu.vector_store %arg11[%parallel_loop3A_541, %parallel_loop3A_542], %parallel_loop3A_545 {strides = array<i32>} : memref<112x224xf32, #tpu.memory_space<vmem>>, vector<1x16xf32>,
      %parallel_loop3A_546 = arith.constant 16 : i32
      %parallel_loop3A_547 = arith.addi %parallel_loop3A_533, %parallel_loop3A_546 : i32
      %parallel_loop3A_548 = arith.constant 0 : i32
      %parallel_loop3A_549 = arith.index_cast %parallel_loop3A_548 : i32 to index
      %parallel_loop3A_550 = arith.index_cast %parallel_loop3A_547 : i32 to index
      %parallel_loop3A_551 = tpu.vector_load %arg9[%parallel_loop3A_549, %parallel_loop3A_550] {strides = array<i32>} : memref<1x50176xf32, #tpu.memory_space<vmem>>, vector<1x16xf32>,
      %parallel_loop3A_552 = vector.shape_cast %parallel_loop3A_551 : vector<1x16xf32> to vector<16xf32>
      %parallel_loop3A_553 = arith.index_cast %parallel_loop3A_528 : i32 to index
      %parallel_loop3A_554 = arith.constant 16 : index
      %parallel_loop3A_555 = tpu.vector_load %arg11[%parallel_loop3A_553, %parallel_loop3A_554] {strides = array<i32>} : memref<112x224xf32, #tpu.memory_space<vmem>>, vector<1x16xf32>,
      %parallel_loop3A_556 = vector.shape_cast %parallel_loop3A_555 : vector<1x16xf32> to vector<16xf32>
      %parallel_loop3A_557 = vector.shape_cast %parallel_loop3A_552 : vector<16xf32> to vector<1x16xf32>
      tpu.vector_store %arg11[%parallel_loop3A_553, %parallel_loop3A_554], %parallel_loop3A_557 {strides = array<i32>} : memref<112x224xf32, #tpu.memory_space<vmem>>, vector<1x16xf32>,
      %parallel_loop3A_558 = arith.constant 32 : i32
      %parallel_loop3A_559 = arith.addi %parallel_loop3A_533, %parallel_loop3A_558 : i32
      %parallel_loop3A_560 = arith.constant 0 : i32
      %parallel_loop3A_561 = arith.index_cast %parallel_loop3A_560 : i32 to index
      %parallel_loop3A_562 = arith.index_cast %parallel_loop3A_559 : i32 to index
      %parallel_loop3A_563 = tpu.vector_load %arg9[%parallel_loop3A_561, %parallel_loop3A_562] {strides = array<i32>} : memref<1x50176xf32, #tpu.memory_space<vmem>>, vector<1x16xf32>,
      %parallel_loop3A_564 = vector.shape_cast %parallel_loop3A_563 : vector<1x16xf32> to vector<16xf32>
      %parallel_loop3A_565 = arith.index_cast %parallel_loop3A_528 : i32 to index
      %parallel_loop3A_566 = arith.constant 32 : index
      %parallel_loop3A_567 = tpu.vector_load %arg11[%parallel_loop3A_565, %parallel_loop3A_566] {strides = array<i32>} : memref<112x224xf32, #tpu.memory_space<vmem>>, vector<1x16xf32>,
      %parallel_loop3A_568 = vector.shape_cast %parallel_loop3A_567 : vector<1x16xf32> to vector<16xf32>
      %parallel_loop3A_569 = vector.shape_cast %parallel_loop3A_564 : vector<16xf32> to vector<1x16xf32>
      tpu.vector_store %arg11[%parallel_loop3A_565, %parallel_loop3A_566], %parallel_loop3A_569 {strides = array<i32>} : memref<112x224xf32, #tpu.memory_space<vmem>>, vector<1x16xf32>,
      %parallel_loop3A_570 = arith.constant 48 : i32
      %parallel_loop3A_571 = arith.addi %parallel_loop3A_533, %parallel_loop3A_570 : i32
      %parallel_loop3A_572 = arith.constant 0 : i32
      %parallel_loop3A_573 = arith.index_cast %parallel_loop3A_572 : i32 to index
      %parallel_loop3A_574 = arith.index_cast %parallel_loop3A_571 : i32 to index
      %parallel_loop3A_575 = tpu.vector_load %arg9[%parallel_loop3A_573, %parallel_loop3A_574] {strides = array<i32>} : memref<1x50176xf32, #tpu.memory_space<vmem>>, vector<1x16xf32>,
      %parallel_loop3A_576 = vector.shape_cast %parallel_loop3A_575 : vector<1x16xf32> to vector<16xf32>
      %parallel_loop3A_577 = arith.index_cast %parallel_loop3A_528 : i32 to index
      %parallel_loop3A_578 = arith.constant 48 : index
      %parallel_loop3A_579 = tpu.vector_load %arg11[%parallel_loop3A_577, %parallel_loop3A_578] {strides = array<i32>} : memref<112x224xf32, #tpu.memory_space<vmem>>, vector<1x16xf32>,
      %parallel_loop3A_580 = vector.shape_cast %parallel_loop3A_579 : vector<1x16xf32> to vector<16xf32>
      %parallel_loop3A_581 = vector.shape_cast %parallel_loop3A_576 : vector<16xf32> to vector<1x16xf32>
      tpu.vector_store %arg11[%parallel_loop3A_577, %parallel_loop3A_578], %parallel_loop3A_581 {strides = array<i32>} : memref<112x224xf32, #tpu.memory_space<vmem>>, vector<1x16xf32>,
      %parallel_loop3A_582 = arith.constant 64 : i32
      %parallel_loop3A_583 = arith.addi %parallel_loop3A_533, %parallel_loop3A_582 : i32
      %parallel_loop3A_584 = arith.constant 0 : i32
      %parallel_loop3A_585 = arith.index_cast %parallel_loop3A_584 : i32 to index
      %parallel_loop3A_586 = arith.index_cast %parallel_loop3A_583 : i32 to index
      %parallel_loop3A_587 = tpu.vector_load %arg9[%parallel_loop3A_585, %parallel_loop3A_586] {strides = array<i32>} : memref<1x50176xf32, #tpu.memory_space<vmem>>, vector<1x16xf32>,
      %parallel_loop3A_588 = vector.shape_cast %parallel_loop3A_587 : vector<1x16xf32> to vector<16xf32>
      %parallel_loop3A_589 = arith.index_cast %parallel_loop3A_528 : i32 to index
      %parallel_loop3A_590 = arith.constant 64 : index
      %parallel_loop3A_591 = tpu.vector_load %arg11[%parallel_loop3A_589, %parallel_loop3A_590] {strides = array<i32>} : memref<112x224xf32, #tpu.memory_space<vmem>>, vector<1x16xf32>,
      %parallel_loop3A_592 = vector.shape_cast %parallel_loop3A_591 : vector<1x16xf32> to vector<16xf32>
      %parallel_loop3A_593 = vector.shape_cast %parallel_loop3A_588 : vector<16xf32> to vector<1x16xf32>
      tpu.vector_store %arg11[%parallel_loop3A_589, %parallel_loop3A_590], %parallel_loop3A_593 {strides = array<i32>} : memref<112x224xf32, #tpu.memory_space<vmem>>, vector<1x16xf32>,
      %parallel_loop3A_594 = arith.constant 80 : i32
      %parallel_loop3A_595 = arith.addi %parallel_loop3A_533, %parallel_loop3A_594 : i32
      %parallel_loop3A_596 = arith.constant 0 : i32
      %parallel_loop3A_597 = arith.index_cast %parallel_loop3A_596 : i32 to index
      %parallel_loop3A_598 = arith.index_cast %parallel_loop3A_595 : i32 to index
      %parallel_loop3A_599 = tpu.vector_load %arg9[%parallel_loop3A_597, %parallel_loop3A_598] {strides = array<i32>} : memref<1x50176xf32, #tpu.memory_space<vmem>>, vector<1x16xf32>,
      %parallel_loop3A_600 = vector.shape_cast %parallel_loop3A_599 : vector<1x16xf32> to vector<16xf32>
      %parallel_loop3A_601 = arith.index_cast %parallel_loop3A_528 : i32 to index
      %parallel_loop3A_602 = arith.constant 80 : index
      %parallel_loop3A_603 = tpu.vector_load %arg11[%parallel_loop3A_601, %parallel_loop3A_602] {strides = array<i32>} : memref<112x224xf32, #tpu.memory_space<vmem>>, vector<1x16xf32>,
      %parallel_loop3A_604 = vector.shape_cast %parallel_loop3A_603 : vector<1x16xf32> to vector<16xf32>
      %parallel_loop3A_605 = vector.shape_cast %parallel_loop3A_600 : vector<16xf32> to vector<1x16xf32>
      tpu.vector_store %arg11[%parallel_loop3A_601, %parallel_loop3A_602], %parallel_loop3A_605 {strides = array<i32>} : memref<112x224xf32, #tpu.memory_space<vmem>>, vector<1x16xf32>,
      %parallel_loop3A_606 = arith.constant 96 : i32
      %parallel_loop3A_607 = arith.addi %parallel_loop3A_533, %parallel_loop3A_606 : i32
      %parallel_loop3A_608 = arith.constant 0 : i32
      %parallel_loop3A_609 = arith.index_cast %parallel_loop3A_608 : i32 to index
      %parallel_loop3A_610 = arith.index_cast %parallel_loop3A_607 : i32 to index
      %parallel_loop3A_611 = tpu.vector_load %arg9[%parallel_loop3A_609, %parallel_loop3A_610] {strides = array<i32>} : memref<1x50176xf32, #tpu.memory_space<vmem>>, vector<1x16xf32>,
      %parallel_loop3A_612 = vector.shape_cast %parallel_loop3A_611 : vector<1x16xf32> to vector<16xf32>
      %parallel_loop3A_613 = arith.index_cast %parallel_loop3A_528 : i32 to index
      %parallel_loop3A_614 = arith.constant 96 : index
      %parallel_loop3A_615 = tpu.vector_load %arg11[%parallel_loop3A_613, %parallel_loop3A_614] {strides = array<i32>} : memref<112x224xf32, #tpu.memory_space<vmem>>, vector<1x16xf32>,
      %parallel_loop3A_616 = vector.shape_cast %parallel_loop3A_615 : vector<1x16xf32> to vector<16xf32>
      %parallel_loop3A_617 = vector.shape_cast %parallel_loop3A_612 : vector<16xf32> to vector<1x16xf32>
      tpu.vector_store %arg11[%parallel_loop3A_613, %parallel_loop3A_614], %parallel_loop3A_617 {strides = array<i32>} : memref<112x224xf32, #tpu.memory_space<vmem>>, vector<1x16xf32>,
      %parallel_loop3A_618 = arith.constant 112 : i32
      %parallel_loop3A_619 = arith.addi %parallel_loop3A_533, %parallel_loop3A_618 : i32
      %parallel_loop3A_620 = arith.constant 0 : i32
      %parallel_loop3A_621 = arith.index_cast %parallel_loop3A_620 : i32 to index
      %parallel_loop3A_622 = arith.index_cast %parallel_loop3A_619 : i32 to index
      %parallel_loop3A_623 = tpu.vector_load %arg9[%parallel_loop3A_621, %parallel_loop3A_622] {strides = array<i32>} : memref<1x50176xf32, #tpu.memory_space<vmem>>, vector<1x16xf32>,
      %parallel_loop3A_624 = vector.shape_cast %parallel_loop3A_623 : vector<1x16xf32> to vector<16xf32>
      %parallel_loop3A_625 = arith.index_cast %parallel_loop3A_528 : i32 to index
      %parallel_loop3A_626 = arith.constant 112 : index
      %parallel_loop3A_627 = tpu.vector_load %arg11[%parallel_loop3A_625, %parallel_loop3A_626] {strides = array<i32>} : memref<112x224xf32, #tpu.memory_space<vmem>>, vector<1x16xf32>,
      %parallel_loop3A_628 = vector.shape_cast %parallel_loop3A_627 : vector<1x16xf32> to vector<16xf32>
      %parallel_loop3A_629 = vector.shape_cast %parallel_loop3A_624 : vector<16xf32> to vector<1x16xf32>
      tpu.vector_store %arg11[%parallel_loop3A_625, %parallel_loop3A_626], %parallel_loop3A_629 {strides = array<i32>} : memref<112x224xf32, #tpu.memory_space<vmem>>, vector<1x16xf32>,
      %parallel_loop3A_630 = arith.constant 128 : i32
      %parallel_loop3A_631 = arith.addi %parallel_loop3A_533, %parallel_loop3A_630 : i32
      %parallel_loop3A_632 = arith.constant 0 : i32
      %parallel_loop3A_633 = arith.index_cast %parallel_loop3A_632 : i32 to index
      %parallel_loop3A_634 = arith.index_cast %parallel_loop3A_631 : i32 to index
      %parallel_loop3A_635 = tpu.vector_load %arg9[%parallel_loop3A_633, %parallel_loop3A_634] {strides = array<i32>} : memref<1x50176xf32, #tpu.memory_space<vmem>>, vector<1x16xf32>,
      %parallel_loop3A_636 = vector.shape_cast %parallel_loop3A_635 : vector<1x16xf32> to vector<16xf32>
      %parallel_loop3A_637 = arith.index_cast %parallel_loop3A_528 : i32 to index
      %parallel_loop3A_638 = arith.constant 128 : index
      %parallel_loop3A_639 = tpu.vector_load %arg11[%parallel_loop3A_637, %parallel_loop3A_638] {strides = array<i32>} : memref<112x224xf32, #tpu.memory_space<vmem>>, vector<1x16xf32>,
      %parallel_loop3A_640 = vector.shape_cast %parallel_loop3A_639 : vector<1x16xf32> to vector<16xf32>
      %parallel_loop3A_641 = vector.shape_cast %parallel_loop3A_636 : vector<16xf32> to vector<1x16xf32>
      tpu.vector_store %arg11[%parallel_loop3A_637, %parallel_loop3A_638], %parallel_loop3A_641 {strides = array<i32>} : memref<112x224xf32, #tpu.memory_space<vmem>>, vector<1x16xf32>,
      %parallel_loop3A_642 = arith.constant 144 : i32
      %parallel_loop3A_643 = arith.addi %parallel_loop3A_533, %parallel_loop3A_642 : i32
      %parallel_loop3A_644 = arith.constant 0 : i32
      %parallel_loop3A_645 = arith.index_cast %parallel_loop3A_644 : i32 to index
      %parallel_loop3A_646 = arith.index_cast %parallel_loop3A_643 : i32 to index
      %parallel_loop3A_647 = tpu.vector_load %arg9[%parallel_loop3A_645, %parallel_loop3A_646] {strides = array<i32>} : memref<1x50176xf32, #tpu.memory_space<vmem>>, vector<1x16xf32>,
      %parallel_loop3A_648 = vector.shape_cast %parallel_loop3A_647 : vector<1x16xf32> to vector<16xf32>
      %parallel_loop3A_649 = arith.index_cast %parallel_loop3A_528 : i32 to index
      %parallel_loop3A_650 = arith.constant 144 : index
      %parallel_loop3A_651 = tpu.vector_load %arg11[%parallel_loop3A_649, %parallel_loop3A_650] {strides = array<i32>} : memref<112x224xf32, #tpu.memory_space<vmem>>, vector<1x16xf32>,
      %parallel_loop3A_652 = vector.shape_cast %parallel_loop3A_651 : vector<1x16xf32> to vector<16xf32>
      %parallel_loop3A_653 = vector.shape_cast %parallel_loop3A_648 : vector<16xf32> to vector<1x16xf32>
      tpu.vector_store %arg11[%parallel_loop3A_649, %parallel_loop3A_650], %parallel_loop3A_653 {strides = array<i32>} : memref<112x224xf32, #tpu.memory_space<vmem>>, vector<1x16xf32>,
      %parallel_loop3A_654 = arith.constant 160 : i32
      %parallel_loop3A_655 = arith.addi %parallel_loop3A_533, %parallel_loop3A_654 : i32
      %parallel_loop3A_656 = arith.constant 0 : i32
      %parallel_loop3A_657 = arith.index_cast %parallel_loop3A_656 : i32 to index
      %parallel_loop3A_658 = arith.index_cast %parallel_loop3A_655 : i32 to index
      %parallel_loop3A_659 = tpu.vector_load %arg9[%parallel_loop3A_657, %parallel_loop3A_658] {strides = array<i32>} : memref<1x50176xf32, #tpu.memory_space<vmem>>, vector<1x16xf32>,
      %parallel_loop3A_660 = vector.shape_cast %parallel_loop3A_659 : vector<1x16xf32> to vector<16xf32>
      %parallel_loop3A_661 = arith.index_cast %parallel_loop3A_528 : i32 to index
      %parallel_loop3A_662 = arith.constant 160 : index
      %parallel_loop3A_663 = tpu.vector_load %arg11[%parallel_loop3A_661, %parallel_loop3A_662] {strides = array<i32>} : memref<112x224xf32, #tpu.memory_space<vmem>>, vector<1x16xf32>,
      %parallel_loop3A_664 = vector.shape_cast %parallel_loop3A_663 : vector<1x16xf32> to vector<16xf32>
      %parallel_loop3A_665 = vector.shape_cast %parallel_loop3A_660 : vector<16xf32> to vector<1x16xf32>
      tpu.vector_store %arg11[%parallel_loop3A_661, %parallel_loop3A_662], %parallel_loop3A_665 {strides = array<i32>} : memref<112x224xf32, #tpu.memory_space<vmem>>, vector<1x16xf32>,
      %parallel_loop3A_666 = arith.constant 176 : i32
      %parallel_loop3A_667 = arith.addi %parallel_loop3A_533, %parallel_loop3A_666 : i32
      %parallel_loop3A_668 = arith.constant 0 : i32
      %parallel_loop3A_669 = arith.index_cast %parallel_loop3A_668 : i32 to index
      %parallel_loop3A_670 = arith.index_cast %parallel_loop3A_667 : i32 to index
      %parallel_loop3A_671 = tpu.vector_load %arg9[%parallel_loop3A_669, %parallel_loop3A_670] {strides = array<i32>} : memref<1x50176xf32, #tpu.memory_space<vmem>>, vector<1x16xf32>,
      %parallel_loop3A_672 = vector.shape_cast %parallel_loop3A_671 : vector<1x16xf32> to vector<16xf32>
      %parallel_loop3A_673 = arith.index_cast %parallel_loop3A_528 : i32 to index
      %parallel_loop3A_674 = arith.constant 176 : index
      %parallel_loop3A_675 = tpu.vector_load %arg11[%parallel_loop3A_673, %parallel_loop3A_674] {strides = array<i32>} : memref<112x224xf32, #tpu.memory_space<vmem>>, vector<1x16xf32>,
      %parallel_loop3A_676 = vector.shape_cast %parallel_loop3A_675 : vector<1x16xf32> to vector<16xf32>
      %parallel_loop3A_677 = vector.shape_cast %parallel_loop3A_672 : vector<16xf32> to vector<1x16xf32>
      tpu.vector_store %arg11[%parallel_loop3A_673, %parallel_loop3A_674], %parallel_loop3A_677 {strides = array<i32>} : memref<112x224xf32, #tpu.memory_space<vmem>>, vector<1x16xf32>,
      %parallel_loop3A_678 = arith.constant 192 : i32
      %parallel_loop3A_679 = arith.addi %parallel_loop3A_533, %parallel_loop3A_678 : i32
      %parallel_loop3A_680 = arith.constant 0 : i32
      %parallel_loop3A_681 = arith.index_cast %parallel_loop3A_680 : i32 to index
      %parallel_loop3A_682 = arith.index_cast %parallel_loop3A_679 : i32 to index
      %parallel_loop3A_683 = tpu.vector_load %arg9[%parallel_loop3A_681, %parallel_loop3A_682] {strides = array<i32>} : memref<1x50176xf32, #tpu.memory_space<vmem>>, vector<1x16xf32>,
      %parallel_loop3A_684 = vector.shape_cast %parallel_loop3A_683 : vector<1x16xf32> to vector<16xf32>
      %parallel_loop3A_685 = arith.index_cast %parallel_loop3A_528 : i32 to index
      %parallel_loop3A_686 = arith.constant 192 : index
      %parallel_loop3A_687 = tpu.vector_load %arg11[%parallel_loop3A_685, %parallel_loop3A_686] {strides = array<i32>} : memref<112x224xf32, #tpu.memory_space<vmem>>, vector<1x16xf32>,
      %parallel_loop3A_688 = vector.shape_cast %parallel_loop3A_687 : vector<1x16xf32> to vector<16xf32>
      %parallel_loop3A_689 = vector.shape_cast %parallel_loop3A_684 : vector<16xf32> to vector<1x16xf32>
      tpu.vector_store %arg11[%parallel_loop3A_685, %parallel_loop3A_686], %parallel_loop3A_689 {strides = array<i32>} : memref<112x224xf32, #tpu.memory_space<vmem>>, vector<1x16xf32>,
      %parallel_loop3A_690 = arith.constant 208 : i32
      %parallel_loop3A_691 = arith.addi %parallel_loop3A_533, %parallel_loop3A_690 : i32
      %parallel_loop3A_692 = arith.constant 0 : i32
      %parallel_loop3A_693 = arith.index_cast %parallel_loop3A_692 : i32 to index
      %parallel_loop3A_694 = arith.index_cast %parallel_loop3A_691 : i32 to index
      %parallel_loop3A_695 = tpu.vector_load %arg9[%parallel_loop3A_693, %parallel_loop3A_694] {strides = array<i32>} : memref<1x50176xf32, #tpu.memory_space<vmem>>, vector<1x16xf32>,
      %parallel_loop3A_696 = vector.shape_cast %parallel_loop3A_695 : vector<1x16xf32> to vector<16xf32>
      %parallel_loop3A_697 = arith.index_cast %parallel_loop3A_528 : i32 to index
      %parallel_loop3A_698 = arith.constant 208 : index
      %parallel_loop3A_699 = tpu.vector_load %arg11[%parallel_loop3A_697, %parallel_loop3A_698] {strides = array<i32>} : memref<112x224xf32, #tpu.memory_space<vmem>>, vector<1x16xf32>,
      %parallel_loop3A_700 = vector.shape_cast %parallel_loop3A_699 : vector<1x16xf32> to vector<16xf32>
      %parallel_loop3A_701 = vector.shape_cast %parallel_loop3A_696 : vector<16xf32> to vector<1x16xf32>
      tpu.vector_store %arg11[%parallel_loop3A_697, %parallel_loop3A_698], %parallel_loop3A_701 {strides = array<i32>} : memref<112x224xf32, #tpu.memory_space<vmem>>, vector<1x16xf32>,
    } {sc.loop_unroll_factor = 8 : i64, sc.parallel_access}
    %dma_start3A_105 = arith.constant 0 : i32
    %dma_start3A_106 = arith.constant 112 : i32
    %dma_start3A_107 = arith.constant 0 : i32
    %dma_start3A_108 = tpu.memref_slice %arg7[%add3A_65, %dma_start3A_105, %dma_start3A_106, %dma_start3A_107] : memref<64x4x224x224xf32, #tpu.memory_space<hbm>> -> memref<1x1x112x224xf32, #tpu.memory_space<hbm>>
    %dma_start3A_109 = tpu.memref_squeeze %dma_start3A_108 : memref<1x1x112x224xf32, #tpu.memory_space<hbm>> -> memref<112x224xf32, #tpu.memory_space<hbm>>
    %dma_start3A_110 = arith.constant 112 : i32
    %dma_start3A_111 = arith.constant 0 : i32
    %dma_start3A_112 = tpu.memref_slice %arg7[%add3A_65, %dma_start3A_105, %dma_start3A_110, %dma_start3A_111] : memref<64x4x224x224xf32, #tpu.memory_space<hbm>> -> memref<1x1x112x224xf32, #tpu.memory_space<hbm>>
    %dma_start3A_113 = tpu.memref_squeeze %dma_start3A_112 : memref<1x1x112x224xf32, #tpu.memory_space<hbm>> -> memref<112x224xf32, #tpu.memory_space<hbm>>
    tpu.enqueue_dma source(%arg11 : memref<112x224xf32, #tpu.memory_space<vmem>>) target(%dma_start3A_113 : memref<112x224xf32, #tpu.memory_space<hbm>>) target_semaphore(%arg16 : memref<!tpu.dma_semaphore, #tpu.memory_space<semaphore_mem>>)
    %dma_start3A_114 = arith.constant 2 : i32
    %dma_start3A_115 = arith.constant 0 : i32
    %dma_start3A_116 = tpu.memref_slice %arg8[%dma_start3A_114, %dma_start3A_115] : memref<16x8xi32, #tpu.memory_space<vmem>> -> memref<1x1xi32, #tpu.memory_space<vmem>>
    %dma_start3A_117 = tpu.memref_squeeze %dma_start3A_116 : memref<1x1xi32, #tpu.memory_space<vmem>> -> memref<1xi32, #tpu.memory_space<vmem>>
    %dma_start3A_118 = arith.constant 0 : i32
    %dma_start3A_119 = arith.constant 0 : i32
    %dma_start3A_120 = tpu.memref_slice %arg3[%dma_start3A_118, %dma_start3A_119] : memref<256x50176xf32, #tpu.memory_space<hbm>> -> memref<256x50176xf32, #tpu.memory_space<hbm>>
    tpu.enqueue_indirect_dma source(%dma_start3A_120 : memref<256x50176xf32, #tpu.memory_space<hbm>>) target(%arg9 : memref<1x50176xf32, #tpu.memory_space<vmem>>) offsets(%dma_start3A_117 : memref<1xi32, #tpu.memory_space<vmem>>) semaphore(%arg12 : memref<!tpu.dma_semaphore, #tpu.memory_space<semaphore_mem>>)
    %add3A_121 = arith.constant 0 : i32
    %add3A_122 = arith.addi %mul3A_2, %add3A_121 : i32
    %dma_wait3A_123 = arith.constant 0 : i32
    %dma_wait3A_124 = arith.constant 0 : i32
    %dma_wait3A_125 = arith.constant 0 : i32
    %dma_wait3A_126 = tpu.memref_slice %arg7[%add3A_65, %dma_wait3A_123, %dma_wait3A_124, %dma_wait3A_125] : memref<64x4x224x224xf32, #tpu.memory_space<hbm>> -> memref<1x1x112x224xf32, #tpu.memory_space<hbm>>
    %dma_wait3A_127 = tpu.memref_squeeze %dma_wait3A_126 : memref<1x1x112x224xf32, #tpu.memory_space<hbm>> -> memref<112x224xf32, #tpu.memory_space<hbm>>
    %dma_wait3A_128 = arith.constant 0 : i32
    %dma_wait3A_129 = arith.constant 0 : i32
    %dma_wait3A_130 = tpu.memref_slice %arg7[%add3A_65, %dma_wait3A_123, %dma_wait3A_128, %dma_wait3A_129] : memref<64x4x224x224xf32, #tpu.memory_space<hbm>> -> memref<1x1x112x224xf32, #tpu.memory_space<hbm>>
    %dma_wait3A_131 = tpu.memref_squeeze %dma_wait3A_130 : memref<1x1x112x224xf32, #tpu.memory_space<hbm>> -> memref<112x224xf32, #tpu.memory_space<hbm>>
    tpu.wait_dma2 semaphore(%arg15 : memref<!tpu.dma_semaphore, #tpu.memory_space<semaphore_mem>>) src(%arg10 : memref<112x224xf32, #tpu.memory_space<vmem>>) dst(%dma_wait3A_131 : memref<112x224xf32, #tpu.memory_space<hbm>>)
    %dma_start3A_132 = arith.constant 0 : i32
    %dma_start3A_133 = arith.constant 0 : i32
    %dma_start3A_134 = arith.constant 0 : i32
    %dma_start3A_135 = tpu.memref_slice %arg6[%add3A_122, %dma_start3A_132, %dma_start3A_133, %dma_start3A_134] : memref<64x1x224x224xf32, #tpu.memory_space<hbm>> -> memref<1x1x112x224xf32, #tpu.memory_space<hbm>>
    %dma_start3A_136 = tpu.memref_squeeze %dma_start3A_135 : memref<1x1x112x224xf32, #tpu.memory_space<hbm>> -> memref<112x224xf32, #tpu.memory_space<hbm>>
    %dma_start3A_137 = arith.constant 0 : i32
    %dma_start3A_138 = arith.constant 0 : i32
    %dma_start3A_139 = tpu.memref_slice %arg6[%add3A_122, %dma_start3A_132, %dma_start3A_137, %dma_start3A_138] : memref<64x1x224x224xf32, #tpu.memory_space<hbm>> -> memref<1x1x112x224xf32, #tpu.memory_space<hbm>>
    %dma_start3A_140 = tpu.memref_squeeze %dma_start3A_139 : memref<1x1x112x224xf32, #tpu.memory_space<hbm>> -> memref<112x224xf32, #tpu.memory_space<hbm>>
    tpu.enqueue_dma source(%dma_start3A_140 : memref<112x224xf32, #tpu.memory_space<hbm>>) target(%arg10 : memref<112x224xf32, #tpu.memory_space<vmem>>) target_semaphore(%arg13 : memref<!tpu.dma_semaphore, #tpu.memory_space<semaphore_mem>>)
    %dma_wait3A_141 = arith.constant 0 : i32
    %dma_wait3A_142 = arith.constant 0 : i32
    %dma_wait3A_143 = arith.constant 0 : i32
    %dma_wait3A_144 = tpu.memref_slice %arg6[%add3A_122, %dma_wait3A_141, %dma_wait3A_142, %dma_wait3A_143] : memref<64x1x224x224xf32, #tpu.memory_space<hbm>> -> memref<1x1x112x224xf32, #tpu.memory_space<hbm>>
    %dma_wait3A_145 = tpu.memref_squeeze %dma_wait3A_144 : memref<1x1x112x224xf32, #tpu.memory_space<hbm>> -> memref<112x224xf32, #tpu.memory_space<hbm>>
    %dma_wait3A_146 = arith.constant 0 : i32
    %dma_wait3A_147 = arith.constant 0 : i32
    %dma_wait3A_148 = tpu.memref_slice %arg6[%add3A_122, %dma_wait3A_141, %dma_wait3A_146, %dma_wait3A_147] : memref<64x1x224x224xf32, #tpu.memory_space<hbm>> -> memref<1x1x112x224xf32, #tpu.memory_space<hbm>>
    %dma_wait3A_149 = tpu.memref_squeeze %dma_wait3A_148 : memref<1x1x112x224xf32, #tpu.memory_space<hbm>> -> memref<112x224xf32, #tpu.memory_space<hbm>>
    tpu.wait_dma2 semaphore(%arg13 : memref<!tpu.dma_semaphore, #tpu.memory_space<semaphore_mem>>) src(%dma_wait3A_149 : memref<112x224xf32, #tpu.memory_space<hbm>>) dst(%arg10 : memref<112x224xf32, #tpu.memory_space<vmem>>)
    %dma_start3A_150 = arith.constant 3 : i32
    %dma_start3A_151 = arith.constant 0 : i32
    %dma_start3A_152 = arith.constant 0 : i32
    %dma_start3A_153 = tpu.memref_slice %arg7[%add3A_122, %dma_start3A_150, %dma_start3A_151, %dma_start3A_152] : memref<64x4x224x224xf32, #tpu.memory_space<hbm>> -> memref<1x1x112x224xf32, #tpu.memory_space<hbm>>
    %dma_start3A_154 = tpu.memref_squeeze %dma_start3A_153 : memref<1x1x112x224xf32, #tpu.memory_space<hbm>> -> memref<112x224xf32, #tpu.memory_space<hbm>>
    %dma_start3A_155 = arith.constant 0 : i32
    %dma_start3A_156 = arith.constant 0 : i32
    %dma_start3A_157 = tpu.memref_slice %arg7[%add3A_122, %dma_start3A_150, %dma_start3A_155, %dma_start3A_156] : memref<64x4x224x224xf32, #tpu.memory_space<hbm>> -> memref<1x1x112x224xf32, #tpu.memory_space<hbm>>
    %dma_start3A_158 = tpu.memref_squeeze %dma_start3A_157 : memref<1x1x112x224xf32, #tpu.memory_space<hbm>> -> memref<112x224xf32, #tpu.memory_space<hbm>>
    tpu.enqueue_dma source(%arg10 : memref<112x224xf32, #tpu.memory_space<vmem>>) target(%dma_start3A_158 : memref<112x224xf32, #tpu.memory_space<hbm>>) target_semaphore(%arg15 : memref<!tpu.dma_semaphore, #tpu.memory_space<semaphore_mem>>)
    %dma_wait3A_159 = arith.constant 0 : i32
    %dma_wait3A_160 = arith.constant 112 : i32
    %dma_wait3A_161 = arith.constant 0 : i32
    %dma_wait3A_162 = tpu.memref_slice %arg7[%add3A_65, %dma_wait3A_159, %dma_wait3A_160, %dma_wait3A_161] : memref<64x4x224x224xf32, #tpu.memory_space<hbm>> -> memref<1x1x112x224xf32, #tpu.memory_space<hbm>>
    %dma_wait3A_163 = tpu.memref_squeeze %dma_wait3A_162 : memref<1x1x112x224xf32, #tpu.memory_space<hbm>> -> memref<112x224xf32, #tpu.memory_space<hbm>>
    %dma_wait3A_164 = arith.constant 112 : i32
    %dma_wait3A_165 = arith.constant 0 : i32
    %dma_wait3A_166 = tpu.memref_slice %arg7[%add3A_65, %dma_wait3A_159, %dma_wait3A_164, %dma_wait3A_165] : memref<64x4x224x224xf32, #tpu.memory_space<hbm>> -> memref<1x1x112x224xf32, #tpu.memory_space<hbm>>
    %dma_wait3A_167 = tpu.memref_squeeze %dma_wait3A_166 : memref<1x1x112x224xf32, #tpu.memory_space<hbm>> -> memref<112x224xf32, #tpu.memory_space<hbm>>
    tpu.wait_dma2 semaphore(%arg16 : memref<!tpu.dma_semaphore, #tpu.memory_space<semaphore_mem>>) src(%arg11 : memref<112x224xf32, #tpu.memory_space<vmem>>) dst(%dma_wait3A_167 : memref<112x224xf32, #tpu.memory_space<hbm>>)
    %dma_start3A_168 = arith.constant 0 : i32
    %dma_start3A_169 = arith.constant 112 : i32
    %dma_start3A_170 = arith.constant 0 : i32
    %dma_start3A_171 = tpu.memref_slice %arg6[%add3A_122, %dma_start3A_168, %dma_start3A_169, %dma_start3A_170] : memref<64x1x224x224xf32, #tpu.memory_space<hbm>> -> memref<1x1x112x224xf32, #tpu.memory_space<hbm>>
    %dma_start3A_172 = tpu.memref_squeeze %dma_start3A_171 : memref<1x1x112x224xf32, #tpu.memory_space<hbm>> -> memref<112x224xf32, #tpu.memory_space<hbm>>
    %dma_start3A_173 = arith.constant 112 : i32
    %dma_start3A_174 = arith.constant 0 : i32
    %dma_start3A_175 = tpu.memref_slice %arg6[%add3A_122, %dma_start3A_168, %dma_start3A_173, %dma_start3A_174] : memref<64x1x224x224xf32, #tpu.memory_space<hbm>> -> memref<1x1x112x224xf32, #tpu.memory_space<hbm>>
    %dma_start3A_176 = tpu.memref_squeeze %dma_start3A_175 : memref<1x1x112x224xf32, #tpu.memory_space<hbm>> -> memref<112x224xf32, #tpu.memory_space<hbm>>
    tpu.enqueue_dma source(%dma_start3A_176 : memref<112x224xf32, #tpu.memory_space<hbm>>) target(%arg11 : memref<112x224xf32, #tpu.memory_space<vmem>>) target_semaphore(%arg14 : memref<!tpu.dma_semaphore, #tpu.memory_space<semaphore_mem>>)
    %dma_wait3A_177 = arith.constant 0 : i32
    %dma_wait3A_178 = arith.constant 112 : i32
    %dma_wait3A_179 = arith.constant 0 : i32
    %dma_wait3A_180 = tpu.memref_slice %arg6[%add3A_122, %dma_wait3A_177, %dma_wait3A_178, %dma_wait3A_179] : memref<64x1x224x224xf32, #tpu.memory_space<hbm>> -> memref<1x1x112x224xf32, #tpu.memory_space<hbm>>
    %dma_wait3A_181 = tpu.memref_squeeze %dma_wait3A_180 : memref<1x1x112x224xf32, #tpu.memory_space<hbm>> -> memref<112x224xf32, #tpu.memory_space<hbm>>
    %dma_wait3A_182 = arith.constant 112 : i32
    %dma_wait3A_183 = arith.constant 0 : i32
    %dma_wait3A_184 = tpu.memref_slice %arg6[%add3A_122, %dma_wait3A_177, %dma_wait3A_182, %dma_wait3A_183] : memref<64x1x224x224xf32, #tpu.memory_space<hbm>> -> memref<1x1x112x224xf32, #tpu.memory_space<hbm>>
    %dma_wait3A_185 = tpu.memref_squeeze %dma_wait3A_184 : memref<1x1x112x224xf32, #tpu.memory_space<hbm>> -> memref<112x224xf32, #tpu.memory_space<hbm>>
    tpu.wait_dma2 semaphore(%arg14 : memref<!tpu.dma_semaphore, #tpu.memory_space<semaphore_mem>>) src(%dma_wait3A_185 : memref<112x224xf32, #tpu.memory_space<hbm>>) dst(%arg11 : memref<112x224xf32, #tpu.memory_space<vmem>>)
    %dma_start3A_186 = arith.constant 3 : i32
    %dma_start3A_187 = arith.constant 112 : i32
    %dma_start3A_188 = arith.constant 0 : i32
    %dma_start3A_189 = tpu.memref_slice %arg7[%add3A_122, %dma_start3A_186, %dma_start3A_187, %dma_start3A_188] : memref<64x4x224x224xf32, #tpu.memory_space<hbm>> -> memref<1x1x112x224xf32, #tpu.memory_space<hbm>>
    %dma_start3A_190 = tpu.memref_squeeze %dma_start3A_189 : memref<1x1x112x224xf32, #tpu.memory_space<hbm>> -> memref<112x224xf32, #tpu.memory_space<hbm>>
    %dma_start3A_191 = arith.constant 112 : i32
    %dma_start3A_192 = arith.constant 0 : i32
    %dma_start3A_193 = tpu.memref_slice %arg7[%add3A_122, %dma_start3A_186, %dma_start3A_191, %dma_start3A_192] : memref<64x4x224x224xf32, #tpu.memory_space<hbm>> -> memref<1x1x112x224xf32, #tpu.memory_space<hbm>>
    %dma_start3A_194 = tpu.memref_squeeze %dma_start3A_193 : memref<1x1x112x224xf32, #tpu.memory_space<hbm>> -> memref<112x224xf32, #tpu.memory_space<hbm>>
    tpu.enqueue_dma source(%arg11 : memref<112x224xf32, #tpu.memory_space<vmem>>) target(%dma_start3A_194 : memref<112x224xf32, #tpu.memory_space<hbm>>) target_semaphore(%arg16 : memref<!tpu.dma_semaphore, #tpu.memory_space<semaphore_mem>>)
    %add3A_195 = arith.constant 0 : i32
    %add3A_196 = arith.addi %mul3A_2, %add3A_195 : i32
    %dma_wait3A_197 = arith.constant 2 : i32
    %dma_wait3A_198 = arith.constant 0 : i32
    %dma_wait3A_199 = tpu.memref_slice %arg8[%dma_wait3A_197, %dma_wait3A_198] : memref<16x8xi32, #tpu.memory_space<vmem>> -> memref<1x1xi32, #tpu.memory_space<vmem>>
    %dma_wait3A_200 = tpu.memref_squeeze %dma_wait3A_199 : memref<1x1xi32, #tpu.memory_space<vmem>> -> memref<1xi32, #tpu.memory_space<vmem>>
    %dma_wait3A_201 = arith.constant 0 : i32
    %dma_wait3A_202 = arith.constant 0 : i32
    %dma_wait3A_203 = tpu.memref_slice %arg3[%dma_wait3A_201, %dma_wait3A_202] : memref<256x50176xf32, #tpu.memory_space<hbm>> -> memref<256x50176xf32, #tpu.memory_space<hbm>>
    tpu.wait_indirect_dma semaphore(%arg12 : memref<!tpu.dma_semaphore, #tpu.memory_space<semaphore_mem>>) src(%dma_wait3A_203 : memref<256x50176xf32, #tpu.memory_space<hbm>>) dst(%arg9 : memref<1x50176xf32, #tpu.memory_space<vmem>>)
    %dma_wait3A_204 = arith.constant 3 : i32
    %dma_wait3A_205 = arith.constant 0 : i32
    %dma_wait3A_206 = arith.constant 0 : i32
    %dma_wait3A_207 = tpu.memref_slice %arg7[%add3A_122, %dma_wait3A_204, %dma_wait3A_205, %dma_wait3A_206] : memref<64x4x224x224xf32, #tpu.memory_space<hbm>> -> memref<1x1x112x224xf32, #tpu.memory_space<hbm>>
    %dma_wait3A_208 = tpu.memref_squeeze %dma_wait3A_207 : memref<1x1x112x224xf32, #tpu.memory_space<hbm>> -> memref<112x224xf32, #tpu.memory_space<hbm>>
    %dma_wait3A_209 = arith.constant 0 : i32
    %dma_wait3A_210 = arith.constant 0 : i32
    %dma_wait3A_211 = tpu.memref_slice %arg7[%add3A_122, %dma_wait3A_204, %dma_wait3A_209, %dma_wait3A_210] : memref<64x4x224x224xf32, #tpu.memory_space<hbm>> -> memref<1x1x112x224xf32, #tpu.memory_space<hbm>>
    %dma_wait3A_212 = tpu.memref_squeeze %dma_wait3A_211 : memref<1x1x112x224xf32, #tpu.memory_space<hbm>> -> memref<112x224xf32, #tpu.memory_space<hbm>>
    tpu.wait_dma2 semaphore(%arg15 : memref<!tpu.dma_semaphore, #tpu.memory_space<semaphore_mem>>) src(%arg10 : memref<112x224xf32, #tpu.memory_space<vmem>>) dst(%dma_wait3A_212 : memref<112x224xf32, #tpu.memory_space<hbm>>)
    %parallel_loop3A_213 = arith.constant 0 : i32
    %parallel_loop3A_214 = arith.constant 112 : i32
    %parallel_loop3A_215 = arith.constant 1 : i32
    scf.for %parallel_loop3A_528 = %parallel_loop3A_213 to %parallel_loop3A_214 step %parallel_loop3A_215  : i32 {
      %parallel_loop3A_529 = arith.constant 0 : i32
      %parallel_loop3A_530 = arith.addi %parallel_loop3A_529, %parallel_loop3A_528 : i32
      %parallel_loop3A_531 = arith.constant 224 : i32
      %parallel_loop3A_532 = arith.muli %parallel_loop3A_530, %parallel_loop3A_531 : i32
      %parallel_loop3A_533 = tpu.assume_multiple %parallel_loop3A_532, 16 : i32
      %parallel_loop3A_534 = arith.constant 0 : i32
      %parallel_loop3A_535 = arith.addi %parallel_loop3A_533, %parallel_loop3A_534 : i32
      %parallel_loop3A_536 = arith.constant 0 : i32
      %parallel_loop3A_537 = arith.index_cast %parallel_loop3A_536 : i32 to index
      %parallel_loop3A_538 = arith.index_cast %parallel_loop3A_535 : i32 to index
      %parallel_loop3A_539 = tpu.vector_load %arg9[%parallel_loop3A_537, %parallel_loop3A_538] {strides = array<i32>} : memref<1x50176xf32, #tpu.memory_space<vmem>>, vector<1x16xf32>,
      %parallel_loop3A_540 = vector.shape_cast %parallel_loop3A_539 : vector<1x16xf32> to vector<16xf32>
      %parallel_loop3A_541 = arith.index_cast %parallel_loop3A_528 : i32 to index
      %parallel_loop3A_542 = arith.constant 0 : index
      %parallel_loop3A_543 = tpu.vector_load %arg10[%parallel_loop3A_541, %parallel_loop3A_542] {strides = array<i32>} : memref<112x224xf32, #tpu.memory_space<vmem>>, vector<1x16xf32>,
      %parallel_loop3A_544 = vector.shape_cast %parallel_loop3A_543 : vector<1x16xf32> to vector<16xf32>
      %parallel_loop3A_545 = vector.shape_cast %parallel_loop3A_540 : vector<16xf32> to vector<1x16xf32>
      tpu.vector_store %arg10[%parallel_loop3A_541, %parallel_loop3A_542], %parallel_loop3A_545 {strides = array<i32>} : memref<112x224xf32, #tpu.memory_space<vmem>>, vector<1x16xf32>,
      %parallel_loop3A_546 = arith.constant 16 : i32
      %parallel_loop3A_547 = arith.addi %parallel_loop3A_533, %parallel_loop3A_546 : i32
      %parallel_loop3A_548 = arith.constant 0 : i32
      %parallel_loop3A_549 = arith.index_cast %parallel_loop3A_548 : i32 to index
      %parallel_loop3A_550 = arith.index_cast %parallel_loop3A_547 : i32 to index
      %parallel_loop3A_551 = tpu.vector_load %arg9[%parallel_loop3A_549, %parallel_loop3A_550] {strides = array<i32>} : memref<1x50176xf32, #tpu.memory_space<vmem>>, vector<1x16xf32>,
      %parallel_loop3A_552 = vector.shape_cast %parallel_loop3A_551 : vector<1x16xf32> to vector<16xf32>
      %parallel_loop3A_553 = arith.index_cast %parallel_loop3A_528 : i32 to index
      %parallel_loop3A_554 = arith.constant 16 : index
      %parallel_loop3A_555 = tpu.vector_load %arg10[%parallel_loop3A_553, %parallel_loop3A_554] {strides = array<i32>} : memref<112x224xf32, #tpu.memory_space<vmem>>, vector<1x16xf32>,
      %parallel_loop3A_556 = vector.shape_cast %parallel_loop3A_555 : vector<1x16xf32> to vector<16xf32>
      %parallel_loop3A_557 = vector.shape_cast %parallel_loop3A_552 : vector<16xf32> to vector<1x16xf32>
      tpu.vector_store %arg10[%parallel_loop3A_553, %parallel_loop3A_554], %parallel_loop3A_557 {strides = array<i32>} : memref<112x224xf32, #tpu.memory_space<vmem>>, vector<1x16xf32>,
      %parallel_loop3A_558 = arith.constant 32 : i32
      %parallel_loop3A_559 = arith.addi %parallel_loop3A_533, %parallel_loop3A_558 : i32
      %parallel_loop3A_560 = arith.constant 0 : i32
      %parallel_loop3A_561 = arith.index_cast %parallel_loop3A_560 : i32 to index
      %parallel_loop3A_562 = arith.index_cast %parallel_loop3A_559 : i32 to index
      %parallel_loop3A_563 = tpu.vector_load %arg9[%parallel_loop3A_561, %parallel_loop3A_562] {strides = array<i32>} : memref<1x50176xf32, #tpu.memory_space<vmem>>, vector<1x16xf32>,
      %parallel_loop3A_564 = vector.shape_cast %parallel_loop3A_563 : vector<1x16xf32> to vector<16xf32>
      %parallel_loop3A_565 = arith.index_cast %parallel_loop3A_528 : i32 to index
      %parallel_loop3A_566 = arith.constant 32 : index
      %parallel_loop3A_567 = tpu.vector_load %arg10[%parallel_loop3A_565, %parallel_loop3A_566] {strides = array<i32>} : memref<112x224xf32, #tpu.memory_space<vmem>>, vector<1x16xf32>,
      %parallel_loop3A_568 = vector.shape_cast %parallel_loop3A_567 : vector<1x16xf32> to vector<16xf32>
      %parallel_loop3A_569 = vector.shape_cast %parallel_loop3A_564 : vector<16xf32> to vector<1x16xf32>
      tpu.vector_store %arg10[%parallel_loop3A_565, %parallel_loop3A_566], %parallel_loop3A_569 {strides = array<i32>} : memref<112x224xf32, #tpu.memory_space<vmem>>, vector<1x16xf32>,
      %parallel_loop3A_570 = arith.constant 48 : i32
      %parallel_loop3A_571 = arith.addi %parallel_loop3A_533, %parallel_loop3A_570 : i32
      %parallel_loop3A_572 = arith.constant 0 : i32
      %parallel_loop3A_573 = arith.index_cast %parallel_loop3A_572 : i32 to index
      %parallel_loop3A_574 = arith.index_cast %parallel_loop3A_571 : i32 to index
      %parallel_loop3A_575 = tpu.vector_load %arg9[%parallel_loop3A_573, %parallel_loop3A_574] {strides = array<i32>} : memref<1x50176xf32, #tpu.memory_space<vmem>>, vector<1x16xf32>,
      %parallel_loop3A_576 = vector.shape_cast %parallel_loop3A_575 : vector<1x16xf32> to vector<16xf32>
      %parallel_loop3A_577 = arith.index_cast %parallel_loop3A_528 : i32 to index
      %parallel_loop3A_578 = arith.constant 48 : index
      %parallel_loop3A_579 = tpu.vector_load %arg10[%parallel_loop3A_577, %parallel_loop3A_578] {strides = array<i32>} : memref<112x224xf32, #tpu.memory_space<vmem>>, vector<1x16xf32>,
      %parallel_loop3A_580 = vector.shape_cast %parallel_loop3A_579 : vector<1x16xf32> to vector<16xf32>
      %parallel_loop3A_581 = vector.shape_cast %parallel_loop3A_576 : vector<16xf32> to vector<1x16xf32>
      tpu.vector_store %arg10[%parallel_loop3A_577, %parallel_loop3A_578], %parallel_loop3A_581 {strides = array<i32>} : memref<112x224xf32, #tpu.memory_space<vmem>>, vector<1x16xf32>,
      %parallel_loop3A_582 = arith.constant 64 : i32
      %parallel_loop3A_583 = arith.addi %parallel_loop3A_533, %parallel_loop3A_582 : i32
      %parallel_loop3A_584 = arith.constant 0 : i32
      %parallel_loop3A_585 = arith.index_cast %parallel_loop3A_584 : i32 to index
      %parallel_loop3A_586 = arith.index_cast %parallel_loop3A_583 : i32 to index
      %parallel_loop3A_587 = tpu.vector_load %arg9[%parallel_loop3A_585, %parallel_loop3A_586] {strides = array<i32>} : memref<1x50176xf32, #tpu.memory_space<vmem>>, vector<1x16xf32>,
      %parallel_loop3A_588 = vector.shape_cast %parallel_loop3A_587 : vector<1x16xf32> to vector<16xf32>
      %parallel_loop3A_589 = arith.index_cast %parallel_loop3A_528 : i32 to index
      %parallel_loop3A_590 = arith.constant 64 : index
      %parallel_loop3A_591 = tpu.vector_load %arg10[%parallel_loop3A_589, %parallel_loop3A_590] {strides = array<i32>} : memref<112x224xf32, #tpu.memory_space<vmem>>, vector<1x16xf32>,
      %parallel_loop3A_592 = vector.shape_cast %parallel_loop3A_591 : vector<1x16xf32> to vector<16xf32>
      %parallel_loop3A_593 = vector.shape_cast %parallel_loop3A_588 : vector<16xf32> to vector<1x16xf32>
      tpu.vector_store %arg10[%parallel_loop3A_589, %parallel_loop3A_590], %parallel_loop3A_593 {strides = array<i32>} : memref<112x224xf32, #tpu.memory_space<vmem>>, vector<1x16xf32>,
      %parallel_loop3A_594 = arith.constant 80 : i32
      %parallel_loop3A_595 = arith.addi %parallel_loop3A_533, %parallel_loop3A_594 : i32
      %parallel_loop3A_596 = arith.constant 0 : i32
      %parallel_loop3A_597 = arith.index_cast %parallel_loop3A_596 : i32 to index
      %parallel_loop3A_598 = arith.index_cast %parallel_loop3A_595 : i32 to index
      %parallel_loop3A_599 = tpu.vector_load %arg9[%parallel_loop3A_597, %parallel_loop3A_598] {strides = array<i32>} : memref<1x50176xf32, #tpu.memory_space<vmem>>, vector<1x16xf32>,
      %parallel_loop3A_600 = vector.shape_cast %parallel_loop3A_599 : vector<1x16xf32> to vector<16xf32>
      %parallel_loop3A_601 = arith.index_cast %parallel_loop3A_528 : i32 to index
      %parallel_loop3A_602 = arith.constant 80 : index
      %parallel_loop3A_603 = tpu.vector_load %arg10[%parallel_loop3A_601, %parallel_loop3A_602] {strides = array<i32>} : memref<112x224xf32, #tpu.memory_space<vmem>>, vector<1x16xf32>,
      %parallel_loop3A_604 = vector.shape_cast %parallel_loop3A_603 : vector<1x16xf32> to vector<16xf32>
      %parallel_loop3A_605 = vector.shape_cast %parallel_loop3A_600 : vector<16xf32> to vector<1x16xf32>
      tpu.vector_store %arg10[%parallel_loop3A_601, %parallel_loop3A_602], %parallel_loop3A_605 {strides = array<i32>} : memref<112x224xf32, #tpu.memory_space<vmem>>, vector<1x16xf32>,
      %parallel_loop3A_606 = arith.constant 96 : i32
      %parallel_loop3A_607 = arith.addi %parallel_loop3A_533, %parallel_loop3A_606 : i32
      %parallel_loop3A_608 = arith.constant 0 : i32
      %parallel_loop3A_609 = arith.index_cast %parallel_loop3A_608 : i32 to index
      %parallel_loop3A_610 = arith.index_cast %parallel_loop3A_607 : i32 to index
      %parallel_loop3A_611 = tpu.vector_load %arg9[%parallel_loop3A_609, %parallel_loop3A_610] {strides = array<i32>} : memref<1x50176xf32, #tpu.memory_space<vmem>>, vector<1x16xf32>,
      %parallel_loop3A_612 = vector.shape_cast %parallel_loop3A_611 : vector<1x16xf32> to vector<16xf32>
      %parallel_loop3A_613 = arith.index_cast %parallel_loop3A_528 : i32 to index
      %parallel_loop3A_614 = arith.constant 96 : index
      %parallel_loop3A_615 = tpu.vector_load %arg10[%parallel_loop3A_613, %parallel_loop3A_614] {strides = array<i32>} : memref<112x224xf32, #tpu.memory_space<vmem>>, vector<1x16xf32>,
      %parallel_loop3A_616 = vector.shape_cast %parallel_loop3A_615 : vector<1x16xf32> to vector<16xf32>
      %parallel_loop3A_617 = vector.shape_cast %parallel_loop3A_612 : vector<16xf32> to vector<1x16xf32>
      tpu.vector_store %arg10[%parallel_loop3A_613, %parallel_loop3A_614], %parallel_loop3A_617 {strides = array<i32>} : memref<112x224xf32, #tpu.memory_space<vmem>>, vector<1x16xf32>,
      %parallel_loop3A_618 = arith.constant 112 : i32
      %parallel_loop3A_619 = arith.addi %parallel_loop3A_533, %parallel_loop3A_618 : i32
      %parallel_loop3A_620 = arith.constant 0 : i32
      %parallel_loop3A_621 = arith.index_cast %parallel_loop3A_620 : i32 to index
      %parallel_loop3A_622 = arith.index_cast %parallel_loop3A_619 : i32 to index
      %parallel_loop3A_623 = tpu.vector_load %arg9[%parallel_loop3A_621, %parallel_loop3A_622] {strides = array<i32>} : memref<1x50176xf32, #tpu.memory_space<vmem>>, vector<1x16xf32>,
      %parallel_loop3A_624 = vector.shape_cast %parallel_loop3A_623 : vector<1x16xf32> to vector<16xf32>
      %parallel_loop3A_625 = arith.index_cast %parallel_loop3A_528 : i32 to index
      %parallel_loop3A_626 = arith.constant 112 : index
      %parallel_loop3A_627 = tpu.vector_load %arg10[%parallel_loop3A_625, %parallel_loop3A_626] {strides = array<i32>} : memref<112x224xf32, #tpu.memory_space<vmem>>, vector<1x16xf32>,
      %parallel_loop3A_628 = vector.shape_cast %parallel_loop3A_627 : vector<1x16xf32> to vector<16xf32>
      %parallel_loop3A_629 = vector.shape_cast %parallel_loop3A_624 : vector<16xf32> to vector<1x16xf32>
      tpu.vector_store %arg10[%parallel_loop3A_625, %parallel_loop3A_626], %parallel_loop3A_629 {strides = array<i32>} : memref<112x224xf32, #tpu.memory_space<vmem>>, vector<1x16xf32>,
      %parallel_loop3A_630 = arith.constant 128 : i32
      %parallel_loop3A_631 = arith.addi %parallel_loop3A_533, %parallel_loop3A_630 : i32
      %parallel_loop3A_632 = arith.constant 0 : i32
      %parallel_loop3A_633 = arith.index_cast %parallel_loop3A_632 : i32 to index
      %parallel_loop3A_634 = arith.index_cast %parallel_loop3A_631 : i32 to index
      %parallel_loop3A_635 = tpu.vector_load %arg9[%parallel_loop3A_633, %parallel_loop3A_634] {strides = array<i32>} : memref<1x50176xf32, #tpu.memory_space<vmem>>, vector<1x16xf32>,
      %parallel_loop3A_636 = vector.shape_cast %parallel_loop3A_635 : vector<1x16xf32> to vector<16xf32>
      %parallel_loop3A_637 = arith.index_cast %parallel_loop3A_528 : i32 to index
      %parallel_loop3A_638 = arith.constant 128 : index
      %parallel_loop3A_639 = tpu.vector_load %arg10[%parallel_loop3A_637, %parallel_loop3A_638] {strides = array<i32>} : memref<112x224xf32, #tpu.memory_space<vmem>>, vector<1x16xf32>,
      %parallel_loop3A_640 = vector.shape_cast %parallel_loop3A_639 : vector<1x16xf32> to vector<16xf32>
      %parallel_loop3A_641 = vector.shape_cast %parallel_loop3A_636 : vector<16xf32> to vector<1x16xf32>
      tpu.vector_store %arg10[%parallel_loop3A_637, %parallel_loop3A_638], %parallel_loop3A_641 {strides = array<i32>} : memref<112x224xf32, #tpu.memory_space<vmem>>, vector<1x16xf32>,
      %parallel_loop3A_642 = arith.constant 144 : i32
      %parallel_loop3A_643 = arith.addi %parallel_loop3A_533, %parallel_loop3A_642 : i32
      %parallel_loop3A_644 = arith.constant 0 : i32
      %parallel_loop3A_645 = arith.index_cast %parallel_loop3A_644 : i32 to index
      %parallel_loop3A_646 = arith.index_cast %parallel_loop3A_643 : i32 to index
      %parallel_loop3A_647 = tpu.vector_load %arg9[%parallel_loop3A_645, %parallel_loop3A_646] {strides = array<i32>} : memref<1x50176xf32, #tpu.memory_space<vmem>>, vector<1x16xf32>,
      %parallel_loop3A_648 = vector.shape_cast %parallel_loop3A_647 : vector<1x16xf32> to vector<16xf32>
      %parallel_loop3A_649 = arith.index_cast %parallel_loop3A_528 : i32 to index
      %parallel_loop3A_650 = arith.constant 144 : index
      %parallel_loop3A_651 = tpu.vector_load %arg10[%parallel_loop3A_649, %parallel_loop3A_650] {strides = array<i32>} : memref<112x224xf32, #tpu.memory_space<vmem>>, vector<1x16xf32>,
      %parallel_loop3A_652 = vector.shape_cast %parallel_loop3A_651 : vector<1x16xf32> to vector<16xf32>
      %parallel_loop3A_653 = vector.shape_cast %parallel_loop3A_648 : vector<16xf32> to vector<1x16xf32>
      tpu.vector_store %arg10[%parallel_loop3A_649, %parallel_loop3A_650], %parallel_loop3A_653 {strides = array<i32>} : memref<112x224xf32, #tpu.memory_space<vmem>>, vector<1x16xf32>,
      %parallel_loop3A_654 = arith.constant 160 : i32
      %parallel_loop3A_655 = arith.addi %parallel_loop3A_533, %parallel_loop3A_654 : i32
      %parallel_loop3A_656 = arith.constant 0 : i32
      %parallel_loop3A_657 = arith.index_cast %parallel_loop3A_656 : i32 to index
      %parallel_loop3A_658 = arith.index_cast %parallel_loop3A_655 : i32 to index
      %parallel_loop3A_659 = tpu.vector_load %arg9[%parallel_loop3A_657, %parallel_loop3A_658] {strides = array<i32>} : memref<1x50176xf32, #tpu.memory_space<vmem>>, vector<1x16xf32>,
      %parallel_loop3A_660 = vector.shape_cast %parallel_loop3A_659 : vector<1x16xf32> to vector<16xf32>
      %parallel_loop3A_661 = arith.index_cast %parallel_loop3A_528 : i32 to index
      %parallel_loop3A_662 = arith.constant 160 : index
      %parallel_loop3A_663 = tpu.vector_load %arg10[%parallel_loop3A_661, %parallel_loop3A_662] {strides = array<i32>} : memref<112x224xf32, #tpu.memory_space<vmem>>, vector<1x16xf32>,
      %parallel_loop3A_664 = vector.shape_cast %parallel_loop3A_663 : vector<1x16xf32> to vector<16xf32>
      %parallel_loop3A_665 = vector.shape_cast %parallel_loop3A_660 : vector<16xf32> to vector<1x16xf32>
      tpu.vector_store %arg10[%parallel_loop3A_661, %parallel_loop3A_662], %parallel_loop3A_665 {strides = array<i32>} : memref<112x224xf32, #tpu.memory_space<vmem>>, vector<1x16xf32>,
      %parallel_loop3A_666 = arith.constant 176 : i32
      %parallel_loop3A_667 = arith.addi %parallel_loop3A_533, %parallel_loop3A_666 : i32
      %parallel_loop3A_668 = arith.constant 0 : i32
      %parallel_loop3A_669 = arith.index_cast %parallel_loop3A_668 : i32 to index
      %parallel_loop3A_670 = arith.index_cast %parallel_loop3A_667 : i32 to index
      %parallel_loop3A_671 = tpu.vector_load %arg9[%parallel_loop3A_669, %parallel_loop3A_670] {strides = array<i32>} : memref<1x50176xf32, #tpu.memory_space<vmem>>, vector<1x16xf32>,
      %parallel_loop3A_672 = vector.shape_cast %parallel_loop3A_671 : vector<1x16xf32> to vector<16xf32>
      %parallel_loop3A_673 = arith.index_cast %parallel_loop3A_528 : i32 to index
      %parallel_loop3A_674 = arith.constant 176 : index
      %parallel_loop3A_675 = tpu.vector_load %arg10[%parallel_loop3A_673, %parallel_loop3A_674] {strides = array<i32>} : memref<112x224xf32, #tpu.memory_space<vmem>>, vector<1x16xf32>,
      %parallel_loop3A_676 = vector.shape_cast %parallel_loop3A_675 : vector<1x16xf32> to vector<16xf32>
      %parallel_loop3A_677 = vector.shape_cast %parallel_loop3A_672 : vector<16xf32> to vector<1x16xf32>
      tpu.vector_store %arg10[%parallel_loop3A_673, %parallel_loop3A_674], %parallel_loop3A_677 {strides = array<i32>} : memref<112x224xf32, #tpu.memory_space<vmem>>, vector<1x16xf32>,
      %parallel_loop3A_678 = arith.constant 192 : i32
      %parallel_loop3A_679 = arith.addi %parallel_loop3A_533, %parallel_loop3A_678 : i32
      %parallel_loop3A_680 = arith.constant 0 : i32
      %parallel_loop3A_681 = arith.index_cast %parallel_loop3A_680 : i32 to index
      %parallel_loop3A_682 = arith.index_cast %parallel_loop3A_679 : i32 to index
      %parallel_loop3A_683 = tpu.vector_load %arg9[%parallel_loop3A_681, %parallel_loop3A_682] {strides = array<i32>} : memref<1x50176xf32, #tpu.memory_space<vmem>>, vector<1x16xf32>,
      %parallel_loop3A_684 = vector.shape_cast %parallel_loop3A_683 : vector<1x16xf32> to vector<16xf32>
      %parallel_loop3A_685 = arith.index_cast %parallel_loop3A_528 : i32 to index
      %parallel_loop3A_686 = arith.constant 192 : index
      %parallel_loop3A_687 = tpu.vector_load %arg10[%parallel_loop3A_685, %parallel_loop3A_686] {strides = array<i32>} : memref<112x224xf32, #tpu.memory_space<vmem>>, vector<1x16xf32>,
      %parallel_loop3A_688 = vector.shape_cast %parallel_loop3A_687 : vector<1x16xf32> to vector<16xf32>
      %parallel_loop3A_689 = vector.shape_cast %parallel_loop3A_684 : vector<16xf32> to vector<1x16xf32>
      tpu.vector_store %arg10[%parallel_loop3A_685, %parallel_loop3A_686], %parallel_loop3A_689 {strides = array<i32>} : memref<112x224xf32, #tpu.memory_space<vmem>>, vector<1x16xf32>,
      %parallel_loop3A_690 = arith.constant 208 : i32
      %parallel_loop3A_691 = arith.addi %parallel_loop3A_533, %parallel_loop3A_690 : i32
      %parallel_loop3A_692 = arith.constant 0 : i32
      %parallel_loop3A_693 = arith.index_cast %parallel_loop3A_692 : i32 to index
      %parallel_loop3A_694 = arith.index_cast %parallel_loop3A_691 : i32 to index
      %parallel_loop3A_695 = tpu.vector_load %arg9[%parallel_loop3A_693, %parallel_loop3A_694] {strides = array<i32>} : memref<1x50176xf32, #tpu.memory_space<vmem>>, vector<1x16xf32>,
      %parallel_loop3A_696 = vector.shape_cast %parallel_loop3A_695 : vector<1x16xf32> to vector<16xf32>
      %parallel_loop3A_697 = arith.index_cast %parallel_loop3A_528 : i32 to index
      %parallel_loop3A_698 = arith.constant 208 : index
      %parallel_loop3A_699 = tpu.vector_load %arg10[%parallel_loop3A_697, %parallel_loop3A_698] {strides = array<i32>} : memref<112x224xf32, #tpu.memory_space<vmem>>, vector<1x16xf32>,
      %parallel_loop3A_700 = vector.shape_cast %parallel_loop3A_699 : vector<1x16xf32> to vector<16xf32>
      %parallel_loop3A_701 = vector.shape_cast %parallel_loop3A_696 : vector<16xf32> to vector<1x16xf32>
      tpu.vector_store %arg10[%parallel_loop3A_697, %parallel_loop3A_698], %parallel_loop3A_701 {strides = array<i32>} : memref<112x224xf32, #tpu.memory_space<vmem>>, vector<1x16xf32>,
    } {sc.loop_unroll_factor = 8 : i64, sc.parallel_access}
    %dma_start3A_216 = arith.constant 1 : i32
    %dma_start3A_217 = arith.constant 0 : i32
    %dma_start3A_218 = arith.constant 0 : i32
    %dma_start3A_219 = tpu.memref_slice %arg7[%add3A_196, %dma_start3A_216, %dma_start3A_217, %dma_start3A_218] : memref<64x4x224x224xf32, #tpu.memory_space<hbm>> -> memref<1x1x112x224xf32, #tpu.memory_space<hbm>>
    %dma_start3A_220 = tpu.memref_squeeze %dma_start3A_219 : memref<1x1x112x224xf32, #tpu.memory_space<hbm>> -> memref<112x224xf32, #tpu.memory_space<hbm>>
    %dma_start3A_221 = arith.constant 0 : i32
    %dma_start3A_222 = arith.constant 0 : i32
    %dma_start3A_223 = tpu.memref_slice %arg7[%add3A_196, %dma_start3A_216, %dma_start3A_221, %dma_start3A_222] : memref<64x4x224x224xf32, #tpu.memory_space<hbm>> -> memref<1x1x112x224xf32, #tpu.memory_space<hbm>>
    %dma_start3A_224 = tpu.memref_squeeze %dma_start3A_223 : memref<1x1x112x224xf32, #tpu.memory_space<hbm>> -> memref<112x224xf32, #tpu.memory_space<hbm>>
    tpu.enqueue_dma source(%arg10 : memref<112x224xf32, #tpu.memory_space<vmem>>) target(%dma_start3A_224 : memref<112x224xf32, #tpu.memory_space<hbm>>) target_semaphore(%arg15 : memref<!tpu.dma_semaphore, #tpu.memory_space<semaphore_mem>>)
    %dma_wait3A_225 = arith.constant 3 : i32
    %dma_wait3A_226 = arith.constant 112 : i32
    %dma_wait3A_227 = arith.constant 0 : i32
    %dma_wait3A_228 = tpu.memref_slice %arg7[%add3A_122, %dma_wait3A_225, %dma_wait3A_226, %dma_wait3A_227] : memref<64x4x224x224xf32, #tpu.memory_space<hbm>> -> memref<1x1x112x224xf32, #tpu.memory_space<hbm>>
    %dma_wait3A_229 = tpu.memref_squeeze %dma_wait3A_228 : memref<1x1x112x224xf32, #tpu.memory_space<hbm>> -> memref<112x224xf32, #tpu.memory_space<hbm>>
    %dma_wait3A_230 = arith.constant 112 : i32
    %dma_wait3A_231 = arith.constant 0 : i32
    %dma_wait3A_232 = tpu.memref_slice %arg7[%add3A_122, %dma_wait3A_225, %dma_wait3A_230, %dma_wait3A_231] : memref<64x4x224x224xf32, #tpu.memory_space<hbm>> -> memref<1x1x112x224xf32, #tpu.memory_space<hbm>>
    %dma_wait3A_233 = tpu.memref_squeeze %dma_wait3A_232 : memref<1x1x112x224xf32, #tpu.memory_space<hbm>> -> memref<112x224xf32, #tpu.memory_space<hbm>>
    tpu.wait_dma2 semaphore(%arg16 : memref<!tpu.dma_semaphore, #tpu.memory_space<semaphore_mem>>) src(%arg11 : memref<112x224xf32, #tpu.memory_space<vmem>>) dst(%dma_wait3A_233 : memref<112x224xf32, #tpu.memory_space<hbm>>)
    %parallel_loop3A_234 = arith.constant 0 : i32
    %parallel_loop3A_235 = arith.constant 112 : i32
    %parallel_loop3A_236 = arith.constant 1 : i32
    scf.for %parallel_loop3A_528 = %parallel_loop3A_234 to %parallel_loop3A_235 step %parallel_loop3A_236  : i32 {
      %parallel_loop3A_529 = arith.constant 112 : i32
      %parallel_loop3A_530 = arith.addi %parallel_loop3A_529, %parallel_loop3A_528 : i32
      %parallel_loop3A_531 = arith.constant 224 : i32
      %parallel_loop3A_532 = arith.muli %parallel_loop3A_530, %parallel_loop3A_531 : i32
      %parallel_loop3A_533 = tpu.assume_multiple %parallel_loop3A_532, 16 : i32
      %parallel_loop3A_534 = arith.constant 0 : i32
      %parallel_loop3A_535 = arith.addi %parallel_loop3A_533, %parallel_loop3A_534 : i32
      %parallel_loop3A_536 = arith.constant 0 : i32
      %parallel_loop3A_537 = arith.index_cast %parallel_loop3A_536 : i32 to index
      %parallel_loop3A_538 = arith.index_cast %parallel_loop3A_535 : i32 to index
      %parallel_loop3A_539 = tpu.vector_load %arg9[%parallel_loop3A_537, %parallel_loop3A_538] {strides = array<i32>} : memref<1x50176xf32, #tpu.memory_space<vmem>>, vector<1x16xf32>,
      %parallel_loop3A_540 = vector.shape_cast %parallel_loop3A_539 : vector<1x16xf32> to vector<16xf32>
      %parallel_loop3A_541 = arith.index_cast %parallel_loop3A_528 : i32 to index
      %parallel_loop3A_542 = arith.constant 0 : index
      %parallel_loop3A_543 = tpu.vector_load %arg11[%parallel_loop3A_541, %parallel_loop3A_542] {strides = array<i32>} : memref<112x224xf32, #tpu.memory_space<vmem>>, vector<1x16xf32>,
      %parallel_loop3A_544 = vector.shape_cast %parallel_loop3A_543 : vector<1x16xf32> to vector<16xf32>
      %parallel_loop3A_545 = vector.shape_cast %parallel_loop3A_540 : vector<16xf32> to vector<1x16xf32>
      tpu.vector_store %arg11[%parallel_loop3A_541, %parallel_loop3A_542], %parallel_loop3A_545 {strides = array<i32>} : memref<112x224xf32, #tpu.memory_space<vmem>>, vector<1x16xf32>,
      %parallel_loop3A_546 = arith.constant 16 : i32
      %parallel_loop3A_547 = arith.addi %parallel_loop3A_533, %parallel_loop3A_546 : i32
      %parallel_loop3A_548 = arith.constant 0 : i32
      %parallel_loop3A_549 = arith.index_cast %parallel_loop3A_548 : i32 to index
      %parallel_loop3A_550 = arith.index_cast %parallel_loop3A_547 : i32 to index
      %parallel_loop3A_551 = tpu.vector_load %arg9[%parallel_loop3A_549, %parallel_loop3A_550] {strides = array<i32>} : memref<1x50176xf32, #tpu.memory_space<vmem>>, vector<1x16xf32>,
      %parallel_loop3A_552 = vector.shape_cast %parallel_loop3A_551 : vector<1x16xf32> to vector<16xf32>
      %parallel_loop3A_553 = arith.index_cast %parallel_loop3A_528 : i32 to index
      %parallel_loop3A_554 = arith.constant 16 : index
      %parallel_loop3A_555 = tpu.vector_load %arg11[%parallel_loop3A_553, %parallel_loop3A_554] {strides = array<i32>} : memref<112x224xf32, #tpu.memory_space<vmem>>, vector<1x16xf32>,
      %parallel_loop3A_556 = vector.shape_cast %parallel_loop3A_555 : vector<1x16xf32> to vector<16xf32>
      %parallel_loop3A_557 = vector.shape_cast %parallel_loop3A_552 : vector<16xf32> to vector<1x16xf32>
      tpu.vector_store %arg11[%parallel_loop3A_553, %parallel_loop3A_554], %parallel_loop3A_557 {strides = array<i32>} : memref<112x224xf32, #tpu.memory_space<vmem>>, vector<1x16xf32>,
      %parallel_loop3A_558 = arith.constant 32 : i32
      %parallel_loop3A_559 = arith.addi %parallel_loop3A_533, %parallel_loop3A_558 : i32
      %parallel_loop3A_560 = arith.constant 0 : i32
      %parallel_loop3A_561 = arith.index_cast %parallel_loop3A_560 : i32 to index
      %parallel_loop3A_562 = arith.index_cast %parallel_loop3A_559 : i32 to index
      %parallel_loop3A_563 = tpu.vector_load %arg9[%parallel_loop3A_561, %parallel_loop3A_562] {strides = array<i32>} : memref<1x50176xf32, #tpu.memory_space<vmem>>, vector<1x16xf32>,
      %parallel_loop3A_564 = vector.shape_cast %parallel_loop3A_563 : vector<1x16xf32> to vector<16xf32>
      %parallel_loop3A_565 = arith.index_cast %parallel_loop3A_528 : i32 to index
      %parallel_loop3A_566 = arith.constant 32 : index
      %parallel_loop3A_567 = tpu.vector_load %arg11[%parallel_loop3A_565, %parallel_loop3A_566] {strides = array<i32>} : memref<112x224xf32, #tpu.memory_space<vmem>>, vector<1x16xf32>,
      %parallel_loop3A_568 = vector.shape_cast %parallel_loop3A_567 : vector<1x16xf32> to vector<16xf32>
      %parallel_loop3A_569 = vector.shape_cast %parallel_loop3A_564 : vector<16xf32> to vector<1x16xf32>
      tpu.vector_store %arg11[%parallel_loop3A_565, %parallel_loop3A_566], %parallel_loop3A_569 {strides = array<i32>} : memref<112x224xf32, #tpu.memory_space<vmem>>, vector<1x16xf32>,
      %parallel_loop3A_570 = arith.constant 48 : i32
      %parallel_loop3A_571 = arith.addi %parallel_loop3A_533, %parallel_loop3A_570 : i32
      %parallel_loop3A_572 = arith.constant 0 : i32
      %parallel_loop3A_573 = arith.index_cast %parallel_loop3A_572 : i32 to index
      %parallel_loop3A_574 = arith.index_cast %parallel_loop3A_571 : i32 to index
      %parallel_loop3A_575 = tpu.vector_load %arg9[%parallel_loop3A_573, %parallel_loop3A_574] {strides = array<i32>} : memref<1x50176xf32, #tpu.memory_space<vmem>>, vector<1x16xf32>,
      %parallel_loop3A_576 = vector.shape_cast %parallel_loop3A_575 : vector<1x16xf32> to vector<16xf32>
      %parallel_loop3A_577 = arith.index_cast %parallel_loop3A_528 : i32 to index
      %parallel_loop3A_578 = arith.constant 48 : index
      %parallel_loop3A_579 = tpu.vector_load %arg11[%parallel_loop3A_577, %parallel_loop3A_578] {strides = array<i32>} : memref<112x224xf32, #tpu.memory_space<vmem>>, vector<1x16xf32>,
      %parallel_loop3A_580 = vector.shape_cast %parallel_loop3A_579 : vector<1x16xf32> to vector<16xf32>
      %parallel_loop3A_581 = vector.shape_cast %parallel_loop3A_576 : vector<16xf32> to vector<1x16xf32>
      tpu.vector_store %arg11[%parallel_loop3A_577, %parallel_loop3A_578], %parallel_loop3A_581 {strides = array<i32>} : memref<112x224xf32, #tpu.memory_space<vmem>>, vector<1x16xf32>,
      %parallel_loop3A_582 = arith.constant 64 : i32
      %parallel_loop3A_583 = arith.addi %parallel_loop3A_533, %parallel_loop3A_582 : i32
      %parallel_loop3A_584 = arith.constant 0 : i32
      %parallel_loop3A_585 = arith.index_cast %parallel_loop3A_584 : i32 to index
      %parallel_loop3A_586 = arith.index_cast %parallel_loop3A_583 : i32 to index
      %parallel_loop3A_587 = tpu.vector_load %arg9[%parallel_loop3A_585, %parallel_loop3A_586] {strides = array<i32>} : memref<1x50176xf32, #tpu.memory_space<vmem>>, vector<1x16xf32>,
      %parallel_loop3A_588 = vector.shape_cast %parallel_loop3A_587 : vector<1x16xf32> to vector<16xf32>
      %parallel_loop3A_589 = arith.index_cast %parallel_loop3A_528 : i32 to index
      %parallel_loop3A_590 = arith.constant 64 : index
      %parallel_loop3A_591 = tpu.vector_load %arg11[%parallel_loop3A_589, %parallel_loop3A_590] {strides = array<i32>} : memref<112x224xf32, #tpu.memory_space<vmem>>, vector<1x16xf32>,
      %parallel_loop3A_592 = vector.shape_cast %parallel_loop3A_591 : vector<1x16xf32> to vector<16xf32>
      %parallel_loop3A_593 = vector.shape_cast %parallel_loop3A_588 : vector<16xf32> to vector<1x16xf32>
      tpu.vector_store %arg11[%parallel_loop3A_589, %parallel_loop3A_590], %parallel_loop3A_593 {strides = array<i32>} : memref<112x224xf32, #tpu.memory_space<vmem>>, vector<1x16xf32>,
      %parallel_loop3A_594 = arith.constant 80 : i32
      %parallel_loop3A_595 = arith.addi %parallel_loop3A_533, %parallel_loop3A_594 : i32
      %parallel_loop3A_596 = arith.constant 0 : i32
      %parallel_loop3A_597 = arith.index_cast %parallel_loop3A_596 : i32 to index
      %parallel_loop3A_598 = arith.index_cast %parallel_loop3A_595 : i32 to index
      %parallel_loop3A_599 = tpu.vector_load %arg9[%parallel_loop3A_597, %parallel_loop3A_598] {strides = array<i32>} : memref<1x50176xf32, #tpu.memory_space<vmem>>, vector<1x16xf32>,
      %parallel_loop3A_600 = vector.shape_cast %parallel_loop3A_599 : vector<1x16xf32> to vector<16xf32>
      %parallel_loop3A_601 = arith.index_cast %parallel_loop3A_528 : i32 to index
      %parallel_loop3A_602 = arith.constant 80 : index
      %parallel_loop3A_603 = tpu.vector_load %arg11[%parallel_loop3A_601, %parallel_loop3A_602] {strides = array<i32>} : memref<112x224xf32, #tpu.memory_space<vmem>>, vector<1x16xf32>,
      %parallel_loop3A_604 = vector.shape_cast %parallel_loop3A_603 : vector<1x16xf32> to vector<16xf32>
      %parallel_loop3A_605 = vector.shape_cast %parallel_loop3A_600 : vector<16xf32> to vector<1x16xf32>
      tpu.vector_store %arg11[%parallel_loop3A_601, %parallel_loop3A_602], %parallel_loop3A_605 {strides = array<i32>} : memref<112x224xf32, #tpu.memory_space<vmem>>, vector<1x16xf32>,
      %parallel_loop3A_606 = arith.constant 96 : i32
      %parallel_loop3A_607 = arith.addi %parallel_loop3A_533, %parallel_loop3A_606 : i32
      %parallel_loop3A_608 = arith.constant 0 : i32
      %parallel_loop3A_609 = arith.index_cast %parallel_loop3A_608 : i32 to index
      %parallel_loop3A_610 = arith.index_cast %parallel_loop3A_607 : i32 to index
      %parallel_loop3A_611 = tpu.vector_load %arg9[%parallel_loop3A_609, %parallel_loop3A_610] {strides = array<i32>} : memref<1x50176xf32, #tpu.memory_space<vmem>>, vector<1x16xf32>,
      %parallel_loop3A_612 = vector.shape_cast %parallel_loop3A_611 : vector<1x16xf32> to vector<16xf32>
      %parallel_loop3A_613 = arith.index_cast %parallel_loop3A_528 : i32 to index
      %parallel_loop3A_614 = arith.constant 96 : index
      %parallel_loop3A_615 = tpu.vector_load %arg11[%parallel_loop3A_613, %parallel_loop3A_614] {strides = array<i32>} : memref<112x224xf32, #tpu.memory_space<vmem>>, vector<1x16xf32>,
      %parallel_loop3A_616 = vector.shape_cast %parallel_loop3A_615 : vector<1x16xf32> to vector<16xf32>
      %parallel_loop3A_617 = vector.shape_cast %parallel_loop3A_612 : vector<16xf32> to vector<1x16xf32>
      tpu.vector_store %arg11[%parallel_loop3A_613, %parallel_loop3A_614], %parallel_loop3A_617 {strides = array<i32>} : memref<112x224xf32, #tpu.memory_space<vmem>>, vector<1x16xf32>,
      %parallel_loop3A_618 = arith.constant 112 : i32
      %parallel_loop3A_619 = arith.addi %parallel_loop3A_533, %parallel_loop3A_618 : i32
      %parallel_loop3A_620 = arith.constant 0 : i32
      %parallel_loop3A_621 = arith.index_cast %parallel_loop3A_620 : i32 to index
      %parallel_loop3A_622 = arith.index_cast %parallel_loop3A_619 : i32 to index
      %parallel_loop3A_623 = tpu.vector_load %arg9[%parallel_loop3A_621, %parallel_loop3A_622] {strides = array<i32>} : memref<1x50176xf32, #tpu.memory_space<vmem>>, vector<1x16xf32>,
      %parallel_loop3A_624 = vector.shape_cast %parallel_loop3A_623 : vector<1x16xf32> to vector<16xf32>
      %parallel_loop3A_625 = arith.index_cast %parallel_loop3A_528 : i32 to index
      %parallel_loop3A_626 = arith.constant 112 : index
      %parallel_loop3A_627 = tpu.vector_load %arg11[%parallel_loop3A_625, %parallel_loop3A_626] {strides = array<i32>} : memref<112x224xf32, #tpu.memory_space<vmem>>, vector<1x16xf32>,
      %parallel_loop3A_628 = vector.shape_cast %parallel_loop3A_627 : vector<1x16xf32> to vector<16xf32>
      %parallel_loop3A_629 = vector.shape_cast %parallel_loop3A_624 : vector<16xf32> to vector<1x16xf32>
      tpu.vector_store %arg11[%parallel_loop3A_625, %parallel_loop3A_626], %parallel_loop3A_629 {strides = array<i32>} : memref<112x224xf32, #tpu.memory_space<vmem>>, vector<1x16xf32>,
      %parallel_loop3A_630 = arith.constant 128 : i32
      %parallel_loop3A_631 = arith.addi %parallel_loop3A_533, %parallel_loop3A_630 : i32
      %parallel_loop3A_632 = arith.constant 0 : i32
      %parallel_loop3A_633 = arith.index_cast %parallel_loop3A_632 : i32 to index
      %parallel_loop3A_634 = arith.index_cast %parallel_loop3A_631 : i32 to index
      %parallel_loop3A_635 = tpu.vector_load %arg9[%parallel_loop3A_633, %parallel_loop3A_634] {strides = array<i32>} : memref<1x50176xf32, #tpu.memory_space<vmem>>, vector<1x16xf32>,
      %parallel_loop3A_636 = vector.shape_cast %parallel_loop3A_635 : vector<1x16xf32> to vector<16xf32>
      %parallel_loop3A_637 = arith.index_cast %parallel_loop3A_528 : i32 to index
      %parallel_loop3A_638 = arith.constant 128 : index
      %parallel_loop3A_639 = tpu.vector_load %arg11[%parallel_loop3A_637, %parallel_loop3A_638] {strides = array<i32>} : memref<112x224xf32, #tpu.memory_space<vmem>>, vector<1x16xf32>,
      %parallel_loop3A_640 = vector.shape_cast %parallel_loop3A_639 : vector<1x16xf32> to vector<16xf32>
      %parallel_loop3A_641 = vector.shape_cast %parallel_loop3A_636 : vector<16xf32> to vector<1x16xf32>
      tpu.vector_store %arg11[%parallel_loop3A_637, %parallel_loop3A_638], %parallel_loop3A_641 {strides = array<i32>} : memref<112x224xf32, #tpu.memory_space<vmem>>, vector<1x16xf32>,
      %parallel_loop3A_642 = arith.constant 144 : i32
      %parallel_loop3A_643 = arith.addi %parallel_loop3A_533, %parallel_loop3A_642 : i32
      %parallel_loop3A_644 = arith.constant 0 : i32
      %parallel_loop3A_645 = arith.index_cast %parallel_loop3A_644 : i32 to index
      %parallel_loop3A_646 = arith.index_cast %parallel_loop3A_643 : i32 to index
      %parallel_loop3A_647 = tpu.vector_load %arg9[%parallel_loop3A_645, %parallel_loop3A_646] {strides = array<i32>} : memref<1x50176xf32, #tpu.memory_space<vmem>>, vector<1x16xf32>,
      %parallel_loop3A_648 = vector.shape_cast %parallel_loop3A_647 : vector<1x16xf32> to vector<16xf32>
      %parallel_loop3A_649 = arith.index_cast %parallel_loop3A_528 : i32 to index
      %parallel_loop3A_650 = arith.constant 144 : index
      %parallel_loop3A_651 = tpu.vector_load %arg11[%parallel_loop3A_649, %parallel_loop3A_650] {strides = array<i32>} : memref<112x224xf32, #tpu.memory_space<vmem>>, vector<1x16xf32>,
      %parallel_loop3A_652 = vector.shape_cast %parallel_loop3A_651 : vector<1x16xf32> to vector<16xf32>
      %parallel_loop3A_653 = vector.shape_cast %parallel_loop3A_648 : vector<16xf32> to vector<1x16xf32>
      tpu.vector_store %arg11[%parallel_loop3A_649, %parallel_loop3A_650], %parallel_loop3A_653 {strides = array<i32>} : memref<112x224xf32, #tpu.memory_space<vmem>>, vector<1x16xf32>,
      %parallel_loop3A_654 = arith.constant 160 : i32
      %parallel_loop3A_655 = arith.addi %parallel_loop3A_533, %parallel_loop3A_654 : i32
      %parallel_loop3A_656 = arith.constant 0 : i32
      %parallel_loop3A_657 = arith.index_cast %parallel_loop3A_656 : i32 to index
      %parallel_loop3A_658 = arith.index_cast %parallel_loop3A_655 : i32 to index
      %parallel_loop3A_659 = tpu.vector_load %arg9[%parallel_loop3A_657, %parallel_loop3A_658] {strides = array<i32>} : memref<1x50176xf32, #tpu.memory_space<vmem>>, vector<1x16xf32>,
      %parallel_loop3A_660 = vector.shape_cast %parallel_loop3A_659 : vector<1x16xf32> to vector<16xf32>
      %parallel_loop3A_661 = arith.index_cast %parallel_loop3A_528 : i32 to index
      %parallel_loop3A_662 = arith.constant 160 : index
      %parallel_loop3A_663 = tpu.vector_load %arg11[%parallel_loop3A_661, %parallel_loop3A_662] {strides = array<i32>} : memref<112x224xf32, #tpu.memory_space<vmem>>, vector<1x16xf32>,
      %parallel_loop3A_664 = vector.shape_cast %parallel_loop3A_663 : vector<1x16xf32> to vector<16xf32>
      %parallel_loop3A_665 = vector.shape_cast %parallel_loop3A_660 : vector<16xf32> to vector<1x16xf32>
      tpu.vector_store %arg11[%parallel_loop3A_661, %parallel_loop3A_662], %parallel_loop3A_665 {strides = array<i32>} : memref<112x224xf32, #tpu.memory_space<vmem>>, vector<1x16xf32>,
      %parallel_loop3A_666 = arith.constant 176 : i32
      %parallel_loop3A_667 = arith.addi %parallel_loop3A_533, %parallel_loop3A_666 : i32
      %parallel_loop3A_668 = arith.constant 0 : i32
      %parallel_loop3A_669 = arith.index_cast %parallel_loop3A_668 : i32 to index
      %parallel_loop3A_670 = arith.index_cast %parallel_loop3A_667 : i32 to index
      %parallel_loop3A_671 = tpu.vector_load %arg9[%parallel_loop3A_669, %parallel_loop3A_670] {strides = array<i32>} : memref<1x50176xf32, #tpu.memory_space<vmem>>, vector<1x16xf32>,
      %parallel_loop3A_672 = vector.shape_cast %parallel_loop3A_671 : vector<1x16xf32> to vector<16xf32>
      %parallel_loop3A_673 = arith.index_cast %parallel_loop3A_528 : i32 to index
      %parallel_loop3A_674 = arith.constant 176 : index
      %parallel_loop3A_675 = tpu.vector_load %arg11[%parallel_loop3A_673, %parallel_loop3A_674] {strides = array<i32>} : memref<112x224xf32, #tpu.memory_space<vmem>>, vector<1x16xf32>,
      %parallel_loop3A_676 = vector.shape_cast %parallel_loop3A_675 : vector<1x16xf32> to vector<16xf32>
      %parallel_loop3A_677 = vector.shape_cast %parallel_loop3A_672 : vector<16xf32> to vector<1x16xf32>
      tpu.vector_store %arg11[%parallel_loop3A_673, %parallel_loop3A_674], %parallel_loop3A_677 {strides = array<i32>} : memref<112x224xf32, #tpu.memory_space<vmem>>, vector<1x16xf32>,
      %parallel_loop3A_678 = arith.constant 192 : i32
      %parallel_loop3A_679 = arith.addi %parallel_loop3A_533, %parallel_loop3A_678 : i32
      %parallel_loop3A_680 = arith.constant 0 : i32
      %parallel_loop3A_681 = arith.index_cast %parallel_loop3A_680 : i32 to index
      %parallel_loop3A_682 = arith.index_cast %parallel_loop3A_679 : i32 to index
      %parallel_loop3A_683 = tpu.vector_load %arg9[%parallel_loop3A_681, %parallel_loop3A_682] {strides = array<i32>} : memref<1x50176xf32, #tpu.memory_space<vmem>>, vector<1x16xf32>,
      %parallel_loop3A_684 = vector.shape_cast %parallel_loop3A_683 : vector<1x16xf32> to vector<16xf32>
      %parallel_loop3A_685 = arith.index_cast %parallel_loop3A_528 : i32 to index
      %parallel_loop3A_686 = arith.constant 192 : index
      %parallel_loop3A_687 = tpu.vector_load %arg11[%parallel_loop3A_685, %parallel_loop3A_686] {strides = array<i32>} : memref<112x224xf32, #tpu.memory_space<vmem>>, vector<1x16xf32>,
      %parallel_loop3A_688 = vector.shape_cast %parallel_loop3A_687 : vector<1x16xf32> to vector<16xf32>
      %parallel_loop3A_689 = vector.shape_cast %parallel_loop3A_684 : vector<16xf32> to vector<1x16xf32>
      tpu.vector_store %arg11[%parallel_loop3A_685, %parallel_loop3A_686], %parallel_loop3A_689 {strides = array<i32>} : memref<112x224xf32, #tpu.memory_space<vmem>>, vector<1x16xf32>,
      %parallel_loop3A_690 = arith.constant 208 : i32
      %parallel_loop3A_691 = arith.addi %parallel_loop3A_533, %parallel_loop3A_690 : i32
      %parallel_loop3A_692 = arith.constant 0 : i32
      %parallel_loop3A_693 = arith.index_cast %parallel_loop3A_692 : i32 to index
      %parallel_loop3A_694 = arith.index_cast %parallel_loop3A_691 : i32 to index
      %parallel_loop3A_695 = tpu.vector_load %arg9[%parallel_loop3A_693, %parallel_loop3A_694] {strides = array<i32>} : memref<1x50176xf32, #tpu.memory_space<vmem>>, vector<1x16xf32>,
      %parallel_loop3A_696 = vector.shape_cast %parallel_loop3A_695 : vector<1x16xf32> to vector<16xf32>
      %parallel_loop3A_697 = arith.index_cast %parallel_loop3A_528 : i32 to index
      %parallel_loop3A_698 = arith.constant 208 : index
      %parallel_loop3A_699 = tpu.vector_load %arg11[%parallel_loop3A_697, %parallel_loop3A_698] {strides = array<i32>} : memref<112x224xf32, #tpu.memory_space<vmem>>, vector<1x16xf32>,
      %parallel_loop3A_700 = vector.shape_cast %parallel_loop3A_699 : vector<1x16xf32> to vector<16xf32>
      %parallel_loop3A_701 = vector.shape_cast %parallel_loop3A_696 : vector<16xf32> to vector<1x16xf32>
      tpu.vector_store %arg11[%parallel_loop3A_697, %parallel_loop3A_698], %parallel_loop3A_701 {strides = array<i32>} : memref<112x224xf32, #tpu.memory_space<vmem>>, vector<1x16xf32>,
    } {sc.loop_unroll_factor = 8 : i64, sc.parallel_access}
    %dma_start3A_237 = arith.constant 1 : i32
    %dma_start3A_238 = arith.constant 112 : i32
    %dma_start3A_239 = arith.constant 0 : i32
    %dma_start3A_240 = tpu.memref_slice %arg7[%add3A_196, %dma_start3A_237, %dma_start3A_238, %dma_start3A_239] : memref<64x4x224x224xf32, #tpu.memory_space<hbm>> -> memref<1x1x112x224xf32, #tpu.memory_space<hbm>>
    %dma_start3A_241 = tpu.memref_squeeze %dma_start3A_240 : memref<1x1x112x224xf32, #tpu.memory_space<hbm>> -> memref<112x224xf32, #tpu.memory_space<hbm>>
    %dma_start3A_242 = arith.constant 112 : i32
    %dma_start3A_243 = arith.constant 0 : i32
    %dma_start3A_244 = tpu.memref_slice %arg7[%add3A_196, %dma_start3A_237, %dma_start3A_242, %dma_start3A_243] : memref<64x4x224x224xf32, #tpu.memory_space<hbm>> -> memref<1x1x112x224xf32, #tpu.memory_space<hbm>>
    %dma_start3A_245 = tpu.memref_squeeze %dma_start3A_244 : memref<1x1x112x224xf32, #tpu.memory_space<hbm>> -> memref<112x224xf32, #tpu.memory_space<hbm>>
    tpu.enqueue_dma source(%arg11 : memref<112x224xf32, #tpu.memory_space<vmem>>) target(%dma_start3A_245 : memref<112x224xf32, #tpu.memory_space<hbm>>) target_semaphore(%arg16 : memref<!tpu.dma_semaphore, #tpu.memory_space<semaphore_mem>>)
    %dma_start3A_246 = arith.constant 1 : i32
    %dma_start3A_247 = arith.constant 0 : i32
    %dma_start3A_248 = tpu.memref_slice %arg8[%dma_start3A_246, %dma_start3A_247] : memref<16x8xi32, #tpu.memory_space<vmem>> -> memref<1x1xi32, #tpu.memory_space<vmem>>
    %dma_start3A_249 = tpu.memref_squeeze %dma_start3A_248 : memref<1x1xi32, #tpu.memory_space<vmem>> -> memref<1xi32, #tpu.memory_space<vmem>>
    %dma_start3A_250 = arith.constant 0 : i32
    %dma_start3A_251 = arith.constant 0 : i32
    %dma_start3A_252 = tpu.memref_slice %arg2[%dma_start3A_250, %dma_start3A_251] : memref<1000x50176xf32, #tpu.memory_space<hbm>> -> memref<1000x50176xf32, #tpu.memory_space<hbm>>
    tpu.enqueue_indirect_dma source(%dma_start3A_252 : memref<1000x50176xf32, #tpu.memory_space<hbm>>) target(%arg9 : memref<1x50176xf32, #tpu.memory_space<vmem>>) offsets(%dma_start3A_249 : memref<1xi32, #tpu.memory_space<vmem>>) semaphore(%arg12 : memref<!tpu.dma_semaphore, #tpu.memory_space<semaphore_mem>>)
    %add3A_253 = arith.constant 1 : i32
    %add3A_254 = arith.addi %mul3A_2, %add3A_253 : i32
    %dma_wait3A_255 = arith.constant 1 : i32
    %dma_wait3A_256 = arith.constant 0 : i32
    %dma_wait3A_257 = arith.constant 0 : i32
    %dma_wait3A_258 = tpu.memref_slice %arg7[%add3A_196, %dma_wait3A_255, %dma_wait3A_256, %dma_wait3A_257] : memref<64x4x224x224xf32, #tpu.memory_space<hbm>> -> memref<1x1x112x224xf32, #tpu.memory_space<hbm>>
    %dma_wait3A_259 = tpu.memref_squeeze %dma_wait3A_258 : memref<1x1x112x224xf32, #tpu.memory_space<hbm>> -> memref<112x224xf32, #tpu.memory_space<hbm>>
    %dma_wait3A_260 = arith.constant 0 : i32
    %dma_wait3A_261 = arith.constant 0 : i32
    %dma_wait3A_262 = tpu.memref_slice %arg7[%add3A_196, %dma_wait3A_255, %dma_wait3A_260, %dma_wait3A_261] : memref<64x4x224x224xf32, #tpu.memory_space<hbm>> -> memref<1x1x112x224xf32, #tpu.memory_space<hbm>>
    %dma_wait3A_263 = tpu.memref_squeeze %dma_wait3A_262 : memref<1x1x112x224xf32, #tpu.memory_space<hbm>> -> memref<112x224xf32, #tpu.memory_space<hbm>>
    tpu.wait_dma2 semaphore(%arg15 : memref<!tpu.dma_semaphore, #tpu.memory_space<semaphore_mem>>) src(%arg10 : memref<112x224xf32, #tpu.memory_space<vmem>>) dst(%dma_wait3A_263 : memref<112x224xf32, #tpu.memory_space<hbm>>)
    %dma_start3A_264 = arith.constant 0 : i32
    %dma_start3A_265 = arith.constant 0 : i32
    %dma_start3A_266 = arith.constant 0 : i32
    %dma_start3A_267 = tpu.memref_slice %arg5[%add3A_254, %dma_start3A_264, %dma_start3A_265, %dma_start3A_266] : memref<64x1x224x224xf32, #tpu.memory_space<hbm>> -> memref<1x1x112x224xf32, #tpu.memory_space<hbm>>
    %dma_start3A_268 = tpu.memref_squeeze %dma_start3A_267 : memref<1x1x112x224xf32, #tpu.memory_space<hbm>> -> memref<112x224xf32, #tpu.memory_space<hbm>>
    %dma_start3A_269 = arith.constant 0 : i32
    %dma_start3A_270 = arith.constant 0 : i32
    %dma_start3A_271 = tpu.memref_slice %arg5[%add3A_254, %dma_start3A_264, %dma_start3A_269, %dma_start3A_270] : memref<64x1x224x224xf32, #tpu.memory_space<hbm>> -> memref<1x1x112x224xf32, #tpu.memory_space<hbm>>
    %dma_start3A_272 = tpu.memref_squeeze %dma_start3A_271 : memref<1x1x112x224xf32, #tpu.memory_space<hbm>> -> memref<112x224xf32, #tpu.memory_space<hbm>>
    tpu.enqueue_dma source(%dma_start3A_272 : memref<112x224xf32, #tpu.memory_space<hbm>>) target(%arg10 : memref<112x224xf32, #tpu.memory_space<vmem>>) target_semaphore(%arg13 : memref<!tpu.dma_semaphore, #tpu.memory_space<semaphore_mem>>)
    %dma_wait3A_273 = arith.constant 0 : i32
    %dma_wait3A_274 = arith.constant 0 : i32
    %dma_wait3A_275 = arith.constant 0 : i32
    %dma_wait3A_276 = tpu.memref_slice %arg5[%add3A_254, %dma_wait3A_273, %dma_wait3A_274, %dma_wait3A_275] : memref<64x1x224x224xf32, #tpu.memory_space<hbm>> -> memref<1x1x112x224xf32, #tpu.memory_space<hbm>>
    %dma_wait3A_277 = tpu.memref_squeeze %dma_wait3A_276 : memref<1x1x112x224xf32, #tpu.memory_space<hbm>> -> memref<112x224xf32, #tpu.memory_space<hbm>>
    %dma_wait3A_278 = arith.constant 0 : i32
    %dma_wait3A_279 = arith.constant 0 : i32
    %dma_wait3A_280 = tpu.memref_slice %arg5[%add3A_254, %dma_wait3A_273, %dma_wait3A_278, %dma_wait3A_279] : memref<64x1x224x224xf32, #tpu.memory_space<hbm>> -> memref<1x1x112x224xf32, #tpu.memory_space<hbm>>
    %dma_wait3A_281 = tpu.memref_squeeze %dma_wait3A_280 : memref<1x1x112x224xf32, #tpu.memory_space<hbm>> -> memref<112x224xf32, #tpu.memory_space<hbm>>
    tpu.wait_dma2 semaphore(%arg13 : memref<!tpu.dma_semaphore, #tpu.memory_space<semaphore_mem>>) src(%dma_wait3A_281 : memref<112x224xf32, #tpu.memory_space<hbm>>) dst(%arg10 : memref<112x224xf32, #tpu.memory_space<vmem>>)
    %dma_start3A_282 = arith.constant 2 : i32
    %dma_start3A_283 = arith.constant 0 : i32
    %dma_start3A_284 = arith.constant 0 : i32
    %dma_start3A_285 = tpu.memref_slice %arg7[%add3A_254, %dma_start3A_282, %dma_start3A_283, %dma_start3A_284] : memref<64x4x224x224xf32, #tpu.memory_space<hbm>> -> memref<1x1x112x224xf32, #tpu.memory_space<hbm>>
    %dma_start3A_286 = tpu.memref_squeeze %dma_start3A_285 : memref<1x1x112x224xf32, #tpu.memory_space<hbm>> -> memref<112x224xf32, #tpu.memory_space<hbm>>
    %dma_start3A_287 = arith.constant 0 : i32
    %dma_start3A_288 = arith.constant 0 : i32
    %dma_start3A_289 = tpu.memref_slice %arg7[%add3A_254, %dma_start3A_282, %dma_start3A_287, %dma_start3A_288] : memref<64x4x224x224xf32, #tpu.memory_space<hbm>> -> memref<1x1x112x224xf32, #tpu.memory_space<hbm>>
    %dma_start3A_290 = tpu.memref_squeeze %dma_start3A_289 : memref<1x1x112x224xf32, #tpu.memory_space<hbm>> -> memref<112x224xf32, #tpu.memory_space<hbm>>
    tpu.enqueue_dma source(%arg10 : memref<112x224xf32, #tpu.memory_space<vmem>>) target(%dma_start3A_290 : memref<112x224xf32, #tpu.memory_space<hbm>>) target_semaphore(%arg15 : memref<!tpu.dma_semaphore, #tpu.memory_space<semaphore_mem>>)
    %dma_wait3A_291 = arith.constant 1 : i32
    %dma_wait3A_292 = arith.constant 112 : i32
    %dma_wait3A_293 = arith.constant 0 : i32
    %dma_wait3A_294 = tpu.memref_slice %arg7[%add3A_196, %dma_wait3A_291, %dma_wait3A_292, %dma_wait3A_293] : memref<64x4x224x224xf32, #tpu.memory_space<hbm>> -> memref<1x1x112x224xf32, #tpu.memory_space<hbm>>
    %dma_wait3A_295 = tpu.memref_squeeze %dma_wait3A_294 : memref<1x1x112x224xf32, #tpu.memory_space<hbm>> -> memref<112x224xf32, #tpu.memory_space<hbm>>
    %dma_wait3A_296 = arith.constant 112 : i32
    %dma_wait3A_297 = arith.constant 0 : i32
    %dma_wait3A_298 = tpu.memref_slice %arg7[%add3A_196, %dma_wait3A_291, %dma_wait3A_296, %dma_wait3A_297] : memref<64x4x224x224xf32, #tpu.memory_space<hbm>> -> memref<1x1x112x224xf32, #tpu.memory_space<hbm>>
    %dma_wait3A_299 = tpu.memref_squeeze %dma_wait3A_298 : memref<1x1x112x224xf32, #tpu.memory_space<hbm>> -> memref<112x224xf32, #tpu.memory_space<hbm>>
    tpu.wait_dma2 semaphore(%arg16 : memref<!tpu.dma_semaphore, #tpu.memory_space<semaphore_mem>>) src(%arg11 : memref<112x224xf32, #tpu.memory_space<vmem>>) dst(%dma_wait3A_299 : memref<112x224xf32, #tpu.memory_space<hbm>>)
    %dma_start3A_300 = arith.constant 0 : i32
    %dma_start3A_301 = arith.constant 112 : i32
    %dma_start3A_302 = arith.constant 0 : i32
    %dma_start3A_303 = tpu.memref_slice %arg5[%add3A_254, %dma_start3A_300, %dma_start3A_301, %dma_start3A_302] : memref<64x1x224x224xf32, #tpu.memory_space<hbm>> -> memref<1x1x112x224xf32, #tpu.memory_space<hbm>>
    %dma_start3A_304 = tpu.memref_squeeze %dma_start3A_303 : memref<1x1x112x224xf32, #tpu.memory_space<hbm>> -> memref<112x224xf32, #tpu.memory_space<hbm>>
    %dma_start3A_305 = arith.constant 112 : i32
    %dma_start3A_306 = arith.constant 0 : i32
    %dma_start3A_307 = tpu.memref_slice %arg5[%add3A_254, %dma_start3A_300, %dma_start3A_305, %dma_start3A_306] : memref<64x1x224x224xf32, #tpu.memory_space<hbm>> -> memref<1x1x112x224xf32, #tpu.memory_space<hbm>>
    %dma_start3A_308 = tpu.memref_squeeze %dma_start3A_307 : memref<1x1x112x224xf32, #tpu.memory_space<hbm>> -> memref<112x224xf32, #tpu.memory_space<hbm>>
    tpu.enqueue_dma source(%dma_start3A_308 : memref<112x224xf32, #tpu.memory_space<hbm>>) target(%arg11 : memref<112x224xf32, #tpu.memory_space<vmem>>) target_semaphore(%arg14 : memref<!tpu.dma_semaphore, #tpu.memory_space<semaphore_mem>>)
    %dma_wait3A_309 = arith.constant 0 : i32
    %dma_wait3A_310 = arith.constant 112 : i32
    %dma_wait3A_311 = arith.constant 0 : i32
    %dma_wait3A_312 = tpu.memref_slice %arg5[%add3A_254, %dma_wait3A_309, %dma_wait3A_310, %dma_wait3A_311] : memref<64x1x224x224xf32, #tpu.memory_space<hbm>> -> memref<1x1x112x224xf32, #tpu.memory_space<hbm>>
    %dma_wait3A_313 = tpu.memref_squeeze %dma_wait3A_312 : memref<1x1x112x224xf32, #tpu.memory_space<hbm>> -> memref<112x224xf32, #tpu.memory_space<hbm>>
    %dma_wait3A_314 = arith.constant 112 : i32
    %dma_wait3A_315 = arith.constant 0 : i32
    %dma_wait3A_316 = tpu.memref_slice %arg5[%add3A_254, %dma_wait3A_309, %dma_wait3A_314, %dma_wait3A_315] : memref<64x1x224x224xf32, #tpu.memory_space<hbm>> -> memref<1x1x112x224xf32, #tpu.memory_space<hbm>>
    %dma_wait3A_317 = tpu.memref_squeeze %dma_wait3A_316 : memref<1x1x112x224xf32, #tpu.memory_space<hbm>> -> memref<112x224xf32, #tpu.memory_space<hbm>>
    tpu.wait_dma2 semaphore(%arg14 : memref<!tpu.dma_semaphore, #tpu.memory_space<semaphore_mem>>) src(%dma_wait3A_317 : memref<112x224xf32, #tpu.memory_space<hbm>>) dst(%arg11 : memref<112x224xf32, #tpu.memory_space<vmem>>)
    %dma_start3A_318 = arith.constant 2 : i32
    %dma_start3A_319 = arith.constant 112 : i32
    %dma_start3A_320 = arith.constant 0 : i32
    %dma_start3A_321 = tpu.memref_slice %arg7[%add3A_254, %dma_start3A_318, %dma_start3A_319, %dma_start3A_320] : memref<64x4x224x224xf32, #tpu.memory_space<hbm>> -> memref<1x1x112x224xf32, #tpu.memory_space<hbm>>
    %dma_start3A_322 = tpu.memref_squeeze %dma_start3A_321 : memref<1x1x112x224xf32, #tpu.memory_space<hbm>> -> memref<112x224xf32, #tpu.memory_space<hbm>>
    %dma_start3A_323 = arith.constant 112 : i32
    %dma_start3A_324 = arith.constant 0 : i32
    %dma_start3A_325 = tpu.memref_slice %arg7[%add3A_254, %dma_start3A_318, %dma_start3A_323, %dma_start3A_324] : memref<64x4x224x224xf32, #tpu.memory_space<hbm>> -> memref<1x1x112x224xf32, #tpu.memory_space<hbm>>
    %dma_start3A_326 = tpu.memref_squeeze %dma_start3A_325 : memref<1x1x112x224xf32, #tpu.memory_space<hbm>> -> memref<112x224xf32, #tpu.memory_space<hbm>>
    tpu.enqueue_dma source(%arg11 : memref<112x224xf32, #tpu.memory_space<vmem>>) target(%dma_start3A_326 : memref<112x224xf32, #tpu.memory_space<hbm>>) target_semaphore(%arg16 : memref<!tpu.dma_semaphore, #tpu.memory_space<semaphore_mem>>)
    %add3A_327 = arith.constant 1 : i32
    %add3A_328 = arith.addi %mul3A_2, %add3A_327 : i32
    %dma_wait3A_329 = arith.constant 1 : i32
    %dma_wait3A_330 = arith.constant 0 : i32
    %dma_wait3A_331 = tpu.memref_slice %arg8[%dma_wait3A_329, %dma_wait3A_330] : memref<16x8xi32, #tpu.memory_space<vmem>> -> memref<1x1xi32, #tpu.memory_space<vmem>>
    %dma_wait3A_332 = tpu.memref_squeeze %dma_wait3A_331 : memref<1x1xi32, #tpu.memory_space<vmem>> -> memref<1xi32, #tpu.memory_space<vmem>>
    %dma_wait3A_333 = arith.constant 0 : i32
    %dma_wait3A_334 = arith.constant 0 : i32
    %dma_wait3A_335 = tpu.memref_slice %arg2[%dma_wait3A_333, %dma_wait3A_334] : memref<1000x50176xf32, #tpu.memory_space<hbm>> -> memref<1000x50176xf32, #tpu.memory_space<hbm>>
    tpu.wait_indirect_dma semaphore(%arg12 : memref<!tpu.dma_semaphore, #tpu.memory_space<semaphore_mem>>) src(%dma_wait3A_335 : memref<1000x50176xf32, #tpu.memory_space<hbm>>) dst(%arg9 : memref<1x50176xf32, #tpu.memory_space<vmem>>)
    %dma_wait3A_336 = arith.constant 2 : i32
    %dma_wait3A_337 = arith.constant 0 : i32
    %dma_wait3A_338 = arith.constant 0 : i32
    %dma_wait3A_339 = tpu.memref_slice %arg7[%add3A_254, %dma_wait3A_336, %dma_wait3A_337, %dma_wait3A_338] : memref<64x4x224x224xf32, #tpu.memory_space<hbm>> -> memref<1x1x112x224xf32, #tpu.memory_space<hbm>>
    %dma_wait3A_340 = tpu.memref_squeeze %dma_wait3A_339 : memref<1x1x112x224xf32, #tpu.memory_space<hbm>> -> memref<112x224xf32, #tpu.memory_space<hbm>>
    %dma_wait3A_341 = arith.constant 0 : i32
    %dma_wait3A_342 = arith.constant 0 : i32
    %dma_wait3A_343 = tpu.memref_slice %arg7[%add3A_254, %dma_wait3A_336, %dma_wait3A_341, %dma_wait3A_342] : memref<64x4x224x224xf32, #tpu.memory_space<hbm>> -> memref<1x1x112x224xf32, #tpu.memory_space<hbm>>
    %dma_wait3A_344 = tpu.memref_squeeze %dma_wait3A_343 : memref<1x1x112x224xf32, #tpu.memory_space<hbm>> -> memref<112x224xf32, #tpu.memory_space<hbm>>
    tpu.wait_dma2 semaphore(%arg15 : memref<!tpu.dma_semaphore, #tpu.memory_space<semaphore_mem>>) src(%arg10 : memref<112x224xf32, #tpu.memory_space<vmem>>) dst(%dma_wait3A_344 : memref<112x224xf32, #tpu.memory_space<hbm>>)
    %parallel_loop3A_345 = arith.constant 0 : i32
    %parallel_loop3A_346 = arith.constant 112 : i32
    %parallel_loop3A_347 = arith.constant 1 : i32
    scf.for %parallel_loop3A_528 = %parallel_loop3A_345 to %parallel_loop3A_346 step %parallel_loop3A_347  : i32 {
      %parallel_loop3A_529 = arith.constant 0 : i32
      %parallel_loop3A_530 = arith.addi %parallel_loop3A_529, %parallel_loop3A_528 : i32
      %parallel_loop3A_531 = arith.constant 224 : i32
      %parallel_loop3A_532 = arith.muli %parallel_loop3A_530, %parallel_loop3A_531 : i32
      %parallel_loop3A_533 = tpu.assume_multiple %parallel_loop3A_532, 16 : i32
      %parallel_loop3A_534 = arith.constant 0 : i32
      %parallel_loop3A_535 = arith.addi %parallel_loop3A_533, %parallel_loop3A_534 : i32
      %parallel_loop3A_536 = arith.constant 0 : i32
      %parallel_loop3A_537 = arith.index_cast %parallel_loop3A_536 : i32 to index
      %parallel_loop3A_538 = arith.index_cast %parallel_loop3A_535 : i32 to index
      %parallel_loop3A_539 = tpu.vector_load %arg9[%parallel_loop3A_537, %parallel_loop3A_538] {strides = array<i32>} : memref<1x50176xf32, #tpu.memory_space<vmem>>, vector<1x16xf32>,
      %parallel_loop3A_540 = vector.shape_cast %parallel_loop3A_539 : vector<1x16xf32> to vector<16xf32>
      %parallel_loop3A_541 = arith.index_cast %parallel_loop3A_528 : i32 to index
      %parallel_loop3A_542 = arith.constant 0 : index
      %parallel_loop3A_543 = tpu.vector_load %arg10[%parallel_loop3A_541, %parallel_loop3A_542] {strides = array<i32>} : memref<112x224xf32, #tpu.memory_space<vmem>>, vector<1x16xf32>,
      %parallel_loop3A_544 = vector.shape_cast %parallel_loop3A_543 : vector<1x16xf32> to vector<16xf32>
      %parallel_loop3A_545 = vector.shape_cast %parallel_loop3A_540 : vector<16xf32> to vector<1x16xf32>
      tpu.vector_store %arg10[%parallel_loop3A_541, %parallel_loop3A_542], %parallel_loop3A_545 {strides = array<i32>} : memref<112x224xf32, #tpu.memory_space<vmem>>, vector<1x16xf32>,
      %parallel_loop3A_546 = arith.constant 16 : i32
      %parallel_loop3A_547 = arith.addi %parallel_loop3A_533, %parallel_loop3A_546 : i32
      %parallel_loop3A_548 = arith.constant 0 : i32
      %parallel_loop3A_549 = arith.index_cast %parallel_loop3A_548 : i32 to index
      %parallel_loop3A_550 = arith.index_cast %parallel_loop3A_547 : i32 to index
      %parallel_loop3A_551 = tpu.vector_load %arg9[%parallel_loop3A_549, %parallel_loop3A_550] {strides = array<i32>} : memref<1x50176xf32, #tpu.memory_space<vmem>>, vector<1x16xf32>,
      %parallel_loop3A_552 = vector.shape_cast %parallel_loop3A_551 : vector<1x16xf32> to vector<16xf32>
      %parallel_loop3A_553 = arith.index_cast %parallel_loop3A_528 : i32 to index
      %parallel_loop3A_554 = arith.constant 16 : index
      %parallel_loop3A_555 = tpu.vector_load %arg10[%parallel_loop3A_553, %parallel_loop3A_554] {strides = array<i32>} : memref<112x224xf32, #tpu.memory_space<vmem>>, vector<1x16xf32>,
      %parallel_loop3A_556 = vector.shape_cast %parallel_loop3A_555 : vector<1x16xf32> to vector<16xf32>
      %parallel_loop3A_557 = vector.shape_cast %parallel_loop3A_552 : vector<16xf32> to vector<1x16xf32>
      tpu.vector_store %arg10[%parallel_loop3A_553, %parallel_loop3A_554], %parallel_loop3A_557 {strides = array<i32>} : memref<112x224xf32, #tpu.memory_space<vmem>>, vector<1x16xf32>,
      %parallel_loop3A_558 = arith.constant 32 : i32
      %parallel_loop3A_559 = arith.addi %parallel_loop3A_533, %parallel_loop3A_558 : i32
      %parallel_loop3A_560 = arith.constant 0 : i32
      %parallel_loop3A_561 = arith.index_cast %parallel_loop3A_560 : i32 to index
      %parallel_loop3A_562 = arith.index_cast %parallel_loop3A_559 : i32 to index
      %parallel_loop3A_563 = tpu.vector_load %arg9[%parallel_loop3A_561, %parallel_loop3A_562] {strides = array<i32>} : memref<1x50176xf32, #tpu.memory_space<vmem>>, vector<1x16xf32>,
      %parallel_loop3A_564 = vector.shape_cast %parallel_loop3A_563 : vector<1x16xf32> to vector<16xf32>
      %parallel_loop3A_565 = arith.index_cast %parallel_loop3A_528 : i32 to index
      %parallel_loop3A_566 = arith.constant 32 : index
      %parallel_loop3A_567 = tpu.vector_load %arg10[%parallel_loop3A_565, %parallel_loop3A_566] {strides = array<i32>} : memref<112x224xf32, #tpu.memory_space<vmem>>, vector<1x16xf32>,
      %parallel_loop3A_568 = vector.shape_cast %parallel_loop3A_567 : vector<1x16xf32> to vector<16xf32>
      %parallel_loop3A_569 = vector.shape_cast %parallel_loop3A_564 : vector<16xf32> to vector<1x16xf32>
      tpu.vector_store %arg10[%parallel_loop3A_565, %parallel_loop3A_566], %parallel_loop3A_569 {strides = array<i32>} : memref<112x224xf32, #tpu.memory_space<vmem>>, vector<1x16xf32>,
      %parallel_loop3A_570 = arith.constant 48 : i32
      %parallel_loop3A_571 = arith.addi %parallel_loop3A_533, %parallel_loop3A_570 : i32
      %parallel_loop3A_572 = arith.constant 0 : i32
      %parallel_loop3A_573 = arith.index_cast %parallel_loop3A_572 : i32 to index
      %parallel_loop3A_574 = arith.index_cast %parallel_loop3A_571 : i32 to index
      %parallel_loop3A_575 = tpu.vector_load %arg9[%parallel_loop3A_573, %parallel_loop3A_574] {strides = array<i32>} : memref<1x50176xf32, #tpu.memory_space<vmem>>, vector<1x16xf32>,
      %parallel_loop3A_576 = vector.shape_cast %parallel_loop3A_575 : vector<1x16xf32> to vector<16xf32>
      %parallel_loop3A_577 = arith.index_cast %parallel_loop3A_528 : i32 to index
      %parallel_loop3A_578 = arith.constant 48 : index
      %parallel_loop3A_579 = tpu.vector_load %arg10[%parallel_loop3A_577, %parallel_loop3A_578] {strides = array<i32>} : memref<112x224xf32, #tpu.memory_space<vmem>>, vector<1x16xf32>,
      %parallel_loop3A_580 = vector.shape_cast %parallel_loop3A_579 : vector<1x16xf32> to vector<16xf32>
      %parallel_loop3A_581 = vector.shape_cast %parallel_loop3A_576 : vector<16xf32> to vector<1x16xf32>
      tpu.vector_store %arg10[%parallel_loop3A_577, %parallel_loop3A_578], %parallel_loop3A_581 {strides = array<i32>} : memref<112x224xf32, #tpu.memory_space<vmem>>, vector<1x16xf32>,
      %parallel_loop3A_582 = arith.constant 64 : i32
      %parallel_loop3A_583 = arith.addi %parallel_loop3A_533, %parallel_loop3A_582 : i32
      %parallel_loop3A_584 = arith.constant 0 : i32
      %parallel_loop3A_585 = arith.index_cast %parallel_loop3A_584 : i32 to index
      %parallel_loop3A_586 = arith.index_cast %parallel_loop3A_583 : i32 to index
      %parallel_loop3A_587 = tpu.vector_load %arg9[%parallel_loop3A_585, %parallel_loop3A_586] {strides = array<i32>} : memref<1x50176xf32, #tpu.memory_space<vmem>>, vector<1x16xf32>,
      %parallel_loop3A_588 = vector.shape_cast %parallel_loop3A_587 : vector<1x16xf32> to vector<16xf32>
      %parallel_loop3A_589 = arith.index_cast %parallel_loop3A_528 : i32 to index
      %parallel_loop3A_590 = arith.constant 64 : index
      %parallel_loop3A_591 = tpu.vector_load %arg10[%parallel_loop3A_589, %parallel_loop3A_590] {strides = array<i32>} : memref<112x224xf32, #tpu.memory_space<vmem>>, vector<1x16xf32>,
      %parallel_loop3A_592 = vector.shape_cast %parallel_loop3A_591 : vector<1x16xf32> to vector<16xf32>
      %parallel_loop3A_593 = vector.shape_cast %parallel_loop3A_588 : vector<16xf32> to vector<1x16xf32>
      tpu.vector_store %arg10[%parallel_loop3A_589, %parallel_loop3A_590], %parallel_loop3A_593 {strides = array<i32>} : memref<112x224xf32, #tpu.memory_space<vmem>>, vector<1x16xf32>,
      %parallel_loop3A_594 = arith.constant 80 : i32
      %parallel_loop3A_595 = arith.addi %parallel_loop3A_533, %parallel_loop3A_594 : i32
      %parallel_loop3A_596 = arith.constant 0 : i32
      %parallel_loop3A_597 = arith.index_cast %parallel_loop3A_596 : i32 to index
      %parallel_loop3A_598 = arith.index_cast %parallel_loop3A_595 : i32 to index
      %parallel_loop3A_599 = tpu.vector_load %arg9[%parallel_loop3A_597, %parallel_loop3A_598] {strides = array<i32>} : memref<1x50176xf32, #tpu.memory_space<vmem>>, vector<1x16xf32>,
      %parallel_loop3A_600 = vector.shape_cast %parallel_loop3A_599 : vector<1x16xf32> to vector<16xf32>
      %parallel_loop3A_601 = arith.index_cast %parallel_loop3A_528 : i32 to index
      %parallel_loop3A_602 = arith.constant 80 : index
      %parallel_loop3A_603 = tpu.vector_load %arg10[%parallel_loop3A_601, %parallel_loop3A_602] {strides = array<i32>} : memref<112x224xf32, #tpu.memory_space<vmem>>, vector<1x16xf32>,
      %parallel_loop3A_604 = vector.shape_cast %parallel_loop3A_603 : vector<1x16xf32> to vector<16xf32>
      %parallel_loop3A_605 = vector.shape_cast %parallel_loop3A_600 : vector<16xf32> to vector<1x16xf32>
      tpu.vector_store %arg10[%parallel_loop3A_601, %parallel_loop3A_602], %parallel_loop3A_605 {strides = array<i32>} : memref<112x224xf32, #tpu.memory_space<vmem>>, vector<1x16xf32>,
      %parallel_loop3A_606 = arith.constant 96 : i32
      %parallel_loop3A_607 = arith.addi %parallel_loop3A_533, %parallel_loop3A_606 : i32
      %parallel_loop3A_608 = arith.constant 0 : i32
      %parallel_loop3A_609 = arith.index_cast %parallel_loop3A_608 : i32 to index
      %parallel_loop3A_610 = arith.index_cast %parallel_loop3A_607 : i32 to index
      %parallel_loop3A_611 = tpu.vector_load %arg9[%parallel_loop3A_609, %parallel_loop3A_610] {strides = array<i32>} : memref<1x50176xf32, #tpu.memory_space<vmem>>, vector<1x16xf32>,
      %parallel_loop3A_612 = vector.shape_cast %parallel_loop3A_611 : vector<1x16xf32> to vector<16xf32>
      %parallel_loop3A_613 = arith.index_cast %parallel_loop3A_528 : i32 to index
      %parallel_loop3A_614 = arith.constant 96 : index
      %parallel_loop3A_615 = tpu.vector_load %arg10[%parallel_loop3A_613, %parallel_loop3A_614] {strides = array<i32>} : memref<112x224xf32, #tpu.memory_space<vmem>>, vector<1x16xf32>,
      %parallel_loop3A_616 = vector.shape_cast %parallel_loop3A_615 : vector<1x16xf32> to vector<16xf32>
      %parallel_loop3A_617 = vector.shape_cast %parallel_loop3A_612 : vector<16xf32> to vector<1x16xf32>
      tpu.vector_store %arg10[%parallel_loop3A_613, %parallel_loop3A_614], %parallel_loop3A_617 {strides = array<i32>} : memref<112x224xf32, #tpu.memory_space<vmem>>, vector<1x16xf32>,
      %parallel_loop3A_618 = arith.constant 112 : i32
      %parallel_loop3A_619 = arith.addi %parallel_loop3A_533, %parallel_loop3A_618 : i32
      %parallel_loop3A_620 = arith.constant 0 : i32
      %parallel_loop3A_621 = arith.index_cast %parallel_loop3A_620 : i32 to index
      %parallel_loop3A_622 = arith.index_cast %parallel_loop3A_619 : i32 to index
      %parallel_loop3A_623 = tpu.vector_load %arg9[%parallel_loop3A_621, %parallel_loop3A_622] {strides = array<i32>} : memref<1x50176xf32, #tpu.memory_space<vmem>>, vector<1x16xf32>,
      %parallel_loop3A_624 = vector.shape_cast %parallel_loop3A_623 : vector<1x16xf32> to vector<16xf32>
      %parallel_loop3A_625 = arith.index_cast %parallel_loop3A_528 : i32 to index
      %parallel_loop3A_626 = arith.constant 112 : index
      %parallel_loop3A_627 = tpu.vector_load %arg10[%parallel_loop3A_625, %parallel_loop3A_626] {strides = array<i32>} : memref<112x224xf32, #tpu.memory_space<vmem>>, vector<1x16xf32>,
      %parallel_loop3A_628 = vector.shape_cast %parallel_loop3A_627 : vector<1x16xf32> to vector<16xf32>
      %parallel_loop3A_629 = vector.shape_cast %parallel_loop3A_624 : vector<16xf32> to vector<1x16xf32>
      tpu.vector_store %arg10[%parallel_loop3A_625, %parallel_loop3A_626], %parallel_loop3A_629 {strides = array<i32>} : memref<112x224xf32, #tpu.memory_space<vmem>>, vector<1x16xf32>,
      %parallel_loop3A_630 = arith.constant 128 : i32
      %parallel_loop3A_631 = arith.addi %parallel_loop3A_533, %parallel_loop3A_630 : i32
      %parallel_loop3A_632 = arith.constant 0 : i32
      %parallel_loop3A_633 = arith.index_cast %parallel_loop3A_632 : i32 to index
      %parallel_loop3A_634 = arith.index_cast %parallel_loop3A_631 : i32 to index
      %parallel_loop3A_635 = tpu.vector_load %arg9[%parallel_loop3A_633, %parallel_loop3A_634] {strides = array<i32>} : memref<1x50176xf32, #tpu.memory_space<vmem>>, vector<1x16xf32>,
      %parallel_loop3A_636 = vector.shape_cast %parallel_loop3A_635 : vector<1x16xf32> to vector<16xf32>
      %parallel_loop3A_637 = arith.index_cast %parallel_loop3A_528 : i32 to index
      %parallel_loop3A_638 = arith.constant 128 : index
      %parallel_loop3A_639 = tpu.vector_load %arg10[%parallel_loop3A_637, %parallel_loop3A_638] {strides = array<i32>} : memref<112x224xf32, #tpu.memory_space<vmem>>, vector<1x16xf32>,
      %parallel_loop3A_640 = vector.shape_cast %parallel_loop3A_639 : vector<1x16xf32> to vector<16xf32>
      %parallel_loop3A_641 = vector.shape_cast %parallel_loop3A_636 : vector<16xf32> to vector<1x16xf32>
      tpu.vector_store %arg10[%parallel_loop3A_637, %parallel_loop3A_638], %parallel_loop3A_641 {strides = array<i32>} : memref<112x224xf32, #tpu.memory_space<vmem>>, vector<1x16xf32>,
      %parallel_loop3A_642 = arith.constant 144 : i32
      %parallel_loop3A_643 = arith.addi %parallel_loop3A_533, %parallel_loop3A_642 : i32
      %parallel_loop3A_644 = arith.constant 0 : i32
      %parallel_loop3A_645 = arith.index_cast %parallel_loop3A_644 : i32 to index
      %parallel_loop3A_646 = arith.index_cast %parallel_loop3A_643 : i32 to index
      %parallel_loop3A_647 = tpu.vector_load %arg9[%parallel_loop3A_645, %parallel_loop3A_646] {strides = array<i32>} : memref<1x50176xf32, #tpu.memory_space<vmem>>, vector<1x16xf32>,
      %parallel_loop3A_648 = vector.shape_cast %parallel_loop3A_647 : vector<1x16xf32> to vector<16xf32>
      %parallel_loop3A_649 = arith.index_cast %parallel_loop3A_528 : i32 to index
      %parallel_loop3A_650 = arith.constant 144 : index
      %parallel_loop3A_651 = tpu.vector_load %arg10[%parallel_loop3A_649, %parallel_loop3A_650] {strides = array<i32>} : memref<112x224xf32, #tpu.memory_space<vmem>>, vector<1x16xf32>,
      %parallel_loop3A_652 = vector.shape_cast %parallel_loop3A_651 : vector<1x16xf32> to vector<16xf32>
      %parallel_loop3A_653 = vector.shape_cast %parallel_loop3A_648 : vector<16xf32> to vector<1x16xf32>
      tpu.vector_store %arg10[%parallel_loop3A_649, %parallel_loop3A_650], %parallel_loop3A_653 {strides = array<i32>} : memref<112x224xf32, #tpu.memory_space<vmem>>, vector<1x16xf32>,
      %parallel_loop3A_654 = arith.constant 160 : i32
      %parallel_loop3A_655 = arith.addi %parallel_loop3A_533, %parallel_loop3A_654 : i32
      %parallel_loop3A_656 = arith.constant 0 : i32
      %parallel_loop3A_657 = arith.index_cast %parallel_loop3A_656 : i32 to index
      %parallel_loop3A_658 = arith.index_cast %parallel_loop3A_655 : i32 to index
      %parallel_loop3A_659 = tpu.vector_load %arg9[%parallel_loop3A_657, %parallel_loop3A_658] {strides = array<i32>} : memref<1x50176xf32, #tpu.memory_space<vmem>>, vector<1x16xf32>,
      %parallel_loop3A_660 = vector.shape_cast %parallel_loop3A_659 : vector<1x16xf32> to vector<16xf32>
      %parallel_loop3A_661 = arith.index_cast %parallel_loop3A_528 : i32 to index
      %parallel_loop3A_662 = arith.constant 160 : index
      %parallel_loop3A_663 = tpu.vector_load %arg10[%parallel_loop3A_661, %parallel_loop3A_662] {strides = array<i32>} : memref<112x224xf32, #tpu.memory_space<vmem>>, vector<1x16xf32>,
      %parallel_loop3A_664 = vector.shape_cast %parallel_loop3A_663 : vector<1x16xf32> to vector<16xf32>
      %parallel_loop3A_665 = vector.shape_cast %parallel_loop3A_660 : vector<16xf32> to vector<1x16xf32>
      tpu.vector_store %arg10[%parallel_loop3A_661, %parallel_loop3A_662], %parallel_loop3A_665 {strides = array<i32>} : memref<112x224xf32, #tpu.memory_space<vmem>>, vector<1x16xf32>,
      %parallel_loop3A_666 = arith.constant 176 : i32
      %parallel_loop3A_667 = arith.addi %parallel_loop3A_533, %parallel_loop3A_666 : i32
      %parallel_loop3A_668 = arith.constant 0 : i32
      %parallel_loop3A_669 = arith.index_cast %parallel_loop3A_668 : i32 to index
      %parallel_loop3A_670 = arith.index_cast %parallel_loop3A_667 : i32 to index
      %parallel_loop3A_671 = tpu.vector_load %arg9[%parallel_loop3A_669, %parallel_loop3A_670] {strides = array<i32>} : memref<1x50176xf32, #tpu.memory_space<vmem>>, vector<1x16xf32>,
      %parallel_loop3A_672 = vector.shape_cast %parallel_loop3A_671 : vector<1x16xf32> to vector<16xf32>
      %parallel_loop3A_673 = arith.index_cast %parallel_loop3A_528 : i32 to index
      %parallel_loop3A_674 = arith.constant 176 : index
      %parallel_loop3A_675 = tpu.vector_load %arg10[%parallel_loop3A_673, %parallel_loop3A_674] {strides = array<i32>} : memref<112x224xf32, #tpu.memory_space<vmem>>, vector<1x16xf32>,
      %parallel_loop3A_676 = vector.shape_cast %parallel_loop3A_675 : vector<1x16xf32> to vector<16xf32>
      %parallel_loop3A_677 = vector.shape_cast %parallel_loop3A_672 : vector<16xf32> to vector<1x16xf32>
      tpu.vector_store %arg10[%parallel_loop3A_673, %parallel_loop3A_674], %parallel_loop3A_677 {strides = array<i32>} : memref<112x224xf32, #tpu.memory_space<vmem>>, vector<1x16xf32>,
      %parallel_loop3A_678 = arith.constant 192 : i32
      %parallel_loop3A_679 = arith.addi %parallel_loop3A_533, %parallel_loop3A_678 : i32
      %parallel_loop3A_680 = arith.constant 0 : i32
      %parallel_loop3A_681 = arith.index_cast %parallel_loop3A_680 : i32 to index
      %parallel_loop3A_682 = arith.index_cast %parallel_loop3A_679 : i32 to index
      %parallel_loop3A_683 = tpu.vector_load %arg9[%parallel_loop3A_681, %parallel_loop3A_682] {strides = array<i32>} : memref<1x50176xf32, #tpu.memory_space<vmem>>, vector<1x16xf32>,
      %parallel_loop3A_684 = vector.shape_cast %parallel_loop3A_683 : vector<1x16xf32> to vector<16xf32>
      %parallel_loop3A_685 = arith.index_cast %parallel_loop3A_528 : i32 to index
      %parallel_loop3A_686 = arith.constant 192 : index
      %parallel_loop3A_687 = tpu.vector_load %arg10[%parallel_loop3A_685, %parallel_loop3A_686] {strides = array<i32>} : memref<112x224xf32, #tpu.memory_space<vmem>>, vector<1x16xf32>,
      %parallel_loop3A_688 = vector.shape_cast %parallel_loop3A_687 : vector<1x16xf32> to vector<16xf32>
      %parallel_loop3A_689 = vector.shape_cast %parallel_loop3A_684 : vector<16xf32> to vector<1x16xf32>
      tpu.vector_store %arg10[%parallel_loop3A_685, %parallel_loop3A_686], %parallel_loop3A_689 {strides = array<i32>} : memref<112x224xf32, #tpu.memory_space<vmem>>, vector<1x16xf32>,
      %parallel_loop3A_690 = arith.constant 208 : i32
      %parallel_loop3A_691 = arith.addi %parallel_loop3A_533, %parallel_loop3A_690 : i32
      %parallel_loop3A_692 = arith.constant 0 : i32
      %parallel_loop3A_693 = arith.index_cast %parallel_loop3A_692 : i32 to index
      %parallel_loop3A_694 = arith.index_cast %parallel_loop3A_691 : i32 to index
      %parallel_loop3A_695 = tpu.vector_load %arg9[%parallel_loop3A_693, %parallel_loop3A_694] {strides = array<i32>} : memref<1x50176xf32, #tpu.memory_space<vmem>>, vector<1x16xf32>,
      %parallel_loop3A_696 = vector.shape_cast %parallel_loop3A_695 : vector<1x16xf32> to vector<16xf32>
      %parallel_loop3A_697 = arith.index_cast %parallel_loop3A_528 : i32 to index
      %parallel_loop3A_698 = arith.constant 208 : index
      %parallel_loop3A_699 = tpu.vector_load %arg10[%parallel_loop3A_697, %parallel_loop3A_698] {strides = array<i32>} : memref<112x224xf32, #tpu.memory_space<vmem>>, vector<1x16xf32>,
      %parallel_loop3A_700 = vector.shape_cast %parallel_loop3A_699 : vector<1x16xf32> to vector<16xf32>
      %parallel_loop3A_701 = vector.shape_cast %parallel_loop3A_696 : vector<16xf32> to vector<1x16xf32>
      tpu.vector_store %arg10[%parallel_loop3A_697, %parallel_loop3A_698], %parallel_loop3A_701 {strides = array<i32>} : memref<112x224xf32, #tpu.memory_space<vmem>>, vector<1x16xf32>,
    } {sc.loop_unroll_factor = 8 : i64, sc.parallel_access}
    %dma_start3A_348 = arith.constant 0 : i32
    %dma_start3A_349 = arith.constant 0 : i32
    %dma_start3A_350 = arith.constant 0 : i32
    %dma_start3A_351 = tpu.memref_slice %arg7[%add3A_328, %dma_start3A_348, %dma_start3A_349, %dma_start3A_350] : memref<64x4x224x224xf32, #tpu.memory_space<hbm>> -> memref<1x1x112x224xf32, #tpu.memory_space<hbm>>
    %dma_start3A_352 = tpu.memref_squeeze %dma_start3A_351 : memref<1x1x112x224xf32, #tpu.memory_space<hbm>> -> memref<112x224xf32, #tpu.memory_space<hbm>>
    %dma_start3A_353 = arith.constant 0 : i32
    %dma_start3A_354 = arith.constant 0 : i32
    %dma_start3A_355 = tpu.memref_slice %arg7[%add3A_328, %dma_start3A_348, %dma_start3A_353, %dma_start3A_354] : memref<64x4x224x224xf32, #tpu.memory_space<hbm>> -> memref<1x1x112x224xf32, #tpu.memory_space<hbm>>
    %dma_start3A_356 = tpu.memref_squeeze %dma_start3A_355 : memref<1x1x112x224xf32, #tpu.memory_space<hbm>> -> memref<112x224xf32, #tpu.memory_space<hbm>>
    tpu.enqueue_dma source(%arg10 : memref<112x224xf32, #tpu.memory_space<vmem>>) target(%dma_start3A_356 : memref<112x224xf32, #tpu.memory_space<hbm>>) target_semaphore(%arg15 : memref<!tpu.dma_semaphore, #tpu.memory_space<semaphore_mem>>)
    %dma_wait3A_357 = arith.constant 2 : i32
    %dma_wait3A_358 = arith.constant 112 : i32
    %dma_wait3A_359 = arith.constant 0 : i32
    %dma_wait3A_360 = tpu.memref_slice %arg7[%add3A_254, %dma_wait3A_357, %dma_wait3A_358, %dma_wait3A_359] : memref<64x4x224x224xf32, #tpu.memory_space<hbm>> -> memref<1x1x112x224xf32, #tpu.memory_space<hbm>>
    %dma_wait3A_361 = tpu.memref_squeeze %dma_wait3A_360 : memref<1x1x112x224xf32, #tpu.memory_space<hbm>> -> memref<112x224xf32, #tpu.memory_space<hbm>>
    %dma_wait3A_362 = arith.constant 112 : i32
    %dma_wait3A_363 = arith.constant 0 : i32
    %dma_wait3A_364 = tpu.memref_slice %arg7[%add3A_254, %dma_wait3A_357, %dma_wait3A_362, %dma_wait3A_363] : memref<64x4x224x224xf32, #tpu.memory_space<hbm>> -> memref<1x1x112x224xf32, #tpu.memory_space<hbm>>
    %dma_wait3A_365 = tpu.memref_squeeze %dma_wait3A_364 : memref<1x1x112x224xf32, #tpu.memory_space<hbm>> -> memref<112x224xf32, #tpu.memory_space<hbm>>
    tpu.wait_dma2 semaphore(%arg16 : memref<!tpu.dma_semaphore, #tpu.memory_space<semaphore_mem>>) src(%arg11 : memref<112x224xf32, #tpu.memory_space<vmem>>) dst(%dma_wait3A_365 : memref<112x224xf32, #tpu.memory_space<hbm>>)
    %parallel_loop3A_366 = arith.constant 0 : i32
    %parallel_loop3A_367 = arith.constant 112 : i32
    %parallel_loop3A_368 = arith.constant 1 : i32
    scf.for %parallel_loop3A_528 = %parallel_loop3A_366 to %parallel_loop3A_367 step %parallel_loop3A_368  : i32 {
      %parallel_loop3A_529 = arith.constant 112 : i32
      %parallel_loop3A_530 = arith.addi %parallel_loop3A_529, %parallel_loop3A_528 : i32
      %parallel_loop3A_531 = arith.constant 224 : i32
      %parallel_loop3A_532 = arith.muli %parallel_loop3A_530, %parallel_loop3A_531 : i32
      %parallel_loop3A_533 = tpu.assume_multiple %parallel_loop3A_532, 16 : i32
      %parallel_loop3A_534 = arith.constant 0 : i32
      %parallel_loop3A_535 = arith.addi %parallel_loop3A_533, %parallel_loop3A_534 : i32
      %parallel_loop3A_536 = arith.constant 0 : i32
      %parallel_loop3A_537 = arith.index_cast %parallel_loop3A_536 : i32 to index
      %parallel_loop3A_538 = arith.index_cast %parallel_loop3A_535 : i32 to index
      %parallel_loop3A_539 = tpu.vector_load %arg9[%parallel_loop3A_537, %parallel_loop3A_538] {strides = array<i32>} : memref<1x50176xf32, #tpu.memory_space<vmem>>, vector<1x16xf32>,
      %parallel_loop3A_540 = vector.shape_cast %parallel_loop3A_539 : vector<1x16xf32> to vector<16xf32>
      %parallel_loop3A_541 = arith.index_cast %parallel_loop3A_528 : i32 to index
      %parallel_loop3A_542 = arith.constant 0 : index
      %parallel_loop3A_543 = tpu.vector_load %arg11[%parallel_loop3A_541, %parallel_loop3A_542] {strides = array<i32>} : memref<112x224xf32, #tpu.memory_space<vmem>>, vector<1x16xf32>,
      %parallel_loop3A_544 = vector.shape_cast %parallel_loop3A_543 : vector<1x16xf32> to vector<16xf32>
      %parallel_loop3A_545 = vector.shape_cast %parallel_loop3A_540 : vector<16xf32> to vector<1x16xf32>
      tpu.vector_store %arg11[%parallel_loop3A_541, %parallel_loop3A_542], %parallel_loop3A_545 {strides = array<i32>} : memref<112x224xf32, #tpu.memory_space<vmem>>, vector<1x16xf32>,
      %parallel_loop3A_546 = arith.constant 16 : i32
      %parallel_loop3A_547 = arith.addi %parallel_loop3A_533, %parallel_loop3A_546 : i32
      %parallel_loop3A_548 = arith.constant 0 : i32
      %parallel_loop3A_549 = arith.index_cast %parallel_loop3A_548 : i32 to index
      %parallel_loop3A_550 = arith.index_cast %parallel_loop3A_547 : i32 to index
      %parallel_loop3A_551 = tpu.vector_load %arg9[%parallel_loop3A_549, %parallel_loop3A_550] {strides = array<i32>} : memref<1x50176xf32, #tpu.memory_space<vmem>>, vector<1x16xf32>,
      %parallel_loop3A_552 = vector.shape_cast %parallel_loop3A_551 : vector<1x16xf32> to vector<16xf32>
      %parallel_loop3A_553 = arith.index_cast %parallel_loop3A_528 : i32 to index
      %parallel_loop3A_554 = arith.constant 16 : index
      %parallel_loop3A_555 = tpu.vector_load %arg11[%parallel_loop3A_553, %parallel_loop3A_554] {strides = array<i32>} : memref<112x224xf32, #tpu.memory_space<vmem>>, vector<1x16xf32>,
      %parallel_loop3A_556 = vector.shape_cast %parallel_loop3A_555 : vector<1x16xf32> to vector<16xf32>
      %parallel_loop3A_557 = vector.shape_cast %parallel_loop3A_552 : vector<16xf32> to vector<1x16xf32>
      tpu.vector_store %arg11[%parallel_loop3A_553, %parallel_loop3A_554], %parallel_loop3A_557 {strides = array<i32>} : memref<112x224xf32, #tpu.memory_space<vmem>>, vector<1x16xf32>,
      %parallel_loop3A_558 = arith.constant 32 : i32
      %parallel_loop3A_559 = arith.addi %parallel_loop3A_533, %parallel_loop3A_558 : i32
      %parallel_loop3A_560 = arith.constant 0 : i32
      %parallel_loop3A_561 = arith.index_cast %parallel_loop3A_560 : i32 to index
      %parallel_loop3A_562 = arith.index_cast %parallel_loop3A_559 : i32 to index
      %parallel_loop3A_563 = tpu.vector_load %arg9[%parallel_loop3A_561, %parallel_loop3A_562] {strides = array<i32>} : memref<1x50176xf32, #tpu.memory_space<vmem>>, vector<1x16xf32>,
      %parallel_loop3A_564 = vector.shape_cast %parallel_loop3A_563 : vector<1x16xf32> to vector<16xf32>
      %parallel_loop3A_565 = arith.index_cast %parallel_loop3A_528 : i32 to index
      %parallel_loop3A_566 = arith.constant 32 : index
      %parallel_loop3A_567 = tpu.vector_load %arg11[%parallel_loop3A_565, %parallel_loop3A_566] {strides = array<i32>} : memref<112x224xf32, #tpu.memory_space<vmem>>, vector<1x16xf32>,
      %parallel_loop3A_568 = vector.shape_cast %parallel_loop3A_567 : vector<1x16xf32> to vector<16xf32>
      %parallel_loop3A_569 = vector.shape_cast %parallel_loop3A_564 : vector<16xf32> to vector<1x16xf32>
      tpu.vector_store %arg11[%parallel_loop3A_565, %parallel_loop3A_566], %parallel_loop3A_569 {strides = array<i32>} : memref<112x224xf32, #tpu.memory_space<vmem>>, vector<1x16xf32>,
      %parallel_loop3A_570 = arith.constant 48 : i32
      %parallel_loop3A_571 = arith.addi %parallel_loop3A_533, %parallel_loop3A_570 : i32
      %parallel_loop3A_572 = arith.constant 0 : i32
      %parallel_loop3A_573 = arith.index_cast %parallel_loop3A_572 : i32 to index
      %parallel_loop3A_574 = arith.index_cast %parallel_loop3A_571 : i32 to index
      %parallel_loop3A_575 = tpu.vector_load %arg9[%parallel_loop3A_573, %parallel_loop3A_574] {strides = array<i32>} : memref<1x50176xf32, #tpu.memory_space<vmem>>, vector<1x16xf32>,
      %parallel_loop3A_576 = vector.shape_cast %parallel_loop3A_575 : vector<1x16xf32> to vector<16xf32>
      %parallel_loop3A_577 = arith.index_cast %parallel_loop3A_528 : i32 to index
      %parallel_loop3A_578 = arith.constant 48 : index
      %parallel_loop3A_579 = tpu.vector_load %arg11[%parallel_loop3A_577, %parallel_loop3A_578] {strides = array<i32>} : memref<112x224xf32, #tpu.memory_space<vmem>>, vector<1x16xf32>,
      %parallel_loop3A_580 = vector.shape_cast %parallel_loop3A_579 : vector<1x16xf32> to vector<16xf32>
      %parallel_loop3A_581 = vector.shape_cast %parallel_loop3A_576 : vector<16xf32> to vector<1x16xf32>
      tpu.vector_store %arg11[%parallel_loop3A_577, %parallel_loop3A_578], %parallel_loop3A_581 {strides = array<i32>} : memref<112x224xf32, #tpu.memory_space<vmem>>, vector<1x16xf32>,
      %parallel_loop3A_582 = arith.constant 64 : i32
      %parallel_loop3A_583 = arith.addi %parallel_loop3A_533, %parallel_loop3A_582 : i32
      %parallel_loop3A_584 = arith.constant 0 : i32
      %parallel_loop3A_585 = arith.index_cast %parallel_loop3A_584 : i32 to index
      %parallel_loop3A_586 = arith.index_cast %parallel_loop3A_583 : i32 to index
      %parallel_loop3A_587 = tpu.vector_load %arg9[%parallel_loop3A_585, %parallel_loop3A_586] {strides = array<i32>} : memref<1x50176xf32, #tpu.memory_space<vmem>>, vector<1x16xf32>,
      %parallel_loop3A_588 = vector.shape_cast %parallel_loop3A_587 : vector<1x16xf32> to vector<16xf32>
      %parallel_loop3A_589 = arith.index_cast %parallel_loop3A_528 : i32 to index
      %parallel_loop3A_590 = arith.constant 64 : index
      %parallel_loop3A_591 = tpu.vector_load %arg11[%parallel_loop3A_589, %parallel_loop3A_590] {strides = array<i32>} : memref<112x224xf32, #tpu.memory_space<vmem>>, vector<1x16xf32>,
      %parallel_loop3A_592 = vector.shape_cast %parallel_loop3A_591 : vector<1x16xf32> to vector<16xf32>
      %parallel_loop3A_593 = vector.shape_cast %parallel_loop3A_588 : vector<16xf32> to vector<1x16xf32>
      tpu.vector_store %arg11[%parallel_loop3A_589, %parallel_loop3A_590], %parallel_loop3A_593 {strides = array<i32>} : memref<112x224xf32, #tpu.memory_space<vmem>>, vector<1x16xf32>,
      %parallel_loop3A_594 = arith.constant 80 : i32
      %parallel_loop3A_595 = arith.addi %parallel_loop3A_533, %parallel_loop3A_594 : i32
      %parallel_loop3A_596 = arith.constant 0 : i32
      %parallel_loop3A_597 = arith.index_cast %parallel_loop3A_596 : i32 to index
      %parallel_loop3A_598 = arith.index_cast %parallel_loop3A_595 : i32 to index
      %parallel_loop3A_599 = tpu.vector_load %arg9[%parallel_loop3A_597, %parallel_loop3A_598] {strides = array<i32>} : memref<1x50176xf32, #tpu.memory_space<vmem>>, vector<1x16xf32>,
      %parallel_loop3A_600 = vector.shape_cast %parallel_loop3A_599 : vector<1x16xf32> to vector<16xf32>
      %parallel_loop3A_601 = arith.index_cast %parallel_loop3A_528 : i32 to index
      %parallel_loop3A_602 = arith.constant 80 : index
      %parallel_loop3A_603 = tpu.vector_load %arg11[%parallel_loop3A_601, %parallel_loop3A_602] {strides = array<i32>} : memref<112x224xf32, #tpu.memory_space<vmem>>, vector<1x16xf32>,
      %parallel_loop3A_604 = vector.shape_cast %parallel_loop3A_603 : vector<1x16xf32> to vector<16xf32>
      %parallel_loop3A_605 = vector.shape_cast %parallel_loop3A_600 : vector<16xf32> to vector<1x16xf32>
      tpu.vector_store %arg11[%parallel_loop3A_601, %parallel_loop3A_602], %parallel_loop3A_605 {strides = array<i32>} : memref<112x224xf32, #tpu.memory_space<vmem>>, vector<1x16xf32>,
      %parallel_loop3A_606 = arith.constant 96 : i32
      %parallel_loop3A_607 = arith.addi %parallel_loop3A_533, %parallel_loop3A_606 : i32
      %parallel_loop3A_608 = arith.constant 0 : i32
      %parallel_loop3A_609 = arith.index_cast %parallel_loop3A_608 : i32 to index
      %parallel_loop3A_610 = arith.index_cast %parallel_loop3A_607 : i32 to index
      %parallel_loop3A_611 = tpu.vector_load %arg9[%parallel_loop3A_609, %parallel_loop3A_610] {strides = array<i32>} : memref<1x50176xf32, #tpu.memory_space<vmem>>, vector<1x16xf32>,
      %parallel_loop3A_612 = vector.shape_cast %parallel_loop3A_611 : vector<1x16xf32> to vector<16xf32>
      %parallel_loop3A_613 = arith.index_cast %parallel_loop3A_528 : i32 to index
      %parallel_loop3A_614 = arith.constant 96 : index
      %parallel_loop3A_615 = tpu.vector_load %arg11[%parallel_loop3A_613, %parallel_loop3A_614] {strides = array<i32>} : memref<112x224xf32, #tpu.memory_space<vmem>>, vector<1x16xf32>,
      %parallel_loop3A_616 = vector.shape_cast %parallel_loop3A_615 : vector<1x16xf32> to vector<16xf32>
      %parallel_loop3A_617 = vector.shape_cast %parallel_loop3A_612 : vector<16xf32> to vector<1x16xf32>
      tpu.vector_store %arg11[%parallel_loop3A_613, %parallel_loop3A_614], %parallel_loop3A_617 {strides = array<i32>} : memref<112x224xf32, #tpu.memory_space<vmem>>, vector<1x16xf32>,
      %parallel_loop3A_618 = arith.constant 112 : i32
      %parallel_loop3A_619 = arith.addi %parallel_loop3A_533, %parallel_loop3A_618 : i32
      %parallel_loop3A_620 = arith.constant 0 : i32
      %parallel_loop3A_621 = arith.index_cast %parallel_loop3A_620 : i32 to index
      %parallel_loop3A_622 = arith.index_cast %parallel_loop3A_619 : i32 to index
      %parallel_loop3A_623 = tpu.vector_load %arg9[%parallel_loop3A_621, %parallel_loop3A_622] {strides = array<i32>} : memref<1x50176xf32, #tpu.memory_space<vmem>>, vector<1x16xf32>,
      %parallel_loop3A_624 = vector.shape_cast %parallel_loop3A_623 : vector<1x16xf32> to vector<16xf32>
      %parallel_loop3A_625 = arith.index_cast %parallel_loop3A_528 : i32 to index
      %parallel_loop3A_626 = arith.constant 112 : index
      %parallel_loop3A_627 = tpu.vector_load %arg11[%parallel_loop3A_625, %parallel_loop3A_626] {strides = array<i32>} : memref<112x224xf32, #tpu.memory_space<vmem>>, vector<1x16xf32>,
      %parallel_loop3A_628 = vector.shape_cast %parallel_loop3A_627 : vector<1x16xf32> to vector<16xf32>
      %parallel_loop3A_629 = vector.shape_cast %parallel_loop3A_624 : vector<16xf32> to vector<1x16xf32>
      tpu.vector_store %arg11[%parallel_loop3A_625, %parallel_loop3A_626], %parallel_loop3A_629 {strides = array<i32>} : memref<112x224xf32, #tpu.memory_space<vmem>>, vector<1x16xf32>,
      %parallel_loop3A_630 = arith.constant 128 : i32
      %parallel_loop3A_631 = arith.addi %parallel_loop3A_533, %parallel_loop3A_630 : i32
      %parallel_loop3A_632 = arith.constant 0 : i32
      %parallel_loop3A_633 = arith.index_cast %parallel_loop3A_632 : i32 to index
      %parallel_loop3A_634 = arith.index_cast %parallel_loop3A_631 : i32 to index
      %parallel_loop3A_635 = tpu.vector_load %arg9[%parallel_loop3A_633, %parallel_loop3A_634] {strides = array<i32>} : memref<1x50176xf32, #tpu.memory_space<vmem>>, vector<1x16xf32>,
      %parallel_loop3A_636 = vector.shape_cast %parallel_loop3A_635 : vector<1x16xf32> to vector<16xf32>
      %parallel_loop3A_637 = arith.index_cast %parallel_loop3A_528 : i32 to index
      %parallel_loop3A_638 = arith.constant 128 : index
      %parallel_loop3A_639 = tpu.vector_load %arg11[%parallel_loop3A_637, %parallel_loop3A_638] {strides = array<i32>} : memref<112x224xf32, #tpu.memory_space<vmem>>, vector<1x16xf32>,
      %parallel_loop3A_640 = vector.shape_cast %parallel_loop3A_639 : vector<1x16xf32> to vector<16xf32>
      %parallel_loop3A_641 = vector.shape_cast %parallel_loop3A_636 : vector<16xf32> to vector<1x16xf32>
      tpu.vector_store %arg11[%parallel_loop3A_637, %parallel_loop3A_638], %parallel_loop3A_641 {strides = array<i32>} : memref<112x224xf32, #tpu.memory_space<vmem>>, vector<1x16xf32>,
      %parallel_loop3A_642 = arith.constant 144 : i32
      %parallel_loop3A_643 = arith.addi %parallel_loop3A_533, %parallel_loop3A_642 : i32
      %parallel_loop3A_644 = arith.constant 0 : i32
      %parallel_loop3A_645 = arith.index_cast %parallel_loop3A_644 : i32 to index
      %parallel_loop3A_646 = arith.index_cast %parallel_loop3A_643 : i32 to index
      %parallel_loop3A_647 = tpu.vector_load %arg9[%parallel_loop3A_645, %parallel_loop3A_646] {strides = array<i32>} : memref<1x50176xf32, #tpu.memory_space<vmem>>, vector<1x16xf32>,
      %parallel_loop3A_648 = vector.shape_cast %parallel_loop3A_647 : vector<1x16xf32> to vector<16xf32>
      %parallel_loop3A_649 = arith.index_cast %parallel_loop3A_528 : i32 to index
      %parallel_loop3A_650 = arith.constant 144 : index
      %parallel_loop3A_651 = tpu.vector_load %arg11[%parallel_loop3A_649, %parallel_loop3A_650] {strides = array<i32>} : memref<112x224xf32, #tpu.memory_space<vmem>>, vector<1x16xf32>,
      %parallel_loop3A_652 = vector.shape_cast %parallel_loop3A_651 : vector<1x16xf32> to vector<16xf32>
      %parallel_loop3A_653 = vector.shape_cast %parallel_loop3A_648 : vector<16xf32> to vector<1x16xf32>
      tpu.vector_store %arg11[%parallel_loop3A_649, %parallel_loop3A_650], %parallel_loop3A_653 {strides = array<i32>} : memref<112x224xf32, #tpu.memory_space<vmem>>, vector<1x16xf32>,
      %parallel_loop3A_654 = arith.constant 160 : i32
      %parallel_loop3A_655 = arith.addi %parallel_loop3A_533, %parallel_loop3A_654 : i32
      %parallel_loop3A_656 = arith.constant 0 : i32
      %parallel_loop3A_657 = arith.index_cast %parallel_loop3A_656 : i32 to index
      %parallel_loop3A_658 = arith.index_cast %parallel_loop3A_655 : i32 to index
      %parallel_loop3A_659 = tpu.vector_load %arg9[%parallel_loop3A_657, %parallel_loop3A_658] {strides = array<i32>} : memref<1x50176xf32, #tpu.memory_space<vmem>>, vector<1x16xf32>,
      %parallel_loop3A_660 = vector.shape_cast %parallel_loop3A_659 : vector<1x16xf32> to vector<16xf32>
      %parallel_loop3A_661 = arith.index_cast %parallel_loop3A_528 : i32 to index
      %parallel_loop3A_662 = arith.constant 160 : index
      %parallel_loop3A_663 = tpu.vector_load %arg11[%parallel_loop3A_661, %parallel_loop3A_662] {strides = array<i32>} : memref<112x224xf32, #tpu.memory_space<vmem>>, vector<1x16xf32>,
      %parallel_loop3A_664 = vector.shape_cast %parallel_loop3A_663 : vector<1x16xf32> to vector<16xf32>
      %parallel_loop3A_665 = vector.shape_cast %parallel_loop3A_660 : vector<16xf32> to vector<1x16xf32>
      tpu.vector_store %arg11[%parallel_loop3A_661, %parallel_loop3A_662], %parallel_loop3A_665 {strides = array<i32>} : memref<112x224xf32, #tpu.memory_space<vmem>>, vector<1x16xf32>,
      %parallel_loop3A_666 = arith.constant 176 : i32
      %parallel_loop3A_667 = arith.addi %parallel_loop3A_533, %parallel_loop3A_666 : i32
      %parallel_loop3A_668 = arith.constant 0 : i32
      %parallel_loop3A_669 = arith.index_cast %parallel_loop3A_668 : i32 to index
      %parallel_loop3A_670 = arith.index_cast %parallel_loop3A_667 : i32 to index
      %parallel_loop3A_671 = tpu.vector_load %arg9[%parallel_loop3A_669, %parallel_loop3A_670] {strides = array<i32>} : memref<1x50176xf32, #tpu.memory_space<vmem>>, vector<1x16xf32>,
      %parallel_loop3A_672 = vector.shape_cast %parallel_loop3A_671 : vector<1x16xf32> to vector<16xf32>
      %parallel_loop3A_673 = arith.index_cast %parallel_loop3A_528 : i32 to index
      %parallel_loop3A_674 = arith.constant 176 : index
      %parallel_loop3A_675 = tpu.vector_load %arg11[%parallel_loop3A_673, %parallel_loop3A_674] {strides = array<i32>} : memref<112x224xf32, #tpu.memory_space<vmem>>, vector<1x16xf32>,
      %parallel_loop3A_676 = vector.shape_cast %parallel_loop3A_675 : vector<1x16xf32> to vector<16xf32>
      %parallel_loop3A_677 = vector.shape_cast %parallel_loop3A_672 : vector<16xf32> to vector<1x16xf32>
      tpu.vector_store %arg11[%parallel_loop3A_673, %parallel_loop3A_674], %parallel_loop3A_677 {strides = array<i32>} : memref<112x224xf32, #tpu.memory_space<vmem>>, vector<1x16xf32>,
      %parallel_loop3A_678 = arith.constant 192 : i32
      %parallel_loop3A_679 = arith.addi %parallel_loop3A_533, %parallel_loop3A_678 : i32
      %parallel_loop3A_680 = arith.constant 0 : i32
      %parallel_loop3A_681 = arith.index_cast %parallel_loop3A_680 : i32 to index
      %parallel_loop3A_682 = arith.index_cast %parallel_loop3A_679 : i32 to index
      %parallel_loop3A_683 = tpu.vector_load %arg9[%parallel_loop3A_681, %parallel_loop3A_682] {strides = array<i32>} : memref<1x50176xf32, #tpu.memory_space<vmem>>, vector<1x16xf32>,
      %parallel_loop3A_684 = vector.shape_cast %parallel_loop3A_683 : vector<1x16xf32> to vector<16xf32>
      %parallel_loop3A_685 = arith.index_cast %parallel_loop3A_528 : i32 to index
      %parallel_loop3A_686 = arith.constant 192 : index
      %parallel_loop3A_687 = tpu.vector_load %arg11[%parallel_loop3A_685, %parallel_loop3A_686] {strides = array<i32>} : memref<112x224xf32, #tpu.memory_space<vmem>>, vector<1x16xf32>,
      %parallel_loop3A_688 = vector.shape_cast %parallel_loop3A_687 : vector<1x16xf32> to vector<16xf32>
      %parallel_loop3A_689 = vector.shape_cast %parallel_loop3A_684 : vector<16xf32> to vector<1x16xf32>
      tpu.vector_store %arg11[%parallel_loop3A_685, %parallel_loop3A_686], %parallel_loop3A_689 {strides = array<i32>} : memref<112x224xf32, #tpu.memory_space<vmem>>, vector<1x16xf32>,
      %parallel_loop3A_690 = arith.constant 208 : i32
      %parallel_loop3A_691 = arith.addi %parallel_loop3A_533, %parallel_loop3A_690 : i32
      %parallel_loop3A_692 = arith.constant 0 : i32
      %parallel_loop3A_693 = arith.index_cast %parallel_loop3A_692 : i32 to index
      %parallel_loop3A_694 = arith.index_cast %parallel_loop3A_691 : i32 to index
      %parallel_loop3A_695 = tpu.vector_load %arg9[%parallel_loop3A_693, %parallel_loop3A_694] {strides = array<i32>} : memref<1x50176xf32, #tpu.memory_space<vmem>>, vector<1x16xf32>,
      %parallel_loop3A_696 = vector.shape_cast %parallel_loop3A_695 : vector<1x16xf32> to vector<16xf32>
      %parallel_loop3A_697 = arith.index_cast %parallel_loop3A_528 : i32 to index
      %parallel_loop3A_698 = arith.constant 208 : index
      %parallel_loop3A_699 = tpu.vector_load %arg11[%parallel_loop3A_697, %parallel_loop3A_698] {strides = array<i32>} : memref<112x224xf32, #tpu.memory_space<vmem>>, vector<1x16xf32>,
      %parallel_loop3A_700 = vector.shape_cast %parallel_loop3A_699 : vector<1x16xf32> to vector<16xf32>
      %parallel_loop3A_701 = vector.shape_cast %parallel_loop3A_696 : vector<16xf32> to vector<1x16xf32>
      tpu.vector_store %arg11[%parallel_loop3A_697, %parallel_loop3A_698], %parallel_loop3A_701 {strides = array<i32>} : memref<112x224xf32, #tpu.memory_space<vmem>>, vector<1x16xf32>,
    } {sc.loop_unroll_factor = 8 : i64, sc.parallel_access}
    %dma_start3A_369 = arith.constant 0 : i32
    %dma_start3A_370 = arith.constant 112 : i32
    %dma_start3A_371 = arith.constant 0 : i32
    %dma_start3A_372 = tpu.memref_slice %arg7[%add3A_328, %dma_start3A_369, %dma_start3A_370, %dma_start3A_371] : memref<64x4x224x224xf32, #tpu.memory_space<hbm>> -> memref<1x1x112x224xf32, #tpu.memory_space<hbm>>
    %dma_start3A_373 = tpu.memref_squeeze %dma_start3A_372 : memref<1x1x112x224xf32, #tpu.memory_space<hbm>> -> memref<112x224xf32, #tpu.memory_space<hbm>>
    %dma_start3A_374 = arith.constant 112 : i32
    %dma_start3A_375 = arith.constant 0 : i32
    %dma_start3A_376 = tpu.memref_slice %arg7[%add3A_328, %dma_start3A_369, %dma_start3A_374, %dma_start3A_375] : memref<64x4x224x224xf32, #tpu.memory_space<hbm>> -> memref<1x1x112x224xf32, #tpu.memory_space<hbm>>
    %dma_start3A_377 = tpu.memref_squeeze %dma_start3A_376 : memref<1x1x112x224xf32, #tpu.memory_space<hbm>> -> memref<112x224xf32, #tpu.memory_space<hbm>>
    tpu.enqueue_dma source(%arg11 : memref<112x224xf32, #tpu.memory_space<vmem>>) target(%dma_start3A_377 : memref<112x224xf32, #tpu.memory_space<hbm>>) target_semaphore(%arg16 : memref<!tpu.dma_semaphore, #tpu.memory_space<semaphore_mem>>)
    %dma_start3A_378 = arith.constant 3 : i32
    %dma_start3A_379 = arith.constant 0 : i32
    %dma_start3A_380 = tpu.memref_slice %arg8[%dma_start3A_378, %dma_start3A_379] : memref<16x8xi32, #tpu.memory_space<vmem>> -> memref<1x1xi32, #tpu.memory_space<vmem>>
    %dma_start3A_381 = tpu.memref_squeeze %dma_start3A_380 : memref<1x1xi32, #tpu.memory_space<vmem>> -> memref<1xi32, #tpu.memory_space<vmem>>
    %dma_start3A_382 = arith.constant 0 : i32
    %dma_start3A_383 = arith.constant 0 : i32
    %dma_start3A_384 = tpu.memref_slice %arg3[%dma_start3A_382, %dma_start3A_383] : memref<256x50176xf32, #tpu.memory_space<hbm>> -> memref<256x50176xf32, #tpu.memory_space<hbm>>
    tpu.enqueue_indirect_dma source(%dma_start3A_384 : memref<256x50176xf32, #tpu.memory_space<hbm>>) target(%arg9 : memref<1x50176xf32, #tpu.memory_space<vmem>>) offsets(%dma_start3A_381 : memref<1xi32, #tpu.memory_space<vmem>>) semaphore(%arg12 : memref<!tpu.dma_semaphore, #tpu.memory_space<semaphore_mem>>)
    %add3A_385 = arith.constant 1 : i32
    %add3A_386 = arith.addi %mul3A_2, %add3A_385 : i32
    %dma_wait3A_387 = arith.constant 0 : i32
    %dma_wait3A_388 = arith.constant 0 : i32
    %dma_wait3A_389 = arith.constant 0 : i32
    %dma_wait3A_390 = tpu.memref_slice %arg7[%add3A_328, %dma_wait3A_387, %dma_wait3A_388, %dma_wait3A_389] : memref<64x4x224x224xf32, #tpu.memory_space<hbm>> -> memref<1x1x112x224xf32, #tpu.memory_space<hbm>>
    %dma_wait3A_391 = tpu.memref_squeeze %dma_wait3A_390 : memref<1x1x112x224xf32, #tpu.memory_space<hbm>> -> memref<112x224xf32, #tpu.memory_space<hbm>>
    %dma_wait3A_392 = arith.constant 0 : i32
    %dma_wait3A_393 = arith.constant 0 : i32
    %dma_wait3A_394 = tpu.memref_slice %arg7[%add3A_328, %dma_wait3A_387, %dma_wait3A_392, %dma_wait3A_393] : memref<64x4x224x224xf32, #tpu.memory_space<hbm>> -> memref<1x1x112x224xf32, #tpu.memory_space<hbm>>
    %dma_wait3A_395 = tpu.memref_squeeze %dma_wait3A_394 : memref<1x1x112x224xf32, #tpu.memory_space<hbm>> -> memref<112x224xf32, #tpu.memory_space<hbm>>
    tpu.wait_dma2 semaphore(%arg15 : memref<!tpu.dma_semaphore, #tpu.memory_space<semaphore_mem>>) src(%arg10 : memref<112x224xf32, #tpu.memory_space<vmem>>) dst(%dma_wait3A_395 : memref<112x224xf32, #tpu.memory_space<hbm>>)
    %dma_start3A_396 = arith.constant 0 : i32
    %dma_start3A_397 = arith.constant 0 : i32
    %dma_start3A_398 = arith.constant 0 : i32
    %dma_start3A_399 = tpu.memref_slice %arg6[%add3A_386, %dma_start3A_396, %dma_start3A_397, %dma_start3A_398] : memref<64x1x224x224xf32, #tpu.memory_space<hbm>> -> memref<1x1x112x224xf32, #tpu.memory_space<hbm>>
    %dma_start3A_400 = tpu.memref_squeeze %dma_start3A_399 : memref<1x1x112x224xf32, #tpu.memory_space<hbm>> -> memref<112x224xf32, #tpu.memory_space<hbm>>
    %dma_start3A_401 = arith.constant 0 : i32
    %dma_start3A_402 = arith.constant 0 : i32
    %dma_start3A_403 = tpu.memref_slice %arg6[%add3A_386, %dma_start3A_396, %dma_start3A_401, %dma_start3A_402] : memref<64x1x224x224xf32, #tpu.memory_space<hbm>> -> memref<1x1x112x224xf32, #tpu.memory_space<hbm>>
    %dma_start3A_404 = tpu.memref_squeeze %dma_start3A_403 : memref<1x1x112x224xf32, #tpu.memory_space<hbm>> -> memref<112x224xf32, #tpu.memory_space<hbm>>
    tpu.enqueue_dma source(%dma_start3A_404 : memref<112x224xf32, #tpu.memory_space<hbm>>) target(%arg10 : memref<112x224xf32, #tpu.memory_space<vmem>>) target_semaphore(%arg13 : memref<!tpu.dma_semaphore, #tpu.memory_space<semaphore_mem>>)
    %dma_wait3A_405 = arith.constant 0 : i32
    %dma_wait3A_406 = arith.constant 0 : i32
    %dma_wait3A_407 = arith.constant 0 : i32
    %dma_wait3A_408 = tpu.memref_slice %arg6[%add3A_386, %dma_wait3A_405, %dma_wait3A_406, %dma_wait3A_407] : memref<64x1x224x224xf32, #tpu.memory_space<hbm>> -> memref<1x1x112x224xf32, #tpu.memory_space<hbm>>
    %dma_wait3A_409 = tpu.memref_squeeze %dma_wait3A_408 : memref<1x1x112x224xf32, #tpu.memory_space<hbm>> -> memref<112x224xf32, #tpu.memory_space<hbm>>
    %dma_wait3A_410 = arith.constant 0 : i32
    %dma_wait3A_411 = arith.constant 0 : i32
    %dma_wait3A_412 = tpu.memref_slice %arg6[%add3A_386, %dma_wait3A_405, %dma_wait3A_410, %dma_wait3A_411] : memref<64x1x224x224xf32, #tpu.memory_space<hbm>> -> memref<1x1x112x224xf32, #tpu.memory_space<hbm>>
    %dma_wait3A_413 = tpu.memref_squeeze %dma_wait3A_412 : memref<1x1x112x224xf32, #tpu.memory_space<hbm>> -> memref<112x224xf32, #tpu.memory_space<hbm>>
    tpu.wait_dma2 semaphore(%arg13 : memref<!tpu.dma_semaphore, #tpu.memory_space<semaphore_mem>>) src(%dma_wait3A_413 : memref<112x224xf32, #tpu.memory_space<hbm>>) dst(%arg10 : memref<112x224xf32, #tpu.memory_space<vmem>>)
    %dma_start3A_414 = arith.constant 3 : i32
    %dma_start3A_415 = arith.constant 0 : i32
    %dma_start3A_416 = arith.constant 0 : i32
    %dma_start3A_417 = tpu.memref_slice %arg7[%add3A_386, %dma_start3A_414, %dma_start3A_415, %dma_start3A_416] : memref<64x4x224x224xf32, #tpu.memory_space<hbm>> -> memref<1x1x112x224xf32, #tpu.memory_space<hbm>>
    %dma_start3A_418 = tpu.memref_squeeze %dma_start3A_417 : memref<1x1x112x224xf32, #tpu.memory_space<hbm>> -> memref<112x224xf32, #tpu.memory_space<hbm>>
    %dma_start3A_419 = arith.constant 0 : i32
    %dma_start3A_420 = arith.constant 0 : i32
    %dma_start3A_421 = tpu.memref_slice %arg7[%add3A_386, %dma_start3A_414, %dma_start3A_419, %dma_start3A_420] : memref<64x4x224x224xf32, #tpu.memory_space<hbm>> -> memref<1x1x112x224xf32, #tpu.memory_space<hbm>>
    %dma_start3A_422 = tpu.memref_squeeze %dma_start3A_421 : memref<1x1x112x224xf32, #tpu.memory_space<hbm>> -> memref<112x224xf32, #tpu.memory_space<hbm>>
    tpu.enqueue_dma source(%arg10 : memref<112x224xf32, #tpu.memory_space<vmem>>) target(%dma_start3A_422 : memref<112x224xf32, #tpu.memory_space<hbm>>) target_semaphore(%arg15 : memref<!tpu.dma_semaphore, #tpu.memory_space<semaphore_mem>>)
    %dma_wait3A_423 = arith.constant 0 : i32
    %dma_wait3A_424 = arith.constant 112 : i32
    %dma_wait3A_425 = arith.constant 0 : i32
    %dma_wait3A_426 = tpu.memref_slice %arg7[%add3A_328, %dma_wait3A_423, %dma_wait3A_424, %dma_wait3A_425] : memref<64x4x224x224xf32, #tpu.memory_space<hbm>> -> memref<1x1x112x224xf32, #tpu.memory_space<hbm>>
    %dma_wait3A_427 = tpu.memref_squeeze %dma_wait3A_426 : memref<1x1x112x224xf32, #tpu.memory_space<hbm>> -> memref<112x224xf32, #tpu.memory_space<hbm>>
    %dma_wait3A_428 = arith.constant 112 : i32
    %dma_wait3A_429 = arith.constant 0 : i32
    %dma_wait3A_430 = tpu.memref_slice %arg7[%add3A_328, %dma_wait3A_423, %dma_wait3A_428, %dma_wait3A_429] : memref<64x4x224x224xf32, #tpu.memory_space<hbm>> -> memref<1x1x112x224xf32, #tpu.memory_space<hbm>>
    %dma_wait3A_431 = tpu.memref_squeeze %dma_wait3A_430 : memref<1x1x112x224xf32, #tpu.memory_space<hbm>> -> memref<112x224xf32, #tpu.memory_space<hbm>>
    tpu.wait_dma2 semaphore(%arg16 : memref<!tpu.dma_semaphore, #tpu.memory_space<semaphore_mem>>) src(%arg11 : memref<112x224xf32, #tpu.memory_space<vmem>>) dst(%dma_wait3A_431 : memref<112x224xf32, #tpu.memory_space<hbm>>)
    %dma_start3A_432 = arith.constant 0 : i32
    %dma_start3A_433 = arith.constant 112 : i32
    %dma_start3A_434 = arith.constant 0 : i32
    %dma_start3A_435 = tpu.memref_slice %arg6[%add3A_386, %dma_start3A_432, %dma_start3A_433, %dma_start3A_434] : memref<64x1x224x224xf32, #tpu.memory_space<hbm>> -> memref<1x1x112x224xf32, #tpu.memory_space<hbm>>
    %dma_start3A_436 = tpu.memref_squeeze %dma_start3A_435 : memref<1x1x112x224xf32, #tpu.memory_space<hbm>> -> memref<112x224xf32, #tpu.memory_space<hbm>>
    %dma_start3A_437 = arith.constant 112 : i32
    %dma_start3A_438 = arith.constant 0 : i32
    %dma_start3A_439 = tpu.memref_slice %arg6[%add3A_386, %dma_start3A_432, %dma_start3A_437, %dma_start3A_438] : memref<64x1x224x224xf32, #tpu.memory_space<hbm>> -> memref<1x1x112x224xf32, #tpu.memory_space<hbm>>
    %dma_start3A_440 = tpu.memref_squeeze %dma_start3A_439 : memref<1x1x112x224xf32, #tpu.memory_space<hbm>> -> memref<112x224xf32, #tpu.memory_space<hbm>>
    tpu.enqueue_dma source(%dma_start3A_440 : memref<112x224xf32, #tpu.memory_space<hbm>>) target(%arg11 : memref<112x224xf32, #tpu.memory_space<vmem>>) target_semaphore(%arg14 : memref<!tpu.dma_semaphore, #tpu.memory_space<semaphore_mem>>)
    %dma_wait3A_441 = arith.constant 0 : i32
    %dma_wait3A_442 = arith.constant 112 : i32
    %dma_wait3A_443 = arith.constant 0 : i32
    %dma_wait3A_444 = tpu.memref_slice %arg6[%add3A_386, %dma_wait3A_441, %dma_wait3A_442, %dma_wait3A_443] : memref<64x1x224x224xf32, #tpu.memory_space<hbm>> -> memref<1x1x112x224xf32, #tpu.memory_space<hbm>>
    %dma_wait3A_445 = tpu.memref_squeeze %dma_wait3A_444 : memref<1x1x112x224xf32, #tpu.memory_space<hbm>> -> memref<112x224xf32, #tpu.memory_space<hbm>>
    %dma_wait3A_446 = arith.constant 112 : i32
    %dma_wait3A_447 = arith.constant 0 : i32
    %dma_wait3A_448 = tpu.memref_slice %arg6[%add3A_386, %dma_wait3A_441, %dma_wait3A_446, %dma_wait3A_447] : memref<64x1x224x224xf32, #tpu.memory_space<hbm>> -> memref<1x1x112x224xf32, #tpu.memory_space<hbm>>
    %dma_wait3A_449 = tpu.memref_squeeze %dma_wait3A_448 : memref<1x1x112x224xf32, #tpu.memory_space<hbm>> -> memref<112x224xf32, #tpu.memory_space<hbm>>
    tpu.wait_dma2 semaphore(%arg14 : memref<!tpu.dma_semaphore, #tpu.memory_space<semaphore_mem>>) src(%dma_wait3A_449 : memref<112x224xf32, #tpu.memory_space<hbm>>) dst(%arg11 : memref<112x224xf32, #tpu.memory_space<vmem>>)
    %dma_start3A_450 = arith.constant 3 : i32
    %dma_start3A_451 = arith.constant 112 : i32
    %dma_start3A_452 = arith.constant 0 : i32
    %dma_start3A_453 = tpu.memref_slice %arg7[%add3A_386, %dma_start3A_450, %dma_start3A_451, %dma_start3A_452] : memref<64x4x224x224xf32, #tpu.memory_space<hbm>> -> memref<1x1x112x224xf32, #tpu.memory_space<hbm>>
    %dma_start3A_454 = tpu.memref_squeeze %dma_start3A_453 : memref<1x1x112x224xf32, #tpu.memory_space<hbm>> -> memref<112x224xf32, #tpu.memory_space<hbm>>
    %dma_start3A_455 = arith.constant 112 : i32
    %dma_start3A_456 = arith.constant 0 : i32
    %dma_start3A_457 = tpu.memref_slice %arg7[%add3A_386, %dma_start3A_450, %dma_start3A_455, %dma_start3A_456] : memref<64x4x224x224xf32, #tpu.memory_space<hbm>> -> memref<1x1x112x224xf32, #tpu.memory_space<hbm>>
    %dma_start3A_458 = tpu.memref_squeeze %dma_start3A_457 : memref<1x1x112x224xf32, #tpu.memory_space<hbm>> -> memref<112x224xf32, #tpu.memory_space<hbm>>
    tpu.enqueue_dma source(%arg11 : memref<112x224xf32, #tpu.memory_space<vmem>>) target(%dma_start3A_458 : memref<112x224xf32, #tpu.memory_space<hbm>>) target_semaphore(%arg16 : memref<!tpu.dma_semaphore, #tpu.memory_space<semaphore_mem>>)
    %add3A_459 = arith.constant 1 : i32
    %add3A_460 = arith.addi %mul3A_2, %add3A_459 : i32
    %dma_wait3A_461 = arith.constant 3 : i32
    %dma_wait3A_462 = arith.constant 0 : i32
    %dma_wait3A_463 = tpu.memref_slice %arg8[%dma_wait3A_461, %dma_wait3A_462] : memref<16x8xi32, #tpu.memory_space<vmem>> -> memref<1x1xi32, #tpu.memory_space<vmem>>
    %dma_wait3A_464 = tpu.memref_squeeze %dma_wait3A_463 : memref<1x1xi32, #tpu.memory_space<vmem>> -> memref<1xi32, #tpu.memory_space<vmem>>
    %dma_wait3A_465 = arith.constant 0 : i32
    %dma_wait3A_466 = arith.constant 0 : i32
    %dma_wait3A_467 = tpu.memref_slice %arg3[%dma_wait3A_465, %dma_wait3A_466] : memref<256x50176xf32, #tpu.memory_space<hbm>> -> memref<256x50176xf32, #tpu.memory_space<hbm>>
    tpu.wait_indirect_dma semaphore(%arg12 : memref<!tpu.dma_semaphore, #tpu.memory_space<semaphore_mem>>) src(%dma_wait3A_467 : memref<256x50176xf32, #tpu.memory_space<hbm>>) dst(%arg9 : memref<1x50176xf32, #tpu.memory_space<vmem>>)
    %dma_wait3A_468 = arith.constant 3 : i32
    %dma_wait3A_469 = arith.constant 0 : i32
    %dma_wait3A_470 = arith.constant 0 : i32
    %dma_wait3A_471 = tpu.memref_slice %arg7[%add3A_386, %dma_wait3A_468, %dma_wait3A_469, %dma_wait3A_470] : memref<64x4x224x224xf32, #tpu.memory_space<hbm>> -> memref<1x1x112x224xf32, #tpu.memory_space<hbm>>
    %dma_wait3A_472 = tpu.memref_squeeze %dma_wait3A_471 : memref<1x1x112x224xf32, #tpu.memory_space<hbm>> -> memref<112x224xf32, #tpu.memory_space<hbm>>
    %dma_wait3A_473 = arith.constant 0 : i32
    %dma_wait3A_474 = arith.constant 0 : i32
    %dma_wait3A_475 = tpu.memref_slice %arg7[%add3A_386, %dma_wait3A_468, %dma_wait3A_473, %dma_wait3A_474] : memref<64x4x224x224xf32, #tpu.memory_space<hbm>> -> memref<1x1x112x224xf32, #tpu.memory_space<hbm>>
    %dma_wait3A_476 = tpu.memref_squeeze %dma_wait3A_475 : memref<1x1x112x224xf32, #tpu.memory_space<hbm>> -> memref<112x224xf32, #tpu.memory_space<hbm>>
    tpu.wait_dma2 semaphore(%arg15 : memref<!tpu.dma_semaphore, #tpu.memory_space<semaphore_mem>>) src(%arg10 : memref<112x224xf32, #tpu.memory_space<vmem>>) dst(%dma_wait3A_476 : memref<112x224xf32, #tpu.memory_space<hbm>>)
    %parallel_loop3A_477 = arith.constant 0 : i32
    %parallel_loop3A_478 = arith.constant 112 : i32
    %parallel_loop3A_479 = arith.constant 1 : i32
    scf.for %parallel_loop3A_528 = %parallel_loop3A_477 to %parallel_loop3A_478 step %parallel_loop3A_479  : i32 {
      %parallel_loop3A_529 = arith.constant 0 : i32
      %parallel_loop3A_530 = arith.addi %parallel_loop3A_529, %parallel_loop3A_528 : i32
      %parallel_loop3A_531 = arith.constant 224 : i32
      %parallel_loop3A_532 = arith.muli %parallel_loop3A_530, %parallel_loop3A_531 : i32
      %parallel_loop3A_533 = tpu.assume_multiple %parallel_loop3A_532, 16 : i32
      %parallel_loop3A_534 = arith.constant 0 : i32
      %parallel_loop3A_535 = arith.addi %parallel_loop3A_533, %parallel_loop3A_534 : i32
      %parallel_loop3A_536 = arith.constant 0 : i32
      %parallel_loop3A_537 = arith.index_cast %parallel_loop3A_536 : i32 to index
      %parallel_loop3A_538 = arith.index_cast %parallel_loop3A_535 : i32 to index
      %parallel_loop3A_539 = tpu.vector_load %arg9[%parallel_loop3A_537, %parallel_loop3A_538] {strides = array<i32>} : memref<1x50176xf32, #tpu.memory_space<vmem>>, vector<1x16xf32>,
      %parallel_loop3A_540 = vector.shape_cast %parallel_loop3A_539 : vector<1x16xf32> to vector<16xf32>
      %parallel_loop3A_541 = arith.index_cast %parallel_loop3A_528 : i32 to index
      %parallel_loop3A_542 = arith.constant 0 : index
      %parallel_loop3A_543 = tpu.vector_load %arg10[%parallel_loop3A_541, %parallel_loop3A_542] {strides = array<i32>} : memref<112x224xf32, #tpu.memory_space<vmem>>, vector<1x16xf32>,
      %parallel_loop3A_544 = vector.shape_cast %parallel_loop3A_543 : vector<1x16xf32> to vector<16xf32>
      %parallel_loop3A_545 = vector.shape_cast %parallel_loop3A_540 : vector<16xf32> to vector<1x16xf32>
      tpu.vector_store %arg10[%parallel_loop3A_541, %parallel_loop3A_542], %parallel_loop3A_545 {strides = array<i32>} : memref<112x224xf32, #tpu.memory_space<vmem>>, vector<1x16xf32>,
      %parallel_loop3A_546 = arith.constant 16 : i32
      %parallel_loop3A_547 = arith.addi %parallel_loop3A_533, %parallel_loop3A_546 : i32
      %parallel_loop3A_548 = arith.constant 0 : i32
      %parallel_loop3A_549 = arith.index_cast %parallel_loop3A_548 : i32 to index
      %parallel_loop3A_550 = arith.index_cast %parallel_loop3A_547 : i32 to index
      %parallel_loop3A_551 = tpu.vector_load %arg9[%parallel_loop3A_549, %parallel_loop3A_550] {strides = array<i32>} : memref<1x50176xf32, #tpu.memory_space<vmem>>, vector<1x16xf32>,
      %parallel_loop3A_552 = vector.shape_cast %parallel_loop3A_551 : vector<1x16xf32> to vector<16xf32>
      %parallel_loop3A_553 = arith.index_cast %parallel_loop3A_528 : i32 to index
      %parallel_loop3A_554 = arith.constant 16 : index
      %parallel_loop3A_555 = tpu.vector_load %arg10[%parallel_loop3A_553, %parallel_loop3A_554] {strides = array<i32>} : memref<112x224xf32, #tpu.memory_space<vmem>>, vector<1x16xf32>,
      %parallel_loop3A_556 = vector.shape_cast %parallel_loop3A_555 : vector<1x16xf32> to vector<16xf32>
      %parallel_loop3A_557 = vector.shape_cast %parallel_loop3A_552 : vector<16xf32> to vector<1x16xf32>
      tpu.vector_store %arg10[%parallel_loop3A_553, %parallel_loop3A_554], %parallel_loop3A_557 {strides = array<i32>} : memref<112x224xf32, #tpu.memory_space<vmem>>, vector<1x16xf32>,
      %parallel_loop3A_558 = arith.constant 32 : i32
      %parallel_loop3A_559 = arith.addi %parallel_loop3A_533, %parallel_loop3A_558 : i32
      %parallel_loop3A_560 = arith.constant 0 : i32
      %parallel_loop3A_561 = arith.index_cast %parallel_loop3A_560 : i32 to index
      %parallel_loop3A_562 = arith.index_cast %parallel_loop3A_559 : i32 to index
      %parallel_loop3A_563 = tpu.vector_load %arg9[%parallel_loop3A_561, %parallel_loop3A_562] {strides = array<i32>} : memref<1x50176xf32, #tpu.memory_space<vmem>>, vector<1x16xf32>,
      %parallel_loop3A_564 = vector.shape_cast %parallel_loop3A_563 : vector<1x16xf32> to vector<16xf32>
      %parallel_loop3A_565 = arith.index_cast %parallel_loop3A_528 : i32 to index
      %parallel_loop3A_566 = arith.constant 32 : index
      %parallel_loop3A_567 = tpu.vector_load %arg10[%parallel_loop3A_565, %parallel_loop3A_566] {strides = array<i32>} : memref<112x224xf32, #tpu.memory_space<vmem>>, vector<1x16xf32>,
      %parallel_loop3A_568 = vector.shape_cast %parallel_loop3A_567 : vector<1x16xf32> to vector<16xf32>
      %parallel_loop3A_569 = vector.shape_cast %parallel_loop3A_564 : vector<16xf32> to vector<1x16xf32>
      tpu.vector_store %arg10[%parallel_loop3A_565, %parallel_loop3A_566], %parallel_loop3A_569 {strides = array<i32>} : memref<112x224xf32, #tpu.memory_space<vmem>>, vector<1x16xf32>,
      %parallel_loop3A_570 = arith.constant 48 : i32
      %parallel_loop3A_571 = arith.addi %parallel_loop3A_533, %parallel_loop3A_570 : i32
      %parallel_loop3A_572 = arith.constant 0 : i32
      %parallel_loop3A_573 = arith.index_cast %parallel_loop3A_572 : i32 to index
      %parallel_loop3A_574 = arith.index_cast %parallel_loop3A_571 : i32 to index
      %parallel_loop3A_575 = tpu.vector_load %arg9[%parallel_loop3A_573, %parallel_loop3A_574] {strides = array<i32>} : memref<1x50176xf32, #tpu.memory_space<vmem>>, vector<1x16xf32>,
      %parallel_loop3A_576 = vector.shape_cast %parallel_loop3A_575 : vector<1x16xf32> to vector<16xf32>
      %parallel_loop3A_577 = arith.index_cast %parallel_loop3A_528 : i32 to index
      %parallel_loop3A_578 = arith.constant 48 : index
      %parallel_loop3A_579 = tpu.vector_load %arg10[%parallel_loop3A_577, %parallel_loop3A_578] {strides = array<i32>} : memref<112x224xf32, #tpu.memory_space<vmem>>, vector<1x16xf32>,
      %parallel_loop3A_580 = vector.shape_cast %parallel_loop3A_579 : vector<1x16xf32> to vector<16xf32>
      %parallel_loop3A_581 = vector.shape_cast %parallel_loop3A_576 : vector<16xf32> to vector<1x16xf32>
      tpu.vector_store %arg10[%parallel_loop3A_577, %parallel_loop3A_578], %parallel_loop3A_581 {strides = array<i32>} : memref<112x224xf32, #tpu.memory_space<vmem>>, vector<1x16xf32>,
      %parallel_loop3A_582 = arith.constant 64 : i32
      %parallel_loop3A_583 = arith.addi %parallel_loop3A_533, %parallel_loop3A_582 : i32
      %parallel_loop3A_584 = arith.constant 0 : i32
      %parallel_loop3A_585 = arith.index_cast %parallel_loop3A_584 : i32 to index
      %parallel_loop3A_586 = arith.index_cast %parallel_loop3A_583 : i32 to index
      %parallel_loop3A_587 = tpu.vector_load %arg9[%parallel_loop3A_585, %parallel_loop3A_586] {strides = array<i32>} : memref<1x50176xf32, #tpu.memory_space<vmem>>, vector<1x16xf32>,
      %parallel_loop3A_588 = vector.shape_cast %parallel_loop3A_587 : vector<1x16xf32> to vector<16xf32>
      %parallel_loop3A_589 = arith.index_cast %parallel_loop3A_528 : i32 to index
      %parallel_loop3A_590 = arith.constant 64 : index
      %parallel_loop3A_591 = tpu.vector_load %arg10[%parallel_loop3A_589, %parallel_loop3A_590] {strides = array<i32>} : memref<112x224xf32, #tpu.memory_space<vmem>>, vector<1x16xf32>,
      %parallel_loop3A_592 = vector.shape_cast %parallel_loop3A_591 : vector<1x16xf32> to vector<16xf32>
      %parallel_loop3A_593 = vector.shape_cast %parallel_loop3A_588 : vector<16xf32> to vector<1x16xf32>
      tpu.vector_store %arg10[%parallel_loop3A_589, %parallel_loop3A_590], %parallel_loop3A_593 {strides = array<i32>} : memref<112x224xf32, #tpu.memory_space<vmem>>, vector<1x16xf32>,
      %parallel_loop3A_594 = arith.constant 80 : i32
      %parallel_loop3A_595 = arith.addi %parallel_loop3A_533, %parallel_loop3A_594 : i32
      %parallel_loop3A_596 = arith.constant 0 : i32
      %parallel_loop3A_597 = arith.index_cast %parallel_loop3A_596 : i32 to index
      %parallel_loop3A_598 = arith.index_cast %parallel_loop3A_595 : i32 to index
      %parallel_loop3A_599 = tpu.vector_load %arg9[%parallel_loop3A_597, %parallel_loop3A_598] {strides = array<i32>} : memref<1x50176xf32, #tpu.memory_space<vmem>>, vector<1x16xf32>,
      %parallel_loop3A_600 = vector.shape_cast %parallel_loop3A_599 : vector<1x16xf32> to vector<16xf32>
      %parallel_loop3A_601 = arith.index_cast %parallel_loop3A_528 : i32 to index
      %parallel_loop3A_602 = arith.constant 80 : index
      %parallel_loop3A_603 = tpu.vector_load %arg10[%parallel_loop3A_601, %parallel_loop3A_602] {strides = array<i32>} : memref<112x224xf32, #tpu.memory_space<vmem>>, vector<1x16xf32>,
      %parallel_loop3A_604 = vector.shape_cast %parallel_loop3A_603 : vector<1x16xf32> to vector<16xf32>
      %parallel_loop3A_605 = vector.shape_cast %parallel_loop3A_600 : vector<16xf32> to vector<1x16xf32>
      tpu.vector_store %arg10[%parallel_loop3A_601, %parallel_loop3A_602], %parallel_loop3A_605 {strides = array<i32>} : memref<112x224xf32, #tpu.memory_space<vmem>>, vector<1x16xf32>,
      %parallel_loop3A_606 = arith.constant 96 : i32
      %parallel_loop3A_607 = arith.addi %parallel_loop3A_533, %parallel_loop3A_606 : i32
      %parallel_loop3A_608 = arith.constant 0 : i32
      %parallel_loop3A_609 = arith.index_cast %parallel_loop3A_608 : i32 to index
      %parallel_loop3A_610 = arith.index_cast %parallel_loop3A_607 : i32 to index
      %parallel_loop3A_611 = tpu.vector_load %arg9[%parallel_loop3A_609, %parallel_loop3A_610] {strides = array<i32>} : memref<1x50176xf32, #tpu.memory_space<vmem>>, vector<1x16xf32>,
      %parallel_loop3A_612 = vector.shape_cast %parallel_loop3A_611 : vector<1x16xf32> to vector<16xf32>
      %parallel_loop3A_613 = arith.index_cast %parallel_loop3A_528 : i32 to index
      %parallel_loop3A_614 = arith.constant 96 : index
      %parallel_loop3A_615 = tpu.vector_load %arg10[%parallel_loop3A_613, %parallel_loop3A_614] {strides = array<i32>} : memref<112x224xf32, #tpu.memory_space<vmem>>, vector<1x16xf32>,
      %parallel_loop3A_616 = vector.shape_cast %parallel_loop3A_615 : vector<1x16xf32> to vector<16xf32>
      %parallel_loop3A_617 = vector.shape_cast %parallel_loop3A_612 : vector<16xf32> to vector<1x16xf32>
      tpu.vector_store %arg10[%parallel_loop3A_613, %parallel_loop3A_614], %parallel_loop3A_617 {strides = array<i32>} : memref<112x224xf32, #tpu.memory_space<vmem>>, vector<1x16xf32>,
      %parallel_loop3A_618 = arith.constant 112 : i32
      %parallel_loop3A_619 = arith.addi %parallel_loop3A_533, %parallel_loop3A_618 : i32
      %parallel_loop3A_620 = arith.constant 0 : i32
      %parallel_loop3A_621 = arith.index_cast %parallel_loop3A_620 : i32 to index
      %parallel_loop3A_622 = arith.index_cast %parallel_loop3A_619 : i32 to index
      %parallel_loop3A_623 = tpu.vector_load %arg9[%parallel_loop3A_621, %parallel_loop3A_622] {strides = array<i32>} : memref<1x50176xf32, #tpu.memory_space<vmem>>, vector<1x16xf32>,
      %parallel_loop3A_624 = vector.shape_cast %parallel_loop3A_623 : vector<1x16xf32> to vector<16xf32>
      %parallel_loop3A_625 = arith.index_cast %parallel_loop3A_528 : i32 to index
      %parallel_loop3A_626 = arith.constant 112 : index
      %parallel_loop3A_627 = tpu.vector_load %arg10[%parallel_loop3A_625, %parallel_loop3A_626] {strides = array<i32>} : memref<112x224xf32, #tpu.memory_space<vmem>>, vector<1x16xf32>,
      %parallel_loop3A_628 = vector.shape_cast %parallel_loop3A_627 : vector<1x16xf32> to vector<16xf32>
      %parallel_loop3A_629 = vector.shape_cast %parallel_loop3A_624 : vector<16xf32> to vector<1x16xf32>
      tpu.vector_store %arg10[%parallel_loop3A_625, %parallel_loop3A_626], %parallel_loop3A_629 {strides = array<i32>} : memref<112x224xf32, #tpu.memory_space<vmem>>, vector<1x16xf32>,
      %parallel_loop3A_630 = arith.constant 128 : i32
      %parallel_loop3A_631 = arith.addi %parallel_loop3A_533, %parallel_loop3A_630 : i32
      %parallel_loop3A_632 = arith.constant 0 : i32
      %parallel_loop3A_633 = arith.index_cast %parallel_loop3A_632 : i32 to index
      %parallel_loop3A_634 = arith.index_cast %parallel_loop3A_631 : i32 to index
      %parallel_loop3A_635 = tpu.vector_load %arg9[%parallel_loop3A_633, %parallel_loop3A_634] {strides = array<i32>} : memref<1x50176xf32, #tpu.memory_space<vmem>>, vector<1x16xf32>,
      %parallel_loop3A_636 = vector.shape_cast %parallel_loop3A_635 : vector<1x16xf32> to vector<16xf32>
      %parallel_loop3A_637 = arith.index_cast %parallel_loop3A_528 : i32 to index
      %parallel_loop3A_638 = arith.constant 128 : index
      %parallel_loop3A_639 = tpu.vector_load %arg10[%parallel_loop3A_637, %parallel_loop3A_638] {strides = array<i32>} : memref<112x224xf32, #tpu.memory_space<vmem>>, vector<1x16xf32>,
      %parallel_loop3A_640 = vector.shape_cast %parallel_loop3A_639 : vector<1x16xf32> to vector<16xf32>
      %parallel_loop3A_641 = vector.shape_cast %parallel_loop3A_636 : vector<16xf32> to vector<1x16xf32>
      tpu.vector_store %arg10[%parallel_loop3A_637, %parallel_loop3A_638], %parallel_loop3A_641 {strides = array<i32>} : memref<112x224xf32, #tpu.memory_space<vmem>>, vector<1x16xf32>,
      %parallel_loop3A_642 = arith.constant 144 : i32
      %parallel_loop3A_643 = arith.addi %parallel_loop3A_533, %parallel_loop3A_642 : i32
      %parallel_loop3A_644 = arith.constant 0 : i32
      %parallel_loop3A_645 = arith.index_cast %parallel_loop3A_644 : i32 to index
      %parallel_loop3A_646 = arith.index_cast %parallel_loop3A_643 : i32 to index
      %parallel_loop3A_647 = tpu.vector_load %arg9[%parallel_loop3A_645, %parallel_loop3A_646] {strides = array<i32>} : memref<1x50176xf32, #tpu.memory_space<vmem>>, vector<1x16xf32>,
      %parallel_loop3A_648 = vector.shape_cast %parallel_loop3A_647 : vector<1x16xf32> to vector<16xf32>
      %parallel_loop3A_649 = arith.index_cast %parallel_loop3A_528 : i32 to index
      %parallel_loop3A_650 = arith.constant 144 : index
      %parallel_loop3A_651 = tpu.vector_load %arg10[%parallel_loop3A_649, %parallel_loop3A_650] {strides = array<i32>} : memref<112x224xf32, #tpu.memory_space<vmem>>, vector<1x16xf32>,
      %parallel_loop3A_652 = vector.shape_cast %parallel_loop3A_651 : vector<1x16xf32> to vector<16xf32>
      %parallel_loop3A_653 = vector.shape_cast %parallel_loop3A_648 : vector<16xf32> to vector<1x16xf32>
      tpu.vector_store %arg10[%parallel_loop3A_649, %parallel_loop3A_650], %parallel_loop3A_653 {strides = array<i32>} : memref<112x224xf32, #tpu.memory_space<vmem>>, vector<1x16xf32>,
      %parallel_loop3A_654 = arith.constant 160 : i32
      %parallel_loop3A_655 = arith.addi %parallel_loop3A_533, %parallel_loop3A_654 : i32
      %parallel_loop3A_656 = arith.constant 0 : i32
      %parallel_loop3A_657 = arith.index_cast %parallel_loop3A_656 : i32 to index
      %parallel_loop3A_658 = arith.index_cast %parallel_loop3A_655 : i32 to index
      %parallel_loop3A_659 = tpu.vector_load %arg9[%parallel_loop3A_657, %parallel_loop3A_658] {strides = array<i32>} : memref<1x50176xf32, #tpu.memory_space<vmem>>, vector<1x16xf32>,
      %parallel_loop3A_660 = vector.shape_cast %parallel_loop3A_659 : vector<1x16xf32> to vector<16xf32>
      %parallel_loop3A_661 = arith.index_cast %parallel_loop3A_528 : i32 to index
      %parallel_loop3A_662 = arith.constant 160 : index
      %parallel_loop3A_663 = tpu.vector_load %arg10[%parallel_loop3A_661, %parallel_loop3A_662] {strides = array<i32>} : memref<112x224xf32, #tpu.memory_space<vmem>>, vector<1x16xf32>,
      %parallel_loop3A_664 = vector.shape_cast %parallel_loop3A_663 : vector<1x16xf32> to vector<16xf32>
      %parallel_loop3A_665 = vector.shape_cast %parallel_loop3A_660 : vector<16xf32> to vector<1x16xf32>
      tpu.vector_store %arg10[%parallel_loop3A_661, %parallel_loop3A_662], %parallel_loop3A_665 {strides = array<i32>} : memref<112x224xf32, #tpu.memory_space<vmem>>, vector<1x16xf32>,
      %parallel_loop3A_666 = arith.constant 176 : i32
      %parallel_loop3A_667 = arith.addi %parallel_loop3A_533, %parallel_loop3A_666 : i32
      %parallel_loop3A_668 = arith.constant 0 : i32
      %parallel_loop3A_669 = arith.index_cast %parallel_loop3A_668 : i32 to index
      %parallel_loop3A_670 = arith.index_cast %parallel_loop3A_667 : i32 to index
      %parallel_loop3A_671 = tpu.vector_load %arg9[%parallel_loop3A_669, %parallel_loop3A_670] {strides = array<i32>} : memref<1x50176xf32, #tpu.memory_space<vmem>>, vector<1x16xf32>,
      %parallel_loop3A_672 = vector.shape_cast %parallel_loop3A_671 : vector<1x16xf32> to vector<16xf32>
      %parallel_loop3A_673 = arith.index_cast %parallel_loop3A_528 : i32 to index
      %parallel_loop3A_674 = arith.constant 176 : index
      %parallel_loop3A_675 = tpu.vector_load %arg10[%parallel_loop3A_673, %parallel_loop3A_674] {strides = array<i32>} : memref<112x224xf32, #tpu.memory_space<vmem>>, vector<1x16xf32>,
      %parallel_loop3A_676 = vector.shape_cast %parallel_loop3A_675 : vector<1x16xf32> to vector<16xf32>
      %parallel_loop3A_677 = vector.shape_cast %parallel_loop3A_672 : vector<16xf32> to vector<1x16xf32>
      tpu.vector_store %arg10[%parallel_loop3A_673, %parallel_loop3A_674], %parallel_loop3A_677 {strides = array<i32>} : memref<112x224xf32, #tpu.memory_space<vmem>>, vector<1x16xf32>,
      %parallel_loop3A_678 = arith.constant 192 : i32
      %parallel_loop3A_679 = arith.addi %parallel_loop3A_533, %parallel_loop3A_678 : i32
      %parallel_loop3A_680 = arith.constant 0 : i32
      %parallel_loop3A_681 = arith.index_cast %parallel_loop3A_680 : i32 to index
      %parallel_loop3A_682 = arith.index_cast %parallel_loop3A_679 : i32 to index
      %parallel_loop3A_683 = tpu.vector_load %arg9[%parallel_loop3A_681, %parallel_loop3A_682] {strides = array<i32>} : memref<1x50176xf32, #tpu.memory_space<vmem>>, vector<1x16xf32>,
      %parallel_loop3A_684 = vector.shape_cast %parallel_loop3A_683 : vector<1x16xf32> to vector<16xf32>
      %parallel_loop3A_685 = arith.index_cast %parallel_loop3A_528 : i32 to index
      %parallel_loop3A_686 = arith.constant 192 : index
      %parallel_loop3A_687 = tpu.vector_load %arg10[%parallel_loop3A_685, %parallel_loop3A_686] {strides = array<i32>} : memref<112x224xf32, #tpu.memory_space<vmem>>, vector<1x16xf32>,
      %parallel_loop3A_688 = vector.shape_cast %parallel_loop3A_687 : vector<1x16xf32> to vector<16xf32>
      %parallel_loop3A_689 = vector.shape_cast %parallel_loop3A_684 : vector<16xf32> to vector<1x16xf32>
      tpu.vector_store %arg10[%parallel_loop3A_685, %parallel_loop3A_686], %parallel_loop3A_689 {strides = array<i32>} : memref<112x224xf32, #tpu.memory_space<vmem>>, vector<1x16xf32>,
      %parallel_loop3A_690 = arith.constant 208 : i32
      %parallel_loop3A_691 = arith.addi %parallel_loop3A_533, %parallel_loop3A_690 : i32
      %parallel_loop3A_692 = arith.constant 0 : i32
      %parallel_loop3A_693 = arith.index_cast %parallel_loop3A_692 : i32 to index
      %parallel_loop3A_694 = arith.index_cast %parallel_loop3A_691 : i32 to index
      %parallel_loop3A_695 = tpu.vector_load %arg9[%parallel_loop3A_693, %parallel_loop3A_694] {strides = array<i32>} : memref<1x50176xf32, #tpu.memory_space<vmem>>, vector<1x16xf32>,
      %parallel_loop3A_696 = vector.shape_cast %parallel_loop3A_695 : vector<1x16xf32> to vector<16xf32>
      %parallel_loop3A_697 = arith.index_cast %parallel_loop3A_528 : i32 to index
      %parallel_loop3A_698 = arith.constant 208 : index
      %parallel_loop3A_699 = tpu.vector_load %arg10[%parallel_loop3A_697, %parallel_loop3A_698] {strides = array<i32>} : memref<112x224xf32, #tpu.memory_space<vmem>>, vector<1x16xf32>,
      %parallel_loop3A_700 = vector.shape_cast %parallel_loop3A_699 : vector<1x16xf32> to vector<16xf32>
      %parallel_loop3A_701 = vector.shape_cast %parallel_loop3A_696 : vector<16xf32> to vector<1x16xf32>
      tpu.vector_store %arg10[%parallel_loop3A_697, %parallel_loop3A_698], %parallel_loop3A_701 {strides = array<i32>} : memref<112x224xf32, #tpu.memory_space<vmem>>, vector<1x16xf32>,
    } {sc.loop_unroll_factor = 8 : i64, sc.parallel_access}
    %dma_start3A_480 = arith.constant 1 : i32
    %dma_start3A_481 = arith.constant 0 : i32
    %dma_start3A_482 = arith.constant 0 : i32
    %dma_start3A_483 = tpu.memref_slice %arg7[%add3A_460, %dma_start3A_480, %dma_start3A_481, %dma_start3A_482] : memref<64x4x224x224xf32, #tpu.memory_space<hbm>> -> memref<1x1x112x224xf32, #tpu.memory_space<hbm>>
    %dma_start3A_484 = tpu.memref_squeeze %dma_start3A_483 : memref<1x1x112x224xf32, #tpu.memory_space<hbm>> -> memref<112x224xf32, #tpu.memory_space<hbm>>
    %dma_start3A_485 = arith.constant 0 : i32
    %dma_start3A_486 = arith.constant 0 : i32
    %dma_start3A_487 = tpu.memref_slice %arg7[%add3A_460, %dma_start3A_480, %dma_start3A_485, %dma_start3A_486] : memref<64x4x224x224xf32, #tpu.memory_space<hbm>> -> memref<1x1x112x224xf32, #tpu.memory_space<hbm>>
    %dma_start3A_488 = tpu.memref_squeeze %dma_start3A_487 : memref<1x1x112x224xf32, #tpu.memory_space<hbm>> -> memref<112x224xf32, #tpu.memory_space<hbm>>
    tpu.enqueue_dma source(%arg10 : memref<112x224xf32, #tpu.memory_space<vmem>>) target(%dma_start3A_488 : memref<112x224xf32, #tpu.memory_space<hbm>>) target_semaphore(%arg15 : memref<!tpu.dma_semaphore, #tpu.memory_space<semaphore_mem>>)
    %dma_wait3A_489 = arith.constant 3 : i32
    %dma_wait3A_490 = arith.constant 112 : i32
    %dma_wait3A_491 = arith.constant 0 : i32
    %dma_wait3A_492 = tpu.memref_slice %arg7[%add3A_386, %dma_wait3A_489, %dma_wait3A_490, %dma_wait3A_491] : memref<64x4x224x224xf32, #tpu.memory_space<hbm>> -> memref<1x1x112x224xf32, #tpu.memory_space<hbm>>
    %dma_wait3A_493 = tpu.memref_squeeze %dma_wait3A_492 : memref<1x1x112x224xf32, #tpu.memory_space<hbm>> -> memref<112x224xf32, #tpu.memory_space<hbm>>
    %dma_wait3A_494 = arith.constant 112 : i32
    %dma_wait3A_495 = arith.constant 0 : i32
    %dma_wait3A_496 = tpu.memref_slice %arg7[%add3A_386, %dma_wait3A_489, %dma_wait3A_494, %dma_wait3A_495] : memref<64x4x224x224xf32, #tpu.memory_space<hbm>> -> memref<1x1x112x224xf32, #tpu.memory_space<hbm>>
    %dma_wait3A_497 = tpu.memref_squeeze %dma_wait3A_496 : memref<1x1x112x224xf32, #tpu.memory_space<hbm>> -> memref<112x224xf32, #tpu.memory_space<hbm>>
    tpu.wait_dma2 semaphore(%arg16 : memref<!tpu.dma_semaphore, #tpu.memory_space<semaphore_mem>>) src(%arg11 : memref<112x224xf32, #tpu.memory_space<vmem>>) dst(%dma_wait3A_497 : memref<112x224xf32, #tpu.memory_space<hbm>>)
    %parallel_loop3A_498 = arith.constant 0 : i32
    %parallel_loop3A_499 = arith.constant 112 : i32
    %parallel_loop3A_500 = arith.constant 1 : i32
    scf.for %parallel_loop3A_528 = %parallel_loop3A_498 to %parallel_loop3A_499 step %parallel_loop3A_500  : i32 {
      %parallel_loop3A_529 = arith.constant 112 : i32
      %parallel_loop3A_530 = arith.addi %parallel_loop3A_529, %parallel_loop3A_528 : i32
      %parallel_loop3A_531 = arith.constant 224 : i32
      %parallel_loop3A_532 = arith.muli %parallel_loop3A_530, %parallel_loop3A_531 : i32
      %parallel_loop3A_533 = tpu.assume_multiple %parallel_loop3A_532, 16 : i32
      %parallel_loop3A_534 = arith.constant 0 : i32
      %parallel_loop3A_535 = arith.addi %parallel_loop3A_533, %parallel_loop3A_534 : i32
      %parallel_loop3A_536 = arith.constant 0 : i32
      %parallel_loop3A_537 = arith.index_cast %parallel_loop3A_536 : i32 to index
      %parallel_loop3A_538 = arith.index_cast %parallel_loop3A_535 : i32 to index
      %parallel_loop3A_539 = tpu.vector_load %arg9[%parallel_loop3A_537, %parallel_loop3A_538] {strides = array<i32>} : memref<1x50176xf32, #tpu.memory_space<vmem>>, vector<1x16xf32>,
      %parallel_loop3A_540 = vector.shape_cast %parallel_loop3A_539 : vector<1x16xf32> to vector<16xf32>
      %parallel_loop3A_541 = arith.index_cast %parallel_loop3A_528 : i32 to index
      %parallel_loop3A_542 = arith.constant 0 : index
      %parallel_loop3A_543 = tpu.vector_load %arg11[%parallel_loop3A_541, %parallel_loop3A_542] {strides = array<i32>} : memref<112x224xf32, #tpu.memory_space<vmem>>, vector<1x16xf32>,
      %parallel_loop3A_544 = vector.shape_cast %parallel_loop3A_543 : vector<1x16xf32> to vector<16xf32>
      %parallel_loop3A_545 = vector.shape_cast %parallel_loop3A_540 : vector<16xf32> to vector<1x16xf32>
      tpu.vector_store %arg11[%parallel_loop3A_541, %parallel_loop3A_542], %parallel_loop3A_545 {strides = array<i32>} : memref<112x224xf32, #tpu.memory_space<vmem>>, vector<1x16xf32>,
      %parallel_loop3A_546 = arith.constant 16 : i32
      %parallel_loop3A_547 = arith.addi %parallel_loop3A_533, %parallel_loop3A_546 : i32
      %parallel_loop3A_548 = arith.constant 0 : i32
      %parallel_loop3A_549 = arith.index_cast %parallel_loop3A_548 : i32 to index
      %parallel_loop3A_550 = arith.index_cast %parallel_loop3A_547 : i32 to index
      %parallel_loop3A_551 = tpu.vector_load %arg9[%parallel_loop3A_549, %parallel_loop3A_550] {strides = array<i32>} : memref<1x50176xf32, #tpu.memory_space<vmem>>, vector<1x16xf32>,
      %parallel_loop3A_552 = vector.shape_cast %parallel_loop3A_551 : vector<1x16xf32> to vector<16xf32>
      %parallel_loop3A_553 = arith.index_cast %parallel_loop3A_528 : i32 to index
      %parallel_loop3A_554 = arith.constant 16 : index
      %parallel_loop3A_555 = tpu.vector_load %arg11[%parallel_loop3A_553, %parallel_loop3A_554] {strides = array<i32>} : memref<112x224xf32, #tpu.memory_space<vmem>>, vector<1x16xf32>,
      %parallel_loop3A_556 = vector.shape_cast %parallel_loop3A_555 : vector<1x16xf32> to vector<16xf32>
      %parallel_loop3A_557 = vector.shape_cast %parallel_loop3A_552 : vector<16xf32> to vector<1x16xf32>
      tpu.vector_store %arg11[%parallel_loop3A_553, %parallel_loop3A_554], %parallel_loop3A_557 {strides = array<i32>} : memref<112x224xf32, #tpu.memory_space<vmem>>, vector<1x16xf32>,
      %parallel_loop3A_558 = arith.constant 32 : i32
      %parallel_loop3A_559 = arith.addi %parallel_loop3A_533, %parallel_loop3A_558 : i32
      %parallel_loop3A_560 = arith.constant 0 : i32
      %parallel_loop3A_561 = arith.index_cast %parallel_loop3A_560 : i32 to index
      %parallel_loop3A_562 = arith.index_cast %parallel_loop3A_559 : i32 to index
      %parallel_loop3A_563 = tpu.vector_load %arg9[%parallel_loop3A_561, %parallel_loop3A_562] {strides = array<i32>} : memref<1x50176xf32, #tpu.memory_space<vmem>>, vector<1x16xf32>,
      %parallel_loop3A_564 = vector.shape_cast %parallel_loop3A_563 : vector<1x16xf32> to vector<16xf32>
      %parallel_loop3A_565 = arith.index_cast %parallel_loop3A_528 : i32 to index
      %parallel_loop3A_566 = arith.constant 32 : index
      %parallel_loop3A_567 = tpu.vector_load %arg11[%parallel_loop3A_565, %parallel_loop3A_566] {strides = array<i32>} : memref<112x224xf32, #tpu.memory_space<vmem>>, vector<1x16xf32>,
      %parallel_loop3A_568 = vector.shape_cast %parallel_loop3A_567 : vector<1x16xf32> to vector<16xf32>
      %parallel_loop3A_569 = vector.shape_cast %parallel_loop3A_564 : vector<16xf32> to vector<1x16xf32>
      tpu.vector_store %arg11[%parallel_loop3A_565, %parallel_loop3A_566], %parallel_loop3A_569 {strides = array<i32>} : memref<112x224xf32, #tpu.memory_space<vmem>>, vector<1x16xf32>,
      %parallel_loop3A_570 = arith.constant 48 : i32
      %parallel_loop3A_571 = arith.addi %parallel_loop3A_533, %parallel_loop3A_570 : i32
      %parallel_loop3A_572 = arith.constant 0 : i32
      %parallel_loop3A_573 = arith.index_cast %parallel_loop3A_572 : i32 to index
      %parallel_loop3A_574 = arith.index_cast %parallel_loop3A_571 : i32 to index
      %parallel_loop3A_575 = tpu.vector_load %arg9[%parallel_loop3A_573, %parallel_loop3A_574] {strides = array<i32>} : memref<1x50176xf32, #tpu.memory_space<vmem>>, vector<1x16xf32>,
      %parallel_loop3A_576 = vector.shape_cast %parallel_loop3A_575 : vector<1x16xf32> to vector<16xf32>
      %parallel_loop3A_577 = arith.index_cast %parallel_loop3A_528 : i32 to index
      %parallel_loop3A_578 = arith.constant 48 : index
      %parallel_loop3A_579 = tpu.vector_load %arg11[%parallel_loop3A_577, %parallel_loop3A_578] {strides = array<i32>} : memref<112x224xf32, #tpu.memory_space<vmem>>, vector<1x16xf32>,
      %parallel_loop3A_580 = vector.shape_cast %parallel_loop3A_579 : vector<1x16xf32> to vector<16xf32>
      %parallel_loop3A_581 = vector.shape_cast %parallel_loop3A_576 : vector<16xf32> to vector<1x16xf32>
      tpu.vector_store %arg11[%parallel_loop3A_577, %parallel_loop3A_578], %parallel_loop3A_581 {strides = array<i32>} : memref<112x224xf32, #tpu.memory_space<vmem>>, vector<1x16xf32>,
      %parallel_loop3A_582 = arith.constant 64 : i32
      %parallel_loop3A_583 = arith.addi %parallel_loop3A_533, %parallel_loop3A_582 : i32
      %parallel_loop3A_584 = arith.constant 0 : i32
      %parallel_loop3A_585 = arith.index_cast %parallel_loop3A_584 : i32 to index
      %parallel_loop3A_586 = arith.index_cast %parallel_loop3A_583 : i32 to index
      %parallel_loop3A_587 = tpu.vector_load %arg9[%parallel_loop3A_585, %parallel_loop3A_586] {strides = array<i32>} : memref<1x50176xf32, #tpu.memory_space<vmem>>, vector<1x16xf32>,
      %parallel_loop3A_588 = vector.shape_cast %parallel_loop3A_587 : vector<1x16xf32> to vector<16xf32>
      %parallel_loop3A_589 = arith.index_cast %parallel_loop3A_528 : i32 to index
      %parallel_loop3A_590 = arith.constant 64 : index
      %parallel_loop3A_591 = tpu.vector_load %arg11[%parallel_loop3A_589, %parallel_loop3A_590] {strides = array<i32>} : memref<112x224xf32, #tpu.memory_space<vmem>>, vector<1x16xf32>,
      %parallel_loop3A_592 = vector.shape_cast %parallel_loop3A_591 : vector<1x16xf32> to vector<16xf32>
      %parallel_loop3A_593 = vector.shape_cast %parallel_loop3A_588 : vector<16xf32> to vector<1x16xf32>
      tpu.vector_store %arg11[%parallel_loop3A_589, %parallel_loop3A_590], %parallel_loop3A_593 {strides = array<i32>} : memref<112x224xf32, #tpu.memory_space<vmem>>, vector<1x16xf32>,
      %parallel_loop3A_594 = arith.constant 80 : i32
      %parallel_loop3A_595 = arith.addi %parallel_loop3A_533, %parallel_loop3A_594 : i32
      %parallel_loop3A_596 = arith.constant 0 : i32
      %parallel_loop3A_597 = arith.index_cast %parallel_loop3A_596 : i32 to index
      %parallel_loop3A_598 = arith.index_cast %parallel_loop3A_595 : i32 to index
      %parallel_loop3A_599 = tpu.vector_load %arg9[%parallel_loop3A_597, %parallel_loop3A_598] {strides = array<i32>} : memref<1x50176xf32, #tpu.memory_space<vmem>>, vector<1x16xf32>,
      %parallel_loop3A_600 = vector.shape_cast %parallel_loop3A_599 : vector<1x16xf32> to vector<16xf32>
      %parallel_loop3A_601 = arith.index_cast %parallel_loop3A_528 : i32 to index
      %parallel_loop3A_602 = arith.constant 80 : index
      %parallel_loop3A_603 = tpu.vector_load %arg11[%parallel_loop3A_601, %parallel_loop3A_602] {strides = array<i32>} : memref<112x224xf32, #tpu.memory_space<vmem>>, vector<1x16xf32>,
      %parallel_loop3A_604 = vector.shape_cast %parallel_loop3A_603 : vector<1x16xf32> to vector<16xf32>
      %parallel_loop3A_605 = vector.shape_cast %parallel_loop3A_600 : vector<16xf32> to vector<1x16xf32>
      tpu.vector_store %arg11[%parallel_loop3A_601, %parallel_loop3A_602], %parallel_loop3A_605 {strides = array<i32>} : memref<112x224xf32, #tpu.memory_space<vmem>>, vector<1x16xf32>,
      %parallel_loop3A_606 = arith.constant 96 : i32
      %parallel_loop3A_607 = arith.addi %parallel_loop3A_533, %parallel_loop3A_606 : i32
      %parallel_loop3A_608 = arith.constant 0 : i32
      %parallel_loop3A_609 = arith.index_cast %parallel_loop3A_608 : i32 to index
      %parallel_loop3A_610 = arith.index_cast %parallel_loop3A_607 : i32 to index
      %parallel_loop3A_611 = tpu.vector_load %arg9[%parallel_loop3A_609, %parallel_loop3A_610] {strides = array<i32>} : memref<1x50176xf32, #tpu.memory_space<vmem>>, vector<1x16xf32>,
      %parallel_loop3A_612 = vector.shape_cast %parallel_loop3A_611 : vector<1x16xf32> to vector<16xf32>
      %parallel_loop3A_613 = arith.index_cast %parallel_loop3A_528 : i32 to index
      %parallel_loop3A_614 = arith.constant 96 : index
      %parallel_loop3A_615 = tpu.vector_load %arg11[%parallel_loop3A_613, %parallel_loop3A_614] {strides = array<i32>} : memref<112x224xf32, #tpu.memory_space<vmem>>, vector<1x16xf32>,
      %parallel_loop3A_616 = vector.shape_cast %parallel_loop3A_615 : vector<1x16xf32> to vector<16xf32>
      %parallel_loop3A_617 = vector.shape_cast %parallel_loop3A_612 : vector<16xf32> to vector<1x16xf32>
      tpu.vector_store %arg11[%parallel_loop3A_613, %parallel_loop3A_614], %parallel_loop3A_617 {strides = array<i32>} : memref<112x224xf32, #tpu.memory_space<vmem>>, vector<1x16xf32>,
      %parallel_loop3A_618 = arith.constant 112 : i32
      %parallel_loop3A_619 = arith.addi %parallel_loop3A_533, %parallel_loop3A_618 : i32
      %parallel_loop3A_620 = arith.constant 0 : i32
      %parallel_loop3A_621 = arith.index_cast %parallel_loop3A_620 : i32 to index
      %parallel_loop3A_622 = arith.index_cast %parallel_loop3A_619 : i32 to index
      %parallel_loop3A_623 = tpu.vector_load %arg9[%parallel_loop3A_621, %parallel_loop3A_622] {strides = array<i32>} : memref<1x50176xf32, #tpu.memory_space<vmem>>, vector<1x16xf32>,
      %parallel_loop3A_624 = vector.shape_cast %parallel_loop3A_623 : vector<1x16xf32> to vector<16xf32>
      %parallel_loop3A_625 = arith.index_cast %parallel_loop3A_528 : i32 to index
      %parallel_loop3A_626 = arith.constant 112 : index
      %parallel_loop3A_627 = tpu.vector_load %arg11[%parallel_loop3A_625, %parallel_loop3A_626] {strides = array<i32>} : memref<112x224xf32, #tpu.memory_space<vmem>>, vector<1x16xf32>,
      %parallel_loop3A_628 = vector.shape_cast %parallel_loop3A_627 : vector<1x16xf32> to vector<16xf32>
      %parallel_loop3A_629 = vector.shape_cast %parallel_loop3A_624 : vector<16xf32> to vector<1x16xf32>
      tpu.vector_store %arg11[%parallel_loop3A_625, %parallel_loop3A_626], %parallel_loop3A_629 {strides = array<i32>} : memref<112x224xf32, #tpu.memory_space<vmem>>, vector<1x16xf32>,
      %parallel_loop3A_630 = arith.constant 128 : i32
      %parallel_loop3A_631 = arith.addi %parallel_loop3A_533, %parallel_loop3A_630 : i32
      %parallel_loop3A_632 = arith.constant 0 : i32
      %parallel_loop3A_633 = arith.index_cast %parallel_loop3A_632 : i32 to index
      %parallel_loop3A_634 = arith.index_cast %parallel_loop3A_631 : i32 to index
      %parallel_loop3A_635 = tpu.vector_load %arg9[%parallel_loop3A_633, %parallel_loop3A_634] {strides = array<i32>} : memref<1x50176xf32, #tpu.memory_space<vmem>>, vector<1x16xf32>,
      %parallel_loop3A_636 = vector.shape_cast %parallel_loop3A_635 : vector<1x16xf32> to vector<16xf32>
      %parallel_loop3A_637 = arith.index_cast %parallel_loop3A_528 : i32 to index
      %parallel_loop3A_638 = arith.constant 128 : index
      %parallel_loop3A_639 = tpu.vector_load %arg11[%parallel_loop3A_637, %parallel_loop3A_638] {strides = array<i32>} : memref<112x224xf32, #tpu.memory_space<vmem>>, vector<1x16xf32>,
      %parallel_loop3A_640 = vector.shape_cast %parallel_loop3A_639 : vector<1x16xf32> to vector<16xf32>
      %parallel_loop3A_641 = vector.shape_cast %parallel_loop3A_636 : vector<16xf32> to vector<1x16xf32>
      tpu.vector_store %arg11[%parallel_loop3A_637, %parallel_loop3A_638], %parallel_loop3A_641 {strides = array<i32>} : memref<112x224xf32, #tpu.memory_space<vmem>>, vector<1x16xf32>,
      %parallel_loop3A_642 = arith.constant 144 : i32
      %parallel_loop3A_643 = arith.addi %parallel_loop3A_533, %parallel_loop3A_642 : i32
      %parallel_loop3A_644 = arith.constant 0 : i32
      %parallel_loop3A_645 = arith.index_cast %parallel_loop3A_644 : i32 to index
      %parallel_loop3A_646 = arith.index_cast %parallel_loop3A_643 : i32 to index
      %parallel_loop3A_647 = tpu.vector_load %arg9[%parallel_loop3A_645, %parallel_loop3A_646] {strides = array<i32>} : memref<1x50176xf32, #tpu.memory_space<vmem>>, vector<1x16xf32>,
      %parallel_loop3A_648 = vector.shape_cast %parallel_loop3A_647 : vector<1x16xf32> to vector<16xf32>
      %parallel_loop3A_649 = arith.index_cast %parallel_loop3A_528 : i32 to index
      %parallel_loop3A_650 = arith.constant 144 : index
      %parallel_loop3A_651 = tpu.vector_load %arg11[%parallel_loop3A_649, %parallel_loop3A_650] {strides = array<i32>} : memref<112x224xf32, #tpu.memory_space<vmem>>, vector<1x16xf32>,
      %parallel_loop3A_652 = vector.shape_cast %parallel_loop3A_651 : vector<1x16xf32> to vector<16xf32>
      %parallel_loop3A_653 = vector.shape_cast %parallel_loop3A_648 : vector<16xf32> to vector<1x16xf32>
      tpu.vector_store %arg11[%parallel_loop3A_649, %parallel_loop3A_650], %parallel_loop3A_653 {strides = array<i32>} : memref<112x224xf32, #tpu.memory_space<vmem>>, vector<1x16xf32>,
      %parallel_loop3A_654 = arith.constant 160 : i32
      %parallel_loop3A_655 = arith.addi %parallel_loop3A_533, %parallel_loop3A_654 : i32
      %parallel_loop3A_656 = arith.constant 0 : i32
      %parallel_loop3A_657 = arith.index_cast %parallel_loop3A_656 : i32 to index
      %parallel_loop3A_658 = arith.index_cast %parallel_loop3A_655 : i32 to index
      %parallel_loop3A_659 = tpu.vector_load %arg9[%parallel_loop3A_657, %parallel_loop3A_658] {strides = array<i32>} : memref<1x50176xf32, #tpu.memory_space<vmem>>, vector<1x16xf32>,
      %parallel_loop3A_660 = vector.shape_cast %parallel_loop3A_659 : vector<1x16xf32> to vector<16xf32>
      %parallel_loop3A_661 = arith.index_cast %parallel_loop3A_528 : i32 to index
      %parallel_loop3A_662 = arith.constant 160 : index
      %parallel_loop3A_663 = tpu.vector_load %arg11[%parallel_loop3A_661, %parallel_loop3A_662] {strides = array<i32>} : memref<112x224xf32, #tpu.memory_space<vmem>>, vector<1x16xf32>,
      %parallel_loop3A_664 = vector.shape_cast %parallel_loop3A_663 : vector<1x16xf32> to vector<16xf32>
      %parallel_loop3A_665 = vector.shape_cast %parallel_loop3A_660 : vector<16xf32> to vector<1x16xf32>
      tpu.vector_store %arg11[%parallel_loop3A_661, %parallel_loop3A_662], %parallel_loop3A_665 {strides = array<i32>} : memref<112x224xf32, #tpu.memory_space<vmem>>, vector<1x16xf32>,
      %parallel_loop3A_666 = arith.constant 176 : i32
      %parallel_loop3A_667 = arith.addi %parallel_loop3A_533, %parallel_loop3A_666 : i32
      %parallel_loop3A_668 = arith.constant 0 : i32
      %parallel_loop3A_669 = arith.index_cast %parallel_loop3A_668 : i32 to index
      %parallel_loop3A_670 = arith.index_cast %parallel_loop3A_667 : i32 to index
      %parallel_loop3A_671 = tpu.vector_load %arg9[%parallel_loop3A_669, %parallel_loop3A_670] {strides = array<i32>} : memref<1x50176xf32, #tpu.memory_space<vmem>>, vector<1x16xf32>,
      %parallel_loop3A_672 = vector.shape_cast %parallel_loop3A_671 : vector<1x16xf32> to vector<16xf32>
      %parallel_loop3A_673 = arith.index_cast %parallel_loop3A_528 : i32 to index
      %parallel_loop3A_674 = arith.constant 176 : index
      %parallel_loop3A_675 = tpu.vector_load %arg11[%parallel_loop3A_673, %parallel_loop3A_674] {strides = array<i32>} : memref<112x224xf32, #tpu.memory_space<vmem>>, vector<1x16xf32>,
      %parallel_loop3A_676 = vector.shape_cast %parallel_loop3A_675 : vector<1x16xf32> to vector<16xf32>
      %parallel_loop3A_677 = vector.shape_cast %parallel_loop3A_672 : vector<16xf32> to vector<1x16xf32>
      tpu.vector_store %arg11[%parallel_loop3A_673, %parallel_loop3A_674], %parallel_loop3A_677 {strides = array<i32>} : memref<112x224xf32, #tpu.memory_space<vmem>>, vector<1x16xf32>,
      %parallel_loop3A_678 = arith.constant 192 : i32
      %parallel_loop3A_679 = arith.addi %parallel_loop3A_533, %parallel_loop3A_678 : i32
      %parallel_loop3A_680 = arith.constant 0 : i32
      %parallel_loop3A_681 = arith.index_cast %parallel_loop3A_680 : i32 to index
      %parallel_loop3A_682 = arith.index_cast %parallel_loop3A_679 : i32 to index
      %parallel_loop3A_683 = tpu.vector_load %arg9[%parallel_loop3A_681, %parallel_loop3A_682] {strides = array<i32>} : memref<1x50176xf32, #tpu.memory_space<vmem>>, vector<1x16xf32>,
      %parallel_loop3A_684 = vector.shape_cast %parallel_loop3A_683 : vector<1x16xf32> to vector<16xf32>
      %parallel_loop3A_685 = arith.index_cast %parallel_loop3A_528 : i32 to index
      %parallel_loop3A_686 = arith.constant 192 : index
      %parallel_loop3A_687 = tpu.vector_load %arg11[%parallel_loop3A_685, %parallel_loop3A_686] {strides = array<i32>} : memref<112x224xf32, #tpu.memory_space<vmem>>, vector<1x16xf32>,
      %parallel_loop3A_688 = vector.shape_cast %parallel_loop3A_687 : vector<1x16xf32> to vector<16xf32>
      %parallel_loop3A_689 = vector.shape_cast %parallel_loop3A_684 : vector<16xf32> to vector<1x16xf32>
      tpu.vector_store %arg11[%parallel_loop3A_685, %parallel_loop3A_686], %parallel_loop3A_689 {strides = array<i32>} : memref<112x224xf32, #tpu.memory_space<vmem>>, vector<1x16xf32>,
      %parallel_loop3A_690 = arith.constant 208 : i32
      %parallel_loop3A_691 = arith.addi %parallel_loop3A_533, %parallel_loop3A_690 : i32
      %parallel_loop3A_692 = arith.constant 0 : i32
      %parallel_loop3A_693 = arith.index_cast %parallel_loop3A_692 : i32 to index
      %parallel_loop3A_694 = arith.index_cast %parallel_loop3A_691 : i32 to index
      %parallel_loop3A_695 = tpu.vector_load %arg9[%parallel_loop3A_693, %parallel_loop3A_694] {strides = array<i32>} : memref<1x50176xf32, #tpu.memory_space<vmem>>, vector<1x16xf32>,
      %parallel_loop3A_696 = vector.shape_cast %parallel_loop3A_695 : vector<1x16xf32> to vector<16xf32>
      %parallel_loop3A_697 = arith.index_cast %parallel_loop3A_528 : i32 to index
      %parallel_loop3A_698 = arith.constant 208 : index
      %parallel_loop3A_699 = tpu.vector_load %arg11[%parallel_loop3A_697, %parallel_loop3A_698] {strides = array<i32>} : memref<112x224xf32, #tpu.memory_space<vmem>>, vector<1x16xf32>,
      %parallel_loop3A_700 = vector.shape_cast %parallel_loop3A_699 : vector<1x16xf32> to vector<16xf32>
      %parallel_loop3A_701 = vector.shape_cast %parallel_loop3A_696 : vector<16xf32> to vector<1x16xf32>
      tpu.vector_store %arg11[%parallel_loop3A_697, %parallel_loop3A_698], %parallel_loop3A_701 {strides = array<i32>} : memref<112x224xf32, #tpu.memory_space<vmem>>, vector<1x16xf32>,
    } {sc.loop_unroll_factor = 8 : i64, sc.parallel_access}
    %dma_start3A_501 = arith.constant 1 : i32
    %dma_start3A_502 = arith.constant 112 : i32
    %dma_start3A_503 = arith.constant 0 : i32
    %dma_start3A_504 = tpu.memref_slice %arg7[%add3A_460, %dma_start3A_501, %dma_start3A_502, %dma_start3A_503] : memref<64x4x224x224xf32, #tpu.memory_space<hbm>> -> memref<1x1x112x224xf32, #tpu.memory_space<hbm>>
    %dma_start3A_505 = tpu.memref_squeeze %dma_start3A_504 : memref<1x1x112x224xf32, #tpu.memory_space<hbm>> -> memref<112x224xf32, #tpu.memory_space<hbm>>
    %dma_start3A_506 = arith.constant 112 : i32
    %dma_start3A_507 = arith.constant 0 : i32
    %dma_start3A_508 = tpu.memref_slice %arg7[%add3A_460, %dma_start3A_501, %dma_start3A_506, %dma_start3A_507] : memref<64x4x224x224xf32, #tpu.memory_space<hbm>> -> memref<1x1x112x224xf32, #tpu.memory_space<hbm>>
    %dma_start3A_509 = tpu.memref_squeeze %dma_start3A_508 : memref<1x1x112x224xf32, #tpu.memory_space<hbm>> -> memref<112x224xf32, #tpu.memory_space<hbm>>
    tpu.enqueue_dma source(%arg11 : memref<112x224xf32, #tpu.memory_space<vmem>>) target(%dma_start3A_509 : memref<112x224xf32, #tpu.memory_space<hbm>>) target_semaphore(%arg16 : memref<!tpu.dma_semaphore, #tpu.memory_space<semaphore_mem>>)
    %dma_wait3A_510 = arith.constant 1 : i32
    %dma_wait3A_511 = arith.constant 0 : i32
    %dma_wait3A_512 = arith.constant 0 : i32
    %dma_wait3A_513 = tpu.memref_slice %arg7[%add3A_460, %dma_wait3A_510, %dma_wait3A_511, %dma_wait3A_512] : memref<64x4x224x224xf32, #tpu.memory_space<hbm>> -> memref<1x1x112x224xf32, #tpu.memory_space<hbm>>
    %dma_wait3A_514 = tpu.memref_squeeze %dma_wait3A_513 : memref<1x1x112x224xf32, #tpu.memory_space<hbm>> -> memref<112x224xf32, #tpu.memory_space<hbm>>
    %dma_wait3A_515 = arith.constant 0 : i32
    %dma_wait3A_516 = arith.constant 0 : i32
    %dma_wait3A_517 = tpu.memref_slice %arg7[%add3A_460, %dma_wait3A_510, %dma_wait3A_515, %dma_wait3A_516] : memref<64x4x224x224xf32, #tpu.memory_space<hbm>> -> memref<1x1x112x224xf32, #tpu.memory_space<hbm>>
    %dma_wait3A_518 = tpu.memref_squeeze %dma_wait3A_517 : memref<1x1x112x224xf32, #tpu.memory_space<hbm>> -> memref<112x224xf32, #tpu.memory_space<hbm>>
    tpu.wait_dma2 semaphore(%arg15 : memref<!tpu.dma_semaphore, #tpu.memory_space<semaphore_mem>>) src(%arg10 : memref<112x224xf32, #tpu.memory_space<vmem>>) dst(%dma_wait3A_518 : memref<112x224xf32, #tpu.memory_space<hbm>>)
    %dma_wait3A_519 = arith.constant 1 : i32
    %dma_wait3A_520 = arith.constant 112 : i32
    %dma_wait3A_521 = arith.constant 0 : i32
    %dma_wait3A_522 = tpu.memref_slice %arg7[%add3A_460, %dma_wait3A_519, %dma_wait3A_520, %dma_wait3A_521] : memref<64x4x224x224xf32, #tpu.memory_space<hbm>> -> memref<1x1x112x224xf32, #tpu.memory_space<hbm>>
    %dma_wait3A_523 = tpu.memref_squeeze %dma_wait3A_522 : memref<1x1x112x224xf32, #tpu.memory_space<hbm>> -> memref<112x224xf32, #tpu.memory_space<hbm>>
    %dma_wait3A_524 = arith.constant 112 : i32
    %dma_wait3A_525 = arith.constant 0 : i32
    %dma_wait3A_526 = tpu.memref_slice %arg7[%add3A_460, %dma_wait3A_519, %dma_wait3A_524, %dma_wait3A_525] : memref<64x4x224x224xf32, #tpu.memory_space<hbm>> -> memref<1x1x112x224xf32, #tpu.memory_space<hbm>>
    %dma_wait3A_527 = tpu.memref_squeeze %dma_wait3A_526 : memref<1x1x112x224xf32, #tpu.memory_space<hbm>> -> memref<112x224xf32, #tpu.memory_space<hbm>>
    tpu.wait_dma2 semaphore(%arg16 : memref<!tpu.dma_semaphore, #tpu.memory_space<semaphore_mem>>) src(%arg11 : memref<112x224xf32, #tpu.memory_space<vmem>>) dst(%dma_wait3A_527 : memref<112x224xf32, #tpu.memory_space<hbm>>)
    return
  }
}

</mosaic_0001>

<sc_bundles>
// kernel: _sc_gather_concat.3.cloned.1.call-start
scs
__scs_entry_jumppad:
0x0: {  	(pc) =	sbr.rel $0x88, $3  }
0x1: {  	(tag) =	ssettag $0x0;
	lr =	simm.s32 $0x1  }
0x2: {  	[smem:$0x3F9C] =	sst lr;
	_ =	strace $0xD0000000  }
0x3: {  	_ = 	snop  }
0x4: {  	_ = 	snop  }
0x5: {  	_ = 	snop  }
0x6: {  	_ = 	snop  }
0x7: {  	_ = 	snop  }
__scs_overlays_trampoline_lowered:
0x8: {  	[smem:$0x3FAB] =	sst s0  }
0x9: {  	[smem:$0x3FAC] =	sst s1  }
0xa: {  	[smem:$0x3FAD] =	sst s2  }
0xb: {  	[smem:$0x3FAE] =	sst s3  }
0xc: {  	[smem:$0x3FAF] =	sst s4  }
0xd: {  	[smem:$0x3FB0] =	sst s5  }
0xe: {  	[smem:$0x3FB1] =	sst s6  }
0xf: {  	[smem:$0x3FB2] =	sst s7  }
0x10: {  	[smem:$0x3FB3] =	sst s8  }
0x11: {  	[smem:$0x3FB4] =	sst s9;
	s0 =	simm.s32 @!p0 $0x0  }
0x12: {  	s1 =	sld [smem:$0x3F9A];
	s0 =	simm.s32 @p0 $0x1  }
0x13: {  	[smem:$0x3FB5] =	sst s0;
	s0 =	simm.s32 @!p1 $0x0  }
0x14: {  	s2 =	sld [smem:$0x3F99];
	s0 =	simm.s32 @p1 $0x1  }
0x15: {  	[smem:$0x3FB6] =	sst s0;
	s0 =	simm.s32 @!p2 $0x0  }
0x16: {  	s3 =	sld [smem:$0x3FDB];
	s0 =	simm.s32 @p2 $0x1  }
0x17: {  	s4 =	simm.s32 $0x1BF5;
	[smem:$0x3FB8] =	sst s0  }
0x18: {  	s0 =	sld [smem:$0x3F9B];
	_ =	swait.ge [sflag:s4], $0x0  }
0x19: {  	s7 =	sld [smem:$0x3F9C]  }
0x1a: {  	s8 =	sadd.s32 $0xFFFFE003, lr  }
0x1b: {  	s9 =	sadd.s32 $0xFFFFFEF7, lr;
	s5 =	simm.s32 $0xFFFFFFFF;
	p2 =	slt.u32 s8, $0xFFFFF086  }
0x1c: {  	p1 =	slt.u32 s9, $0xF7A;
	s5 =	simm.s32 @!p2 $0x0  }
0x1d: {  	s5 =	simm.s32 @p1 $0x1;
	p0 =	seq.s32 s7, s2  }
0x1e: {  	s7 =	smul.u32 @!p0 $0xF7A, s2;
	p2 =	seq.s32 @!p0 s5, $0x0  }
0x1f: {  	s9 =	smul.u32 $0xF7A, s1;
	s8 =	simm.s32 @!p0 $0x1BF5;
	p2 =	por !p2, p0  }
0x20: {  	[sflag:s8] =	ssyncset.s32 @!p0 $0xFFFFF086;
	s6 =	sadd.s32 @!p0 s3, s7;
	s7 =	simm.s32 @!p0 $0x108  }
0x21: {  	s3 =	sadd.s32 s3, s9;
	s6 =	sadd.s32 @!p0 $0x88, s6;
	s7 =	simm.s32 @p2 $0x1082  }
0x22: {  	[simem:s7], [sflag:s8] =	dma.local @!p0 [hbm:s6], $0xF7A  }
0x23: {  	s9 =	sor.u32 $0xD0000000, s2;
	s6 =	simm.s32 $0x108;
	_ =	swait.ge @!p0 [sflag:s8], $0x0  }
0x24: {  	s3 =	sadd.s32 $0x88, s3;
	s6 =	simm.s32 @!p1 $0x1082;
	[sflag:s4] =	ssyncset.s32 $0xFFFFF086  }
0x25: {  	[simem:s6], [sflag:s4] =	dma.local [hbm:s3], $0xF7A  }
0x26: {  	[smem:$0x3F9C] =	sst s1;
	(tag) =	ssettag s2;
	_ =	strace s9  }
0x27: {  	s1 =	sld [smem:$0x3FAC]  }
0x28: {  	s2 =	sld [smem:$0x3FAD]  }
0x29: {  	s4 =	sld [smem:$0x3FAF]  }
0x2a: {  	p0 =	seq.s32 s5, $0x0;
	s5 =	sld [smem:$0x3FB0]  }
0x2b: {  	s6 =	sld [smem:$0x3FB1]  }
0x2c: {  	s7 =	sld [smem:$0x3FB2]  }
0x2d: {  	s3 =	simm.s32 $0x108;
	s8 =	sld [smem:$0x3FB3]  }
0x2e: {  	s3 =	simm.s32 @!p0 $0x1082;
	s9 =	sld [smem:$0x3FB4]  }
0x2f: {  	lr =	sadd.s32 s0, s3;
	s0 =	sld [smem:$0x3FAB]  }
0x30: {  	s3 =	sld [smem:$0x3FAE]  }
0x31: {  	[smem:$0x3FB7] =	sst s10  }
0x32: {  	s10 =	sld [smem:$0x3FB5];
	_ =	sdelay $0x3  }
0x33: {  	p0 =	seq.s32 s10, $0x1;
	s10 =	sld [smem:$0x3FB7];
	_ =	sdelay $0x3  }
0x34: {  	[smem:$0x3FB7] =	sst s10  }
0x35: {  	s10 =	sld [smem:$0x3FB6];
	_ =	sdelay $0x3  }
0x36: {  	p1 =	seq.s32 s10, $0x1;
	s10 =	sld [smem:$0x3FB7];
	_ =	sdelay $0x3  }
0x37: {  	[smem:$0x3FB7] =	sst s10  }
0x38: {  	s10 =	sld [smem:$0x3FB8]  }
0x39: {  	_ = 	snop;
	(pc) =	sbr.ind lr, $3  }
0x3a: {  	_ = 	snop  }
0x3b: {  	_ = 	snop  }
0x3c: {  	p2 =	seq.s32 s10, $0x1;
	s10 =	sld [smem:$0x3FB7]  }
0x3d: {  	_ =	shalt  }
0x3e: {  	_ =	shalt  }
0x3f: {  	_ =	shalt  }
0x40: {  	_ =	shalt  }
0x41: {  	_ =	shalt  }
0x42: {  	_ =	shalt  }
0x43: {  	_ =	shalt  }
0x44: {  	_ =	shalt  }
0x45: {  	_ =	shalt  }
0x46: {  	_ =	shalt  }
0x47: {  	_ =	shalt  }
0x48: {  	_ =	shalt  }
0x49: {  	_ =	shalt  }
0x4a: {  	_ =	shalt  }
0x4b: {  	_ =	shalt  }
0x4c: {  	_ =	shalt  }
0x4d: {  	_ =	shalt  }
0x4e: {  	_ =	shalt  }
0x4f: {  	_ =	shalt  }
0x50: {  	_ =	shalt  }
0x51: {  	_ =	shalt  }
0x52: {  	_ =	shalt  }
0x53: {  	_ =	shalt  }
0x54: {  	_ =	shalt  }
0x55: {  	_ =	shalt  }
0x56: {  	_ =	shalt  }
0x57: {  	_ =	shalt  }
0x58: {  	_ =	shalt  }
0x59: {  	_ =	shalt  }
0x5a: {  	_ =	shalt  }
0x5b: {  	_ =	shalt  }
0x5c: {  	_ =	shalt  }
0x5d: {  	_ =	shalt  }
0x5e: {  	_ =	shalt  }
0x5f: {  	_ =	shalt  }
0x60: {  	_ =	shalt  }
0x61: {  	_ =	shalt  }
0x62: {  	_ =	shalt  }
0x63: {  	_ =	shalt  }
0x64: {  	_ =	shalt  }
0x65: {  	_ =	shalt  }
0x66: {  	_ =	shalt  }
0x67: {  	_ =	shalt  }
0x68: {  	_ =	shalt  }
0x69: {  	_ =	shalt  }
0x6a: {  	_ =	shalt  }
0x6b: {  	_ =	shalt  }
0x6c: {  	_ =	shalt  }
0x6d: {  	_ =	shalt  }
0x6e: {  	_ =	shalt  }
0x6f: {  	_ =	shalt  }
0x70: {  	_ =	shalt  }
0x71: {  	_ =	shalt  }
0x72: {  	_ =	shalt  }
0x73: {  	_ =	shalt  }
0x74: {  	_ =	shalt  }
0x75: {  	_ =	shalt  }
0x76: {  	_ =	shalt  }
0x77: {  	_ =	shalt  }
0x78: {  	_ =	shalt  }
0x79: {  	_ =	shalt  }
0x7a: {  	_ =	shalt  }
0x7b: {  	_ =	shalt  }
0x7c: {  	_ =	shalt  }
0x7d: {  	_ =	shalt  }
0x7e: {  	_ =	shalt  }
0x7f: {  	_ =	shalt  }
0x80: {  	_ =	shalt  }
0x81: {  	_ =	shalt  }
0x82: {  	_ =	shalt  }
0x83: {  	_ =	shalt  }
0x84: {  	_ =	shalt  }
0x85: {  	_ =	shalt  }
0x86: {  	_ =	shalt  }
0x87: {  	_ =	shalt  }
.Lfunc_end0:
.L_simem_size_0:
called_computation_lowered:
.L_overlay_start_0:
0x88: {  	s2 =	sld [smem:$0x3FD9]  }
0x89: {  	s3 =	sld [smem:$0x3FFE];
	_ =	sdelay $0x1  }
0x8a: {  	s1 =	srdreg.scid  }
0x8b: {  	s0 =	sand.u32 $0x1, s1  }
0x8c: {  	s17 =	sshll.u32 s0, $0xA;
	s2 =	sadd.s32 s3, s2  }
0x8d: {  	s2 =	sadd.s32 s2, s17  }
0x8e: {  	[smem:$0x3FC3] =	sst s2  }
0x8f: {  	_ = 	snop  }
0x90: {  	s2 =	sld [smem:$0x3FC9]  }
0x91: {  	s18 =	sld [smem:$0x3FC8]  }
0x92: {  	s4 =	sld [smem:$0x3FC6]  }
0x93: {  	s5 =	sld [smem:$0x3FC5]  }
0x94: {  	s6 =	sld [smem:$0x3FD0];
	(tm) =	ssettm $0x1  }
0x95: {  	s7 =	sld [smem:$0x3FFB];
	_ =	sdelay $0x3  }
0x96: {  	_ =	strace s7  }
0x97: {  	s7 =	sld [smem:$0x3FFC];
	_ =	sdelay $0x3  }
0x98: {  	_ =	strace s7  }
0x99: {  	s7 =	sld [smem:$0x3FFD];
	_ =	sdelay $0x3  }
0x9a: {  	_ =	strace s7  }
0x9b: {  	_ =	strace $0x8FFFFFFF  }
0x9c: {  	s19 =	sld [smem:$0x3FDB];
	_ =	sdelay $0x1  }
0x9d: {  	s8 =	simm.s32 $_scs_section_size  }
0x9e: {  	s9 =	simm.s32 $_size__tile_overlayer_lowered;
	s10 =	simm.s32 $_tile_overlayer_lowered  }
0x9f: {  	s22 =	simm.s32 $0x1BFF;
	s21 =	sshll.u32 s10, $0x1;
	s7 =	sadd.s32 s8, s19  }
0xa0: {  	s11 =	simm.s32 $0x0;
	s20 =	sshll.u32 s9, $0x1;
	s9 =	sadd.s32 s21, s7  }
0xa1: {  	[timem:s11], [sflag:s22] =	dma.local [hbm:s9], s20  }
0xa2: {  	_ =	swait.ge [sflag:s22], s20  }
0xa3: {  	s8 =	ssub.s32 $0x0, s20;
	[sflag:s22] =	ssyncset.done $0x0  }
0xa4: {  	[sflag:s22] =	ssyncadd.s32 s8;
	_ =	sdelay $0x1  }
0xa5: {  	s23 =	simm.s32 $0x1B8B  }
0xa6: {  	_ =	swait.ge [sflag:s23], $0x1  }
0xa7: {  	[sflag:s23] =	ssyncset.done $0x0  }
0xa8: {  	s25 =	simm.s32 $0x1B8E;
	s24 =	sld [smem:$0x3FFE];
	[sflag:s23] =	ssyncadd.s32 $0xFFFFFFFF  }
0xa9: {  	s26 =	simm.s32 $execute0_lowered;
	[smem:$0x3FD2] =	sst s25  }
0xaa: {  	s9 =	sshll.u32 s26, $0x1;
	_ =	strace $0x80000046;
	[dreg:$0x1] =	wrdreg $0xFFFFFFFF  }
0xab: {  	s28 =	simm.s32 $_size_execute0_lowered;
	s7 =	sadd.s32 s7, s9;
	[dreg:$0x0] =	wrdreg $0x0  }
0xac: {  	s9 =	sshll.u32 s28, $0x1;
	[dreg:$0x2] =	wrdreg s7  }
0xad: {  	[dreg:$0x3] =	wrdreg s9  }
0xae: {  	[dreg:$0x4] =	wrdreg $0xC0  }
0xaf: {  	_ =	task [dreg:s11], $0x5FFFF  }
0xb0: {  	[dreg:$0x1] =	wrdreg $0xFFFFFFFF  }
0xb1: {  	[dreg:$0x0] =	wrdreg $0x60  }
0xb2: {  	[dreg:$0x2] =	wrdreg s2  }
0xb3: {  	[dreg:$0x3] =	wrdreg s18  }
0xb4: {  	[dreg:$0x4] =	wrdreg s24  }
0xb5: {  	[dreg:$0x5] =	wrdreg s4  }
0xb6: {  	[dreg:$0x6] =	wrdreg s5  }
0xb7: {  	[dreg:$0x7] =	wrdreg s6  }
0xb8: {  	[dreg:$0x8] =	wrdreg $0x9  }
0xb9: {  	_ =	task.clear_ibuf [dreg:s11], $0x9FFFF;
	_ =	strace $0x90000046  }
0xba: {  	s29 =	simm.s32 $0x9;
	_ =	strace $0x80000048  }
0xbb: {  	_ =	swait.ge [sflag:s29], $0x1  }
0xbc: {  	[sflag:s29] =	ssyncadd.s32 $0xFFFFFFFF  }
0xbd: {  	_ =	strace $0x90000048  }
0xbe: {  	_ =	sfence  }
0xbf: {  	s30 =	sld [smem:$0x0];
	_ =	sdelay $0x2  }
0xc0: {  	s31 =	sshll.u32 s1, $0xD;
	s1 =	sshrl.u32 s1, $0x2  }
0xc1: {  	s3 =	sand.u32 $0x4000, s31;
	s1 =	sadd.s32 s1, s30  }
0xc2: {  	s0 =	sor.u32 s3, s0;
	s1 =	sshll.u32 s1, $0x11  }
0xc3: {  	s0 =	sor.u32 s1, s0  }
0xc4: {  	s0 =	sadd.s32 $0x8F2B, s0  }
0xc5: {  	[sflag:s0] =	ssyncadd.remote.s32 $0x1  }
0xc6: {  	_ =	sfence.sel $0xFFFF  }
0xc7: {  	[dreg:$0x0] =	wrdreg $0xFFFFFFFF;
	(pc) =	sbr.abs _section_cstart, $3  }
0xc8: {  	[dreg:$0x1] =	wrdreg $0xFFFFFFFF  }
0xc9: {  	_ =	task.clear_ibuf [dreg:s11], $0x2FFFF;
	_ =	strace $0x9FFFFFFF  }
0xca: {  	(tm) =	ssettm $0x7FFFFFFF  }
0xcb: {  	_ =	shalt  }
tec
execute0_lowered:
.L_overlay_start_1:
0x0: {  	(tag) =	ssettag $0x1  }
0x1: {  	s11 =	rddreg [dreg:$0x0]  }
0x2: {  	s13 =	rddreg [dreg:$0x1]  }
0x3: {  	s0 =	rddreg [dreg:$0x2]  }
0x4: {  	s1 =	rddreg [dreg:$0x3]  }
0x5: {  	s2 =	rddreg [dreg:$0x4];
	s4 =	srdreg.scid  }
0x6: {  	s3 =	rddreg [dreg:$0x5];
	s5 =	sand.u32 $0x1, s4;
	s4 =	simm.s32 $0x0  }
0x7: {  	s10 =	sadd.s32 $0x1000, s11;
	[smem:$0x7FF] =	sst s4  }
0x8: {  	s12 =	sadd.s32 $0x1800, s11;
	_ =	strace $0x80000047;
	[dreg:$0x9] =	wrdreg s10  }
0x9: {  	s6 =	stileid.u32;
	s15 =	sadd.s32 $0x2000, s11;
	[dreg:$0xa] =	wrdreg s12  }
0xa: {  	s6 =	sshll.u32 s6, $0x1;
	s16 =	sadd.s32 $0x2800, s11;
	[dreg:$0xb] =	wrdreg s15  }
0xb: {  	s17 =	sadd.s32 $0x3000, s11;
	s25 =	sadd.s32 $0x3800, s11;
	[dreg:$0xc] =	wrdreg s16  }
0xc: {  	s6 =	sor.u32 s5, s6;
	s5 =	ssub.s32 $0x2, s5;
	[dreg:$0xd] =	wrdreg s17  }
0xd: {  	s7 =	sshll.u32 s6, $0x8;
	[dreg:$0x1a] =	wrdreg s25;
	s15 =	sadd.s32 $0x9000, s11  }
0xe: {  	s8 =	sshrl.u32 s5, $0x1;
	s17 =	sadd.s32 $0x9800, s11;
	[smem:$0x7DD] =	sst s15  }
0xf: {  	s9 =	smul.u32 $0x1C000, s6;
	s25 =	sadd.s32 $0x800, s13;
	[smem:$0x7DE] =	sst s17  }
0x10: {  	s5 =	ssub.s32 s5, s8;
	s8 =	sadd.s32 $0x800, s11;
	[smem:$0x7E6] =	sst s25  }
0x11: {  	s0 =	sadd.s32 s7, s0;
	s15 =	sadd.s32 $0x7000, s13;
	[dreg:$0x8] =	wrdreg s8  }
0x12: {  	s14 =	smul.u32 $0x70000, s6;
	s0 =	sadd.s32 $0x400, s0;
	[smem:$0x7F3] =	sst s15  }
0x13: {  	s6 =	sshllo.u32 s6, $0x1;
	s26 =	smax.u32 s5, $0x1;
	[dreg:$0x7] =	wrdreg s0  }
0x14: {  	s10 =	sadd.s32 $0xE00, s3;
	s5 =	sadd.s32 $0x5800, s11;
	[dreg:$0x1b] =	wrdreg s26  }
0x15: {  	s19 =	smul.u32 $0xE000, s6;
	s8 =	sadd.s32 $0x6800, s11;
	[dreg:$0x1f] =	wrdreg s5  }
0x16: {  	s7 =	sshrl.u32 s14, $0x3;
	s14 =	sadd.s32 $0x8800, s11;
	[smem:$0x7D8] =	sst s8  }
0x17: {  	s16 =	sadd.s32 s3, s7;
	s7 =	sadd.s32 s7, s10;
	[smem:$0x7DC] =	sst s14  }
0x18: {  	s21 =	sshrl.u32 s19, $0x3;
	s19 =	sadd.s32 $0xA800, s11;
	[dreg:$0x11] =	wrdreg s7  }
0x19: {  	s26 =	sadd.s32 $0x1000, s13;
	[smem:$0x7E0] =	sst s19  }
0x1a: {  	s5 =	sadd.s32 $0x3000, s13;
	[smem:$0x7E7] =	sst s26  }
0x1b: {  	s8 =	sadd.s32 $0x4000, s13;
	[smem:$0x7EB] =	sst s5  }
0x1c: {  	s6 =	smul.u32 $0x38000, s6;
	s14 =	sadd.s32 $0x6800, s13;
	[smem:$0x7ED] =	sst s8  }
0x1d: {  	s0 =	sshrl.u32 s9, $0x3;
	[smem:$0x7F2] =	sst s14  }
0x1e: {  	s6 =	sshrl.u32 s6, $0x3;
	s18 =	sadd.s32 s1, s0;
	[dreg:$0xf] =	wrdreg s16  }
0x1f: {  	s9 =	sadd.s32 $0xE00, s0;
	s0 =	sadd.s32 s2, s0;
	[dreg:$0xe] =	wrdreg s18  }
0x20: {  	s7 =	sadd.s32 s3, s6;
	s6 =	sadd.s32 s6, s10;
	[dreg:$0x12] =	wrdreg s0  }
0x21: {  	s23 =	sadd.s32 s1, s21;
	[dreg:$0x15] =	wrdreg s6  }
0x22: {  	s3 =	sadd.s32 $0x5000, s11;
	[dreg:$0x16] =	wrdreg s23  }
0x23: {  	s10 =	sadd.s32 $0x7800, s11;
	[dreg:$0x1e] =	wrdreg s3  }
0x24: {  	s17 =	sadd.s32 $0x5400, s16;
	[smem:$0x7DA] =	sst s10  }
0x25: {  	s19 =	sadd.s32 $0x1C00, s16;
	[smem:$0x7F4] =	sst s17  }
0x26: {  	[smem:$0x7F6] =	sst s19  }
0x27: {  	s12 =	sadd.s32 s1, s9;
	[dreg:$0x14] =	wrdreg s7  }
0x28: {  	s22 =	sadd.s32 $0xE00, s21;
	s20 =	sadd.s32 s2, s9;
	[dreg:$0x10] =	wrdreg s12  }
0x29: {  	s1 =	sadd.s32 s1, s22;
	[dreg:$0x13] =	wrdreg s20  }
0x2a: {  	s0 =	sadd.s32 s2, s21;
	[dreg:$0x17] =	wrdreg s1  }
0x2b: {  	s24 =	sadd.s32 s2, s22;
	[dreg:$0x18] =	wrdreg s0  }
0x2c: {  	s2 =	sadd.s32 $0x4800, s11;
	[dreg:$0x19] =	wrdreg s24  }
0x2d: {  	s6 =	sadd.s32 $0x6000, s11;
	[dreg:$0x1d] =	wrdreg s2  }
0x2e: {  	s9 =	sadd.s32 $0x7000, s11;
	[smem:$0x7D7] =	sst s6  }
0x2f: {  	s18 =	sadd.s32 $0xA000, s11;
	[smem:$0x7D9] =	sst s9  }
0x30: {  	s21 =	sadd.s32 $0xB800, s11;
	[smem:$0x7DF] =	sst s18  }
0x31: {  	s22 =	sadd.s32 $0xC000, s11;
	[smem:$0x7E2] =	sst s21  }
0x32: {  	s28 =	sadd.s32 $0x7800, s13;
	s23 =	sadd.s32 $0x3800, s16;
	[smem:$0x7E3] =	sst s22  }
0x33: {  	s29 =	sadd.s32 $0x8000, s13;
	s3 =	sadd.s32 $0x2800, s13;
	[smem:$0x7E4] =	sst s23  }
0x34: {  	s30 =	sadd.s32 $0x8800, s13;
	s10 =	sadd.s32 $0x5000, s13;
	[smem:$0x7EA] =	sst s3  }
0x35: {  	s31 =	sadd.s32 $0x9000, s13;
	s25 =	sadd.s32 $0x1C00, s7;
	[smem:$0x7EF] =	sst s10  }
0x36: {  	s15 =	sadd.s32 $0xC000, s13;
	s26 =	sadd.s32 $0x2A00, s7;
	[smem:$0x7FC] =	sst s25  }
0x37: {  	s5 =	sadd.s32 $0xA800, s13;
	s1 =	sadd.s32 $0x4000, s11;
	[smem:$0x7FD] =	sst s26  }
0x38: {  	s14 =	sadd.s32 $0xB800, s13;
	s12 =	sadd.s32 $0x8000, s11;
	[dreg:$0x1c] =	wrdreg s1  }
0x39: {  	s8 =	simm.s32 $0x2;
	s20 =	sadd.s32 $0xB000, s11;
	[smem:$0x7DB] =	sst s12  }
0x3a: {  	s17 =	simm.s32 $0x9000;
	s24 =	sadd.s32 $0x4600, s16;
	[smem:$0x7E1] =	sst s20  }
0x3b: {  	s19 =	simm.s32 $0xA000;
	s2 =	sadd.s32 $0x2000, s13;
	[smem:$0x7E5] =	sst s24  }
0x3c: {  	s6 =	sadd.s32 $0x3800, s13;
	s9 =	sadd.s32 $0x4800, s13;
	[smem:$0x7E9] =	sst s2  }
0x3d: {  	s11 =	sadd.s32 $0x5800, s13;
	s3 =	sadd.s32 $0xA000, s13;
	[smem:$0x7EC] =	sst s6  }
0x3e: {  	s18 =	sadd.s32 $0x6200, s16;
	s21 =	sadd.s32 $0x3800, s7;
	[smem:$0x7EE] =	sst s9  }
0x3f: {  	s22 =	sadd.s32 $0x4600, s7;
	s23 =	sadd.s32 $0x5400, s7;
	[smem:$0x7F0] =	sst s11  }
0x40: {  	s0 =	simm.s32 $0x9800;
	s25 =	simm.s32 $0x13C00;
	[smem:$0x7F5] =	sst s18  }
0x41: {  	s10 =	simm.s32 $0x1;
	s1 =	sadd.s32 $0x1800, s13;
	[smem:$0x7F8] =	sst s21  }
0x42: {  	s12 =	sadd.s32 $0x6000, s13;
	s2 =	sadd.s32 $0x9800, s13;
	[smem:$0x7F9] =	sst s22  }
0x43: {  	s20 =	sadd.s32 $0x2A00, s16;
	[smem:$0x7FA] =	sst s23;
	s24 =	sadd.s32 $0x6200, s7  }
0x44: {  	s6 =	simm.s32 $0xB800;
	s23 =	simm.s32 $0xC000;
	[smem:$0x7E8] =	sst s1  }
0x45: {  	s7 =	simm.s32 $0xC800;
	s21 =	simm.s32 $0xCC00;
	[smem:$0x7F1] =	sst s12  }
0x46: {  	s9 =	simm.s32 $0x3;
	s16 =	simm.s32 $0x4;
	[smem:$0x7F7] =	sst s20  }
0x47: {  	v0 =	vimm.s32 $0x0;
	v1 =	vlaneseq.u32;
	s11 =	simm.s32 $0x5;
	s12 =	sadd.s32 $0xB000, s13;
	[smem:$0x7FB] =	sst s24  }
0x48: {  	vm0 =	vmmov $0xffff;
	vm1 =	vmmov $0xff;
	v1 =	vmul.u32 $0x8, v1;
	s1 =	simm.s32 $0xA800;
	s20 =	simm.s32 $0xB000;
	s13 =	simm.s32 $0x0  }
.LBB2_1:
0x49: {  	s18 =	rddreg [dreg:$0x7];
	s22 =	simm.s32 $0x6  }
0x4a: {  	[tilespmem:s4], [sflag:$0x6] =	stream.linear.gather [hbm4b:s18+s4], $0x800, $0x38;
	[tilespmem:$0x1AC00] =	vst v63  }
0x4b: {  	_ =	swait.ge [sflag:s22], $0x800  }
0x4c: {  	[sflag:s22] =	ssyncset.done $0x0  }
0x4d: {  	[sflag:s22] =	ssyncadd.s32 $0xFFFFF800  }
0x4e: {  	v2 =	vld.msk [tilespmem:$0x0], $0x1;
	_ =	sdelay $0x4  }
0x4f: {  	v3 =	vshrl.u32 v2, $0x3  }
0x50: {  	v3 =	vmul.u32 $0xC40, v3  }
0x51: {  	v2 =	vand.u32 $0x7, v2  }
0x52: {  	v2 =	vor.u32 v2, v3  }
0x53: {  	v2 =	vperm.xlane v2, v0;
	_ =	sdelay $0x1  }
0x54: {  	v2 =	vadd.s32 v1, v2;
	_ =	sdelay $0x3  }
0x55: {  	s22 =	simm.s32 $0x800;
	s18 =	rddreg [dreg:$0x0]  }
0x56: {  	[tilespmem:s22], [sflag:$0x1] =	stream.indirect_vreg.gather [hbm4b:s18+s4], $0x80, v2, vm0, $0xb8;
	[tilespmem:$0x1AC00] =	vst v63  }
0x57: {  	s26 =	simm.s32 $0x1000;
	s24 =	rddreg [dreg:$0x8]  }
0x58: {  	[tilespmem:s26], [sflag:$0x1] =	stream.indirect_vreg.gather [hbm4b:s24+s4], $0x80, v2, vm0, $0xb8;
	[tilespmem:$0x1AC00] =	vst v63  }
0x59: {  	s24 =	rddreg [dreg:$0x9];
	s26 =	simm.s32 $0x1800  }
0x5a: {  	[tilespmem:s26], [sflag:$0x1] =	stream.indirect_vreg.gather [hbm4b:s24+s4], $0x80, v2, vm0, $0xb8;
	[tilespmem:$0x1AC00] =	vst v63  }
0x5b: {  	s24 =	rddreg [dreg:$0xa];
	s26 =	simm.s32 $0x2000  }
0x5c: {  	[tilespmem:s26], [sflag:$0x1] =	stream.indirect_vreg.gather [hbm4b:s24+s4], $0x80, v2, vm0, $0xb8;
	[tilespmem:$0x1AC00] =	vst v63  }
0x5d: {  	s24 =	rddreg [dreg:$0xb];
	s26 =	simm.s32 $0x2800  }
0x5e: {  	[tilespmem:s26], [sflag:$0x1] =	stream.indirect_vreg.gather [hbm4b:s24+s4], $0x80, v2, vm0, $0xb8;
	[tilespmem:$0x1AC00] =	vst v63  }
0x5f: {  	s24 =	rddreg [dreg:$0xc];
	s26 =	simm.s32 $0x3000  }
0x60: {  	[tilespmem:s26], [sflag:$0x1] =	stream.indirect_vreg.gather [hbm4b:s24+s4], $0x80, v2, vm0, $0xb8;
	[tilespmem:$0x1AC00] =	vst v63  }
0x61: {  	s24 =	rddreg [dreg:$0xd];
	s26 =	simm.s32 $0x3800  }
0x62: {  	[tilespmem:s26], [sflag:$0x1] =	stream.indirect_vreg.gather [hbm4b:s24+s4], $0x80, v2, vm0, $0xb8;
	[tilespmem:$0x1AC00] =	vst v63  }
0x63: {  	s24 =	rddreg [dreg:$0x1a];
	s26 =	simm.s32 $0x4000  }
0x64: {  	[tilespmem:s26], [sflag:$0x1] =	stream.indirect_vreg.gather [hbm4b:s24+s4], $0x80, v2, vm0, $0xb8;
	[tilespmem:$0x1AC00] =	vst v63  }
0x65: {  	s24 =	rddreg [dreg:$0x1c];
	s26 =	simm.s32 $0x4800  }
0x66: {  	[tilespmem:s26], [sflag:$0x1] =	stream.indirect_vreg.gather [hbm4b:s24+s4], $0x80, v2, vm0, $0xb8;
	[tilespmem:$0x1AC00] =	vst v63  }
0x67: {  	s24 =	rddreg [dreg:$0x1d];
	s26 =	simm.s32 $0x5000  }
0x68: {  	[tilespmem:s26], [sflag:$0x1] =	stream.indirect_vreg.gather [hbm4b:s24+s4], $0x80, v2, vm0, $0xb8;
	[tilespmem:$0x1AC00] =	vst v63  }
0x69: {  	s24 =	rddreg [dreg:$0x1e];
	s26 =	simm.s32 $0x5800  }
0x6a: {  	[tilespmem:s26], [sflag:$0x1] =	stream.indirect_vreg.gather [hbm4b:s24+s4], $0x80, v2, vm0, $0xb8;
	[tilespmem:$0x1AC00] =	vst v63  }
0x6b: {  	s24 =	rddreg [dreg:$0x1f];
	s26 =	simm.s32 $0x6000  }
0x6c: {  	[tilespmem:s26], [sflag:$0x1] =	stream.indirect_vreg.gather [hbm4b:s24+s4], $0x80, v2, vm0, $0xb8;
	[tilespmem:$0x1AC00] =	vst v63  }
0x6d: {  	s24 =	sld [smem:$0x7D7];
	_ =	sdelay $0x1  }
0x6e: {  	s26 =	simm.s32 $0x6800  }
0x6f: {  	[tilespmem:s26], [sflag:$0x1] =	stream.indirect_vreg.gather [hbm4b:s24+s4], $0x80, v2, vm0, $0xb8;
	[tilespmem:$0x1AC00] =	vst v63  }
0x70: {  	s24 =	sld [smem:$0x7D8];
	_ =	sdelay $0x1  }
0x71: {  	s26 =	simm.s32 $0x7000  }
0x72: {  	[tilespmem:s26], [sflag:$0x1] =	stream.indirect_vreg.gather [hbm4b:s24+s4], $0x80, v2, vm0, $0xb8;
	[tilespmem:$0x1AC00] =	vst v63  }
0x73: {  	s24 =	sld [smem:$0x7D9];
	_ =	sdelay $0x1  }
0x74: {  	s26 =	simm.s32 $0x7800  }
0x75: {  	[tilespmem:s26], [sflag:$0x1] =	stream.indirect_vreg.gather [hbm4b:s24+s4], $0x80, v2, vm0, $0xb8;
	[tilespmem:$0x1AC00] =	vst v63  }
0x76: {  	s24 =	sld [smem:$0x7DA];
	_ =	sdelay $0x1  }
0x77: {  	s26 =	simm.s32 $0x8000  }
0x78: {  	[tilespmem:s26], [sflag:$0x1] =	stream.indirect_vreg.gather [hbm4b:s24+s4], $0x80, v2, vm0, $0xb8;
	[tilespmem:$0x1AC00] =	vst v63  }
0x79: {  	s24 =	sld [smem:$0x7DB];
	_ =	sdelay $0x1  }
0x7a: {  	s26 =	simm.s32 $0x8800  }
0x7b: {  	[tilespmem:s26], [sflag:$0x1] =	stream.indirect_vreg.gather [hbm4b:s24+s4], $0x80, v2, vm0, $0xb8;
	[tilespmem:$0x1AC00] =	vst v63  }
0x7c: {  	s24 =	sld [smem:$0x7DC];
	_ =	sdelay $0x1  }
0x7d: {  	s26 =	sld [smem:$0x7DD]  }
0x7e: {  	[tilespmem:s17], [sflag:$0x1] =	stream.indirect_vreg.gather [hbm4b:s24+s4], $0x80, v2, vm0, $0xb8;
	[tilespmem:$0x1AC00] =	vst v63  }
0x7f: {  	s22 =	sld [smem:$0x7DE]  }
0x80: {  	[tilespmem:s0], [sflag:$0x1] =	stream.indirect_vreg.gather [hbm4b:s26+s4], $0x80, v2, vm0, $0xb8;
	[tilespmem:$0x1AC00] =	vst v63  }
0x81: {  	s24 =	sld [smem:$0x7DF]  }
0x82: {  	[tilespmem:s19], [sflag:$0x1] =	stream.indirect_vreg.gather [hbm4b:s22+s4], $0x80, v2, vm0, $0xb8;
	[tilespmem:$0x1AC00] =	vst v63  }
0x83: {  	s26 =	sld [smem:$0x7E0]  }
0x84: {  	[tilespmem:s1], [sflag:$0x1] =	stream.indirect_vreg.gather [hbm4b:s24+s4], $0x80, v2, vm0, $0xb8;
	[tilespmem:$0x1AC00] =	vst v63  }
0x85: {  	s22 =	sld [smem:$0x7E1]  }
0x86: {  	[tilespmem:s20], [sflag:$0x1] =	stream.indirect_vreg.gather [hbm4b:s26+s4], $0x80, v2, vm0, $0xb8;
	[tilespmem:$0x1AC00] =	vst v63  }
0x87: {  	s24 =	sld [smem:$0x7E2]  }
0x88: {  	[tilespmem:s6], [sflag:$0x1] =	stream.indirect_vreg.gather [hbm4b:s22+s4], $0x80, v2, vm0, $0xb8;
	[tilespmem:$0x1AC00] =	vst v63  }
0x89: {  	s26 =	sld [smem:$0x7E3]  }
0x8a: {  	[tilespmem:s23], [sflag:$0x1] =	stream.indirect_vreg.gather [hbm4b:s24+s4], $0x80, v2, vm0, $0xb8;
	[tilespmem:$0x1AC00] =	vst v63  }
0x8b: {  	_ = 	snop  }
0x8c: {  	[tilespmem:s7], [sflag:$0x1] =	stream.indirect_vreg.gather [hbm4b:s26+s4], $0x80, v2, vm1, $0xb8;
	[tilespmem:$0x1AC00] =	vst v63  }
0x8d: {  	s22 =	rddreg [dreg:$0xe]  }
0x8e: {  	[tilespmem:s21], [sflag:$0x2] =	stream.linear.gather [hbm4b:s22+s4], $0x7000, $0x38;
	[tilespmem:$0x1AC00] =	vst v63  }
0x8f: {  	_ =	swait.ge [sflag:s8], $0x7000  }
0x90: {  	s24 =	sld [smem:$0x7E4]  }
0x91: {  	[sflag:s8] =	ssyncset.done $0x0  }
0x92: {  	[sflag:s8] =	ssyncadd.s32 $0xFFFF9000  }
0x93: {  	[hbm4b:s24+s4] =	stream.linear.scatter [tilespmem:s21], [sflag:$0x4], $0x7000, $0x38;
	[tilespmem:$0x1AC00] =	vst v63  }
0x94: {  	s26 =	rddreg [dreg:$0x10]  }
0x95: {  	[tilespmem:s25], [sflag:$0x3] =	stream.linear.gather [hbm4b:s26+s4], $0x7000, $0x38;
	[tilespmem:$0x1AC00] =	vst v63  }
0x96: {  	_ =	swait.ge [sflag:s9], $0x7000  }
0x97: {  	s22 =	sld [smem:$0x7E5]  }
0x98: {  	[sflag:s9] =	ssyncset.done $0x0  }
0x99: {  	[sflag:s9] =	ssyncadd.s32 $0xFFFF9000  }
0x9a: {  	[hbm4b:s22+s4] =	stream.linear.scatter [tilespmem:s25], [sflag:$0x5], $0x7000, $0x38;
	[tilespmem:$0x1AC00] =	vst v63  }
0x9b: {  	_ =	swait.ge [sflag:s10], $0xC400  }
0x9c: {  	[sflag:s10] =	ssyncset.done $0x0  }
0x9d: {  	[sflag:s10] =	ssyncadd.s32 $0xFFFF3C00  }
0x9e: {  	s24 =	smul.u32 $0x380, s4;
	_ =	swait.ge [sflag:s16], $0x7000  }
0x9f: {  	[sflag:s16] =	ssyncset.done $0x0  }
0xa0: {  	s24 =	sshra.s32 s24, $0x2;
	[sflag:s16] =	ssyncadd.s32 $0xFFFF9000  }
0xa1: {  	v2 =	vld [tilespmem:s24+$0xE20]  }
0xa2: {  	v3 =	vld [tilespmem:s24+$0x800]  }
0xa3: {  	v4 =	vld [tilespmem:s24+$0x8E0]  }
0xa4: {  	s26 =	simm.s32 $0x0;
	v5 =	vld [tilespmem:s24+$0x9C0]  }
0xa5: {  	s22 =	sand.u32 $0x3FFFFF00, s26;
	v6 =	vld [tilespmem:s24+$0xAA0]  }
0xa6: {  	v7 =	vld [tilespmem:s24+$0xB80];
	[tilespmem:s22+$0xCF80] =	vst v2  }
0xa7: {  	[tilespmem:s22+$0xCC00] =	vst v3;
	v3 =	vld [tilespmem:s24+$0xC60]  }
0xa8: {  	[tilespmem:s22+$0xCC80] =	vst v4;
	v4 =	vld [tilespmem:s24+$0xD40]  }
0xa9: {  	[tilespmem:s22+$0xCD00] =	vst v5;
	v2 =	vld [tilespmem:s24+$0xE30]  }
0xaa: {  	[tilespmem:s22+$0xCD80] =	vst v6;
	v5 =	vld [tilespmem:s24+$0x810]  }
0xab: {  	[tilespmem:s22+$0xCE00] =	vst v7;
	v6 =	vld [tilespmem:s24+$0x8F0]  }
0xac: {  	v7 =	vld [tilespmem:s24+$0x9D0];
	[tilespmem:s22+$0xCE80] =	vst v3  }
0xad: {  	v3 =	vld [tilespmem:s24+$0xAB0];
	[tilespmem:s22+$0xCF00] =	vst v4  }
0xae: {  	v4 =	vld [tilespmem:s24+$0xB90];
	[tilespmem:s22+$0xCF90] =	vst v2  }
0xaf: {  	[tilespmem:s22+$0xCC10] =	vst v5;
	v5 =	vld [tilespmem:s24+$0xC70]  }
0xb0: {  	[tilespmem:s22+$0xCC90] =	vst v6;
	v2 =	vld [tilespmem:s24+$0xE40]  }
0xb1: {  	[tilespmem:s22+$0xCD10] =	vst v7;
	v6 =	vld [tilespmem:s24+$0xD50]  }
0xb2: {  	v7 =	vld [tilespmem:s24+$0x820];
	[tilespmem:s22+$0xCD90] =	vst v3  }
0xb3: {  	v3 =	vld [tilespmem:s24+$0x900];
	[tilespmem:s22+$0xCE10] =	vst v4  }
0xb4: {  	v4 =	vld [tilespmem:s24+$0x9E0];
	[tilespmem:s22+$0xCE90] =	vst v5  }
0xb5: {  	v5 =	vld [tilespmem:s24+$0xAC0];
	[tilespmem:s22+$0xCFA0] =	vst v2  }
0xb6: {  	[tilespmem:s22+$0xCF10] =	vst v6;
	v2 =	vld [tilespmem:s24+$0xE50]  }
0xb7: {  	v6 =	vld [tilespmem:s24+$0xBA0];
	[tilespmem:s22+$0xCC20] =	vst v7  }
0xb8: {  	v7 =	vld [tilespmem:s24+$0xC80];
	[tilespmem:s22+$0xCCA0] =	vst v3  }
0xb9: {  	[tilespmem:s22+$0xCD20] =	vst v4;
	v3 =	vld [tilespmem:s24+$0xD60]  }
0xba: {  	v4 =	vld [tilespmem:s24+$0x830];
	[tilespmem:s22+$0xCDA0] =	vst v5  }
0xbb: {  	v5 =	vld [tilespmem:s24+$0x910];
	[tilespmem:s22+$0xCFB0] =	vst v2  }
0xbc: {  	[tilespmem:s22+$0xCE20] =	vst v6;
	v2 =	vld [tilespmem:s24+$0xE60]  }
0xbd: {  	v6 =	vld [tilespmem:s24+$0x9F0];
	[tilespmem:s22+$0xCEA0] =	vst v7  }
0xbe: {  	v7 =	vld [tilespmem:s24+$0xAD0];
	[tilespmem:s22+$0xCF20] =	vst v3  }
0xbf: {  	[tilespmem:s22+$0xCC30] =	vst v4;
	v3 =	vld [tilespmem:s24+$0xBB0]  }
0xc0: {  	v4 =	vld [tilespmem:s24+$0xC90];
	[tilespmem:s22+$0xCCB0] =	vst v5  }
0xc1: {  	v5 =	vld [tilespmem:s24+$0xD70];
	[tilespmem:s22+$0xCFC0] =	vst v2  }
0xc2: {  	[tilespmem:s22+$0xCD30] =	vst v6;
	v2 =	vld [tilespmem:s24+$0xE70]  }
0xc3: {  	v6 =	vld [tilespmem:s24+$0x840];
	[tilespmem:s22+$0xCDB0] =	vst v7  }
0xc4: {  	v7 =	vld [tilespmem:s24+$0x920];
	[tilespmem:s22+$0xCE30] =	vst v3  }
0xc5: {  	v3 =	vld [tilespmem:s24+$0xA00];
	[tilespmem:s22+$0xCEB0] =	vst v4  }
0xc6: {  	v4 =	vld [tilespmem:s24+$0xAE0];
	[tilespmem:s22+$0xCF30] =	vst v5  }
0xc7: {  	v5 =	vld [tilespmem:s24+$0xBC0];
	[tilespmem:s22+$0xCFD0] =	vst v2  }
0xc8: {  	[tilespmem:s22+$0xCC40] =	vst v6;
	v2 =	vld [tilespmem:s24+$0xE80]  }
0xc9: {  	v6 =	vld [tilespmem:s24+$0xCA0];
	[tilespmem:s22+$0xCCC0] =	vst v7  }
0xca: {  	v7 =	vld [tilespmem:s24+$0xD80];
	[tilespmem:s22+$0xCD40] =	vst v3  }
0xcb: {  	v3 =	vld [tilespmem:s24+$0x850];
	[tilespmem:s22+$0xCDC0] =	vst v4  }
0xcc: {  	v4 =	vld [tilespmem:s24+$0x930];
	[tilespmem:s22+$0xCE40] =	vst v5  }
0xcd: {  	v5 =	vld [tilespmem:s24+$0xA10];
	[tilespmem:s22+$0xCFE0] =	vst v2  }
0xce: {  	[tilespmem:s22+$0xCEC0] =	vst v6;
	v2 =	vld [tilespmem:s24+$0xE90]  }
0xcf: {  	v6 =	vld [tilespmem:s24+$0xAF0];
	[tilespmem:s22+$0xCF40] =	vst v7  }
0xd0: {  	v7 =	vld [tilespmem:s24+$0xBD0];
	[tilespmem:s22+$0xCC50] =	vst v3  }
0xd1: {  	[tilespmem:s22+$0xCCD0] =	vst v4;
	v3 =	vld [tilespmem:s24+$0xCB0]  }
0xd2: {  	v4 =	vld [tilespmem:s24+$0xD90];
	[tilespmem:s22+$0xCD50] =	vst v5  }
0xd3: {  	v5 =	vld [tilespmem:s24+$0x860];
	[tilespmem:s22+$0xCFF0] =	vst v2  }
0xd4: {  	[tilespmem:s22+$0xCDD0] =	vst v6;
	v2 =	vld [tilespmem:s24+$0xEA0]  }
0xd5: {  	v6 =	vld [tilespmem:s24+$0x940];
	[tilespmem:s22+$0xCE50] =	vst v7  }
0xd6: {  	v7 =	vld [tilespmem:s24+$0xA20];
	[tilespmem:s22+$0xCED0] =	vst v3  }
0xd7: {  	v3 =	vld [tilespmem:s24+$0xB00];
	[tilespmem:s22+$0xCF50] =	vst v4  }
0xd8: {  	v4 =	vld [tilespmem:s24+$0xBE0];
	[tilespmem:s22+$0xCC60] =	vst v5  }
0xd9: {  	v5 =	vld [tilespmem:s24+$0xCC0];
	[tilespmem:s22+$0xD380] =	vst v2  }
0xda: {  	[tilespmem:s22+$0xCCE0] =	vst v6;
	v2 =	vld [tilespmem:s24+$0xEB0]  }
0xdb: {  	v6 =	vld [tilespmem:s24+$0xDA0];
	[tilespmem:s22+$0xCD60] =	vst v7  }
0xdc: {  	v7 =	vld [tilespmem:s24+$0x870];
	[tilespmem:s22+$0xCDE0] =	vst v3  }
0xdd: {  	v3 =	vld [tilespmem:s24+$0x950];
	[tilespmem:s22+$0xCE60] =	vst v4  }
0xde: {  	v4 =	vld [tilespmem:s24+$0xA30];
	[tilespmem:s22+$0xCEE0] =	vst v5  }
0xdf: {  	v5 =	vld [tilespmem:s24+$0xB10];
	[tilespmem:s22+$0xD390] =	vst v2  }
0xe0: {  	[tilespmem:s22+$0xCF60] =	vst v6;
	v2 =	vld [tilespmem:s24+$0xEC0]  }
0xe1: {  	v6 =	vld [tilespmem:s24+$0xBF0];
	[tilespmem:s22+$0xCC70] =	vst v7  }
0xe2: {  	v7 =	vld [tilespmem:s24+$0xCD0];
	[tilespmem:s22+$0xCCF0] =	vst v3  }
0xe3: {  	[tilespmem:s22+$0xCD70] =	vst v4;
	v3 =	vld [tilespmem:s24+$0xDB0]  }
0xe4: {  	v4 =	vld [tilespmem:s24+$0x880];
	[tilespmem:s22+$0xCDF0] =	vst v5  }
0xe5: {  	v5 =	vld [tilespmem:s24+$0x960];
	[tilespmem:s22+$0xD3A0] =	vst v2  }
0xe6: {  	[tilespmem:s22+$0xCE70] =	vst v6;
	v2 =	vld [tilespmem:s24+$0xED0]  }
0xe7: {  	v6 =	vld [tilespmem:s24+$0xA40];
	[tilespmem:s22+$0xCEF0] =	vst v7  }
0xe8: {  	v7 =	vld [tilespmem:s24+$0xB20];
	[tilespmem:s22+$0xCF70] =	vst v3  }
0xe9: {  	[tilespmem:s22+$0xD000] =	vst v4;
	v3 =	vld [tilespmem:s24+$0xC00]  }
0xea: {  	v4 =	vld [tilespmem:s24+$0xCE0];
	[tilespmem:s22+$0xD080] =	vst v5  }
0xeb: {  	v5 =	vld [tilespmem:s24+$0xDC0];
	[tilespmem:s22+$0xD3B0] =	vst v2  }
0xec: {  	[tilespmem:s22+$0xD100] =	vst v6;
	v2 =	vld [tilespmem:s24+$0xEE0]  }
0xed: {  	v6 =	vld [tilespmem:s24+$0x890];
	[tilespmem:s22+$0xD180] =	vst v7  }
0xee: {  	v7 =	vld [tilespmem:s24+$0x970];
	[tilespmem:s22+$0xD200] =	vst v3  }
0xef: {  	v3 =	vld [tilespmem:s24+$0xA50];
	[tilespmem:s22+$0xD280] =	vst v4  }
0xf0: {  	v4 =	vld [tilespmem:s24+$0xB30];
	[tilespmem:s22+$0xD300] =	vst v5  }
0xf1: {  	v5 =	vld [tilespmem:s24+$0xC10];
	[tilespmem:s22+$0xD3C0] =	vst v2  }
0xf2: {  	[tilespmem:s22+$0xD010] =	vst v6;
	v2 =	vld [tilespmem:s24+$0xEF0]  }
0xf3: {  	v6 =	vld [tilespmem:s24+$0xCF0];
	[tilespmem:s22+$0xD090] =	vst v7  }
0xf4: {  	v7 =	vld [tilespmem:s24+$0xDD0];
	[tilespmem:s22+$0xD110] =	vst v3  }
0xf5: {  	v3 =	vld [tilespmem:s24+$0x980];
	[tilespmem:s22+$0xD190] =	vst v4  }
0xf6: {  	v4 =	vld [tilespmem:s24+$0xA60];
	[tilespmem:s22+$0xD210] =	vst v5  }
0xf7: {  	[tilespmem:s22+$0xD3D0] =	vst v2;
	v2 =	vld [tilespmem:s24+$0x8A0]  }
0xf8: {  	v5 =	vld [tilespmem:s24+$0xB40];
	[tilespmem:s22+$0xD290] =	vst v6  }
0xf9: {  	v6 =	vld [tilespmem:s24+$0xC20];
	[tilespmem:s22+$0xD310] =	vst v7  }
0xfa: {  	[tilespmem:s22+$0xD0A0] =	vst v3;
	v3 =	vld [tilespmem:s24+$0xDE0]  }
0xfb: {  	[tilespmem:s22+$0xD120] =	vst v4;
	v4 =	vld [tilespmem:s24+$0x990]  }
0xfc: {  	[tilespmem:s22+$0xD020] =	vst v2;
	v2 =	vld [tilespmem:s24+$0xD00]  }
0xfd: {  	[tilespmem:s22+$0xD1A0] =	vst v5;
	v7 =	vld [tilespmem:s24+$0x8B0]  }
0xfe: {  	v5 =	vld [tilespmem:s24+$0xA70];
	[tilespmem:s22+$0xD220] =	vst v6  }
0xff: {  	v6 =	vld [tilespmem:s24+$0xB50];
	[tilespmem:s22+$0xD320] =	vst v3  }
0x100: {  	[tilespmem:s22+$0xD0B0] =	vst v4;
	v4 =	vld [tilespmem:s24+$0xDF0]  }
0x101: {  	[tilespmem:s22+$0xD2A0] =	vst v2;
	v2 =	vld [tilespmem:s24+$0xC30]  }
0x102: {  	[tilespmem:s22+$0xD030] =	vst v7;
	v3 =	vld [tilespmem:s24+$0xD10]  }
0x103: {  	[tilespmem:s22+$0xD130] =	vst v5;
	v7 =	vld [tilespmem:s24+$0x8C0]  }
0x104: {  	v5 =	vld [tilespmem:s24+$0x9A0];
	[tilespmem:s22+$0xD1B0] =	vst v6  }
0x105: {  	v6 =	vld [tilespmem:s24+$0xA80];
	[tilespmem:s22+$0xD330] =	vst v4  }
0x106: {  	[tilespmem:s22+$0xD230] =	vst v2;
	v2 =	vld [tilespmem:s24+$0xB60]  }
0x107: {  	[tilespmem:s22+$0xD2B0] =	vst v3;
	v3 =	vld [tilespmem:s24+$0xC40]  }
0x108: {  	[tilespmem:s22+$0xD040] =	vst v7;
	v7 =	vld [tilespmem:s24+$0xD20]  }
0x109: {  	[tilespmem:s22+$0xD0C0] =	vst v5;
	v4 =	vld [tilespmem:s24+$0xE00]  }
0x10a: {  	[tilespmem:s22+$0xD140] =	vst v6;
	v5 =	vld [tilespmem:s24+$0x8D0]  }
0x10b: {  	v6 =	vld [tilespmem:s24+$0x9B0];
	[tilespmem:s22+$0xD1C0] =	vst v2  }
0x10c: {  	v2 =	vld [tilespmem:s24+$0xA90];
	[tilespmem:s22+$0xD240] =	vst v3  }
0x10d: {  	s26 =	simm.s32 $0x8;
	v3 =	vld [tilespmem:s24+$0xB70];
	[tilespmem:s22+$0xD2C0] =	vst v7  }
.LBB2_2:
0x10e: {  	s18 =	smul.u32 $0x380, s26;
	p0 =	slt.u32 s26, $0x68;
	v7 =	vld [tilespmem:s24+$0xC50];
	[tilespmem:s22+$0xD340] =	vst v4  }
0x10f: {  	[tilespmem:s22+$0xD050] =	vst v5;
	v4 =	vld [tilespmem:s24+$0xD30]  }
0x110: {  	[tilespmem:s22+$0xD0D0] =	vst v6;
	v5 =	vld [tilespmem:s24+$0xE10];
	s24 =	sshra.s32 s18, $0x2  }
0x111: {  	v6 =	vld [tilespmem:s24+$0xE20];
	[tilespmem:s22+$0xD150] =	vst v2  }
0x112: {  	v2 =	vld [tilespmem:s24+$0x800];
	[tilespmem:s22+$0xD1D0] =	vst v3  }
0x113: {  	v3 =	vld [tilespmem:s24+$0x8E0];
	[tilespmem:s22+$0xD250] =	vst v7  }
0x114: {  	s18 =	sshll.u32 s26, $0x8;
	v7 =	vld [tilespmem:s24+$0x9C0];
	[tilespmem:s22+$0xD2D0] =	vst v4  }
0x115: {  	v4 =	vld [tilespmem:s24+$0xAA0];
	[tilespmem:s22+$0xD350] =	vst v5;
	s22 =	sand.u32 $0x3FFFFF00, s18  }
0x116: {  	v5 =	vld [tilespmem:s24+$0xB80];
	[tilespmem:s22+$0xCF80] =	vst v6  }
0x117: {  	[tilespmem:s22+$0xCC00] =	vst v2;
	v2 =	vld [tilespmem:s24+$0xE30]  }
0x118: {  	[tilespmem:s22+$0xCC80] =	vst v3;
	v3 =	vld [tilespmem:s24+$0xC60]  }
0x119: {  	[tilespmem:s22+$0xCD00] =	vst v7;
	v6 =	vld [tilespmem:s24+$0xD40]  }
0x11a: {  	v7 =	vld [tilespmem:s24+$0x810];
	[tilespmem:s22+$0xCD80] =	vst v4  }
0x11b: {  	v4 =	vld [tilespmem:s24+$0x8F0];
	[tilespmem:s22+$0xCE00] =	vst v5  }
0x11c: {  	v5 =	vld [tilespmem:s24+$0x9D0];
	[tilespmem:s22+$0xCF90] =	vst v2  }
0x11d: {  	[tilespmem:s22+$0xCE80] =	vst v3;
	v2 =	vld [tilespmem:s24+$0xE40]  }
0x11e: {  	v3 =	vld [tilespmem:s24+$0xAB0];
	[tilespmem:s22+$0xCF00] =	vst v6  }
0x11f: {  	[tilespmem:s22+$0xCC10] =	vst v7;
	v6 =	vld [tilespmem:s24+$0xB90]  }
0x120: {  	[tilespmem:s22+$0xCC90] =	vst v4;
	v4 =	vld [tilespmem:s24+$0xC70]  }
0x121: {  	[tilespmem:s22+$0xCD10] =	vst v5;
	v5 =	vld [tilespmem:s24+$0xD50]  }
0x122: {  	v7 =	vld [tilespmem:s24+$0x820];
	[tilespmem:s22+$0xCFA0] =	vst v2  }
0x123: {  	[tilespmem:s22+$0xCD90] =	vst v3;
	v2 =	vld [tilespmem:s24+$0xE50]  }
0x124: {  	v3 =	vld [tilespmem:s24+$0x900];
	[tilespmem:s22+$0xCE10] =	vst v6  }
0x125: {  	v6 =	vld [tilespmem:s24+$0x9E0];
	[tilespmem:s22+$0xCE90] =	vst v4  }
0x126: {  	v4 =	vld [tilespmem:s24+$0xAC0];
	[tilespmem:s22+$0xCF10] =	vst v5  }
0x127: {  	[tilespmem:s22+$0xCC20] =	vst v7;
	v5 =	vld [tilespmem:s24+$0xBA0]  }
0x128: {  	v7 =	vld [tilespmem:s24+$0xC80];
	[tilespmem:s22+$0xCFB0] =	vst v2  }
0x129: {  	[tilespmem:s22+$0xCCA0] =	vst v3;
	v2 =	vld [tilespmem:s24+$0xE60]  }
0x12a: {  	[tilespmem:s22+$0xCD20] =	vst v6;
	v3 =	vld [tilespmem:s24+$0xD60]  }
0x12b: {  	v6 =	vld [tilespmem:s24+$0x830];
	[tilespmem:s22+$0xCDA0] =	vst v4  }
0x12c: {  	v4 =	vld [tilespmem:s24+$0x910];
	[tilespmem:s22+$0xCE20] =	vst v5  }
0x12d: {  	v5 =	vld [tilespmem:s24+$0x9F0];
	[tilespmem:s22+$0xCEA0] =	vst v7  }
0x12e: {  	v7 =	vld [tilespmem:s24+$0xAD0];
	[tilespmem:s22+$0xCFC0] =	vst v2  }
0x12f: {  	[tilespmem:s22+$0xCF20] =	vst v3;
	v2 =	vld [tilespmem:s24+$0xE70]  }
0x130: {  	[tilespmem:s22+$0xCC30] =	vst v6;
	v3 =	vld [tilespmem:s24+$0xBB0]  }
0x131: {  	[tilespmem:s22+$0xCCB0] =	vst v4;
	v4 =	vld [tilespmem:s24+$0xC90]  }
0x132: {  	[tilespmem:s22+$0xCD30] =	vst v5;
	v5 =	vld [tilespmem:s24+$0xD70]  }
0x133: {  	v6 =	vld [tilespmem:s24+$0x840];
	[tilespmem:s22+$0xCDB0] =	vst v7  }
0x134: {  	v7 =	vld [tilespmem:s24+$0x920];
	[tilespmem:s22+$0xCFD0] =	vst v2  }
0x135: {  	[tilespmem:s22+$0xCE30] =	vst v3;
	v2 =	vld [tilespmem:s24+$0xE80]  }
0x136: {  	v3 =	vld [tilespmem:s24+$0xA00];
	[tilespmem:s22+$0xCEB0] =	vst v4  }
0x137: {  	v4 =	vld [tilespmem:s24+$0xAE0];
	[tilespmem:s22+$0xCF30] =	vst v5  }
0x138: {  	[tilespmem:s22+$0xCC40] =	vst v6;
	v5 =	vld [tilespmem:s24+$0xBC0]  }
0x139: {  	[tilespmem:s22+$0xCCC0] =	vst v7;
	v6 =	vld [tilespmem:s24+$0xCA0]  }
0x13a: {  	v7 =	vld [tilespmem:s24+$0xD80];
	[tilespmem:s22+$0xCFE0] =	vst v2  }
0x13b: {  	[tilespmem:s22+$0xCD40] =	vst v3;
	v2 =	vld [tilespmem:s24+$0xE90]  }
0x13c: {  	v3 =	vld [tilespmem:s24+$0x850];
	[tilespmem:s22+$0xCDC0] =	vst v4  }
0x13d: {  	v4 =	vld [tilespmem:s24+$0x930];
	[tilespmem:s22+$0xCE40] =	vst v5  }
0x13e: {  	v5 =	vld [tilespmem:s24+$0xA10];
	[tilespmem:s22+$0xCEC0] =	vst v6  }
0x13f: {  	v6 =	vld [tilespmem:s24+$0xAF0];
	[tilespmem:s22+$0xCF40] =	vst v7  }
0x140: {  	v7 =	vld [tilespmem:s24+$0xBD0];
	[tilespmem:s22+$0xCFF0] =	vst v2  }
0x141: {  	[tilespmem:s22+$0xCC50] =	vst v3;
	v2 =	vld [tilespmem:s24+$0xEA0]  }
0x142: {  	[tilespmem:s22+$0xCCD0] =	vst v4;
	v3 =	vld [tilespmem:s24+$0xCB0]  }
0x143: {  	[tilespmem:s22+$0xCD50] =	vst v5;
	v4 =	vld [tilespmem:s24+$0xD90]  }
0x144: {  	v5 =	vld [tilespmem:s24+$0x860];
	[tilespmem:s22+$0xCDD0] =	vst v6  }
0x145: {  	v6 =	vld [tilespmem:s24+$0x940];
	[tilespmem:s22+$0xCE50] =	vst v7  }
0x146: {  	v7 =	vld [tilespmem:s24+$0xA20];
	[tilespmem:s22+$0xD380] =	vst v2  }
0x147: {  	[tilespmem:s22+$0xCED0] =	vst v3;
	v2 =	vld [tilespmem:s24+$0xEB0]  }
0x148: {  	v3 =	vld [tilespmem:s24+$0xB00];
	[tilespmem:s22+$0xCF50] =	vst v4  }
0x149: {  	[tilespmem:s22+$0xCC60] =	vst v5;
	v4 =	vld [tilespmem:s24+$0xBE0]  }
0x14a: {  	[tilespmem:s22+$0xCCE0] =	vst v6;
	v5 =	vld [tilespmem:s24+$0xCC0]  }
0x14b: {  	[tilespmem:s22+$0xCD60] =	vst v7;
	v6 =	vld [tilespmem:s24+$0xDA0]  }
0x14c: {  	v7 =	vld [tilespmem:s24+$0x870];
	[tilespmem:s22+$0xD390] =	vst v2  }
0x14d: {  	[tilespmem:s22+$0xCDE0] =	vst v3;
	v2 =	vld [tilespmem:s24+$0xEC0]  }
0x14e: {  	v3 =	vld [tilespmem:s24+$0x950];
	[tilespmem:s22+$0xCE60] =	vst v4  }
0x14f: {  	v4 =	vld [tilespmem:s24+$0xA30];
	[tilespmem:s22+$0xCEE0] =	vst v5  }
0x150: {  	v5 =	vld [tilespmem:s24+$0xB10];
	[tilespmem:s22+$0xCF60] =	vst v6  }
0x151: {  	[tilespmem:s22+$0xCC70] =	vst v7;
	v6 =	vld [tilespmem:s24+$0xBF0]  }
0x152: {  	v7 =	vld [tilespmem:s24+$0xCD0];
	[tilespmem:s22+$0xD3A0] =	vst v2  }
0x153: {  	[tilespmem:s22+$0xCCF0] =	vst v3;
	v2 =	vld [tilespmem:s24+$0xED0]  }
0x154: {  	[tilespmem:s22+$0xCD70] =	vst v4;
	v3 =	vld [tilespmem:s24+$0xDB0]  }
0x155: {  	v4 =	vld [tilespmem:s24+$0x880];
	[tilespmem:s22+$0xCDF0] =	vst v5  }
0x156: {  	v5 =	vld [tilespmem:s24+$0x960];
	[tilespmem:s22+$0xCE70] =	vst v6  }
0x157: {  	v6 =	vld [tilespmem:s24+$0xA40];
	[tilespmem:s22+$0xCEF0] =	vst v7  }
0x158: {  	v7 =	vld [tilespmem:s24+$0xB20];
	[tilespmem:s22+$0xD3B0] =	vst v2  }
0x159: {  	[tilespmem:s22+$0xCF70] =	vst v3;
	v2 =	vld [tilespmem:s24+$0xEE0]  }
0x15a: {  	[tilespmem:s22+$0xD000] =	vst v4;
	v3 =	vld [tilespmem:s24+$0xC00]  }
0x15b: {  	[tilespmem:s22+$0xD080] =	vst v5;
	v4 =	vld [tilespmem:s24+$0xCE0]  }
0x15c: {  	[tilespmem:s22+$0xD100] =	vst v6;
	v5 =	vld [tilespmem:s24+$0xDC0]  }
0x15d: {  	v6 =	vld [tilespmem:s24+$0x890];
	[tilespmem:s22+$0xD180] =	vst v7  }
0x15e: {  	v7 =	vld [tilespmem:s24+$0x970];
	[tilespmem:s22+$0xD3C0] =	vst v2  }
0x15f: {  	[tilespmem:s22+$0xD200] =	vst v3;
	v2 =	vld [tilespmem:s24+$0xEF0]  }
0x160: {  	v3 =	vld [tilespmem:s24+$0xA50];
	[tilespmem:s22+$0xD280] =	vst v4  }
0x161: {  	v4 =	vld [tilespmem:s24+$0xB30];
	[tilespmem:s22+$0xD300] =	vst v5  }
0x162: {  	[tilespmem:s22+$0xD010] =	vst v6;
	v5 =	vld [tilespmem:s24+$0xC10]  }
0x163: {  	[tilespmem:s22+$0xD090] =	vst v7;
	v6 =	vld [tilespmem:s24+$0xCF0]  }
0x164: {  	v7 =	vld [tilespmem:s24+$0xDD0];
	[tilespmem:s22+$0xD3D0] =	vst v2  }
0x165: {  	v2 =	vld [tilespmem:s24+$0x8A0];
	[tilespmem:s22+$0xD110] =	vst v3  }
0x166: {  	v3 =	vld [tilespmem:s24+$0x980];
	[tilespmem:s22+$0xD190] =	vst v4  }
0x167: {  	v4 =	vld [tilespmem:s24+$0xA60];
	[tilespmem:s22+$0xD210] =	vst v5  }
0x168: {  	v5 =	vld [tilespmem:s24+$0xB40];
	[tilespmem:s22+$0xD290] =	vst v6  }
0x169: {  	v6 =	vld [tilespmem:s24+$0xC20];
	[tilespmem:s22+$0xD310] =	vst v7  }
0x16a: {  	[tilespmem:s22+$0xD020] =	vst v2;
	v2 =	vld [tilespmem:s24+$0xD00]  }
0x16b: {  	[tilespmem:s22+$0xD0A0] =	vst v3;
	v3 =	vld [tilespmem:s24+$0xDE0]  }
0x16c: {  	v7 =	vld [tilespmem:s24+$0x8B0];
	[tilespmem:s22+$0xD120] =	vst v4  }
0x16d: {  	v4 =	vld [tilespmem:s24+$0x990];
	[tilespmem:s22+$0xD1A0] =	vst v5  }
0x16e: {  	v5 =	vld [tilespmem:s24+$0xA70];
	[tilespmem:s22+$0xD220] =	vst v6  }
0x16f: {  	v6 =	vld [tilespmem:s24+$0xB50];
	[tilespmem:s22+$0xD2A0] =	vst v2  }
0x170: {  	v2 =	vld [tilespmem:s24+$0xC30];
	[tilespmem:s22+$0xD320] =	vst v3  }
0x171: {  	[tilespmem:s22+$0xD030] =	vst v7;
	v3 =	vld [tilespmem:s24+$0xD10]  }
0x172: {  	[tilespmem:s22+$0xD0B0] =	vst v4;
	v4 =	vld [tilespmem:s24+$0xDF0]  }
0x173: {  	v7 =	vld [tilespmem:s24+$0x8C0];
	[tilespmem:s22+$0xD130] =	vst v5  }
0x174: {  	v5 =	vld [tilespmem:s24+$0x9A0];
	[tilespmem:s22+$0xD1B0] =	vst v6  }
0x175: {  	v6 =	vld [tilespmem:s24+$0xA80];
	[tilespmem:s22+$0xD230] =	vst v2  }
0x176: {  	v2 =	vld [tilespmem:s24+$0xB60];
	[tilespmem:s22+$0xD2B0] =	vst v3  }
0x177: {  	v3 =	vld [tilespmem:s24+$0xC40];
	[tilespmem:s22+$0xD330] =	vst v4  }
0x178: {  	[tilespmem:s22+$0xD040] =	vst v7;
	v7 =	vld [tilespmem:s24+$0xD20]  }
.Ltmp0:
0x179: {  	[tilespmem:s22+$0xD0C0] =	vst v5;
	v4 =	vld [tilespmem:s24+$0xE00];
	(pc) =	sbr.rel @p0 .LBB2_2-.Ltmp0, $4  }
0x17a: {  	v5 =	vld [tilespmem:s24+$0x8D0];
	[tilespmem:s22+$0xD140] =	vst v6  }
0x17b: {  	v6 =	vld [tilespmem:s24+$0x9B0];
	[tilespmem:s22+$0xD1C0] =	vst v2  }
0x17c: {  	v2 =	vld [tilespmem:s24+$0xA90];
	[tilespmem:s22+$0xD240] =	vst v3  }
0x17d: {  	s26 =	sadd.s32 $0x8, s26;
	v3 =	vld [tilespmem:s24+$0xB70];
	[tilespmem:s22+$0xD2C0] =	vst v7  }
0x17e: {  	v7 =	vld [tilespmem:s24+$0xC50];
	[tilespmem:s22+$0xD340] =	vst v4  }
0x17f: {  	v4 =	vld [tilespmem:s24+$0xD30];
	[tilespmem:s22+$0xD050] =	vst v5  }
0x180: {  	v5 =	vld [tilespmem:s24+$0xE10];
	[tilespmem:s22+$0xD0D0] =	vst v6  }
0x181: {  	[tilespmem:s22+$0xD150] =	vst v2  }
0x182: {  	[tilespmem:s22+$0xD1D0] =	vst v3  }
0x183: {  	[tilespmem:s22+$0xD250] =	vst v7  }
0x184: {  	[tilespmem:s22+$0xD2D0] =	vst v4  }
0x185: {  	[tilespmem:s22+$0xD350] =	vst v5  }
0x186: {  	s18 =	simm.s32 $0x0;
	s22 =	rddreg [dreg:$0xf]  }
0x187: {  	[hbm4b:s22+s18] =	stream.linear.scatter [tilespmem:s21], [sflag:$0x4], $0x7000, $0x38;
	[tilespmem:$0x1AC00] =	vst v63  }
0x188: {  	s18 =	smul.u32 $0x380, s18;
	_ =	swait.ge [sflag:s11], $0x7000  }
0x189: {  	[sflag:s11] =	ssyncset.done $0x0  }
0x18a: {  	s24 =	sshra.s32 s18, $0x2;
	[sflag:s11] =	ssyncadd.s32 $0xFFFF9000  }
0x18b: {  	v2 =	vld [tilespmem:s24+$0x7020]  }
0x18c: {  	v3 =	vld [tilespmem:s24+$0x6A00]  }
0x18d: {  	v4 =	vld [tilespmem:s24+$0x6AE0]  }
0x18e: {  	s26 =	simm.s32 $0x0;
	v5 =	vld [tilespmem:s24+$0x6BC0]  }
0x18f: {  	s22 =	sand.u32 $0x3FFFFF00, s26;
	v6 =	vld [tilespmem:s24+$0x6CA0]  }
0x190: {  	v7 =	vld [tilespmem:s24+$0x6D80];
	[tilespmem:s22+$0x13F80] =	vst v2  }
0x191: {  	[tilespmem:s22+$0x13C00] =	vst v3;
	v3 =	vld [tilespmem:s24+$0x6E60]  }
0x192: {  	[tilespmem:s22+$0x13C80] =	vst v4;
	v4 =	vld [tilespmem:s24+$0x6F40]  }
0x193: {  	[tilespmem:s22+$0x13D00] =	vst v5;
	v2 =	vld [tilespmem:s24+$0x7030]  }
0x194: {  	[tilespmem:s22+$0x13D80] =	vst v6;
	v5 =	vld [tilespmem:s24+$0x6A10]  }
0x195: {  	[tilespmem:s22+$0x13E00] =	vst v7;
	v6 =	vld [tilespmem:s24+$0x6AF0]  }
0x196: {  	v7 =	vld [tilespmem:s24+$0x6BD0];
	[tilespmem:s22+$0x13E80] =	vst v3  }
0x197: {  	v3 =	vld [tilespmem:s24+$0x6CB0];
	[tilespmem:s22+$0x13F00] =	vst v4  }
0x198: {  	v4 =	vld [tilespmem:s24+$0x6D90];
	[tilespmem:s22+$0x13F90] =	vst v2  }
0x199: {  	[tilespmem:s22+$0x13C10] =	vst v5;
	v5 =	vld [tilespmem:s24+$0x6E70]  }
0x19a: {  	[tilespmem:s22+$0x13C90] =	vst v6;
	v2 =	vld [tilespmem:s24+$0x7040]  }
0x19b: {  	[tilespmem:s22+$0x13D10] =	vst v7;
	v6 =	vld [tilespmem:s24+$0x6F50]  }
0x19c: {  	v7 =	vld [tilespmem:s24+$0x6A20];
	[tilespmem:s22+$0x13D90] =	vst v3  }
0x19d: {  	v3 =	vld [tilespmem:s24+$0x6B00];
	[tilespmem:s22+$0x13E10] =	vst v4  }
0x19e: {  	v4 =	vld [tilespmem:s24+$0x6BE0];
	[tilespmem:s22+$0x13E90] =	vst v5  }
0x19f: {  	v5 =	vld [tilespmem:s24+$0x6CC0];
	[tilespmem:s22+$0x13FA0] =	vst v2  }
0x1a0: {  	[tilespmem:s22+$0x13F10] =	vst v6;
	v2 =	vld [tilespmem:s24+$0x7050]  }
0x1a1: {  	v6 =	vld [tilespmem:s24+$0x6DA0];
	[tilespmem:s22+$0x13C20] =	vst v7  }
0x1a2: {  	v7 =	vld [tilespmem:s24+$0x6E80];
	[tilespmem:s22+$0x13CA0] =	vst v3  }
0x1a3: {  	[tilespmem:s22+$0x13D20] =	vst v4;
	v3 =	vld [tilespmem:s24+$0x6F60]  }
0x1a4: {  	v4 =	vld [tilespmem:s24+$0x6A30];
	[tilespmem:s22+$0x13DA0] =	vst v5  }
0x1a5: {  	v5 =	vld [tilespmem:s24+$0x6B10];
	[tilespmem:s22+$0x13FB0] =	vst v2  }
0x1a6: {  	[tilespmem:s22+$0x13E20] =	vst v6;
	v2 =	vld [tilespmem:s24+$0x7060]  }
0x1a7: {  	v6 =	vld [tilespmem:s24+$0x6BF0];
	[tilespmem:s22+$0x13EA0] =	vst v7  }
0x1a8: {  	v7 =	vld [tilespmem:s24+$0x6CD0];
	[tilespmem:s22+$0x13F20] =	vst v3  }
0x1a9: {  	[tilespmem:s22+$0x13C30] =	vst v4;
	v3 =	vld [tilespmem:s24+$0x6DB0]  }
0x1aa: {  	v4 =	vld [tilespmem:s24+$0x6E90];
	[tilespmem:s22+$0x13CB0] =	vst v5  }
0x1ab: {  	v5 =	vld [tilespmem:s24+$0x6F70];
	[tilespmem:s22+$0x13FC0] =	vst v2  }
0x1ac: {  	[tilespmem:s22+$0x13D30] =	vst v6;
	v2 =	vld [tilespmem:s24+$0x7070]  }
0x1ad: {  	v6 =	vld [tilespmem:s24+$0x6A40];
	[tilespmem:s22+$0x13DB0] =	vst v7  }
0x1ae: {  	v7 =	vld [tilespmem:s24+$0x6B20];
	[tilespmem:s22+$0x13E30] =	vst v3  }
0x1af: {  	v3 =	vld [tilespmem:s24+$0x6C00];
	[tilespmem:s22+$0x13EB0] =	vst v4  }
0x1b0: {  	v4 =	vld [tilespmem:s24+$0x6CE0];
	[tilespmem:s22+$0x13F30] =	vst v5  }
0x1b1: {  	v5 =	vld [tilespmem:s24+$0x6DC0];
	[tilespmem:s22+$0x13FD0] =	vst v2  }
0x1b2: {  	[tilespmem:s22+$0x13C40] =	vst v6;
	v2 =	vld [tilespmem:s24+$0x7080]  }
0x1b3: {  	v6 =	vld [tilespmem:s24+$0x6EA0];
	[tilespmem:s22+$0x13CC0] =	vst v7  }
0x1b4: {  	v7 =	vld [tilespmem:s24+$0x6F80];
	[tilespmem:s22+$0x13D40] =	vst v3  }
0x1b5: {  	v3 =	vld [tilespmem:s24+$0x6A50];
	[tilespmem:s22+$0x13DC0] =	vst v4  }
0x1b6: {  	v4 =	vld [tilespmem:s24+$0x6B30];
	[tilespmem:s22+$0x13E40] =	vst v5  }
0x1b7: {  	v5 =	vld [tilespmem:s24+$0x6C10];
	[tilespmem:s22+$0x13FE0] =	vst v2  }
0x1b8: {  	[tilespmem:s22+$0x13EC0] =	vst v6;
	v2 =	vld [tilespmem:s24+$0x7090]  }
0x1b9: {  	v6 =	vld [tilespmem:s24+$0x6CF0];
	[tilespmem:s22+$0x13F40] =	vst v7  }
0x1ba: {  	v7 =	vld [tilespmem:s24+$0x6DD0];
	[tilespmem:s22+$0x13C50] =	vst v3  }
0x1bb: {  	[tilespmem:s22+$0x13CD0] =	vst v4;
	v3 =	vld [tilespmem:s24+$0x6EB0]  }
0x1bc: {  	v4 =	vld [tilespmem:s24+$0x6F90];
	[tilespmem:s22+$0x13D50] =	vst v5  }
0x1bd: {  	v5 =	vld [tilespmem:s24+$0x6A60];
	[tilespmem:s22+$0x13FF0] =	vst v2  }
0x1be: {  	[tilespmem:s22+$0x13DD0] =	vst v6;
	v2 =	vld [tilespmem:s24+$0x70A0]  }
0x1bf: {  	v6 =	vld [tilespmem:s24+$0x6B40];
	[tilespmem:s22+$0x13E50] =	vst v7  }
0x1c0: {  	v7 =	vld [tilespmem:s24+$0x6C20];
	[tilespmem:s22+$0x13ED0] =	vst v3  }
0x1c1: {  	v3 =	vld [tilespmem:s24+$0x6D00];
	[tilespmem:s22+$0x13F50] =	vst v4  }
0x1c2: {  	v4 =	vld [tilespmem:s24+$0x6DE0];
	[tilespmem:s22+$0x13C60] =	vst v5  }
0x1c3: {  	v5 =	vld [tilespmem:s24+$0x6EC0];
	[tilespmem:s22+$0x14380] =	vst v2  }
0x1c4: {  	[tilespmem:s22+$0x13CE0] =	vst v6;
	v2 =	vld [tilespmem:s24+$0x70B0]  }
0x1c5: {  	v6 =	vld [tilespmem:s24+$0x6FA0];
	[tilespmem:s22+$0x13D60] =	vst v7  }
0x1c6: {  	v7 =	vld [tilespmem:s24+$0x6A70];
	[tilespmem:s22+$0x13DE0] =	vst v3  }
0x1c7: {  	v3 =	vld [tilespmem:s24+$0x6B50];
	[tilespmem:s22+$0x13E60] =	vst v4  }
0x1c8: {  	v4 =	vld [tilespmem:s24+$0x6C30];
	[tilespmem:s22+$0x13EE0] =	vst v5  }
0x1c9: {  	v5 =	vld [tilespmem:s24+$0x6D10];
	[tilespmem:s22+$0x14390] =	vst v2  }
0x1ca: {  	[tilespmem:s22+$0x13F60] =	vst v6;
	v2 =	vld [tilespmem:s24+$0x70C0]  }
0x1cb: {  	v6 =	vld [tilespmem:s24+$0x6DF0];
	[tilespmem:s22+$0x13C70] =	vst v7  }
0x1cc: {  	v7 =	vld [tilespmem:s24+$0x6ED0];
	[tilespmem:s22+$0x13CF0] =	vst v3  }
0x1cd: {  	[tilespmem:s22+$0x13D70] =	vst v4;
	v3 =	vld [tilespmem:s24+$0x6FB0]  }
0x1ce: {  	v4 =	vld [tilespmem:s24+$0x6A80];
	[tilespmem:s22+$0x13DF0] =	vst v5  }
0x1cf: {  	v5 =	vld [tilespmem:s24+$0x6B60];
	[tilespmem:s22+$0x143A0] =	vst v2  }
0x1d0: {  	[tilespmem:s22+$0x13E70] =	vst v6;
	v2 =	vld [tilespmem:s24+$0x70D0]  }
0x1d1: {  	v6 =	vld [tilespmem:s24+$0x6C40];
	[tilespmem:s22+$0x13EF0] =	vst v7  }
0x1d2: {  	v7 =	vld [tilespmem:s24+$0x6D20];
	[tilespmem:s22+$0x13F70] =	vst v3  }
0x1d3: {  	[tilespmem:s22+$0x14000] =	vst v4;
	v3 =	vld [tilespmem:s24+$0x6E00]  }
0x1d4: {  	v4 =	vld [tilespmem:s24+$0x6EE0];
	[tilespmem:s22+$0x14080] =	vst v5  }
0x1d5: {  	v5 =	vld [tilespmem:s24+$0x6FC0];
	[tilespmem:s22+$0x143B0] =	vst v2  }
0x1d6: {  	[tilespmem:s22+$0x14100] =	vst v6;
	v2 =	vld [tilespmem:s24+$0x70E0]  }
0x1d7: {  	v6 =	vld [tilespmem:s24+$0x6A90];
	[tilespmem:s22+$0x14180] =	vst v7  }
0x1d8: {  	v7 =	vld [tilespmem:s24+$0x6B70];
	[tilespmem:s22+$0x14200] =	vst v3  }
0x1d9: {  	v3 =	vld [tilespmem:s24+$0x6C50];
	[tilespmem:s22+$0x14280] =	vst v4  }
0x1da: {  	v4 =	vld [tilespmem:s24+$0x6D30];
	[tilespmem:s22+$0x14300] =	vst v5  }
0x1db: {  	v5 =	vld [tilespmem:s24+$0x6E10];
	[tilespmem:s22+$0x143C0] =	vst v2  }
0x1dc: {  	[tilespmem:s22+$0x14010] =	vst v6;
	v2 =	vld [tilespmem:s24+$0x70F0]  }
0x1dd: {  	v6 =	vld [tilespmem:s24+$0x6EF0];
	[tilespmem:s22+$0x14090] =	vst v7  }
0x1de: {  	v7 =	vld [tilespmem:s24+$0x6FD0];
	[tilespmem:s22+$0x14110] =	vst v3  }
0x1df: {  	v3 =	vld [tilespmem:s24+$0x6B80];
	[tilespmem:s22+$0x14190] =	vst v4  }
0x1e0: {  	v4 =	vld [tilespmem:s24+$0x6C60];
	[tilespmem:s22+$0x14210] =	vst v5  }
0x1e1: {  	[tilespmem:s22+$0x143D0] =	vst v2;
	v2 =	vld [tilespmem:s24+$0x6AA0]  }
0x1e2: {  	v5 =	vld [tilespmem:s24+$0x6D40];
	[tilespmem:s22+$0x14290] =	vst v6  }
0x1e3: {  	v6 =	vld [tilespmem:s24+$0x6E20];
	[tilespmem:s22+$0x14310] =	vst v7  }
0x1e4: {  	[tilespmem:s22+$0x140A0] =	vst v3;
	v3 =	vld [tilespmem:s24+$0x6FE0]  }
0x1e5: {  	[tilespmem:s22+$0x14120] =	vst v4;
	v4 =	vld [tilespmem:s24+$0x6B90]  }
0x1e6: {  	[tilespmem:s22+$0x14020] =	vst v2;
	v2 =	vld [tilespmem:s24+$0x6F00]  }
0x1e7: {  	[tilespmem:s22+$0x141A0] =	vst v5;
	v7 =	vld [tilespmem:s24+$0x6AB0]  }
0x1e8: {  	v5 =	vld [tilespmem:s24+$0x6C70];
	[tilespmem:s22+$0x14220] =	vst v6  }
0x1e9: {  	v6 =	vld [tilespmem:s24+$0x6D50];
	[tilespmem:s22+$0x14320] =	vst v3  }
0x1ea: {  	[tilespmem:s22+$0x140B0] =	vst v4;
	v4 =	vld [tilespmem:s24+$0x6FF0]  }
0x1eb: {  	[tilespmem:s22+$0x142A0] =	vst v2;
	v2 =	vld [tilespmem:s24+$0x6E30]  }
0x1ec: {  	[tilespmem:s22+$0x14030] =	vst v7;
	v3 =	vld [tilespmem:s24+$0x6F10]  }
0x1ed: {  	[tilespmem:s22+$0x14130] =	vst v5;
	v7 =	vld [tilespmem:s24+$0x6AC0]  }
0x1ee: {  	v5 =	vld [tilespmem:s24+$0x6BA0];
	[tilespmem:s22+$0x141B0] =	vst v6  }
0x1ef: {  	v6 =	vld [tilespmem:s24+$0x6C80];
	[tilespmem:s22+$0x14330] =	vst v4  }
0x1f0: {  	[tilespmem:s22+$0x14230] =	vst v2;
	v2 =	vld [tilespmem:s24+$0x6D60]  }
0x1f1: {  	[tilespmem:s22+$0x142B0] =	vst v3;
	v3 =	vld [tilespmem:s24+$0x6E40]  }
0x1f2: {  	[tilespmem:s22+$0x14040] =	vst v7;
	v7 =	vld [tilespmem:s24+$0x6F20]  }
0x1f3: {  	[tilespmem:s22+$0x140C0] =	vst v5;
	v4 =	vld [tilespmem:s24+$0x7000]  }
0x1f4: {  	[tilespmem:s22+$0x14140] =	vst v6;
	v5 =	vld [tilespmem:s24+$0x6AD0]  }
0x1f5: {  	v6 =	vld [tilespmem:s24+$0x6BB0];
	[tilespmem:s22+$0x141C0] =	vst v2  }
0x1f6: {  	v2 =	vld [tilespmem:s24+$0x6C90];
	[tilespmem:s22+$0x14240] =	vst v3  }
0x1f7: {  	s26 =	simm.s32 $0x8;
	v3 =	vld [tilespmem:s24+$0x6D70];
	[tilespmem:s22+$0x142C0] =	vst v7  }
.LBB2_4:
0x1f8: {  	s18 =	smul.u32 $0x380, s26;
	p0 =	slt.u32 s26, $0x68;
	v7 =	vld [tilespmem:s24+$0x6E50];
	[tilespmem:s22+$0x14340] =	vst v4  }
0x1f9: {  	[tilespmem:s22+$0x14050] =	vst v5;
	v4 =	vld [tilespmem:s24+$0x6F30]  }
0x1fa: {  	[tilespmem:s22+$0x140D0] =	vst v6;
	v5 =	vld [tilespmem:s24+$0x7010];
	s24 =	sshra.s32 s18, $0x2  }
0x1fb: {  	v6 =	vld [tilespmem:s24+$0x7020];
	[tilespmem:s22+$0x14150] =	vst v2  }
0x1fc: {  	v2 =	vld [tilespmem:s24+$0x6A00];
	[tilespmem:s22+$0x141D0] =	vst v3  }
0x1fd: {  	v3 =	vld [tilespmem:s24+$0x6AE0];
	[tilespmem:s22+$0x14250] =	vst v7  }
0x1fe: {  	s18 =	sshll.u32 s26, $0x8;
	v7 =	vld [tilespmem:s24+$0x6BC0];
	[tilespmem:s22+$0x142D0] =	vst v4  }
0x1ff: {  	v4 =	vld [tilespmem:s24+$0x6CA0];
	[tilespmem:s22+$0x14350] =	vst v5;
	s22 =	sand.u32 $0x3FFFFF00, s18  }
0x200: {  	v5 =	vld [tilespmem:s24+$0x6D80];
	[tilespmem:s22+$0x13F80] =	vst v6  }
0x201: {  	[tilespmem:s22+$0x13C00] =	vst v2;
	v2 =	vld [tilespmem:s24+$0x7030]  }
0x202: {  	[tilespmem:s22+$0x13C80] =	vst v3;
	v3 =	vld [tilespmem:s24+$0x6E60]  }
0x203: {  	[tilespmem:s22+$0x13D00] =	vst v7;
	v6 =	vld [tilespmem:s24+$0x6F40]  }
0x204: {  	v7 =	vld [tilespmem:s24+$0x6A10];
	[tilespmem:s22+$0x13D80] =	vst v4  }
0x205: {  	v4 =	vld [tilespmem:s24+$0x6AF0];
	[tilespmem:s22+$0x13E00] =	vst v5  }
0x206: {  	v5 =	vld [tilespmem:s24+$0x6BD0];
	[tilespmem:s22+$0x13F90] =	vst v2  }
0x207: {  	[tilespmem:s22+$0x13E80] =	vst v3;
	v2 =	vld [tilespmem:s24+$0x7040]  }
0x208: {  	v3 =	vld [tilespmem:s24+$0x6CB0];
	[tilespmem:s22+$0x13F00] =	vst v6  }
0x209: {  	[tilespmem:s22+$0x13C10] =	vst v7;
	v6 =	vld [tilespmem:s24+$0x6D90]  }
0x20a: {  	[tilespmem:s22+$0x13C90] =	vst v4;
	v4 =	vld [tilespmem:s24+$0x6E70]  }
0x20b: {  	[tilespmem:s22+$0x13D10] =	vst v5;
	v5 =	vld [tilespmem:s24+$0x6F50]  }
0x20c: {  	v7 =	vld [tilespmem:s24+$0x6A20];
	[tilespmem:s22+$0x13FA0] =	vst v2  }
0x20d: {  	[tilespmem:s22+$0x13D90] =	vst v3;
	v2 =	vld [tilespmem:s24+$0x7050]  }
0x20e: {  	v3 =	vld [tilespmem:s24+$0x6B00];
	[tilespmem:s22+$0x13E10] =	vst v6  }
0x20f: {  	v6 =	vld [tilespmem:s24+$0x6BE0];
	[tilespmem:s22+$0x13E90] =	vst v4  }
0x210: {  	v4 =	vld [tilespmem:s24+$0x6CC0];
	[tilespmem:s22+$0x13F10] =	vst v5  }
0x211: {  	[tilespmem:s22+$0x13C20] =	vst v7;
	v5 =	vld [tilespmem:s24+$0x6DA0]  }
0x212: {  	v7 =	vld [tilespmem:s24+$0x6E80];
	[tilespmem:s22+$0x13FB0] =	vst v2  }
0x213: {  	[tilespmem:s22+$0x13CA0] =	vst v3;
	v2 =	vld [tilespmem:s24+$0x7060]  }
0x214: {  	[tilespmem:s22+$0x13D20] =	vst v6;
	v3 =	vld [tilespmem:s24+$0x6F60]  }
0x215: {  	v6 =	vld [tilespmem:s24+$0x6A30];
	[tilespmem:s22+$0x13DA0] =	vst v4  }
0x216: {  	v4 =	vld [tilespmem:s24+$0x6B10];
	[tilespmem:s22+$0x13E20] =	vst v5  }
0x217: {  	v5 =	vld [tilespmem:s24+$0x6BF0];
	[tilespmem:s22+$0x13EA0] =	vst v7  }
0x218: {  	v7 =	vld [tilespmem:s24+$0x6CD0];
	[tilespmem:s22+$0x13FC0] =	vst v2  }
0x219: {  	[tilespmem:s22+$0x13F20] =	vst v3;
	v2 =	vld [tilespmem:s24+$0x7070]  }
0x21a: {  	[tilespmem:s22+$0x13C30] =	vst v6;
	v3 =	vld [tilespmem:s24+$0x6DB0]  }
0x21b: {  	[tilespmem:s22+$0x13CB0] =	vst v4;
	v4 =	vld [tilespmem:s24+$0x6E90]  }
0x21c: {  	[tilespmem:s22+$0x13D30] =	vst v5;
	v5 =	vld [tilespmem:s24+$0x6F70]  }
0x21d: {  	v6 =	vld [tilespmem:s24+$0x6A40];
	[tilespmem:s22+$0x13DB0] =	vst v7  }
0x21e: {  	v7 =	vld [tilespmem:s24+$0x6B20];
	[tilespmem:s22+$0x13FD0] =	vst v2  }
0x21f: {  	[tilespmem:s22+$0x13E30] =	vst v3;
	v2 =	vld [tilespmem:s24+$0x7080]  }
0x220: {  	v3 =	vld [tilespmem:s24+$0x6C00];
	[tilespmem:s22+$0x13EB0] =	vst v4  }
0x221: {  	v4 =	vld [tilespmem:s24+$0x6CE0];
	[tilespmem:s22+$0x13F30] =	vst v5  }
0x222: {  	[tilespmem:s22+$0x13C40] =	vst v6;
	v5 =	vld [tilespmem:s24+$0x6DC0]  }
0x223: {  	[tilespmem:s22+$0x13CC0] =	vst v7;
	v6 =	vld [tilespmem:s24+$0x6EA0]  }
0x224: {  	v7 =	vld [tilespmem:s24+$0x6F80];
	[tilespmem:s22+$0x13FE0] =	vst v2  }
0x225: {  	[tilespmem:s22+$0x13D40] =	vst v3;
	v2 =	vld [tilespmem:s24+$0x7090]  }
0x226: {  	v3 =	vld [tilespmem:s24+$0x6A50];
	[tilespmem:s22+$0x13DC0] =	vst v4  }
0x227: {  	v4 =	vld [tilespmem:s24+$0x6B30];
	[tilespmem:s22+$0x13E40] =	vst v5  }
0x228: {  	v5 =	vld [tilespmem:s24+$0x6C10];
	[tilespmem:s22+$0x13EC0] =	vst v6  }
0x229: {  	v6 =	vld [tilespmem:s24+$0x6CF0];
	[tilespmem:s22+$0x13F40] =	vst v7  }
0x22a: {  	v7 =	vld [tilespmem:s24+$0x6DD0];
	[tilespmem:s22+$0x13FF0] =	vst v2  }
0x22b: {  	[tilespmem:s22+$0x13C50] =	vst v3;
	v2 =	vld [tilespmem:s24+$0x70A0]  }
0x22c: {  	[tilespmem:s22+$0x13CD0] =	vst v4;
	v3 =	vld [tilespmem:s24+$0x6EB0]  }
0x22d: {  	[tilespmem:s22+$0x13D50] =	vst v5;
	v4 =	vld [tilespmem:s24+$0x6F90]  }
0x22e: {  	v5 =	vld [tilespmem:s24+$0x6A60];
	[tilespmem:s22+$0x13DD0] =	vst v6  }
0x22f: {  	v6 =	vld [tilespmem:s24+$0x6B40];
	[tilespmem:s22+$0x13E50] =	vst v7  }
0x230: {  	v7 =	vld [tilespmem:s24+$0x6C20];
	[tilespmem:s22+$0x14380] =	vst v2  }
0x231: {  	[tilespmem:s22+$0x13ED0] =	vst v3;
	v2 =	vld [tilespmem:s24+$0x70B0]  }
0x232: {  	v3 =	vld [tilespmem:s24+$0x6D00];
	[tilespmem:s22+$0x13F50] =	vst v4  }
0x233: {  	[tilespmem:s22+$0x13C60] =	vst v5;
	v4 =	vld [tilespmem:s24+$0x6DE0]  }
0x234: {  	[tilespmem:s22+$0x13CE0] =	vst v6;
	v5 =	vld [tilespmem:s24+$0x6EC0]  }
0x235: {  	[tilespmem:s22+$0x13D60] =	vst v7;
	v6 =	vld [tilespmem:s24+$0x6FA0]  }
0x236: {  	v7 =	vld [tilespmem:s24+$0x6A70];
	[tilespmem:s22+$0x14390] =	vst v2  }
0x237: {  	[tilespmem:s22+$0x13DE0] =	vst v3;
	v2 =	vld [tilespmem:s24+$0x70C0]  }
0x238: {  	v3 =	vld [tilespmem:s24+$0x6B50];
	[tilespmem:s22+$0x13E60] =	vst v4  }
0x239: {  	v4 =	vld [tilespmem:s24+$0x6C30];
	[tilespmem:s22+$0x13EE0] =	vst v5  }
0x23a: {  	v5 =	vld [tilespmem:s24+$0x6D10];
	[tilespmem:s22+$0x13F60] =	vst v6  }
0x23b: {  	[tilespmem:s22+$0x13C70] =	vst v7;
	v6 =	vld [tilespmem:s24+$0x6DF0]  }
0x23c: {  	v7 =	vld [tilespmem:s24+$0x6ED0];
	[tilespmem:s22+$0x143A0] =	vst v2  }
0x23d: {  	[tilespmem:s22+$0x13CF0] =	vst v3;
	v2 =	vld [tilespmem:s24+$0x70D0]  }
0x23e: {  	[tilespmem:s22+$0x13D70] =	vst v4;
	v3 =	vld [tilespmem:s24+$0x6FB0]  }
0x23f: {  	v4 =	vld [tilespmem:s24+$0x6A80];
	[tilespmem:s22+$0x13DF0] =	vst v5  }
0x240: {  	v5 =	vld [tilespmem:s24+$0x6B60];
	[tilespmem:s22+$0x13E70] =	vst v6  }
0x241: {  	v6 =	vld [tilespmem:s24+$0x6C40];
	[tilespmem:s22+$0x13EF0] =	vst v7  }
0x242: {  	v7 =	vld [tilespmem:s24+$0x6D20];
	[tilespmem:s22+$0x143B0] =	vst v2  }
0x243: {  	[tilespmem:s22+$0x13F70] =	vst v3;
	v2 =	vld [tilespmem:s24+$0x70E0]  }
0x244: {  	[tilespmem:s22+$0x14000] =	vst v4;
	v3 =	vld [tilespmem:s24+$0x6E00]  }
0x245: {  	[tilespmem:s22+$0x14080] =	vst v5;
	v4 =	vld [tilespmem:s24+$0x6EE0]  }
0x246: {  	[tilespmem:s22+$0x14100] =	vst v6;
	v5 =	vld [tilespmem:s24+$0x6FC0]  }
0x247: {  	v6 =	vld [tilespmem:s24+$0x6A90];
	[tilespmem:s22+$0x14180] =	vst v7  }
0x248: {  	v7 =	vld [tilespmem:s24+$0x6B70];
	[tilespmem:s22+$0x143C0] =	vst v2  }
0x249: {  	[tilespmem:s22+$0x14200] =	vst v3;
	v2 =	vld [tilespmem:s24+$0x70F0]  }
0x24a: {  	v3 =	vld [tilespmem:s24+$0x6C50];
	[tilespmem:s22+$0x14280] =	vst v4  }
0x24b: {  	v4 =	vld [tilespmem:s24+$0x6D30];
	[tilespmem:s22+$0x14300] =	vst v5  }
0x24c: {  	[tilespmem:s22+$0x14010] =	vst v6;
	v5 =	vld [tilespmem:s24+$0x6E10]  }
0x24d: {  	[tilespmem:s22+$0x14090] =	vst v7;
	v6 =	vld [tilespmem:s24+$0x6EF0]  }
0x24e: {  	v7 =	vld [tilespmem:s24+$0x6FD0];
	[tilespmem:s22+$0x143D0] =	vst v2  }
0x24f: {  	v2 =	vld [tilespmem:s24+$0x6AA0];
	[tilespmem:s22+$0x14110] =	vst v3  }
0x250: {  	v3 =	vld [tilespmem:s24+$0x6B80];
	[tilespmem:s22+$0x14190] =	vst v4  }
0x251: {  	v4 =	vld [tilespmem:s24+$0x6C60];
	[tilespmem:s22+$0x14210] =	vst v5  }
0x252: {  	v5 =	vld [tilespmem:s24+$0x6D40];
	[tilespmem:s22+$0x14290] =	vst v6  }
0x253: {  	v6 =	vld [tilespmem:s24+$0x6E20];
	[tilespmem:s22+$0x14310] =	vst v7  }
0x254: {  	[tilespmem:s22+$0x14020] =	vst v2;
	v2 =	vld [tilespmem:s24+$0x6F00]  }
0x255: {  	[tilespmem:s22+$0x140A0] =	vst v3;
	v3 =	vld [tilespmem:s24+$0x6FE0]  }
0x256: {  	v7 =	vld [tilespmem:s24+$0x6AB0];
	[tilespmem:s22+$0x14120] =	vst v4  }
0x257: {  	v4 =	vld [tilespmem:s24+$0x6B90];
	[tilespmem:s22+$0x141A0] =	vst v5  }
0x258: {  	v5 =	vld [tilespmem:s24+$0x6C70];
	[tilespmem:s22+$0x14220] =	vst v6  }
0x259: {  	v6 =	vld [tilespmem:s24+$0x6D50];
	[tilespmem:s22+$0x142A0] =	vst v2  }
0x25a: {  	v2 =	vld [tilespmem:s24+$0x6E30];
	[tilespmem:s22+$0x14320] =	vst v3  }
0x25b: {  	[tilespmem:s22+$0x14030] =	vst v7;
	v3 =	vld [tilespmem:s24+$0x6F10]  }
0x25c: {  	[tilespmem:s22+$0x140B0] =	vst v4;
	v4 =	vld [tilespmem:s24+$0x6FF0]  }
0x25d: {  	v7 =	vld [tilespmem:s24+$0x6AC0];
	[tilespmem:s22+$0x14130] =	vst v5  }
0x25e: {  	v5 =	vld [tilespmem:s24+$0x6BA0];
	[tilespmem:s22+$0x141B0] =	vst v6  }
0x25f: {  	v6 =	vld [tilespmem:s24+$0x6C80];
	[tilespmem:s22+$0x14230] =	vst v2  }
0x260: {  	v2 =	vld [tilespmem:s24+$0x6D60];
	[tilespmem:s22+$0x142B0] =	vst v3  }
0x261: {  	v3 =	vld [tilespmem:s24+$0x6E40];
	[tilespmem:s22+$0x14330] =	vst v4  }
0x262: {  	[tilespmem:s22+$0x14040] =	vst v7;
	v7 =	vld [tilespmem:s24+$0x6F20]  }
.Ltmp1:
0x263: {  	[tilespmem:s22+$0x140C0] =	vst v5;
	v4 =	vld [tilespmem:s24+$0x7000];
	(pc) =	sbr.rel @p0 .LBB2_4-.Ltmp1, $4  }
0x264: {  	v5 =	vld [tilespmem:s24+$0x6AD0];
	[tilespmem:s22+$0x14140] =	vst v6  }
0x265: {  	v6 =	vld [tilespmem:s24+$0x6BB0];
	[tilespmem:s22+$0x141C0] =	vst v2  }
0x266: {  	v2 =	vld [tilespmem:s24+$0x6C90];
	[tilespmem:s22+$0x14240] =	vst v3  }
0x267: {  	s26 =	sadd.s32 $0x8, s26;
	v3 =	vld [tilespmem:s24+$0x6D70];
	[tilespmem:s22+$0x142C0] =	vst v7  }
0x268: {  	v7 =	vld [tilespmem:s24+$0x6E50];
	[tilespmem:s22+$0x14340] =	vst v4  }
0x269: {  	v4 =	vld [tilespmem:s24+$0x6F30];
	[tilespmem:s22+$0x14050] =	vst v5  }
0x26a: {  	v5 =	vld [tilespmem:s24+$0x7010];
	[tilespmem:s22+$0x140D0] =	vst v6  }
0x26b: {  	[tilespmem:s22+$0x14150] =	vst v2  }
0x26c: {  	[tilespmem:s22+$0x141D0] =	vst v3  }
0x26d: {  	[tilespmem:s22+$0x14250] =	vst v7  }
0x26e: {  	[tilespmem:s22+$0x142D0] =	vst v4  }
0x26f: {  	[tilespmem:s22+$0x14350] =	vst v5  }
0x270: {  	s18 =	simm.s32 $0x0;
	s22 =	rddreg [dreg:$0x11]  }
0x271: {  	[hbm4b:s22+s18] =	stream.linear.scatter [tilespmem:s25], [sflag:$0x5], $0x7000, $0x38;
	[tilespmem:$0x1AC00] =	vst v63  }
0x272: {  	v2 =	vld.msk [tilespmem:$0x100], $0x1;
	_ =	sdelay $0x4  }
0x273: {  	v3 =	vshrl.u32 v2, $0x3  }
0x274: {  	v3 =	vmul.u32 $0xC40, v3  }
0x275: {  	v2 =	vand.u32 $0x7, v2  }
0x276: {  	v2 =	vor.u32 v2, v3  }
0x277: {  	v2 =	vperm.xlane v2, v0;
	_ =	sdelay $0x1  }
0x278: {  	v2 =	vadd.s32 v1, v2;
	_ =	sdelay $0x3  }
0x279: {  	s26 =	simm.s32 $0x800;
	s24 =	rddreg [dreg:$0x1]  }
0x27a: {  	[tilespmem:s26], [sflag:$0x1] =	stream.indirect_vreg.gather [hbm4b:s24+s18], $0x80, v2, vm0, $0xb8;
	[tilespmem:$0x1AC00] =	vst v63  }
0x27b: {  	s24 =	sld [smem:$0x7E6];
	_ =	sdelay $0x1  }
0x27c: {  	s26 =	simm.s32 $0x1000  }
0x27d: {  	[tilespmem:s26], [sflag:$0x1] =	stream.indirect_vreg.gather [hbm4b:s24+s18], $0x80, v2, vm0, $0xb8;
	[tilespmem:$0x1AC00] =	vst v63  }
0x27e: {  	s24 =	sld [smem:$0x7E7];
	_ =	sdelay $0x1  }
0x27f: {  	s26 =	simm.s32 $0x1800  }
0x280: {  	[tilespmem:s26], [sflag:$0x1] =	stream.indirect_vreg.gather [hbm4b:s24+s18], $0x80, v2, vm0, $0xb8;
	[tilespmem:$0x1AC00] =	vst v63  }
0x281: {  	s24 =	sld [smem:$0x7E8];
	_ =	sdelay $0x1  }
0x282: {  	s26 =	simm.s32 $0x2000  }
0x283: {  	[tilespmem:s26], [sflag:$0x1] =	stream.indirect_vreg.gather [hbm4b:s24+s18], $0x80, v2, vm0, $0xb8;
	[tilespmem:$0x1AC00] =	vst v63  }
0x284: {  	s24 =	sld [smem:$0x7E9];
	_ =	sdelay $0x1  }
0x285: {  	s26 =	simm.s32 $0x2800  }
0x286: {  	[tilespmem:s26], [sflag:$0x1] =	stream.indirect_vreg.gather [hbm4b:s24+s18], $0x80, v2, vm0, $0xb8;
	[tilespmem:$0x1AC00] =	vst v63  }
0x287: {  	s24 =	sld [smem:$0x7EA];
	_ =	sdelay $0x1  }
0x288: {  	s26 =	simm.s32 $0x3000  }
0x289: {  	[tilespmem:s26], [sflag:$0x1] =	stream.indirect_vreg.gather [hbm4b:s24+s18], $0x80, v2, vm0, $0xb8;
	[tilespmem:$0x1AC00] =	vst v63  }
0x28a: {  	s24 =	sld [smem:$0x7EB];
	_ =	sdelay $0x1  }
0x28b: {  	s26 =	simm.s32 $0x3800  }
0x28c: {  	[tilespmem:s26], [sflag:$0x1] =	stream.indirect_vreg.gather [hbm4b:s24+s18], $0x80, v2, vm0, $0xb8;
	[tilespmem:$0x1AC00] =	vst v63  }
0x28d: {  	s24 =	sld [smem:$0x7EC];
	_ =	sdelay $0x1  }
0x28e: {  	s26 =	simm.s32 $0x4000  }
0x28f: {  	[tilespmem:s26], [sflag:$0x1] =	stream.indirect_vreg.gather [hbm4b:s24+s18], $0x80, v2, vm0, $0xb8;
	[tilespmem:$0x1AC00] =	vst v63  }
0x290: {  	s24 =	sld [smem:$0x7ED];
	_ =	sdelay $0x1  }
0x291: {  	s26 =	simm.s32 $0x4800  }
0x292: {  	[tilespmem:s26], [sflag:$0x1] =	stream.indirect_vreg.gather [hbm4b:s24+s18], $0x80, v2, vm0, $0xb8;
	[tilespmem:$0x1AC00] =	vst v63  }
0x293: {  	s24 =	sld [smem:$0x7EE];
	_ =	sdelay $0x1  }
0x294: {  	s26 =	simm.s32 $0x5000  }
0x295: {  	[tilespmem:s26], [sflag:$0x1] =	stream.indirect_vreg.gather [hbm4b:s24+s18], $0x80, v2, vm0, $0xb8;
	[tilespmem:$0x1AC00] =	vst v63  }
0x296: {  	s24 =	sld [smem:$0x7EF];
	_ =	sdelay $0x1  }
0x297: {  	s26 =	simm.s32 $0x5800  }
0x298: {  	[tilespmem:s26], [sflag:$0x1] =	stream.indirect_vreg.gather [hbm4b:s24+s18], $0x80, v2, vm0, $0xb8;
	[tilespmem:$0x1AC00] =	vst v63  }
0x299: {  	s24 =	sld [smem:$0x7F0];
	_ =	sdelay $0x1  }
0x29a: {  	s26 =	simm.s32 $0x6000  }
0x29b: {  	[tilespmem:s26], [sflag:$0x1] =	stream.indirect_vreg.gather [hbm4b:s24+s18], $0x80, v2, vm0, $0xb8;
	[tilespmem:$0x1AC00] =	vst v63  }
0x29c: {  	s24 =	sld [smem:$0x7F1];
	_ =	sdelay $0x1  }
0x29d: {  	s26 =	simm.s32 $0x6800  }
0x29e: {  	[tilespmem:s26], [sflag:$0x1] =	stream.indirect_vreg.gather [hbm4b:s24+s18], $0x80, v2, vm0, $0xb8;
	[tilespmem:$0x1AC00] =	vst v63  }
0x29f: {  	s24 =	sld [smem:$0x7F2];
	_ =	sdelay $0x1  }
0x2a0: {  	s26 =	simm.s32 $0x7000  }
0x2a1: {  	[tilespmem:s26], [sflag:$0x1] =	stream.indirect_vreg.gather [hbm4b:s24+s18], $0x80, v2, vm0, $0xb8;
	[tilespmem:$0x1AC00] =	vst v63  }
0x2a2: {  	s24 =	sld [smem:$0x7F3];
	_ =	sdelay $0x1  }
0x2a3: {  	s26 =	simm.s32 $0x7800  }
0x2a4: {  	[tilespmem:s26], [sflag:$0x1] =	stream.indirect_vreg.gather [hbm4b:s24+s18], $0x80, v2, vm0, $0xb8;
	[tilespmem:$0x1AC00] =	vst v63  }
0x2a5: {  	s26 =	simm.s32 $0x8000  }
0x2a6: {  	[tilespmem:s26], [sflag:$0x1] =	stream.indirect_vreg.gather [hbm4b:s28+s18], $0x80, v2, vm0, $0xb8;
	[tilespmem:$0x1AC00] =	vst v63  }
0x2a7: {  	s24 =	simm.s32 $0x8800  }
0x2a8: {  	[tilespmem:s24], [sflag:$0x1] =	stream.indirect_vreg.gather [hbm4b:s29+s18], $0x80, v2, vm0, $0xb8;
	[tilespmem:$0x1AC00] =	vst v63  }
0x2a9: {  	_ = 	snop  }
0x2aa: {  	[tilespmem:s17], [sflag:$0x1] =	stream.indirect_vreg.gather [hbm4b:s30+s18], $0x80, v2, vm0, $0xb8;
	[tilespmem:$0x1AC00] =	vst v63  }
0x2ab: {  	_ = 	snop  }
0x2ac: {  	[tilespmem:s0], [sflag:$0x1] =	stream.indirect_vreg.gather [hbm4b:s31+s18], $0x80, v2, vm0, $0xb8;
	[tilespmem:$0x1AC00] =	vst v63  }
0x2ad: {  	_ = 	snop  }
0x2ae: {  	[tilespmem:s19], [sflag:$0x1] =	stream.indirect_vreg.gather [hbm4b:s2+s18], $0x80, v2, vm0, $0xb8;
	[tilespmem:$0x1AC00] =	vst v63  }
0x2af: {  	_ = 	snop  }
0x2b0: {  	[tilespmem:s1], [sflag:$0x1] =	stream.indirect_vreg.gather [hbm4b:s3+s18], $0x80, v2, vm0, $0xb8;
	[tilespmem:$0x1AC00] =	vst v63  }
0x2b1: {  	_ = 	snop  }
0x2b2: {  	[tilespmem:s20], [sflag:$0x1] =	stream.indirect_vreg.gather [hbm4b:s5+s18], $0x80, v2, vm0, $0xb8;
	[tilespmem:$0x1AC00] =	vst v63  }
0x2b3: {  	_ = 	snop  }
0x2b4: {  	[tilespmem:s6], [sflag:$0x1] =	stream.indirect_vreg.gather [hbm4b:s12+s18], $0x80, v2, vm0, $0xb8;
	[tilespmem:$0x1AC00] =	vst v63  }
0x2b5: {  	_ = 	snop  }
0x2b6: {  	[tilespmem:s23], [sflag:$0x1] =	stream.indirect_vreg.gather [hbm4b:s14+s18], $0x80, v2, vm0, $0xb8;
	[tilespmem:$0x1AC00] =	vst v63  }
0x2b7: {  	_ = 	snop  }
0x2b8: {  	[tilespmem:s7], [sflag:$0x1] =	stream.indirect_vreg.gather [hbm4b:s15+s18], $0x80, v2, vm1, $0xb8;
	[tilespmem:$0x1AC00] =	vst v63  }
0x2b9: {  	_ =	swait.ge [sflag:s16], $0x7000  }
0x2ba: {  	[sflag:s16] =	ssyncset.done $0x0  }
0x2bb: {  	s26 =	rddreg [dreg:$0x12];
	[sflag:s16] =	ssyncadd.s32 $0xFFFF9000  }
0x2bc: {  	[tilespmem:s21], [sflag:$0x2] =	stream.linear.gather [hbm4b:s26+s18], $0x7000, $0x38;
	[tilespmem:$0x1AC00] =	vst v63  }
0x2bd: {  	_ =	swait.ge [sflag:s8], $0x7000  }
0x2be: {  	s24 =	sld [smem:$0x7F4]  }
0x2bf: {  	[sflag:s8] =	ssyncset.done $0x0  }
0x2c0: {  	[sflag:s8] =	ssyncadd.s32 $0xFFFF9000  }
0x2c1: {  	[hbm4b:s24+s18] =	stream.linear.scatter [tilespmem:s21], [sflag:$0x4], $0x7000, $0x38;
	[tilespmem:$0x1AC00] =	vst v63  }
0x2c2: {  	_ =	swait.ge [sflag:s11], $0x7000  }
0x2c3: {  	[sflag:s11] =	ssyncset.done $0x0  }
0x2c4: {  	s26 =	rddreg [dreg:$0x13];
	[sflag:s11] =	ssyncadd.s32 $0xFFFF9000  }
0x2c5: {  	[tilespmem:s25], [sflag:$0x3] =	stream.linear.gather [hbm4b:s26+s18], $0x7000, $0x38;
	[tilespmem:$0x1AC00] =	vst v63  }
0x2c6: {  	_ =	swait.ge [sflag:s9], $0x7000  }
0x2c7: {  	s24 =	sld [smem:$0x7F5]  }
0x2c8: {  	[sflag:s9] =	ssyncset.done $0x0  }
0x2c9: {  	[sflag:s9] =	ssyncadd.s32 $0xFFFF9000  }
0x2ca: {  	[hbm4b:s24+s18] =	stream.linear.scatter [tilespmem:s25], [sflag:$0x5], $0x7000, $0x38;
	[tilespmem:$0x1AC00] =	vst v63  }
0x2cb: {  	_ =	swait.ge [sflag:s10], $0xC400  }
0x2cc: {  	[sflag:s10] =	ssyncset.done $0x0  }
0x2cd: {  	[sflag:s10] =	ssyncadd.s32 $0xFFFF3C00  }
0x2ce: {  	s18 =	smul.u32 $0x380, s18;
	_ =	swait.ge [sflag:s16], $0x7000  }
0x2cf: {  	[sflag:s16] =	ssyncset.done $0x0  }
0x2d0: {  	s24 =	sshra.s32 s18, $0x2;
	[sflag:s16] =	ssyncadd.s32 $0xFFFF9000  }
0x2d1: {  	v2 =	vld [tilespmem:s24+$0xE20]  }
0x2d2: {  	v3 =	vld [tilespmem:s24+$0x800]  }
0x2d3: {  	v4 =	vld [tilespmem:s24+$0x8E0]  }
0x2d4: {  	s26 =	simm.s32 $0x0;
	v5 =	vld [tilespmem:s24+$0x9C0]  }
0x2d5: {  	s22 =	sand.u32 $0x3FFFFF00, s26;
	v6 =	vld [tilespmem:s24+$0xAA0]  }
0x2d6: {  	v7 =	vld [tilespmem:s24+$0xB80];
	[tilespmem:s22+$0xCF80] =	vst v2  }
0x2d7: {  	[tilespmem:s22+$0xCC00] =	vst v3;
	v3 =	vld [tilespmem:s24+$0xC60]  }
0x2d8: {  	[tilespmem:s22+$0xCC80] =	vst v4;
	v4 =	vld [tilespmem:s24+$0xD40]  }
0x2d9: {  	[tilespmem:s22+$0xCD00] =	vst v5;
	v2 =	vld [tilespmem:s24+$0xE30]  }
0x2da: {  	[tilespmem:s22+$0xCD80] =	vst v6;
	v5 =	vld [tilespmem:s24+$0x810]  }
0x2db: {  	[tilespmem:s22+$0xCE00] =	vst v7;
	v6 =	vld [tilespmem:s24+$0x8F0]  }
0x2dc: {  	v7 =	vld [tilespmem:s24+$0x9D0];
	[tilespmem:s22+$0xCE80] =	vst v3  }
0x2dd: {  	v3 =	vld [tilespmem:s24+$0xAB0];
	[tilespmem:s22+$0xCF00] =	vst v4  }
0x2de: {  	v4 =	vld [tilespmem:s24+$0xB90];
	[tilespmem:s22+$0xCF90] =	vst v2  }
0x2df: {  	[tilespmem:s22+$0xCC10] =	vst v5;
	v5 =	vld [tilespmem:s24+$0xC70]  }
0x2e0: {  	[tilespmem:s22+$0xCC90] =	vst v6;
	v2 =	vld [tilespmem:s24+$0xE40]  }
0x2e1: {  	[tilespmem:s22+$0xCD10] =	vst v7;
	v6 =	vld [tilespmem:s24+$0xD50]  }
0x2e2: {  	v7 =	vld [tilespmem:s24+$0x820];
	[tilespmem:s22+$0xCD90] =	vst v3  }
0x2e3: {  	v3 =	vld [tilespmem:s24+$0x900];
	[tilespmem:s22+$0xCE10] =	vst v4  }
0x2e4: {  	v4 =	vld [tilespmem:s24+$0x9E0];
	[tilespmem:s22+$0xCE90] =	vst v5  }
0x2e5: {  	v5 =	vld [tilespmem:s24+$0xAC0];
	[tilespmem:s22+$0xCFA0] =	vst v2  }
0x2e6: {  	[tilespmem:s22+$0xCF10] =	vst v6;
	v2 =	vld [tilespmem:s24+$0xE50]  }
0x2e7: {  	v6 =	vld [tilespmem:s24+$0xBA0];
	[tilespmem:s22+$0xCC20] =	vst v7  }
0x2e8: {  	v7 =	vld [tilespmem:s24+$0xC80];
	[tilespmem:s22+$0xCCA0] =	vst v3  }
0x2e9: {  	[tilespmem:s22+$0xCD20] =	vst v4;
	v3 =	vld [tilespmem:s24+$0xD60]  }
0x2ea: {  	v4 =	vld [tilespmem:s24+$0x830];
	[tilespmem:s22+$0xCDA0] =	vst v5  }
0x2eb: {  	v5 =	vld [tilespmem:s24+$0x910];
	[tilespmem:s22+$0xCFB0] =	vst v2  }
0x2ec: {  	[tilespmem:s22+$0xCE20] =	vst v6;
	v2 =	vld [tilespmem:s24+$0xE60]  }
0x2ed: {  	v6 =	vld [tilespmem:s24+$0x9F0];
	[tilespmem:s22+$0xCEA0] =	vst v7  }
0x2ee: {  	v7 =	vld [tilespmem:s24+$0xAD0];
	[tilespmem:s22+$0xCF20] =	vst v3  }
0x2ef: {  	[tilespmem:s22+$0xCC30] =	vst v4;
	v3 =	vld [tilespmem:s24+$0xBB0]  }
0x2f0: {  	v4 =	vld [tilespmem:s24+$0xC90];
	[tilespmem:s22+$0xCCB0] =	vst v5  }
0x2f1: {  	v5 =	vld [tilespmem:s24+$0xD70];
	[tilespmem:s22+$0xCFC0] =	vst v2  }
0x2f2: {  	[tilespmem:s22+$0xCD30] =	vst v6;
	v2 =	vld [tilespmem:s24+$0xE70]  }
0x2f3: {  	v6 =	vld [tilespmem:s24+$0x840];
	[tilespmem:s22+$0xCDB0] =	vst v7  }
0x2f4: {  	v7 =	vld [tilespmem:s24+$0x920];
	[tilespmem:s22+$0xCE30] =	vst v3  }
0x2f5: {  	v3 =	vld [tilespmem:s24+$0xA00];
	[tilespmem:s22+$0xCEB0] =	vst v4  }
0x2f6: {  	v4 =	vld [tilespmem:s24+$0xAE0];
	[tilespmem:s22+$0xCF30] =	vst v5  }
0x2f7: {  	v5 =	vld [tilespmem:s24+$0xBC0];
	[tilespmem:s22+$0xCFD0] =	vst v2  }
0x2f8: {  	[tilespmem:s22+$0xCC40] =	vst v6;
	v2 =	vld [tilespmem:s24+$0xE80]  }
0x2f9: {  	v6 =	vld [tilespmem:s24+$0xCA0];
	[tilespmem:s22+$0xCCC0] =	vst v7  }
0x2fa: {  	v7 =	vld [tilespmem:s24+$0xD80];
	[tilespmem:s22+$0xCD40] =	vst v3  }
0x2fb: {  	v3 =	vld [tilespmem:s24+$0x850];
	[tilespmem:s22+$0xCDC0] =	vst v4  }
0x2fc: {  	v4 =	vld [tilespmem:s24+$0x930];
	[tilespmem:s22+$0xCE40] =	vst v5  }
0x2fd: {  	v5 =	vld [tilespmem:s24+$0xA10];
	[tilespmem:s22+$0xCFE0] =	vst v2  }
0x2fe: {  	[tilespmem:s22+$0xCEC0] =	vst v6;
	v2 =	vld [tilespmem:s24+$0xE90]  }
0x2ff: {  	v6 =	vld [tilespmem:s24+$0xAF0];
	[tilespmem:s22+$0xCF40] =	vst v7  }
0x300: {  	v7 =	vld [tilespmem:s24+$0xBD0];
	[tilespmem:s22+$0xCC50] =	vst v3  }
0x301: {  	[tilespmem:s22+$0xCCD0] =	vst v4;
	v3 =	vld [tilespmem:s24+$0xCB0]  }
0x302: {  	v4 =	vld [tilespmem:s24+$0xD90];
	[tilespmem:s22+$0xCD50] =	vst v5  }
0x303: {  	v5 =	vld [tilespmem:s24+$0x860];
	[tilespmem:s22+$0xCFF0] =	vst v2  }
0x304: {  	[tilespmem:s22+$0xCDD0] =	vst v6;
	v2 =	vld [tilespmem:s24+$0xEA0]  }
0x305: {  	v6 =	vld [tilespmem:s24+$0x940];
	[tilespmem:s22+$0xCE50] =	vst v7  }
0x306: {  	v7 =	vld [tilespmem:s24+$0xA20];
	[tilespmem:s22+$0xCED0] =	vst v3  }
0x307: {  	v3 =	vld [tilespmem:s24+$0xB00];
	[tilespmem:s22+$0xCF50] =	vst v4  }
0x308: {  	v4 =	vld [tilespmem:s24+$0xBE0];
	[tilespmem:s22+$0xCC60] =	vst v5  }
0x309: {  	v5 =	vld [tilespmem:s24+$0xCC0];
	[tilespmem:s22+$0xD380] =	vst v2  }
0x30a: {  	[tilespmem:s22+$0xCCE0] =	vst v6;
	v2 =	vld [tilespmem:s24+$0xEB0]  }
0x30b: {  	v6 =	vld [tilespmem:s24+$0xDA0];
	[tilespmem:s22+$0xCD60] =	vst v7  }
0x30c: {  	v7 =	vld [tilespmem:s24+$0x870];
	[tilespmem:s22+$0xCDE0] =	vst v3  }
0x30d: {  	v3 =	vld [tilespmem:s24+$0x950];
	[tilespmem:s22+$0xCE60] =	vst v4  }
0x30e: {  	v4 =	vld [tilespmem:s24+$0xA30];
	[tilespmem:s22+$0xCEE0] =	vst v5  }
0x30f: {  	v5 =	vld [tilespmem:s24+$0xB10];
	[tilespmem:s22+$0xD390] =	vst v2  }
0x310: {  	[tilespmem:s22+$0xCF60] =	vst v6;
	v2 =	vld [tilespmem:s24+$0xEC0]  }
0x311: {  	v6 =	vld [tilespmem:s24+$0xBF0];
	[tilespmem:s22+$0xCC70] =	vst v7  }
0x312: {  	v7 =	vld [tilespmem:s24+$0xCD0];
	[tilespmem:s22+$0xCCF0] =	vst v3  }
0x313: {  	[tilespmem:s22+$0xCD70] =	vst v4;
	v3 =	vld [tilespmem:s24+$0xDB0]  }
0x314: {  	v4 =	vld [tilespmem:s24+$0x880];
	[tilespmem:s22+$0xCDF0] =	vst v5  }
0x315: {  	v5 =	vld [tilespmem:s24+$0x960];
	[tilespmem:s22+$0xD3A0] =	vst v2  }
0x316: {  	[tilespmem:s22+$0xCE70] =	vst v6;
	v2 =	vld [tilespmem:s24+$0xED0]  }
0x317: {  	v6 =	vld [tilespmem:s24+$0xA40];
	[tilespmem:s22+$0xCEF0] =	vst v7  }
0x318: {  	v7 =	vld [tilespmem:s24+$0xB20];
	[tilespmem:s22+$0xCF70] =	vst v3  }
0x319: {  	[tilespmem:s22+$0xD000] =	vst v4;
	v3 =	vld [tilespmem:s24+$0xC00]  }
0x31a: {  	v4 =	vld [tilespmem:s24+$0xCE0];
	[tilespmem:s22+$0xD080] =	vst v5  }
0x31b: {  	v5 =	vld [tilespmem:s24+$0xDC0];
	[tilespmem:s22+$0xD3B0] =	vst v2  }
0x31c: {  	[tilespmem:s22+$0xD100] =	vst v6;
	v2 =	vld [tilespmem:s24+$0xEE0]  }
0x31d: {  	v6 =	vld [tilespmem:s24+$0x890];
	[tilespmem:s22+$0xD180] =	vst v7  }
0x31e: {  	v7 =	vld [tilespmem:s24+$0x970];
	[tilespmem:s22+$0xD200] =	vst v3  }
0x31f: {  	v3 =	vld [tilespmem:s24+$0xA50];
	[tilespmem:s22+$0xD280] =	vst v4  }
0x320: {  	v4 =	vld [tilespmem:s24+$0xB30];
	[tilespmem:s22+$0xD300] =	vst v5  }
0x321: {  	v5 =	vld [tilespmem:s24+$0xC10];
	[tilespmem:s22+$0xD3C0] =	vst v2  }
0x322: {  	[tilespmem:s22+$0xD010] =	vst v6;
	v2 =	vld [tilespmem:s24+$0xEF0]  }
0x323: {  	v6 =	vld [tilespmem:s24+$0xCF0];
	[tilespmem:s22+$0xD090] =	vst v7  }
0x324: {  	v7 =	vld [tilespmem:s24+$0xDD0];
	[tilespmem:s22+$0xD110] =	vst v3  }
0x325: {  	v3 =	vld [tilespmem:s24+$0x980];
	[tilespmem:s22+$0xD190] =	vst v4  }
0x326: {  	v4 =	vld [tilespmem:s24+$0xA60];
	[tilespmem:s22+$0xD210] =	vst v5  }
0x327: {  	[tilespmem:s22+$0xD3D0] =	vst v2;
	v2 =	vld [tilespmem:s24+$0x8A0]  }
0x328: {  	v5 =	vld [tilespmem:s24+$0xB40];
	[tilespmem:s22+$0xD290] =	vst v6  }
0x329: {  	v6 =	vld [tilespmem:s24+$0xC20];
	[tilespmem:s22+$0xD310] =	vst v7  }
0x32a: {  	[tilespmem:s22+$0xD0A0] =	vst v3;
	v3 =	vld [tilespmem:s24+$0xDE0]  }
0x32b: {  	[tilespmem:s22+$0xD120] =	vst v4;
	v4 =	vld [tilespmem:s24+$0x990]  }
0x32c: {  	[tilespmem:s22+$0xD020] =	vst v2;
	v2 =	vld [tilespmem:s24+$0xD00]  }
0x32d: {  	[tilespmem:s22+$0xD1A0] =	vst v5;
	v7 =	vld [tilespmem:s24+$0x8B0]  }
0x32e: {  	v5 =	vld [tilespmem:s24+$0xA70];
	[tilespmem:s22+$0xD220] =	vst v6  }
0x32f: {  	v6 =	vld [tilespmem:s24+$0xB50];
	[tilespmem:s22+$0xD320] =	vst v3  }
0x330: {  	[tilespmem:s22+$0xD0B0] =	vst v4;
	v4 =	vld [tilespmem:s24+$0xDF0]  }
0x331: {  	[tilespmem:s22+$0xD2A0] =	vst v2;
	v2 =	vld [tilespmem:s24+$0xC30]  }
0x332: {  	[tilespmem:s22+$0xD030] =	vst v7;
	v3 =	vld [tilespmem:s24+$0xD10]  }
0x333: {  	[tilespmem:s22+$0xD130] =	vst v5;
	v7 =	vld [tilespmem:s24+$0x8C0]  }
0x334: {  	v5 =	vld [tilespmem:s24+$0x9A0];
	[tilespmem:s22+$0xD1B0] =	vst v6  }
0x335: {  	v6 =	vld [tilespmem:s24+$0xA80];
	[tilespmem:s22+$0xD330] =	vst v4  }
0x336: {  	[tilespmem:s22+$0xD230] =	vst v2;
	v2 =	vld [tilespmem:s24+$0xB60]  }
0x337: {  	[tilespmem:s22+$0xD2B0] =	vst v3;
	v3 =	vld [tilespmem:s24+$0xC40]  }
0x338: {  	[tilespmem:s22+$0xD040] =	vst v7;
	v7 =	vld [tilespmem:s24+$0xD20]  }
0x339: {  	[tilespmem:s22+$0xD0C0] =	vst v5;
	v4 =	vld [tilespmem:s24+$0xE00]  }
0x33a: {  	[tilespmem:s22+$0xD140] =	vst v6;
	v5 =	vld [tilespmem:s24+$0x8D0]  }
0x33b: {  	v6 =	vld [tilespmem:s24+$0x9B0];
	[tilespmem:s22+$0xD1C0] =	vst v2  }
0x33c: {  	v2 =	vld [tilespmem:s24+$0xA90];
	[tilespmem:s22+$0xD240] =	vst v3  }
0x33d: {  	s26 =	simm.s32 $0x8;
	v3 =	vld [tilespmem:s24+$0xB70];
	[tilespmem:s22+$0xD2C0] =	vst v7  }
.LBB2_6:
0x33e: {  	s18 =	smul.u32 $0x380, s26;
	p0 =	slt.u32 s26, $0x68;
	v7 =	vld [tilespmem:s24+$0xC50];
	[tilespmem:s22+$0xD340] =	vst v4  }
0x33f: {  	[tilespmem:s22+$0xD050] =	vst v5;
	v4 =	vld [tilespmem:s24+$0xD30]  }
0x340: {  	[tilespmem:s22+$0xD0D0] =	vst v6;
	v5 =	vld [tilespmem:s24+$0xE10];
	s24 =	sshra.s32 s18, $0x2  }
0x341: {  	v6 =	vld [tilespmem:s24+$0xE20];
	[tilespmem:s22+$0xD150] =	vst v2  }
0x342: {  	v2 =	vld [tilespmem:s24+$0x800];
	[tilespmem:s22+$0xD1D0] =	vst v3  }
0x343: {  	v3 =	vld [tilespmem:s24+$0x8E0];
	[tilespmem:s22+$0xD250] =	vst v7  }
0x344: {  	s18 =	sshll.u32 s26, $0x8;
	v7 =	vld [tilespmem:s24+$0x9C0];
	[tilespmem:s22+$0xD2D0] =	vst v4  }
0x345: {  	v4 =	vld [tilespmem:s24+$0xAA0];
	[tilespmem:s22+$0xD350] =	vst v5;
	s22 =	sand.u32 $0x3FFFFF00, s18  }
0x346: {  	v5 =	vld [tilespmem:s24+$0xB80];
	[tilespmem:s22+$0xCF80] =	vst v6  }
0x347: {  	[tilespmem:s22+$0xCC00] =	vst v2;
	v2 =	vld [tilespmem:s24+$0xE30]  }
0x348: {  	[tilespmem:s22+$0xCC80] =	vst v3;
	v3 =	vld [tilespmem:s24+$0xC60]  }
0x349: {  	[tilespmem:s22+$0xCD00] =	vst v7;
	v6 =	vld [tilespmem:s24+$0xD40]  }
0x34a: {  	v7 =	vld [tilespmem:s24+$0x810];
	[tilespmem:s22+$0xCD80] =	vst v4  }
0x34b: {  	v4 =	vld [tilespmem:s24+$0x8F0];
	[tilespmem:s22+$0xCE00] =	vst v5  }
0x34c: {  	v5 =	vld [tilespmem:s24+$0x9D0];
	[tilespmem:s22+$0xCF90] =	vst v2  }
0x34d: {  	[tilespmem:s22+$0xCE80] =	vst v3;
	v2 =	vld [tilespmem:s24+$0xE40]  }
0x34e: {  	v3 =	vld [tilespmem:s24+$0xAB0];
	[tilespmem:s22+$0xCF00] =	vst v6  }
0x34f: {  	[tilespmem:s22+$0xCC10] =	vst v7;
	v6 =	vld [tilespmem:s24+$0xB90]  }
0x350: {  	[tilespmem:s22+$0xCC90] =	vst v4;
	v4 =	vld [tilespmem:s24+$0xC70]  }
0x351: {  	[tilespmem:s22+$0xCD10] =	vst v5;
	v5 =	vld [tilespmem:s24+$0xD50]  }
0x352: {  	v7 =	vld [tilespmem:s24+$0x820];
	[tilespmem:s22+$0xCFA0] =	vst v2  }
0x353: {  	[tilespmem:s22+$0xCD90] =	vst v3;
	v2 =	vld [tilespmem:s24+$0xE50]  }
0x354: {  	v3 =	vld [tilespmem:s24+$0x900];
	[tilespmem:s22+$0xCE10] =	vst v6  }
0x355: {  	v6 =	vld [tilespmem:s24+$0x9E0];
	[tilespmem:s22+$0xCE90] =	vst v4  }
0x356: {  	v4 =	vld [tilespmem:s24+$0xAC0];
	[tilespmem:s22+$0xCF10] =	vst v5  }
0x357: {  	[tilespmem:s22+$0xCC20] =	vst v7;
	v5 =	vld [tilespmem:s24+$0xBA0]  }
0x358: {  	v7 =	vld [tilespmem:s24+$0xC80];
	[tilespmem:s22+$0xCFB0] =	vst v2  }
0x359: {  	[tilespmem:s22+$0xCCA0] =	vst v3;
	v2 =	vld [tilespmem:s24+$0xE60]  }
0x35a: {  	[tilespmem:s22+$0xCD20] =	vst v6;
	v3 =	vld [tilespmem:s24+$0xD60]  }
0x35b: {  	v6 =	vld [tilespmem:s24+$0x830];
	[tilespmem:s22+$0xCDA0] =	vst v4  }
0x35c: {  	v4 =	vld [tilespmem:s24+$0x910];
	[tilespmem:s22+$0xCE20] =	vst v5  }
0x35d: {  	v5 =	vld [tilespmem:s24+$0x9F0];
	[tilespmem:s22+$0xCEA0] =	vst v7  }
0x35e: {  	v7 =	vld [tilespmem:s24+$0xAD0];
	[tilespmem:s22+$0xCFC0] =	vst v2  }
0x35f: {  	[tilespmem:s22+$0xCF20] =	vst v3;
	v2 =	vld [tilespmem:s24+$0xE70]  }
0x360: {  	[tilespmem:s22+$0xCC30] =	vst v6;
	v3 =	vld [tilespmem:s24+$0xBB0]  }
0x361: {  	[tilespmem:s22+$0xCCB0] =	vst v4;
	v4 =	vld [tilespmem:s24+$0xC90]  }
0x362: {  	[tilespmem:s22+$0xCD30] =	vst v5;
	v5 =	vld [tilespmem:s24+$0xD70]  }
0x363: {  	v6 =	vld [tilespmem:s24+$0x840];
	[tilespmem:s22+$0xCDB0] =	vst v7  }
0x364: {  	v7 =	vld [tilespmem:s24+$0x920];
	[tilespmem:s22+$0xCFD0] =	vst v2  }
0x365: {  	[tilespmem:s22+$0xCE30] =	vst v3;
	v2 =	vld [tilespmem:s24+$0xE80]  }
0x366: {  	v3 =	vld [tilespmem:s24+$0xA00];
	[tilespmem:s22+$0xCEB0] =	vst v4  }
0x367: {  	v4 =	vld [tilespmem:s24+$0xAE0];
	[tilespmem:s22+$0xCF30] =	vst v5  }
0x368: {  	[tilespmem:s22+$0xCC40] =	vst v6;
	v5 =	vld [tilespmem:s24+$0xBC0]  }
0x369: {  	[tilespmem:s22+$0xCCC0] =	vst v7;
	v6 =	vld [tilespmem:s24+$0xCA0]  }
0x36a: {  	v7 =	vld [tilespmem:s24+$0xD80];
	[tilespmem:s22+$0xCFE0] =	vst v2  }
0x36b: {  	[tilespmem:s22+$0xCD40] =	vst v3;
	v2 =	vld [tilespmem:s24+$0xE90]  }
0x36c: {  	v3 =	vld [tilespmem:s24+$0x850];
	[tilespmem:s22+$0xCDC0] =	vst v4  }
0x36d: {  	v4 =	vld [tilespmem:s24+$0x930];
	[tilespmem:s22+$0xCE40] =	vst v5  }
0x36e: {  	v5 =	vld [tilespmem:s24+$0xA10];
	[tilespmem:s22+$0xCEC0] =	vst v6  }
0x36f: {  	v6 =	vld [tilespmem:s24+$0xAF0];
	[tilespmem:s22+$0xCF40] =	vst v7  }
0x370: {  	v7 =	vld [tilespmem:s24+$0xBD0];
	[tilespmem:s22+$0xCFF0] =	vst v2  }
0x371: {  	[tilespmem:s22+$0xCC50] =	vst v3;
	v2 =	vld [tilespmem:s24+$0xEA0]  }
0x372: {  	[tilespmem:s22+$0xCCD0] =	vst v4;
	v3 =	vld [tilespmem:s24+$0xCB0]  }
0x373: {  	[tilespmem:s22+$0xCD50] =	vst v5;
	v4 =	vld [tilespmem:s24+$0xD90]  }
0x374: {  	v5 =	vld [tilespmem:s24+$0x860];
	[tilespmem:s22+$0xCDD0] =	vst v6  }
0x375: {  	v6 =	vld [tilespmem:s24+$0x940];
	[tilespmem:s22+$0xCE50] =	vst v7  }
0x376: {  	v7 =	vld [tilespmem:s24+$0xA20];
	[tilespmem:s22+$0xD380] =	vst v2  }
0x377: {  	[tilespmem:s22+$0xCED0] =	vst v3;
	v2 =	vld [tilespmem:s24+$0xEB0]  }
0x378: {  	v3 =	vld [tilespmem:s24+$0xB00];
	[tilespmem:s22+$0xCF50] =	vst v4  }
0x379: {  	[tilespmem:s22+$0xCC60] =	vst v5;
	v4 =	vld [tilespmem:s24+$0xBE0]  }
0x37a: {  	[tilespmem:s22+$0xCCE0] =	vst v6;
	v5 =	vld [tilespmem:s24+$0xCC0]  }
0x37b: {  	[tilespmem:s22+$0xCD60] =	vst v7;
	v6 =	vld [tilespmem:s24+$0xDA0]  }
0x37c: {  	v7 =	vld [tilespmem:s24+$0x870];
	[tilespmem:s22+$0xD390] =	vst v2  }
0x37d: {  	[tilespmem:s22+$0xCDE0] =	vst v3;
	v2 =	vld [tilespmem:s24+$0xEC0]  }
0x37e: {  	v3 =	vld [tilespmem:s24+$0x950];
	[tilespmem:s22+$0xCE60] =	vst v4  }
0x37f: {  	v4 =	vld [tilespmem:s24+$0xA30];
	[tilespmem:s22+$0xCEE0] =	vst v5  }
0x380: {  	v5 =	vld [tilespmem:s24+$0xB10];
	[tilespmem:s22+$0xCF60] =	vst v6  }
0x381: {  	[tilespmem:s22+$0xCC70] =	vst v7;
	v6 =	vld [tilespmem:s24+$0xBF0]  }
0x382: {  	v7 =	vld [tilespmem:s24+$0xCD0];
	[tilespmem:s22+$0xD3A0] =	vst v2  }
0x383: {  	[tilespmem:s22+$0xCCF0] =	vst v3;
	v2 =	vld [tilespmem:s24+$0xED0]  }
0x384: {  	[tilespmem:s22+$0xCD70] =	vst v4;
	v3 =	vld [tilespmem:s24+$0xDB0]  }
0x385: {  	v4 =	vld [tilespmem:s24+$0x880];
	[tilespmem:s22+$0xCDF0] =	vst v5  }
0x386: {  	v5 =	vld [tilespmem:s24+$0x960];
	[tilespmem:s22+$0xCE70] =	vst v6  }
0x387: {  	v6 =	vld [tilespmem:s24+$0xA40];
	[tilespmem:s22+$0xCEF0] =	vst v7  }
0x388: {  	v7 =	vld [tilespmem:s24+$0xB20];
	[tilespmem:s22+$0xD3B0] =	vst v2  }
0x389: {  	[tilespmem:s22+$0xCF70] =	vst v3;
	v2 =	vld [tilespmem:s24+$0xEE0]  }
0x38a: {  	[tilespmem:s22+$0xD000] =	vst v4;
	v3 =	vld [tilespmem:s24+$0xC00]  }
0x38b: {  	[tilespmem:s22+$0xD080] =	vst v5;
	v4 =	vld [tilespmem:s24+$0xCE0]  }
0x38c: {  	[tilespmem:s22+$0xD100] =	vst v6;
	v5 =	vld [tilespmem:s24+$0xDC0]  }
0x38d: {  	v6 =	vld [tilespmem:s24+$0x890];
	[tilespmem:s22+$0xD180] =	vst v7  }
0x38e: {  	v7 =	vld [tilespmem:s24+$0x970];
	[tilespmem:s22+$0xD3C0] =	vst v2  }
0x38f: {  	[tilespmem:s22+$0xD200] =	vst v3;
	v2 =	vld [tilespmem:s24+$0xEF0]  }
0x390: {  	v3 =	vld [tilespmem:s24+$0xA50];
	[tilespmem:s22+$0xD280] =	vst v4  }
0x391: {  	v4 =	vld [tilespmem:s24+$0xB30];
	[tilespmem:s22+$0xD300] =	vst v5  }
0x392: {  	[tilespmem:s22+$0xD010] =	vst v6;
	v5 =	vld [tilespmem:s24+$0xC10]  }
0x393: {  	[tilespmem:s22+$0xD090] =	vst v7;
	v6 =	vld [tilespmem:s24+$0xCF0]  }
0x394: {  	v7 =	vld [tilespmem:s24+$0xDD0];
	[tilespmem:s22+$0xD3D0] =	vst v2  }
0x395: {  	v2 =	vld [tilespmem:s24+$0x8A0];
	[tilespmem:s22+$0xD110] =	vst v3  }
0x396: {  	v3 =	vld [tilespmem:s24+$0x980];
	[tilespmem:s22+$0xD190] =	vst v4  }
0x397: {  	v4 =	vld [tilespmem:s24+$0xA60];
	[tilespmem:s22+$0xD210] =	vst v5  }
0x398: {  	v5 =	vld [tilespmem:s24+$0xB40];
	[tilespmem:s22+$0xD290] =	vst v6  }
0x399: {  	v6 =	vld [tilespmem:s24+$0xC20];
	[tilespmem:s22+$0xD310] =	vst v7  }
0x39a: {  	[tilespmem:s22+$0xD020] =	vst v2;
	v2 =	vld [tilespmem:s24+$0xD00]  }
0x39b: {  	[tilespmem:s22+$0xD0A0] =	vst v3;
	v3 =	vld [tilespmem:s24+$0xDE0]  }
0x39c: {  	v7 =	vld [tilespmem:s24+$0x8B0];
	[tilespmem:s22+$0xD120] =	vst v4  }
0x39d: {  	v4 =	vld [tilespmem:s24+$0x990];
	[tilespmem:s22+$0xD1A0] =	vst v5  }
0x39e: {  	v5 =	vld [tilespmem:s24+$0xA70];
	[tilespmem:s22+$0xD220] =	vst v6  }
0x39f: {  	v6 =	vld [tilespmem:s24+$0xB50];
	[tilespmem:s22+$0xD2A0] =	vst v2  }
0x3a0: {  	v2 =	vld [tilespmem:s24+$0xC30];
	[tilespmem:s22+$0xD320] =	vst v3  }
0x3a1: {  	[tilespmem:s22+$0xD030] =	vst v7;
	v3 =	vld [tilespmem:s24+$0xD10]  }
0x3a2: {  	[tilespmem:s22+$0xD0B0] =	vst v4;
	v4 =	vld [tilespmem:s24+$0xDF0]  }
0x3a3: {  	v7 =	vld [tilespmem:s24+$0x8C0];
	[tilespmem:s22+$0xD130] =	vst v5  }
0x3a4: {  	v5 =	vld [tilespmem:s24+$0x9A0];
	[tilespmem:s22+$0xD1B0] =	vst v6  }
0x3a5: {  	v6 =	vld [tilespmem:s24+$0xA80];
	[tilespmem:s22+$0xD230] =	vst v2  }
0x3a6: {  	v2 =	vld [tilespmem:s24+$0xB60];
	[tilespmem:s22+$0xD2B0] =	vst v3  }
0x3a7: {  	v3 =	vld [tilespmem:s24+$0xC40];
	[tilespmem:s22+$0xD330] =	vst v4  }
0x3a8: {  	[tilespmem:s22+$0xD040] =	vst v7;
	v7 =	vld [tilespmem:s24+$0xD20]  }
.Ltmp2:
0x3a9: {  	[tilespmem:s22+$0xD0C0] =	vst v5;
	v4 =	vld [tilespmem:s24+$0xE00];
	(pc) =	sbr.rel @p0 .LBB2_6-.Ltmp2, $4  }
0x3aa: {  	v5 =	vld [tilespmem:s24+$0x8D0];
	[tilespmem:s22+$0xD140] =	vst v6  }
0x3ab: {  	v6 =	vld [tilespmem:s24+$0x9B0];
	[tilespmem:s22+$0xD1C0] =	vst v2  }
0x3ac: {  	v2 =	vld [tilespmem:s24+$0xA90];
	[tilespmem:s22+$0xD240] =	vst v3  }
0x3ad: {  	s26 =	sadd.s32 $0x8, s26;
	v3 =	vld [tilespmem:s24+$0xB70];
	[tilespmem:s22+$0xD2C0] =	vst v7  }
0x3ae: {  	v7 =	vld [tilespmem:s24+$0xC50];
	[tilespmem:s22+$0xD340] =	vst v4  }
0x3af: {  	v4 =	vld [tilespmem:s24+$0xD30];
	[tilespmem:s22+$0xD050] =	vst v5  }
0x3b0: {  	v5 =	vld [tilespmem:s24+$0xE10];
	[tilespmem:s22+$0xD0D0] =	vst v6  }
0x3b1: {  	[tilespmem:s22+$0xD150] =	vst v2  }
0x3b2: {  	[tilespmem:s22+$0xD1D0] =	vst v3  }
0x3b3: {  	[tilespmem:s22+$0xD250] =	vst v7  }
0x3b4: {  	[tilespmem:s22+$0xD2D0] =	vst v4  }
0x3b5: {  	[tilespmem:s22+$0xD350] =	vst v5  }
0x3b6: {  	s22 =	sld [smem:$0x7F6];
	_ =	sdelay $0x1  }
0x3b7: {  	s18 =	simm.s32 $0x0  }
0x3b8: {  	[hbm4b:s22+s18] =	stream.linear.scatter [tilespmem:s21], [sflag:$0x4], $0x7000, $0x38;
	[tilespmem:$0x1AC00] =	vst v63  }
0x3b9: {  	s18 =	smul.u32 $0x380, s18;
	_ =	swait.ge [sflag:s11], $0x7000  }
0x3ba: {  	[sflag:s11] =	ssyncset.done $0x0  }
0x3bb: {  	s24 =	sshra.s32 s18, $0x2;
	[sflag:s11] =	ssyncadd.s32 $0xFFFF9000  }
0x3bc: {  	v2 =	vld [tilespmem:s24+$0x7020]  }
0x3bd: {  	v3 =	vld [tilespmem:s24+$0x6A00]  }
0x3be: {  	v4 =	vld [tilespmem:s24+$0x6AE0]  }
0x3bf: {  	s26 =	simm.s32 $0x0;
	v5 =	vld [tilespmem:s24+$0x6BC0]  }
0x3c0: {  	s22 =	sand.u32 $0x3FFFFF00, s26;
	v6 =	vld [tilespmem:s24+$0x6CA0]  }
0x3c1: {  	v7 =	vld [tilespmem:s24+$0x6D80];
	[tilespmem:s22+$0x13F80] =	vst v2  }
0x3c2: {  	[tilespmem:s22+$0x13C00] =	vst v3;
	v3 =	vld [tilespmem:s24+$0x6E60]  }
0x3c3: {  	[tilespmem:s22+$0x13C80] =	vst v4;
	v4 =	vld [tilespmem:s24+$0x6F40]  }
0x3c4: {  	[tilespmem:s22+$0x13D00] =	vst v5;
	v2 =	vld [tilespmem:s24+$0x7030]  }
0x3c5: {  	[tilespmem:s22+$0x13D80] =	vst v6;
	v5 =	vld [tilespmem:s24+$0x6A10]  }
0x3c6: {  	[tilespmem:s22+$0x13E00] =	vst v7;
	v6 =	vld [tilespmem:s24+$0x6AF0]  }
0x3c7: {  	v7 =	vld [tilespmem:s24+$0x6BD0];
	[tilespmem:s22+$0x13E80] =	vst v3  }
0x3c8: {  	v3 =	vld [tilespmem:s24+$0x6CB0];
	[tilespmem:s22+$0x13F00] =	vst v4  }
0x3c9: {  	v4 =	vld [tilespmem:s24+$0x6D90];
	[tilespmem:s22+$0x13F90] =	vst v2  }
0x3ca: {  	[tilespmem:s22+$0x13C10] =	vst v5;
	v5 =	vld [tilespmem:s24+$0x6E70]  }
0x3cb: {  	[tilespmem:s22+$0x13C90] =	vst v6;
	v2 =	vld [tilespmem:s24+$0x7040]  }
0x3cc: {  	[tilespmem:s22+$0x13D10] =	vst v7;
	v6 =	vld [tilespmem:s24+$0x6F50]  }
0x3cd: {  	v7 =	vld [tilespmem:s24+$0x6A20];
	[tilespmem:s22+$0x13D90] =	vst v3  }
0x3ce: {  	v3 =	vld [tilespmem:s24+$0x6B00];
	[tilespmem:s22+$0x13E10] =	vst v4  }
0x3cf: {  	v4 =	vld [tilespmem:s24+$0x6BE0];
	[tilespmem:s22+$0x13E90] =	vst v5  }
0x3d0: {  	v5 =	vld [tilespmem:s24+$0x6CC0];
	[tilespmem:s22+$0x13FA0] =	vst v2  }
0x3d1: {  	[tilespmem:s22+$0x13F10] =	vst v6;
	v2 =	vld [tilespmem:s24+$0x7050]  }
0x3d2: {  	v6 =	vld [tilespmem:s24+$0x6DA0];
	[tilespmem:s22+$0x13C20] =	vst v7  }
0x3d3: {  	v7 =	vld [tilespmem:s24+$0x6E80];
	[tilespmem:s22+$0x13CA0] =	vst v3  }
0x3d4: {  	[tilespmem:s22+$0x13D20] =	vst v4;
	v3 =	vld [tilespmem:s24+$0x6F60]  }
0x3d5: {  	v4 =	vld [tilespmem:s24+$0x6A30];
	[tilespmem:s22+$0x13DA0] =	vst v5  }
0x3d6: {  	v5 =	vld [tilespmem:s24+$0x6B10];
	[tilespmem:s22+$0x13FB0] =	vst v2  }
0x3d7: {  	[tilespmem:s22+$0x13E20] =	vst v6;
	v2 =	vld [tilespmem:s24+$0x7060]  }
0x3d8: {  	v6 =	vld [tilespmem:s24+$0x6BF0];
	[tilespmem:s22+$0x13EA0] =	vst v7  }
0x3d9: {  	v7 =	vld [tilespmem:s24+$0x6CD0];
	[tilespmem:s22+$0x13F20] =	vst v3  }
0x3da: {  	[tilespmem:s22+$0x13C30] =	vst v4;
	v3 =	vld [tilespmem:s24+$0x6DB0]  }
0x3db: {  	v4 =	vld [tilespmem:s24+$0x6E90];
	[tilespmem:s22+$0x13CB0] =	vst v5  }
0x3dc: {  	v5 =	vld [tilespmem:s24+$0x6F70];
	[tilespmem:s22+$0x13FC0] =	vst v2  }
0x3dd: {  	[tilespmem:s22+$0x13D30] =	vst v6;
	v2 =	vld [tilespmem:s24+$0x7070]  }
0x3de: {  	v6 =	vld [tilespmem:s24+$0x6A40];
	[tilespmem:s22+$0x13DB0] =	vst v7  }
0x3df: {  	v7 =	vld [tilespmem:s24+$0x6B20];
	[tilespmem:s22+$0x13E30] =	vst v3  }
0x3e0: {  	v3 =	vld [tilespmem:s24+$0x6C00];
	[tilespmem:s22+$0x13EB0] =	vst v4  }
0x3e1: {  	v4 =	vld [tilespmem:s24+$0x6CE0];
	[tilespmem:s22+$0x13F30] =	vst v5  }
0x3e2: {  	v5 =	vld [tilespmem:s24+$0x6DC0];
	[tilespmem:s22+$0x13FD0] =	vst v2  }
0x3e3: {  	[tilespmem:s22+$0x13C40] =	vst v6;
	v2 =	vld [tilespmem:s24+$0x7080]  }
0x3e4: {  	v6 =	vld [tilespmem:s24+$0x6EA0];
	[tilespmem:s22+$0x13CC0] =	vst v7  }
0x3e5: {  	v7 =	vld [tilespmem:s24+$0x6F80];
	[tilespmem:s22+$0x13D40] =	vst v3  }
0x3e6: {  	v3 =	vld [tilespmem:s24+$0x6A50];
	[tilespmem:s22+$0x13DC0] =	vst v4  }
0x3e7: {  	v4 =	vld [tilespmem:s24+$0x6B30];
	[tilespmem:s22+$0x13E40] =	vst v5  }
0x3e8: {  	v5 =	vld [tilespmem:s24+$0x6C10];
	[tilespmem:s22+$0x13FE0] =	vst v2  }
0x3e9: {  	[tilespmem:s22+$0x13EC0] =	vst v6;
	v2 =	vld [tilespmem:s24+$0x7090]  }
0x3ea: {  	v6 =	vld [tilespmem:s24+$0x6CF0];
	[tilespmem:s22+$0x13F40] =	vst v7  }
0x3eb: {  	v7 =	vld [tilespmem:s24+$0x6DD0];
	[tilespmem:s22+$0x13C50] =	vst v3  }
0x3ec: {  	[tilespmem:s22+$0x13CD0] =	vst v4;
	v3 =	vld [tilespmem:s24+$0x6EB0]  }
0x3ed: {  	v4 =	vld [tilespmem:s24+$0x6F90];
	[tilespmem:s22+$0x13D50] =	vst v5  }
0x3ee: {  	v5 =	vld [tilespmem:s24+$0x6A60];
	[tilespmem:s22+$0x13FF0] =	vst v2  }
0x3ef: {  	[tilespmem:s22+$0x13DD0] =	vst v6;
	v2 =	vld [tilespmem:s24+$0x70A0]  }
0x3f0: {  	v6 =	vld [tilespmem:s24+$0x6B40];
	[tilespmem:s22+$0x13E50] =	vst v7  }
0x3f1: {  	v7 =	vld [tilespmem:s24+$0x6C20];
	[tilespmem:s22+$0x13ED0] =	vst v3  }
0x3f2: {  	v3 =	vld [tilespmem:s24+$0x6D00];
	[tilespmem:s22+$0x13F50] =	vst v4  }
0x3f3: {  	v4 =	vld [tilespmem:s24+$0x6DE0];
	[tilespmem:s22+$0x13C60] =	vst v5  }
0x3f4: {  	v5 =	vld [tilespmem:s24+$0x6EC0];
	[tilespmem:s22+$0x14380] =	vst v2  }
0x3f5: {  	[tilespmem:s22+$0x13CE0] =	vst v6;
	v2 =	vld [tilespmem:s24+$0x70B0]  }
0x3f6: {  	v6 =	vld [tilespmem:s24+$0x6FA0];
	[tilespmem:s22+$0x13D60] =	vst v7  }
0x3f7: {  	v7 =	vld [tilespmem:s24+$0x6A70];
	[tilespmem:s22+$0x13DE0] =	vst v3  }
0x3f8: {  	v3 =	vld [tilespmem:s24+$0x6B50];
	[tilespmem:s22+$0x13E60] =	vst v4  }
0x3f9: {  	v4 =	vld [tilespmem:s24+$0x6C30];
	[tilespmem:s22+$0x13EE0] =	vst v5  }
0x3fa: {  	v5 =	vld [tilespmem:s24+$0x6D10];
	[tilespmem:s22+$0x14390] =	vst v2  }
0x3fb: {  	[tilespmem:s22+$0x13F60] =	vst v6;
	v2 =	vld [tilespmem:s24+$0x70C0]  }
0x3fc: {  	v6 =	vld [tilespmem:s24+$0x6DF0];
	[tilespmem:s22+$0x13C70] =	vst v7  }
0x3fd: {  	v7 =	vld [tilespmem:s24+$0x6ED0];
	[tilespmem:s22+$0x13CF0] =	vst v3  }
0x3fe: {  	[tilespmem:s22+$0x13D70] =	vst v4;
	v3 =	vld [tilespmem:s24+$0x6FB0]  }
0x3ff: {  	v4 =	vld [tilespmem:s24+$0x6A80];
	[tilespmem:s22+$0x13DF0] =	vst v5  }
0x400: {  	v5 =	vld [tilespmem:s24+$0x6B60];
	[tilespmem:s22+$0x143A0] =	vst v2  }
0x401: {  	[tilespmem:s22+$0x13E70] =	vst v6;
	v2 =	vld [tilespmem:s24+$0x70D0]  }
0x402: {  	v6 =	vld [tilespmem:s24+$0x6C40];
	[tilespmem:s22+$0x13EF0] =	vst v7  }
0x403: {  	v7 =	vld [tilespmem:s24+$0x6D20];
	[tilespmem:s22+$0x13F70] =	vst v3  }
0x404: {  	[tilespmem:s22+$0x14000] =	vst v4;
	v3 =	vld [tilespmem:s24+$0x6E00]  }
0x405: {  	v4 =	vld [tilespmem:s24+$0x6EE0];
	[tilespmem:s22+$0x14080] =	vst v5  }
0x406: {  	v5 =	vld [tilespmem:s24+$0x6FC0];
	[tilespmem:s22+$0x143B0] =	vst v2  }
0x407: {  	[tilespmem:s22+$0x14100] =	vst v6;
	v2 =	vld [tilespmem:s24+$0x70E0]  }
0x408: {  	v6 =	vld [tilespmem:s24+$0x6A90];
	[tilespmem:s22+$0x14180] =	vst v7  }
0x409: {  	v7 =	vld [tilespmem:s24+$0x6B70];
	[tilespmem:s22+$0x14200] =	vst v3  }
0x40a: {  	v3 =	vld [tilespmem:s24+$0x6C50];
	[tilespmem:s22+$0x14280] =	vst v4  }
0x40b: {  	v4 =	vld [tilespmem:s24+$0x6D30];
	[tilespmem:s22+$0x14300] =	vst v5  }
0x40c: {  	v5 =	vld [tilespmem:s24+$0x6E10];
	[tilespmem:s22+$0x143C0] =	vst v2  }
0x40d: {  	[tilespmem:s22+$0x14010] =	vst v6;
	v2 =	vld [tilespmem:s24+$0x70F0]  }
0x40e: {  	v6 =	vld [tilespmem:s24+$0x6EF0];
	[tilespmem:s22+$0x14090] =	vst v7  }
0x40f: {  	v7 =	vld [tilespmem:s24+$0x6FD0];
	[tilespmem:s22+$0x14110] =	vst v3  }
0x410: {  	v3 =	vld [tilespmem:s24+$0x6B80];
	[tilespmem:s22+$0x14190] =	vst v4  }
0x411: {  	v4 =	vld [tilespmem:s24+$0x6C60];
	[tilespmem:s22+$0x14210] =	vst v5  }
0x412: {  	[tilespmem:s22+$0x143D0] =	vst v2;
	v2 =	vld [tilespmem:s24+$0x6AA0]  }
0x413: {  	v5 =	vld [tilespmem:s24+$0x6D40];
	[tilespmem:s22+$0x14290] =	vst v6  }
0x414: {  	v6 =	vld [tilespmem:s24+$0x6E20];
	[tilespmem:s22+$0x14310] =	vst v7  }
0x415: {  	[tilespmem:s22+$0x140A0] =	vst v3;
	v3 =	vld [tilespmem:s24+$0x6FE0]  }
0x416: {  	[tilespmem:s22+$0x14120] =	vst v4;
	v4 =	vld [tilespmem:s24+$0x6B90]  }
0x417: {  	[tilespmem:s22+$0x14020] =	vst v2;
	v2 =	vld [tilespmem:s24+$0x6F00]  }
0x418: {  	[tilespmem:s22+$0x141A0] =	vst v5;
	v7 =	vld [tilespmem:s24+$0x6AB0]  }
0x419: {  	v5 =	vld [tilespmem:s24+$0x6C70];
	[tilespmem:s22+$0x14220] =	vst v6  }
0x41a: {  	v6 =	vld [tilespmem:s24+$0x6D50];
	[tilespmem:s22+$0x14320] =	vst v3  }
0x41b: {  	[tilespmem:s22+$0x140B0] =	vst v4;
	v4 =	vld [tilespmem:s24+$0x6FF0]  }
0x41c: {  	[tilespmem:s22+$0x142A0] =	vst v2;
	v2 =	vld [tilespmem:s24+$0x6E30]  }
0x41d: {  	[tilespmem:s22+$0x14030] =	vst v7;
	v3 =	vld [tilespmem:s24+$0x6F10]  }
0x41e: {  	[tilespmem:s22+$0x14130] =	vst v5;
	v7 =	vld [tilespmem:s24+$0x6AC0]  }
0x41f: {  	v5 =	vld [tilespmem:s24+$0x6BA0];
	[tilespmem:s22+$0x141B0] =	vst v6  }
0x420: {  	v6 =	vld [tilespmem:s24+$0x6C80];
	[tilespmem:s22+$0x14330] =	vst v4  }
0x421: {  	[tilespmem:s22+$0x14230] =	vst v2;
	v2 =	vld [tilespmem:s24+$0x6D60]  }
0x422: {  	[tilespmem:s22+$0x142B0] =	vst v3;
	v3 =	vld [tilespmem:s24+$0x6E40]  }
0x423: {  	[tilespmem:s22+$0x14040] =	vst v7;
	v7 =	vld [tilespmem:s24+$0x6F20]  }
0x424: {  	[tilespmem:s22+$0x140C0] =	vst v5;
	v4 =	vld [tilespmem:s24+$0x7000]  }
0x425: {  	[tilespmem:s22+$0x14140] =	vst v6;
	v5 =	vld [tilespmem:s24+$0x6AD0]  }
0x426: {  	v6 =	vld [tilespmem:s24+$0x6BB0];
	[tilespmem:s22+$0x141C0] =	vst v2  }
0x427: {  	v2 =	vld [tilespmem:s24+$0x6C90];
	[tilespmem:s22+$0x14240] =	vst v3  }
0x428: {  	s26 =	simm.s32 $0x8;
	v3 =	vld [tilespmem:s24+$0x6D70];
	[tilespmem:s22+$0x142C0] =	vst v7  }
.LBB2_8:
0x429: {  	s18 =	smul.u32 $0x380, s26;
	p0 =	slt.u32 s26, $0x68;
	v7 =	vld [tilespmem:s24+$0x6E50];
	[tilespmem:s22+$0x14340] =	vst v4  }
0x42a: {  	[tilespmem:s22+$0x14050] =	vst v5;
	v4 =	vld [tilespmem:s24+$0x6F30]  }
0x42b: {  	[tilespmem:s22+$0x140D0] =	vst v6;
	v5 =	vld [tilespmem:s24+$0x7010];
	s24 =	sshra.s32 s18, $0x2  }
0x42c: {  	v6 =	vld [tilespmem:s24+$0x7020];
	[tilespmem:s22+$0x14150] =	vst v2  }
0x42d: {  	v2 =	vld [tilespmem:s24+$0x6A00];
	[tilespmem:s22+$0x141D0] =	vst v3  }
0x42e: {  	v3 =	vld [tilespmem:s24+$0x6AE0];
	[tilespmem:s22+$0x14250] =	vst v7  }
0x42f: {  	s18 =	sshll.u32 s26, $0x8;
	v7 =	vld [tilespmem:s24+$0x6BC0];
	[tilespmem:s22+$0x142D0] =	vst v4  }
0x430: {  	v4 =	vld [tilespmem:s24+$0x6CA0];
	[tilespmem:s22+$0x14350] =	vst v5;
	s22 =	sand.u32 $0x3FFFFF00, s18  }
0x431: {  	v5 =	vld [tilespmem:s24+$0x6D80];
	[tilespmem:s22+$0x13F80] =	vst v6  }
0x432: {  	[tilespmem:s22+$0x13C00] =	vst v2;
	v2 =	vld [tilespmem:s24+$0x7030]  }
0x433: {  	[tilespmem:s22+$0x13C80] =	vst v3;
	v3 =	vld [tilespmem:s24+$0x6E60]  }
0x434: {  	[tilespmem:s22+$0x13D00] =	vst v7;
	v6 =	vld [tilespmem:s24+$0x6F40]  }
0x435: {  	v7 =	vld [tilespmem:s24+$0x6A10];
	[tilespmem:s22+$0x13D80] =	vst v4  }
0x436: {  	v4 =	vld [tilespmem:s24+$0x6AF0];
	[tilespmem:s22+$0x13E00] =	vst v5  }
0x437: {  	v5 =	vld [tilespmem:s24+$0x6BD0];
	[tilespmem:s22+$0x13F90] =	vst v2  }
0x438: {  	[tilespmem:s22+$0x13E80] =	vst v3;
	v2 =	vld [tilespmem:s24+$0x7040]  }
0x439: {  	v3 =	vld [tilespmem:s24+$0x6CB0];
	[tilespmem:s22+$0x13F00] =	vst v6  }
0x43a: {  	[tilespmem:s22+$0x13C10] =	vst v7;
	v6 =	vld [tilespmem:s24+$0x6D90]  }
0x43b: {  	[tilespmem:s22+$0x13C90] =	vst v4;
	v4 =	vld [tilespmem:s24+$0x6E70]  }
0x43c: {  	[tilespmem:s22+$0x13D10] =	vst v5;
	v5 =	vld [tilespmem:s24+$0x6F50]  }
0x43d: {  	v7 =	vld [tilespmem:s24+$0x6A20];
	[tilespmem:s22+$0x13FA0] =	vst v2  }
0x43e: {  	[tilespmem:s22+$0x13D90] =	vst v3;
	v2 =	vld [tilespmem:s24+$0x7050]  }
0x43f: {  	v3 =	vld [tilespmem:s24+$0x6B00];
	[tilespmem:s22+$0x13E10] =	vst v6  }
0x440: {  	v6 =	vld [tilespmem:s24+$0x6BE0];
	[tilespmem:s22+$0x13E90] =	vst v4  }
0x441: {  	v4 =	vld [tilespmem:s24+$0x6CC0];
	[tilespmem:s22+$0x13F10] =	vst v5  }
0x442: {  	[tilespmem:s22+$0x13C20] =	vst v7;
	v5 =	vld [tilespmem:s24+$0x6DA0]  }
0x443: {  	v7 =	vld [tilespmem:s24+$0x6E80];
	[tilespmem:s22+$0x13FB0] =	vst v2  }
0x444: {  	[tilespmem:s22+$0x13CA0] =	vst v3;
	v2 =	vld [tilespmem:s24+$0x7060]  }
0x445: {  	[tilespmem:s22+$0x13D20] =	vst v6;
	v3 =	vld [tilespmem:s24+$0x6F60]  }
0x446: {  	v6 =	vld [tilespmem:s24+$0x6A30];
	[tilespmem:s22+$0x13DA0] =	vst v4  }
0x447: {  	v4 =	vld [tilespmem:s24+$0x6B10];
	[tilespmem:s22+$0x13E20] =	vst v5  }
0x448: {  	v5 =	vld [tilespmem:s24+$0x6BF0];
	[tilespmem:s22+$0x13EA0] =	vst v7  }
0x449: {  	v7 =	vld [tilespmem:s24+$0x6CD0];
	[tilespmem:s22+$0x13FC0] =	vst v2  }
0x44a: {  	[tilespmem:s22+$0x13F20] =	vst v3;
	v2 =	vld [tilespmem:s24+$0x7070]  }
0x44b: {  	[tilespmem:s22+$0x13C30] =	vst v6;
	v3 =	vld [tilespmem:s24+$0x6DB0]  }
0x44c: {  	[tilespmem:s22+$0x13CB0] =	vst v4;
	v4 =	vld [tilespmem:s24+$0x6E90]  }
0x44d: {  	[tilespmem:s22+$0x13D30] =	vst v5;
	v5 =	vld [tilespmem:s24+$0x6F70]  }
0x44e: {  	v6 =	vld [tilespmem:s24+$0x6A40];
	[tilespmem:s22+$0x13DB0] =	vst v7  }
0x44f: {  	v7 =	vld [tilespmem:s24+$0x6B20];
	[tilespmem:s22+$0x13FD0] =	vst v2  }
0x450: {  	[tilespmem:s22+$0x13E30] =	vst v3;
	v2 =	vld [tilespmem:s24+$0x7080]  }
0x451: {  	v3 =	vld [tilespmem:s24+$0x6C00];
	[tilespmem:s22+$0x13EB0] =	vst v4  }
0x452: {  	v4 =	vld [tilespmem:s24+$0x6CE0];
	[tilespmem:s22+$0x13F30] =	vst v5  }
0x453: {  	[tilespmem:s22+$0x13C40] =	vst v6;
	v5 =	vld [tilespmem:s24+$0x6DC0]  }
0x454: {  	[tilespmem:s22+$0x13CC0] =	vst v7;
	v6 =	vld [tilespmem:s24+$0x6EA0]  }
0x455: {  	v7 =	vld [tilespmem:s24+$0x6F80];
	[tilespmem:s22+$0x13FE0] =	vst v2  }
0x456: {  	[tilespmem:s22+$0x13D40] =	vst v3;
	v2 =	vld [tilespmem:s24+$0x7090]  }
0x457: {  	v3 =	vld [tilespmem:s24+$0x6A50];
	[tilespmem:s22+$0x13DC0] =	vst v4  }
0x458: {  	v4 =	vld [tilespmem:s24+$0x6B30];
	[tilespmem:s22+$0x13E40] =	vst v5  }
0x459: {  	v5 =	vld [tilespmem:s24+$0x6C10];
	[tilespmem:s22+$0x13EC0] =	vst v6  }
0x45a: {  	v6 =	vld [tilespmem:s24+$0x6CF0];
	[tilespmem:s22+$0x13F40] =	vst v7  }
0x45b: {  	v7 =	vld [tilespmem:s24+$0x6DD0];
	[tilespmem:s22+$0x13FF0] =	vst v2  }
0x45c: {  	[tilespmem:s22+$0x13C50] =	vst v3;
	v2 =	vld [tilespmem:s24+$0x70A0]  }
0x45d: {  	[tilespmem:s22+$0x13CD0] =	vst v4;
	v3 =	vld [tilespmem:s24+$0x6EB0]  }
0x45e: {  	[tilespmem:s22+$0x13D50] =	vst v5;
	v4 =	vld [tilespmem:s24+$0x6F90]  }
0x45f: {  	v5 =	vld [tilespmem:s24+$0x6A60];
	[tilespmem:s22+$0x13DD0] =	vst v6  }
0x460: {  	v6 =	vld [tilespmem:s24+$0x6B40];
	[tilespmem:s22+$0x13E50] =	vst v7  }
0x461: {  	v7 =	vld [tilespmem:s24+$0x6C20];
	[tilespmem:s22+$0x14380] =	vst v2  }
0x462: {  	[tilespmem:s22+$0x13ED0] =	vst v3;
	v2 =	vld [tilespmem:s24+$0x70B0]  }
0x463: {  	v3 =	vld [tilespmem:s24+$0x6D00];
	[tilespmem:s22+$0x13F50] =	vst v4  }
0x464: {  	[tilespmem:s22+$0x13C60] =	vst v5;
	v4 =	vld [tilespmem:s24+$0x6DE0]  }
0x465: {  	[tilespmem:s22+$0x13CE0] =	vst v6;
	v5 =	vld [tilespmem:s24+$0x6EC0]  }
0x466: {  	[tilespmem:s22+$0x13D60] =	vst v7;
	v6 =	vld [tilespmem:s24+$0x6FA0]  }
0x467: {  	v7 =	vld [tilespmem:s24+$0x6A70];
	[tilespmem:s22+$0x14390] =	vst v2  }
0x468: {  	[tilespmem:s22+$0x13DE0] =	vst v3;
	v2 =	vld [tilespmem:s24+$0x70C0]  }
0x469: {  	v3 =	vld [tilespmem:s24+$0x6B50];
	[tilespmem:s22+$0x13E60] =	vst v4  }
0x46a: {  	v4 =	vld [tilespmem:s24+$0x6C30];
	[tilespmem:s22+$0x13EE0] =	vst v5  }
0x46b: {  	v5 =	vld [tilespmem:s24+$0x6D10];
	[tilespmem:s22+$0x13F60] =	vst v6  }
0x46c: {  	[tilespmem:s22+$0x13C70] =	vst v7;
	v6 =	vld [tilespmem:s24+$0x6DF0]  }
0x46d: {  	v7 =	vld [tilespmem:s24+$0x6ED0];
	[tilespmem:s22+$0x143A0] =	vst v2  }
0x46e: {  	[tilespmem:s22+$0x13CF0] =	vst v3;
	v2 =	vld [tilespmem:s24+$0x70D0]  }
0x46f: {  	[tilespmem:s22+$0x13D70] =	vst v4;
	v3 =	vld [tilespmem:s24+$0x6FB0]  }
0x470: {  	v4 =	vld [tilespmem:s24+$0x6A80];
	[tilespmem:s22+$0x13DF0] =	vst v5  }
0x471: {  	v5 =	vld [tilespmem:s24+$0x6B60];
	[tilespmem:s22+$0x13E70] =	vst v6  }
0x472: {  	v6 =	vld [tilespmem:s24+$0x6C40];
	[tilespmem:s22+$0x13EF0] =	vst v7  }
0x473: {  	v7 =	vld [tilespmem:s24+$0x6D20];
	[tilespmem:s22+$0x143B0] =	vst v2  }
0x474: {  	[tilespmem:s22+$0x13F70] =	vst v3;
	v2 =	vld [tilespmem:s24+$0x70E0]  }
0x475: {  	[tilespmem:s22+$0x14000] =	vst v4;
	v3 =	vld [tilespmem:s24+$0x6E00]  }
0x476: {  	[tilespmem:s22+$0x14080] =	vst v5;
	v4 =	vld [tilespmem:s24+$0x6EE0]  }
0x477: {  	[tilespmem:s22+$0x14100] =	vst v6;
	v5 =	vld [tilespmem:s24+$0x6FC0]  }
0x478: {  	v6 =	vld [tilespmem:s24+$0x6A90];
	[tilespmem:s22+$0x14180] =	vst v7  }
0x479: {  	v7 =	vld [tilespmem:s24+$0x6B70];
	[tilespmem:s22+$0x143C0] =	vst v2  }
0x47a: {  	[tilespmem:s22+$0x14200] =	vst v3;
	v2 =	vld [tilespmem:s24+$0x70F0]  }
0x47b: {  	v3 =	vld [tilespmem:s24+$0x6C50];
	[tilespmem:s22+$0x14280] =	vst v4  }
0x47c: {  	v4 =	vld [tilespmem:s24+$0x6D30];
	[tilespmem:s22+$0x14300] =	vst v5  }
0x47d: {  	[tilespmem:s22+$0x14010] =	vst v6;
	v5 =	vld [tilespmem:s24+$0x6E10]  }
0x47e: {  	[tilespmem:s22+$0x14090] =	vst v7;
	v6 =	vld [tilespmem:s24+$0x6EF0]  }
0x47f: {  	v7 =	vld [tilespmem:s24+$0x6FD0];
	[tilespmem:s22+$0x143D0] =	vst v2  }
0x480: {  	v2 =	vld [tilespmem:s24+$0x6AA0];
	[tilespmem:s22+$0x14110] =	vst v3  }
0x481: {  	v3 =	vld [tilespmem:s24+$0x6B80];
	[tilespmem:s22+$0x14190] =	vst v4  }
0x482: {  	v4 =	vld [tilespmem:s24+$0x6C60];
	[tilespmem:s22+$0x14210] =	vst v5  }
0x483: {  	v5 =	vld [tilespmem:s24+$0x6D40];
	[tilespmem:s22+$0x14290] =	vst v6  }
0x484: {  	v6 =	vld [tilespmem:s24+$0x6E20];
	[tilespmem:s22+$0x14310] =	vst v7  }
0x485: {  	[tilespmem:s22+$0x14020] =	vst v2;
	v2 =	vld [tilespmem:s24+$0x6F00]  }
0x486: {  	[tilespmem:s22+$0x140A0] =	vst v3;
	v3 =	vld [tilespmem:s24+$0x6FE0]  }
0x487: {  	v7 =	vld [tilespmem:s24+$0x6AB0];
	[tilespmem:s22+$0x14120] =	vst v4  }
0x488: {  	v4 =	vld [tilespmem:s24+$0x6B90];
	[tilespmem:s22+$0x141A0] =	vst v5  }
0x489: {  	v5 =	vld [tilespmem:s24+$0x6C70];
	[tilespmem:s22+$0x14220] =	vst v6  }
0x48a: {  	v6 =	vld [tilespmem:s24+$0x6D50];
	[tilespmem:s22+$0x142A0] =	vst v2  }
0x48b: {  	v2 =	vld [tilespmem:s24+$0x6E30];
	[tilespmem:s22+$0x14320] =	vst v3  }
0x48c: {  	[tilespmem:s22+$0x14030] =	vst v7;
	v3 =	vld [tilespmem:s24+$0x6F10]  }
0x48d: {  	[tilespmem:s22+$0x140B0] =	vst v4;
	v4 =	vld [tilespmem:s24+$0x6FF0]  }
0x48e: {  	v7 =	vld [tilespmem:s24+$0x6AC0];
	[tilespmem:s22+$0x14130] =	vst v5  }
0x48f: {  	v5 =	vld [tilespmem:s24+$0x6BA0];
	[tilespmem:s22+$0x141B0] =	vst v6  }
0x490: {  	v6 =	vld [tilespmem:s24+$0x6C80];
	[tilespmem:s22+$0x14230] =	vst v2  }
0x491: {  	v2 =	vld [tilespmem:s24+$0x6D60];
	[tilespmem:s22+$0x142B0] =	vst v3  }
0x492: {  	v3 =	vld [tilespmem:s24+$0x6E40];
	[tilespmem:s22+$0x14330] =	vst v4  }
0x493: {  	[tilespmem:s22+$0x14040] =	vst v7;
	v7 =	vld [tilespmem:s24+$0x6F20]  }
.Ltmp3:
0x494: {  	[tilespmem:s22+$0x140C0] =	vst v5;
	v4 =	vld [tilespmem:s24+$0x7000];
	(pc) =	sbr.rel @p0 .LBB2_8-.Ltmp3, $4  }
0x495: {  	v5 =	vld [tilespmem:s24+$0x6AD0];
	[tilespmem:s22+$0x14140] =	vst v6  }
0x496: {  	v6 =	vld [tilespmem:s24+$0x6BB0];
	[tilespmem:s22+$0x141C0] =	vst v2  }
0x497: {  	v2 =	vld [tilespmem:s24+$0x6C90];
	[tilespmem:s22+$0x14240] =	vst v3  }
0x498: {  	s26 =	sadd.s32 $0x8, s26;
	v3 =	vld [tilespmem:s24+$0x6D70];
	[tilespmem:s22+$0x142C0] =	vst v7  }
0x499: {  	v7 =	vld [tilespmem:s24+$0x6E50];
	[tilespmem:s22+$0x14340] =	vst v4  }
0x49a: {  	v4 =	vld [tilespmem:s24+$0x6F30];
	[tilespmem:s22+$0x14050] =	vst v5  }
0x49b: {  	v5 =	vld [tilespmem:s24+$0x7010];
	[tilespmem:s22+$0x140D0] =	vst v6  }
0x49c: {  	[tilespmem:s22+$0x14150] =	vst v2  }
0x49d: {  	[tilespmem:s22+$0x141D0] =	vst v3  }
0x49e: {  	[tilespmem:s22+$0x14250] =	vst v7  }
0x49f: {  	[tilespmem:s22+$0x142D0] =	vst v4  }
0x4a0: {  	[tilespmem:s22+$0x14350] =	vst v5  }
0x4a1: {  	s22 =	sld [smem:$0x7F7];
	_ =	sdelay $0x1  }
0x4a2: {  	s18 =	simm.s32 $0x0  }
0x4a3: {  	[hbm4b:s22+s18] =	stream.linear.scatter [tilespmem:s25], [sflag:$0x5], $0x7000, $0x38;
	[tilespmem:$0x1AC00] =	vst v63  }
0x4a4: {  	v2 =	vld.msk [tilespmem:$0x80], $0x1;
	_ =	sdelay $0x4  }
0x4a5: {  	v3 =	vshrl.u32 v2, $0x3  }
0x4a6: {  	v3 =	vmul.u32 $0xC40, v3  }
0x4a7: {  	v2 =	vand.u32 $0x7, v2  }
0x4a8: {  	v2 =	vor.u32 v2, v3  }
0x4a9: {  	v2 =	vperm.xlane v2, v0;
	_ =	sdelay $0x1  }
0x4aa: {  	v2 =	vadd.s32 v1, v2;
	_ =	sdelay $0x3  }
0x4ab: {  	s26 =	simm.s32 $0x800;
	s24 =	rddreg [dreg:$0x0]  }
0x4ac: {  	[tilespmem:s26], [sflag:$0x1] =	stream.indirect_vreg.gather [hbm4b:s24+s18], $0x80, v2, vm0, $0xb8;
	[tilespmem:$0x1AC00] =	vst v63  }
0x4ad: {  	s24 =	rddreg [dreg:$0x8];
	s26 =	simm.s32 $0x1000  }
0x4ae: {  	[tilespmem:s26], [sflag:$0x1] =	stream.indirect_vreg.gather [hbm4b:s24+s18], $0x80, v2, vm0, $0xb8;
	[tilespmem:$0x1AC00] =	vst v63  }
0x4af: {  	s24 =	rddreg [dreg:$0x9];
	s26 =	simm.s32 $0x1800  }
0x4b0: {  	[tilespmem:s26], [sflag:$0x1] =	stream.indirect_vreg.gather [hbm4b:s24+s18], $0x80, v2, vm0, $0xb8;
	[tilespmem:$0x1AC00] =	vst v63  }
0x4b1: {  	s24 =	rddreg [dreg:$0xa];
	s26 =	simm.s32 $0x2000  }
0x4b2: {  	[tilespmem:s26], [sflag:$0x1] =	stream.indirect_vreg.gather [hbm4b:s24+s18], $0x80, v2, vm0, $0xb8;
	[tilespmem:$0x1AC00] =	vst v63  }
0x4b3: {  	s24 =	rddreg [dreg:$0xb];
	s26 =	simm.s32 $0x2800  }
0x4b4: {  	[tilespmem:s26], [sflag:$0x1] =	stream.indirect_vreg.gather [hbm4b:s24+s18], $0x80, v2, vm0, $0xb8;
	[tilespmem:$0x1AC00] =	vst v63  }
0x4b5: {  	s24 =	rddreg [dreg:$0xc];
	s26 =	simm.s32 $0x3000  }
0x4b6: {  	[tilespmem:s26], [sflag:$0x1] =	stream.indirect_vreg.gather [hbm4b:s24+s18], $0x80, v2, vm0, $0xb8;
	[tilespmem:$0x1AC00] =	vst v63  }
0x4b7: {  	s24 =	rddreg [dreg:$0xd];
	s26 =	simm.s32 $0x3800  }
0x4b8: {  	[tilespmem:s26], [sflag:$0x1] =	stream.indirect_vreg.gather [hbm4b:s24+s18], $0x80, v2, vm0, $0xb8;
	[tilespmem:$0x1AC00] =	vst v63  }
0x4b9: {  	s24 =	rddreg [dreg:$0x1a];
	s26 =	simm.s32 $0x4000  }
0x4ba: {  	[tilespmem:s26], [sflag:$0x1] =	stream.indirect_vreg.gather [hbm4b:s24+s18], $0x80, v2, vm0, $0xb8;
	[tilespmem:$0x1AC00] =	vst v63  }
0x4bb: {  	s24 =	rddreg [dreg:$0x1c];
	s26 =	simm.s32 $0x4800  }
0x4bc: {  	[tilespmem:s26], [sflag:$0x1] =	stream.indirect_vreg.gather [hbm4b:s24+s18], $0x80, v2, vm0, $0xb8;
	[tilespmem:$0x1AC00] =	vst v63  }
0x4bd: {  	s24 =	rddreg [dreg:$0x1d];
	s26 =	simm.s32 $0x5000  }
0x4be: {  	[tilespmem:s26], [sflag:$0x1] =	stream.indirect_vreg.gather [hbm4b:s24+s18], $0x80, v2, vm0, $0xb8;
	[tilespmem:$0x1AC00] =	vst v63  }
0x4bf: {  	s24 =	rddreg [dreg:$0x1e];
	s26 =	simm.s32 $0x5800  }
0x4c0: {  	[tilespmem:s26], [sflag:$0x1] =	stream.indirect_vreg.gather [hbm4b:s24+s18], $0x80, v2, vm0, $0xb8;
	[tilespmem:$0x1AC00] =	vst v63  }
0x4c1: {  	s24 =	rddreg [dreg:$0x1f];
	s26 =	simm.s32 $0x6000  }
0x4c2: {  	[tilespmem:s26], [sflag:$0x1] =	stream.indirect_vreg.gather [hbm4b:s24+s18], $0x80, v2, vm0, $0xb8;
	[tilespmem:$0x1AC00] =	vst v63  }
0x4c3: {  	s24 =	sld [smem:$0x7D7];
	_ =	sdelay $0x1  }
0x4c4: {  	s26 =	simm.s32 $0x6800  }
0x4c5: {  	[tilespmem:s26], [sflag:$0x1] =	stream.indirect_vreg.gather [hbm4b:s24+s18], $0x80, v2, vm0, $0xb8;
	[tilespmem:$0x1AC00] =	vst v63  }
0x4c6: {  	s24 =	sld [smem:$0x7D8];
	_ =	sdelay $0x1  }
0x4c7: {  	s26 =	simm.s32 $0x7000  }
0x4c8: {  	[tilespmem:s26], [sflag:$0x1] =	stream.indirect_vreg.gather [hbm4b:s24+s18], $0x80, v2, vm0, $0xb8;
	[tilespmem:$0x1AC00] =	vst v63  }
0x4c9: {  	s24 =	sld [smem:$0x7D9];
	_ =	sdelay $0x1  }
0x4ca: {  	s26 =	simm.s32 $0x7800  }
0x4cb: {  	[tilespmem:s26], [sflag:$0x1] =	stream.indirect_vreg.gather [hbm4b:s24+s18], $0x80, v2, vm0, $0xb8;
	[tilespmem:$0x1AC00] =	vst v63  }
0x4cc: {  	s24 =	sld [smem:$0x7DA];
	_ =	sdelay $0x1  }
0x4cd: {  	s26 =	simm.s32 $0x8000  }
0x4ce: {  	[tilespmem:s26], [sflag:$0x1] =	stream.indirect_vreg.gather [hbm4b:s24+s18], $0x80, v2, vm0, $0xb8;
	[tilespmem:$0x1AC00] =	vst v63  }
0x4cf: {  	s24 =	sld [smem:$0x7DB];
	_ =	sdelay $0x1  }
0x4d0: {  	s26 =	simm.s32 $0x8800  }
0x4d1: {  	[tilespmem:s26], [sflag:$0x1] =	stream.indirect_vreg.gather [hbm4b:s24+s18], $0x80, v2, vm0, $0xb8;
	[tilespmem:$0x1AC00] =	vst v63  }
0x4d2: {  	s26 =	sld [smem:$0x7DC];
	_ =	sdelay $0x1  }
0x4d3: {  	s24 =	sld [smem:$0x7DD]  }
0x4d4: {  	[tilespmem:s17], [sflag:$0x1] =	stream.indirect_vreg.gather [hbm4b:s26+s18], $0x80, v2, vm0, $0xb8;
	[tilespmem:$0x1AC00] =	vst v63  }
0x4d5: {  	s26 =	sld [smem:$0x7DE]  }
0x4d6: {  	[tilespmem:s0], [sflag:$0x1] =	stream.indirect_vreg.gather [hbm4b:s24+s18], $0x80, v2, vm0, $0xb8;
	[tilespmem:$0x1AC00] =	vst v63  }
0x4d7: {  	s24 =	sld [smem:$0x7DF]  }
0x4d8: {  	[tilespmem:s19], [sflag:$0x1] =	stream.indirect_vreg.gather [hbm4b:s26+s18], $0x80, v2, vm0, $0xb8;
	[tilespmem:$0x1AC00] =	vst v63  }
0x4d9: {  	s26 =	sld [smem:$0x7E0]  }
0x4da: {  	[tilespmem:s1], [sflag:$0x1] =	stream.indirect_vreg.gather [hbm4b:s24+s18], $0x80, v2, vm0, $0xb8;
	[tilespmem:$0x1AC00] =	vst v63  }
0x4db: {  	s24 =	sld [smem:$0x7E1]  }
0x4dc: {  	[tilespmem:s20], [sflag:$0x1] =	stream.indirect_vreg.gather [hbm4b:s26+s18], $0x80, v2, vm0, $0xb8;
	[tilespmem:$0x1AC00] =	vst v63  }
0x4dd: {  	s26 =	sld [smem:$0x7E2]  }
0x4de: {  	[tilespmem:s6], [sflag:$0x1] =	stream.indirect_vreg.gather [hbm4b:s24+s18], $0x80, v2, vm0, $0xb8;
	[tilespmem:$0x1AC00] =	vst v63  }
0x4df: {  	s24 =	sld [smem:$0x7E3]  }
0x4e0: {  	[tilespmem:s23], [sflag:$0x1] =	stream.indirect_vreg.gather [hbm4b:s26+s18], $0x80, v2, vm0, $0xb8;
	[tilespmem:$0x1AC00] =	vst v63  }
0x4e1: {  	_ = 	snop  }
0x4e2: {  	[tilespmem:s7], [sflag:$0x1] =	stream.indirect_vreg.gather [hbm4b:s24+s18], $0x80, v2, vm1, $0xb8;
	[tilespmem:$0x1AC00] =	vst v63  }
0x4e3: {  	_ =	swait.ge [sflag:s16], $0x7000  }
0x4e4: {  	[sflag:s16] =	ssyncset.done $0x0  }
0x4e5: {  	s26 =	rddreg [dreg:$0x16];
	[sflag:s16] =	ssyncadd.s32 $0xFFFF9000  }
0x4e6: {  	[tilespmem:s21], [sflag:$0x2] =	stream.linear.gather [hbm4b:s26+s18], $0x7000, $0x38;
	[tilespmem:$0x1AC00] =	vst v63  }
0x4e7: {  	_ =	swait.ge [sflag:s8], $0x7000  }
0x4e8: {  	s24 =	sld [smem:$0x7F8]  }
0x4e9: {  	[sflag:s8] =	ssyncset.done $0x0  }
0x4ea: {  	[sflag:s8] =	ssyncadd.s32 $0xFFFF9000  }
0x4eb: {  	[hbm4b:s24+s18] =	stream.linear.scatter [tilespmem:s21], [sflag:$0x4], $0x7000, $0x38;
	[tilespmem:$0x1AC00] =	vst v63  }
0x4ec: {  	_ =	swait.ge [sflag:s11], $0x7000  }
0x4ed: {  	[sflag:s11] =	ssyncset.done $0x0  }
0x4ee: {  	s26 =	rddreg [dreg:$0x17];
	[sflag:s11] =	ssyncadd.s32 $0xFFFF9000  }
0x4ef: {  	[tilespmem:s25], [sflag:$0x3] =	stream.linear.gather [hbm4b:s26+s18], $0x7000, $0x38;
	[tilespmem:$0x1AC00] =	vst v63  }
0x4f0: {  	_ =	swait.ge [sflag:s9], $0x7000  }
0x4f1: {  	s24 =	sld [smem:$0x7F9]  }
0x4f2: {  	[sflag:s9] =	ssyncset.done $0x0  }
0x4f3: {  	[sflag:s9] =	ssyncadd.s32 $0xFFFF9000  }
0x4f4: {  	[hbm4b:s24+s18] =	stream.linear.scatter [tilespmem:s25], [sflag:$0x5], $0x7000, $0x38;
	[tilespmem:$0x1AC00] =	vst v63  }
0x4f5: {  	_ =	swait.ge [sflag:s10], $0xC400  }
0x4f6: {  	[sflag:s10] =	ssyncset.done $0x0  }
0x4f7: {  	[sflag:s10] =	ssyncadd.s32 $0xFFFF3C00  }
0x4f8: {  	s18 =	smul.u32 $0x380, s18;
	_ =	swait.ge [sflag:s16], $0x7000  }
0x4f9: {  	[sflag:s16] =	ssyncset.done $0x0  }
0x4fa: {  	s24 =	sshra.s32 s18, $0x2;
	[sflag:s16] =	ssyncadd.s32 $0xFFFF9000  }
0x4fb: {  	v2 =	vld [tilespmem:s24+$0xE20]  }
0x4fc: {  	v3 =	vld [tilespmem:s24+$0x800]  }
0x4fd: {  	v4 =	vld [tilespmem:s24+$0x8E0]  }
0x4fe: {  	s26 =	simm.s32 $0x0;
	v5 =	vld [tilespmem:s24+$0x9C0]  }
0x4ff: {  	s22 =	sand.u32 $0x3FFFFF00, s26;
	v6 =	vld [tilespmem:s24+$0xAA0]  }
0x500: {  	v7 =	vld [tilespmem:s24+$0xB80];
	[tilespmem:s22+$0xCF80] =	vst v2  }
0x501: {  	[tilespmem:s22+$0xCC00] =	vst v3;
	v3 =	vld [tilespmem:s24+$0xC60]  }
0x502: {  	[tilespmem:s22+$0xCC80] =	vst v4;
	v4 =	vld [tilespmem:s24+$0xD40]  }
0x503: {  	[tilespmem:s22+$0xCD00] =	vst v5;
	v2 =	vld [tilespmem:s24+$0xE30]  }
0x504: {  	[tilespmem:s22+$0xCD80] =	vst v6;
	v5 =	vld [tilespmem:s24+$0x810]  }
0x505: {  	[tilespmem:s22+$0xCE00] =	vst v7;
	v6 =	vld [tilespmem:s24+$0x8F0]  }
0x506: {  	v7 =	vld [tilespmem:s24+$0x9D0];
	[tilespmem:s22+$0xCE80] =	vst v3  }
0x507: {  	v3 =	vld [tilespmem:s24+$0xAB0];
	[tilespmem:s22+$0xCF00] =	vst v4  }
0x508: {  	v4 =	vld [tilespmem:s24+$0xB90];
	[tilespmem:s22+$0xCF90] =	vst v2  }
0x509: {  	[tilespmem:s22+$0xCC10] =	vst v5;
	v5 =	vld [tilespmem:s24+$0xC70]  }
0x50a: {  	[tilespmem:s22+$0xCC90] =	vst v6;
	v2 =	vld [tilespmem:s24+$0xE40]  }
0x50b: {  	[tilespmem:s22+$0xCD10] =	vst v7;
	v6 =	vld [tilespmem:s24+$0xD50]  }
0x50c: {  	v7 =	vld [tilespmem:s24+$0x820];
	[tilespmem:s22+$0xCD90] =	vst v3  }
0x50d: {  	v3 =	vld [tilespmem:s24+$0x900];
	[tilespmem:s22+$0xCE10] =	vst v4  }
0x50e: {  	v4 =	vld [tilespmem:s24+$0x9E0];
	[tilespmem:s22+$0xCE90] =	vst v5  }
0x50f: {  	v5 =	vld [tilespmem:s24+$0xAC0];
	[tilespmem:s22+$0xCFA0] =	vst v2  }
0x510: {  	[tilespmem:s22+$0xCF10] =	vst v6;
	v2 =	vld [tilespmem:s24+$0xE50]  }
0x511: {  	v6 =	vld [tilespmem:s24+$0xBA0];
	[tilespmem:s22+$0xCC20] =	vst v7  }
0x512: {  	v7 =	vld [tilespmem:s24+$0xC80];
	[tilespmem:s22+$0xCCA0] =	vst v3  }
0x513: {  	[tilespmem:s22+$0xCD20] =	vst v4;
	v3 =	vld [tilespmem:s24+$0xD60]  }
0x514: {  	v4 =	vld [tilespmem:s24+$0x830];
	[tilespmem:s22+$0xCDA0] =	vst v5  }
0x515: {  	v5 =	vld [tilespmem:s24+$0x910];
	[tilespmem:s22+$0xCFB0] =	vst v2  }
0x516: {  	[tilespmem:s22+$0xCE20] =	vst v6;
	v2 =	vld [tilespmem:s24+$0xE60]  }
0x517: {  	v6 =	vld [tilespmem:s24+$0x9F0];
	[tilespmem:s22+$0xCEA0] =	vst v7  }
0x518: {  	v7 =	vld [tilespmem:s24+$0xAD0];
	[tilespmem:s22+$0xCF20] =	vst v3  }
0x519: {  	[tilespmem:s22+$0xCC30] =	vst v4;
	v3 =	vld [tilespmem:s24+$0xBB0]  }
0x51a: {  	v4 =	vld [tilespmem:s24+$0xC90];
	[tilespmem:s22+$0xCCB0] =	vst v5  }
0x51b: {  	v5 =	vld [tilespmem:s24+$0xD70];
	[tilespmem:s22+$0xCFC0] =	vst v2  }
0x51c: {  	[tilespmem:s22+$0xCD30] =	vst v6;
	v2 =	vld [tilespmem:s24+$0xE70]  }
0x51d: {  	v6 =	vld [tilespmem:s24+$0x840];
	[tilespmem:s22+$0xCDB0] =	vst v7  }
0x51e: {  	v7 =	vld [tilespmem:s24+$0x920];
	[tilespmem:s22+$0xCE30] =	vst v3  }
0x51f: {  	v3 =	vld [tilespmem:s24+$0xA00];
	[tilespmem:s22+$0xCEB0] =	vst v4  }
0x520: {  	v4 =	vld [tilespmem:s24+$0xAE0];
	[tilespmem:s22+$0xCF30] =	vst v5  }
0x521: {  	v5 =	vld [tilespmem:s24+$0xBC0];
	[tilespmem:s22+$0xCFD0] =	vst v2  }
0x522: {  	[tilespmem:s22+$0xCC40] =	vst v6;
	v2 =	vld [tilespmem:s24+$0xE80]  }
0x523: {  	v6 =	vld [tilespmem:s24+$0xCA0];
	[tilespmem:s22+$0xCCC0] =	vst v7  }
0x524: {  	v7 =	vld [tilespmem:s24+$0xD80];
	[tilespmem:s22+$0xCD40] =	vst v3  }
0x525: {  	v3 =	vld [tilespmem:s24+$0x850];
	[tilespmem:s22+$0xCDC0] =	vst v4  }
0x526: {  	v4 =	vld [tilespmem:s24+$0x930];
	[tilespmem:s22+$0xCE40] =	vst v5  }
0x527: {  	v5 =	vld [tilespmem:s24+$0xA10];
	[tilespmem:s22+$0xCFE0] =	vst v2  }
0x528: {  	[tilespmem:s22+$0xCEC0] =	vst v6;
	v2 =	vld [tilespmem:s24+$0xE90]  }
0x529: {  	v6 =	vld [tilespmem:s24+$0xAF0];
	[tilespmem:s22+$0xCF40] =	vst v7  }
0x52a: {  	v7 =	vld [tilespmem:s24+$0xBD0];
	[tilespmem:s22+$0xCC50] =	vst v3  }
0x52b: {  	[tilespmem:s22+$0xCCD0] =	vst v4;
	v3 =	vld [tilespmem:s24+$0xCB0]  }
0x52c: {  	v4 =	vld [tilespmem:s24+$0xD90];
	[tilespmem:s22+$0xCD50] =	vst v5  }
0x52d: {  	v5 =	vld [tilespmem:s24+$0x860];
	[tilespmem:s22+$0xCFF0] =	vst v2  }
0x52e: {  	[tilespmem:s22+$0xCDD0] =	vst v6;
	v2 =	vld [tilespmem:s24+$0xEA0]  }
0x52f: {  	v6 =	vld [tilespmem:s24+$0x940];
	[tilespmem:s22+$0xCE50] =	vst v7  }
0x530: {  	v7 =	vld [tilespmem:s24+$0xA20];
	[tilespmem:s22+$0xCED0] =	vst v3  }
0x531: {  	v3 =	vld [tilespmem:s24+$0xB00];
	[tilespmem:s22+$0xCF50] =	vst v4  }
0x532: {  	v4 =	vld [tilespmem:s24+$0xBE0];
	[tilespmem:s22+$0xCC60] =	vst v5  }
0x533: {  	v5 =	vld [tilespmem:s24+$0xCC0];
	[tilespmem:s22+$0xD380] =	vst v2  }
0x534: {  	[tilespmem:s22+$0xCCE0] =	vst v6;
	v2 =	vld [tilespmem:s24+$0xEB0]  }
0x535: {  	v6 =	vld [tilespmem:s24+$0xDA0];
	[tilespmem:s22+$0xCD60] =	vst v7  }
0x536: {  	v7 =	vld [tilespmem:s24+$0x870];
	[tilespmem:s22+$0xCDE0] =	vst v3  }
0x537: {  	v3 =	vld [tilespmem:s24+$0x950];
	[tilespmem:s22+$0xCE60] =	vst v4  }
0x538: {  	v4 =	vld [tilespmem:s24+$0xA30];
	[tilespmem:s22+$0xCEE0] =	vst v5  }
0x539: {  	v5 =	vld [tilespmem:s24+$0xB10];
	[tilespmem:s22+$0xD390] =	vst v2  }
0x53a: {  	[tilespmem:s22+$0xCF60] =	vst v6;
	v2 =	vld [tilespmem:s24+$0xEC0]  }
0x53b: {  	v6 =	vld [tilespmem:s24+$0xBF0];
	[tilespmem:s22+$0xCC70] =	vst v7  }
0x53c: {  	v7 =	vld [tilespmem:s24+$0xCD0];
	[tilespmem:s22+$0xCCF0] =	vst v3  }
0x53d: {  	[tilespmem:s22+$0xCD70] =	vst v4;
	v3 =	vld [tilespmem:s24+$0xDB0]  }
0x53e: {  	v4 =	vld [tilespmem:s24+$0x880];
	[tilespmem:s22+$0xCDF0] =	vst v5  }
0x53f: {  	v5 =	vld [tilespmem:s24+$0x960];
	[tilespmem:s22+$0xD3A0] =	vst v2  }
0x540: {  	[tilespmem:s22+$0xCE70] =	vst v6;
	v2 =	vld [tilespmem:s24+$0xED0]  }
0x541: {  	v6 =	vld [tilespmem:s24+$0xA40];
	[tilespmem:s22+$0xCEF0] =	vst v7  }
0x542: {  	v7 =	vld [tilespmem:s24+$0xB20];
	[tilespmem:s22+$0xCF70] =	vst v3  }
0x543: {  	[tilespmem:s22+$0xD000] =	vst v4;
	v3 =	vld [tilespmem:s24+$0xC00]  }
0x544: {  	v4 =	vld [tilespmem:s24+$0xCE0];
	[tilespmem:s22+$0xD080] =	vst v5  }
0x545: {  	v5 =	vld [tilespmem:s24+$0xDC0];
	[tilespmem:s22+$0xD3B0] =	vst v2  }
0x546: {  	[tilespmem:s22+$0xD100] =	vst v6;
	v2 =	vld [tilespmem:s24+$0xEE0]  }
0x547: {  	v6 =	vld [tilespmem:s24+$0x890];
	[tilespmem:s22+$0xD180] =	vst v7  }
0x548: {  	v7 =	vld [tilespmem:s24+$0x970];
	[tilespmem:s22+$0xD200] =	vst v3  }
0x549: {  	v3 =	vld [tilespmem:s24+$0xA50];
	[tilespmem:s22+$0xD280] =	vst v4  }
0x54a: {  	v4 =	vld [tilespmem:s24+$0xB30];
	[tilespmem:s22+$0xD300] =	vst v5  }
0x54b: {  	v5 =	vld [tilespmem:s24+$0xC10];
	[tilespmem:s22+$0xD3C0] =	vst v2  }
0x54c: {  	[tilespmem:s22+$0xD010] =	vst v6;
	v2 =	vld [tilespmem:s24+$0xEF0]  }
0x54d: {  	v6 =	vld [tilespmem:s24+$0xCF0];
	[tilespmem:s22+$0xD090] =	vst v7  }
0x54e: {  	v7 =	vld [tilespmem:s24+$0xDD0];
	[tilespmem:s22+$0xD110] =	vst v3  }
0x54f: {  	v3 =	vld [tilespmem:s24+$0x980];
	[tilespmem:s22+$0xD190] =	vst v4  }
0x550: {  	v4 =	vld [tilespmem:s24+$0xA60];
	[tilespmem:s22+$0xD210] =	vst v5  }
0x551: {  	[tilespmem:s22+$0xD3D0] =	vst v2;
	v2 =	vld [tilespmem:s24+$0x8A0]  }
0x552: {  	v5 =	vld [tilespmem:s24+$0xB40];
	[tilespmem:s22+$0xD290] =	vst v6  }
0x553: {  	v6 =	vld [tilespmem:s24+$0xC20];
	[tilespmem:s22+$0xD310] =	vst v7  }
0x554: {  	[tilespmem:s22+$0xD0A0] =	vst v3;
	v3 =	vld [tilespmem:s24+$0xDE0]  }
0x555: {  	[tilespmem:s22+$0xD120] =	vst v4;
	v4 =	vld [tilespmem:s24+$0x990]  }
0x556: {  	[tilespmem:s22+$0xD020] =	vst v2;
	v2 =	vld [tilespmem:s24+$0xD00]  }
0x557: {  	[tilespmem:s22+$0xD1A0] =	vst v5;
	v7 =	vld [tilespmem:s24+$0x8B0]  }
0x558: {  	v5 =	vld [tilespmem:s24+$0xA70];
	[tilespmem:s22+$0xD220] =	vst v6  }
0x559: {  	v6 =	vld [tilespmem:s24+$0xB50];
	[tilespmem:s22+$0xD320] =	vst v3  }
0x55a: {  	[tilespmem:s22+$0xD0B0] =	vst v4;
	v4 =	vld [tilespmem:s24+$0xDF0]  }
0x55b: {  	[tilespmem:s22+$0xD2A0] =	vst v2;
	v2 =	vld [tilespmem:s24+$0xC30]  }
0x55c: {  	[tilespmem:s22+$0xD030] =	vst v7;
	v3 =	vld [tilespmem:s24+$0xD10]  }
0x55d: {  	[tilespmem:s22+$0xD130] =	vst v5;
	v7 =	vld [tilespmem:s24+$0x8C0]  }
0x55e: {  	v5 =	vld [tilespmem:s24+$0x9A0];
	[tilespmem:s22+$0xD1B0] =	vst v6  }
0x55f: {  	v6 =	vld [tilespmem:s24+$0xA80];
	[tilespmem:s22+$0xD330] =	vst v4  }
0x560: {  	[tilespmem:s22+$0xD230] =	vst v2;
	v2 =	vld [tilespmem:s24+$0xB60]  }
0x561: {  	[tilespmem:s22+$0xD2B0] =	vst v3;
	v3 =	vld [tilespmem:s24+$0xC40]  }
0x562: {  	[tilespmem:s22+$0xD040] =	vst v7;
	v7 =	vld [tilespmem:s24+$0xD20]  }
0x563: {  	[tilespmem:s22+$0xD0C0] =	vst v5;
	v4 =	vld [tilespmem:s24+$0xE00]  }
0x564: {  	[tilespmem:s22+$0xD140] =	vst v6;
	v5 =	vld [tilespmem:s24+$0x8D0]  }
0x565: {  	v6 =	vld [tilespmem:s24+$0x9B0];
	[tilespmem:s22+$0xD1C0] =	vst v2  }
0x566: {  	v2 =	vld [tilespmem:s24+$0xA90];
	[tilespmem:s22+$0xD240] =	vst v3  }
0x567: {  	s26 =	simm.s32 $0x8;
	v3 =	vld [tilespmem:s24+$0xB70];
	[tilespmem:s22+$0xD2C0] =	vst v7  }
.LBB2_10:
0x568: {  	s18 =	smul.u32 $0x380, s26;
	p0 =	slt.u32 s26, $0x68;
	v7 =	vld [tilespmem:s24+$0xC50];
	[tilespmem:s22+$0xD340] =	vst v4  }
0x569: {  	[tilespmem:s22+$0xD050] =	vst v5;
	v4 =	vld [tilespmem:s24+$0xD30]  }
0x56a: {  	[tilespmem:s22+$0xD0D0] =	vst v6;
	v5 =	vld [tilespmem:s24+$0xE10];
	s24 =	sshra.s32 s18, $0x2  }
0x56b: {  	v6 =	vld [tilespmem:s24+$0xE20];
	[tilespmem:s22+$0xD150] =	vst v2  }
0x56c: {  	v2 =	vld [tilespmem:s24+$0x800];
	[tilespmem:s22+$0xD1D0] =	vst v3  }
0x56d: {  	v3 =	vld [tilespmem:s24+$0x8E0];
	[tilespmem:s22+$0xD250] =	vst v7  }
0x56e: {  	s18 =	sshll.u32 s26, $0x8;
	v7 =	vld [tilespmem:s24+$0x9C0];
	[tilespmem:s22+$0xD2D0] =	vst v4  }
0x56f: {  	v4 =	vld [tilespmem:s24+$0xAA0];
	[tilespmem:s22+$0xD350] =	vst v5;
	s22 =	sand.u32 $0x3FFFFF00, s18  }
0x570: {  	v5 =	vld [tilespmem:s24+$0xB80];
	[tilespmem:s22+$0xCF80] =	vst v6  }
0x571: {  	[tilespmem:s22+$0xCC00] =	vst v2;
	v2 =	vld [tilespmem:s24+$0xE30]  }
0x572: {  	[tilespmem:s22+$0xCC80] =	vst v3;
	v3 =	vld [tilespmem:s24+$0xC60]  }
0x573: {  	[tilespmem:s22+$0xCD00] =	vst v7;
	v6 =	vld [tilespmem:s24+$0xD40]  }
0x574: {  	v7 =	vld [tilespmem:s24+$0x810];
	[tilespmem:s22+$0xCD80] =	vst v4  }
0x575: {  	v4 =	vld [tilespmem:s24+$0x8F0];
	[tilespmem:s22+$0xCE00] =	vst v5  }
0x576: {  	v5 =	vld [tilespmem:s24+$0x9D0];
	[tilespmem:s22+$0xCF90] =	vst v2  }
0x577: {  	[tilespmem:s22+$0xCE80] =	vst v3;
	v2 =	vld [tilespmem:s24+$0xE40]  }
0x578: {  	v3 =	vld [tilespmem:s24+$0xAB0];
	[tilespmem:s22+$0xCF00] =	vst v6  }
0x579: {  	[tilespmem:s22+$0xCC10] =	vst v7;
	v6 =	vld [tilespmem:s24+$0xB90]  }
0x57a: {  	[tilespmem:s22+$0xCC90] =	vst v4;
	v4 =	vld [tilespmem:s24+$0xC70]  }
0x57b: {  	[tilespmem:s22+$0xCD10] =	vst v5;
	v5 =	vld [tilespmem:s24+$0xD50]  }
0x57c: {  	v7 =	vld [tilespmem:s24+$0x820];
	[tilespmem:s22+$0xCFA0] =	vst v2  }
0x57d: {  	[tilespmem:s22+$0xCD90] =	vst v3;
	v2 =	vld [tilespmem:s24+$0xE50]  }
0x57e: {  	v3 =	vld [tilespmem:s24+$0x900];
	[tilespmem:s22+$0xCE10] =	vst v6  }
0x57f: {  	v6 =	vld [tilespmem:s24+$0x9E0];
	[tilespmem:s22+$0xCE90] =	vst v4  }
0x580: {  	v4 =	vld [tilespmem:s24+$0xAC0];
	[tilespmem:s22+$0xCF10] =	vst v5  }
0x581: {  	[tilespmem:s22+$0xCC20] =	vst v7;
	v5 =	vld [tilespmem:s24+$0xBA0]  }
0x582: {  	v7 =	vld [tilespmem:s24+$0xC80];
	[tilespmem:s22+$0xCFB0] =	vst v2  }
0x583: {  	[tilespmem:s22+$0xCCA0] =	vst v3;
	v2 =	vld [tilespmem:s24+$0xE60]  }
0x584: {  	[tilespmem:s22+$0xCD20] =	vst v6;
	v3 =	vld [tilespmem:s24+$0xD60]  }
0x585: {  	v6 =	vld [tilespmem:s24+$0x830];
	[tilespmem:s22+$0xCDA0] =	vst v4  }
0x586: {  	v4 =	vld [tilespmem:s24+$0x910];
	[tilespmem:s22+$0xCE20] =	vst v5  }
0x587: {  	v5 =	vld [tilespmem:s24+$0x9F0];
	[tilespmem:s22+$0xCEA0] =	vst v7  }
0x588: {  	v7 =	vld [tilespmem:s24+$0xAD0];
	[tilespmem:s22+$0xCFC0] =	vst v2  }
0x589: {  	[tilespmem:s22+$0xCF20] =	vst v3;
	v2 =	vld [tilespmem:s24+$0xE70]  }
0x58a: {  	[tilespmem:s22+$0xCC30] =	vst v6;
	v3 =	vld [tilespmem:s24+$0xBB0]  }
0x58b: {  	[tilespmem:s22+$0xCCB0] =	vst v4;
	v4 =	vld [tilespmem:s24+$0xC90]  }
0x58c: {  	[tilespmem:s22+$0xCD30] =	vst v5;
	v5 =	vld [tilespmem:s24+$0xD70]  }
0x58d: {  	v6 =	vld [tilespmem:s24+$0x840];
	[tilespmem:s22+$0xCDB0] =	vst v7  }
0x58e: {  	v7 =	vld [tilespmem:s24+$0x920];
	[tilespmem:s22+$0xCFD0] =	vst v2  }
0x58f: {  	[tilespmem:s22+$0xCE30] =	vst v3;
	v2 =	vld [tilespmem:s24+$0xE80]  }
0x590: {  	v3 =	vld [tilespmem:s24+$0xA00];
	[tilespmem:s22+$0xCEB0] =	vst v4  }
0x591: {  	v4 =	vld [tilespmem:s24+$0xAE0];
	[tilespmem:s22+$0xCF30] =	vst v5  }
0x592: {  	[tilespmem:s22+$0xCC40] =	vst v6;
	v5 =	vld [tilespmem:s24+$0xBC0]  }
0x593: {  	[tilespmem:s22+$0xCCC0] =	vst v7;
	v6 =	vld [tilespmem:s24+$0xCA0]  }
0x594: {  	v7 =	vld [tilespmem:s24+$0xD80];
	[tilespmem:s22+$0xCFE0] =	vst v2  }
0x595: {  	[tilespmem:s22+$0xCD40] =	vst v3;
	v2 =	vld [tilespmem:s24+$0xE90]  }
0x596: {  	v3 =	vld [tilespmem:s24+$0x850];
	[tilespmem:s22+$0xCDC0] =	vst v4  }
0x597: {  	v4 =	vld [tilespmem:s24+$0x930];
	[tilespmem:s22+$0xCE40] =	vst v5  }
0x598: {  	v5 =	vld [tilespmem:s24+$0xA10];
	[tilespmem:s22+$0xCEC0] =	vst v6  }
0x599: {  	v6 =	vld [tilespmem:s24+$0xAF0];
	[tilespmem:s22+$0xCF40] =	vst v7  }
0x59a: {  	v7 =	vld [tilespmem:s24+$0xBD0];
	[tilespmem:s22+$0xCFF0] =	vst v2  }
0x59b: {  	[tilespmem:s22+$0xCC50] =	vst v3;
	v2 =	vld [tilespmem:s24+$0xEA0]  }
0x59c: {  	[tilespmem:s22+$0xCCD0] =	vst v4;
	v3 =	vld [tilespmem:s24+$0xCB0]  }
0x59d: {  	[tilespmem:s22+$0xCD50] =	vst v5;
	v4 =	vld [tilespmem:s24+$0xD90]  }
0x59e: {  	v5 =	vld [tilespmem:s24+$0x860];
	[tilespmem:s22+$0xCDD0] =	vst v6  }
0x59f: {  	v6 =	vld [tilespmem:s24+$0x940];
	[tilespmem:s22+$0xCE50] =	vst v7  }
0x5a0: {  	v7 =	vld [tilespmem:s24+$0xA20];
	[tilespmem:s22+$0xD380] =	vst v2  }
0x5a1: {  	[tilespmem:s22+$0xCED0] =	vst v3;
	v2 =	vld [tilespmem:s24+$0xEB0]  }
0x5a2: {  	v3 =	vld [tilespmem:s24+$0xB00];
	[tilespmem:s22+$0xCF50] =	vst v4  }
0x5a3: {  	[tilespmem:s22+$0xCC60] =	vst v5;
	v4 =	vld [tilespmem:s24+$0xBE0]  }
0x5a4: {  	[tilespmem:s22+$0xCCE0] =	vst v6;
	v5 =	vld [tilespmem:s24+$0xCC0]  }
0x5a5: {  	[tilespmem:s22+$0xCD60] =	vst v7;
	v6 =	vld [tilespmem:s24+$0xDA0]  }
0x5a6: {  	v7 =	vld [tilespmem:s24+$0x870];
	[tilespmem:s22+$0xD390] =	vst v2  }
0x5a7: {  	[tilespmem:s22+$0xCDE0] =	vst v3;
	v2 =	vld [tilespmem:s24+$0xEC0]  }
0x5a8: {  	v3 =	vld [tilespmem:s24+$0x950];
	[tilespmem:s22+$0xCE60] =	vst v4  }
0x5a9: {  	v4 =	vld [tilespmem:s24+$0xA30];
	[tilespmem:s22+$0xCEE0] =	vst v5  }
0x5aa: {  	v5 =	vld [tilespmem:s24+$0xB10];
	[tilespmem:s22+$0xCF60] =	vst v6  }
0x5ab: {  	[tilespmem:s22+$0xCC70] =	vst v7;
	v6 =	vld [tilespmem:s24+$0xBF0]  }
0x5ac: {  	v7 =	vld [tilespmem:s24+$0xCD0];
	[tilespmem:s22+$0xD3A0] =	vst v2  }
0x5ad: {  	[tilespmem:s22+$0xCCF0] =	vst v3;
	v2 =	vld [tilespmem:s24+$0xED0]  }
0x5ae: {  	[tilespmem:s22+$0xCD70] =	vst v4;
	v3 =	vld [tilespmem:s24+$0xDB0]  }
0x5af: {  	v4 =	vld [tilespmem:s24+$0x880];
	[tilespmem:s22+$0xCDF0] =	vst v5  }
0x5b0: {  	v5 =	vld [tilespmem:s24+$0x960];
	[tilespmem:s22+$0xCE70] =	vst v6  }
0x5b1: {  	v6 =	vld [tilespmem:s24+$0xA40];
	[tilespmem:s22+$0xCEF0] =	vst v7  }
0x5b2: {  	v7 =	vld [tilespmem:s24+$0xB20];
	[tilespmem:s22+$0xD3B0] =	vst v2  }
0x5b3: {  	[tilespmem:s22+$0xCF70] =	vst v3;
	v2 =	vld [tilespmem:s24+$0xEE0]  }
0x5b4: {  	[tilespmem:s22+$0xD000] =	vst v4;
	v3 =	vld [tilespmem:s24+$0xC00]  }
0x5b5: {  	[tilespmem:s22+$0xD080] =	vst v5;
	v4 =	vld [tilespmem:s24+$0xCE0]  }
0x5b6: {  	[tilespmem:s22+$0xD100] =	vst v6;
	v5 =	vld [tilespmem:s24+$0xDC0]  }
0x5b7: {  	v6 =	vld [tilespmem:s24+$0x890];
	[tilespmem:s22+$0xD180] =	vst v7  }
0x5b8: {  	v7 =	vld [tilespmem:s24+$0x970];
	[tilespmem:s22+$0xD3C0] =	vst v2  }
0x5b9: {  	[tilespmem:s22+$0xD200] =	vst v3;
	v2 =	vld [tilespmem:s24+$0xEF0]  }
0x5ba: {  	v3 =	vld [tilespmem:s24+$0xA50];
	[tilespmem:s22+$0xD280] =	vst v4  }
0x5bb: {  	v4 =	vld [tilespmem:s24+$0xB30];
	[tilespmem:s22+$0xD300] =	vst v5  }
0x5bc: {  	[tilespmem:s22+$0xD010] =	vst v6;
	v5 =	vld [tilespmem:s24+$0xC10]  }
0x5bd: {  	[tilespmem:s22+$0xD090] =	vst v7;
	v6 =	vld [tilespmem:s24+$0xCF0]  }
0x5be: {  	v7 =	vld [tilespmem:s24+$0xDD0];
	[tilespmem:s22+$0xD3D0] =	vst v2  }
0x5bf: {  	v2 =	vld [tilespmem:s24+$0x8A0];
	[tilespmem:s22+$0xD110] =	vst v3  }
0x5c0: {  	v3 =	vld [tilespmem:s24+$0x980];
	[tilespmem:s22+$0xD190] =	vst v4  }
0x5c1: {  	v4 =	vld [tilespmem:s24+$0xA60];
	[tilespmem:s22+$0xD210] =	vst v5  }
0x5c2: {  	v5 =	vld [tilespmem:s24+$0xB40];
	[tilespmem:s22+$0xD290] =	vst v6  }
0x5c3: {  	v6 =	vld [tilespmem:s24+$0xC20];
	[tilespmem:s22+$0xD310] =	vst v7  }
0x5c4: {  	[tilespmem:s22+$0xD020] =	vst v2;
	v2 =	vld [tilespmem:s24+$0xD00]  }
0x5c5: {  	[tilespmem:s22+$0xD0A0] =	vst v3;
	v3 =	vld [tilespmem:s24+$0xDE0]  }
0x5c6: {  	v7 =	vld [tilespmem:s24+$0x8B0];
	[tilespmem:s22+$0xD120] =	vst v4  }
0x5c7: {  	v4 =	vld [tilespmem:s24+$0x990];
	[tilespmem:s22+$0xD1A0] =	vst v5  }
0x5c8: {  	v5 =	vld [tilespmem:s24+$0xA70];
	[tilespmem:s22+$0xD220] =	vst v6  }
0x5c9: {  	v6 =	vld [tilespmem:s24+$0xB50];
	[tilespmem:s22+$0xD2A0] =	vst v2  }
0x5ca: {  	v2 =	vld [tilespmem:s24+$0xC30];
	[tilespmem:s22+$0xD320] =	vst v3  }
0x5cb: {  	[tilespmem:s22+$0xD030] =	vst v7;
	v3 =	vld [tilespmem:s24+$0xD10]  }
0x5cc: {  	[tilespmem:s22+$0xD0B0] =	vst v4;
	v4 =	vld [tilespmem:s24+$0xDF0]  }
0x5cd: {  	v7 =	vld [tilespmem:s24+$0x8C0];
	[tilespmem:s22+$0xD130] =	vst v5  }
0x5ce: {  	v5 =	vld [tilespmem:s24+$0x9A0];
	[tilespmem:s22+$0xD1B0] =	vst v6  }
0x5cf: {  	v6 =	vld [tilespmem:s24+$0xA80];
	[tilespmem:s22+$0xD230] =	vst v2  }
0x5d0: {  	v2 =	vld [tilespmem:s24+$0xB60];
	[tilespmem:s22+$0xD2B0] =	vst v3  }
0x5d1: {  	v3 =	vld [tilespmem:s24+$0xC40];
	[tilespmem:s22+$0xD330] =	vst v4  }
0x5d2: {  	[tilespmem:s22+$0xD040] =	vst v7;
	v7 =	vld [tilespmem:s24+$0xD20]  }
.Ltmp4:
0x5d3: {  	[tilespmem:s22+$0xD0C0] =	vst v5;
	v4 =	vld [tilespmem:s24+$0xE00];
	(pc) =	sbr.rel @p0 .LBB2_10-.Ltmp4, $4  }
0x5d4: {  	v5 =	vld [tilespmem:s24+$0x8D0];
	[tilespmem:s22+$0xD140] =	vst v6  }
0x5d5: {  	v6 =	vld [tilespmem:s24+$0x9B0];
	[tilespmem:s22+$0xD1C0] =	vst v2  }
0x5d6: {  	v2 =	vld [tilespmem:s24+$0xA90];
	[tilespmem:s22+$0xD240] =	vst v3  }
0x5d7: {  	s26 =	sadd.s32 $0x8, s26;
	v3 =	vld [tilespmem:s24+$0xB70];
	[tilespmem:s22+$0xD2C0] =	vst v7  }
0x5d8: {  	v7 =	vld [tilespmem:s24+$0xC50];
	[tilespmem:s22+$0xD340] =	vst v4  }
0x5d9: {  	v4 =	vld [tilespmem:s24+$0xD30];
	[tilespmem:s22+$0xD050] =	vst v5  }
0x5da: {  	v5 =	vld [tilespmem:s24+$0xE10];
	[tilespmem:s22+$0xD0D0] =	vst v6  }
0x5db: {  	[tilespmem:s22+$0xD150] =	vst v2  }
0x5dc: {  	[tilespmem:s22+$0xD1D0] =	vst v3  }
0x5dd: {  	[tilespmem:s22+$0xD250] =	vst v7  }
0x5de: {  	[tilespmem:s22+$0xD2D0] =	vst v4  }
0x5df: {  	[tilespmem:s22+$0xD350] =	vst v5  }
0x5e0: {  	s18 =	simm.s32 $0x0;
	s22 =	rddreg [dreg:$0x14]  }
0x5e1: {  	[hbm4b:s22+s18] =	stream.linear.scatter [tilespmem:s21], [sflag:$0x4], $0x7000, $0x38;
	[tilespmem:$0x1AC00] =	vst v63  }
0x5e2: {  	s18 =	smul.u32 $0x380, s18;
	_ =	swait.ge [sflag:s11], $0x7000  }
0x5e3: {  	[sflag:s11] =	ssyncset.done $0x0  }
0x5e4: {  	s24 =	sshra.s32 s18, $0x2;
	[sflag:s11] =	ssyncadd.s32 $0xFFFF9000  }
0x5e5: {  	v2 =	vld [tilespmem:s24+$0x7020]  }
0x5e6: {  	v3 =	vld [tilespmem:s24+$0x6A00]  }
0x5e7: {  	v4 =	vld [tilespmem:s24+$0x6AE0]  }
0x5e8: {  	s26 =	simm.s32 $0x0;
	v5 =	vld [tilespmem:s24+$0x6BC0]  }
0x5e9: {  	s22 =	sand.u32 $0x3FFFFF00, s26;
	v6 =	vld [tilespmem:s24+$0x6CA0]  }
0x5ea: {  	v7 =	vld [tilespmem:s24+$0x6D80];
	[tilespmem:s22+$0x13F80] =	vst v2  }
0x5eb: {  	[tilespmem:s22+$0x13C00] =	vst v3;
	v3 =	vld [tilespmem:s24+$0x6E60]  }
0x5ec: {  	[tilespmem:s22+$0x13C80] =	vst v4;
	v4 =	vld [tilespmem:s24+$0x6F40]  }
0x5ed: {  	[tilespmem:s22+$0x13D00] =	vst v5;
	v2 =	vld [tilespmem:s24+$0x7030]  }
0x5ee: {  	[tilespmem:s22+$0x13D80] =	vst v6;
	v5 =	vld [tilespmem:s24+$0x6A10]  }
0x5ef: {  	[tilespmem:s22+$0x13E00] =	vst v7;
	v6 =	vld [tilespmem:s24+$0x6AF0]  }
0x5f0: {  	v7 =	vld [tilespmem:s24+$0x6BD0];
	[tilespmem:s22+$0x13E80] =	vst v3  }
0x5f1: {  	v3 =	vld [tilespmem:s24+$0x6CB0];
	[tilespmem:s22+$0x13F00] =	vst v4  }
0x5f2: {  	v4 =	vld [tilespmem:s24+$0x6D90];
	[tilespmem:s22+$0x13F90] =	vst v2  }
0x5f3: {  	[tilespmem:s22+$0x13C10] =	vst v5;
	v5 =	vld [tilespmem:s24+$0x6E70]  }
0x5f4: {  	[tilespmem:s22+$0x13C90] =	vst v6;
	v2 =	vld [tilespmem:s24+$0x7040]  }
0x5f5: {  	[tilespmem:s22+$0x13D10] =	vst v7;
	v6 =	vld [tilespmem:s24+$0x6F50]  }
0x5f6: {  	v7 =	vld [tilespmem:s24+$0x6A20];
	[tilespmem:s22+$0x13D90] =	vst v3  }
0x5f7: {  	v3 =	vld [tilespmem:s24+$0x6B00];
	[tilespmem:s22+$0x13E10] =	vst v4  }
0x5f8: {  	v4 =	vld [tilespmem:s24+$0x6BE0];
	[tilespmem:s22+$0x13E90] =	vst v5  }
0x5f9: {  	v5 =	vld [tilespmem:s24+$0x6CC0];
	[tilespmem:s22+$0x13FA0] =	vst v2  }
0x5fa: {  	[tilespmem:s22+$0x13F10] =	vst v6;
	v2 =	vld [tilespmem:s24+$0x7050]  }
0x5fb: {  	v6 =	vld [tilespmem:s24+$0x6DA0];
	[tilespmem:s22+$0x13C20] =	vst v7  }
0x5fc: {  	v7 =	vld [tilespmem:s24+$0x6E80];
	[tilespmem:s22+$0x13CA0] =	vst v3  }
0x5fd: {  	[tilespmem:s22+$0x13D20] =	vst v4;
	v3 =	vld [tilespmem:s24+$0x6F60]  }
0x5fe: {  	v4 =	vld [tilespmem:s24+$0x6A30];
	[tilespmem:s22+$0x13DA0] =	vst v5  }
0x5ff: {  	v5 =	vld [tilespmem:s24+$0x6B10];
	[tilespmem:s22+$0x13FB0] =	vst v2  }
0x600: {  	[tilespmem:s22+$0x13E20] =	vst v6;
	v2 =	vld [tilespmem:s24+$0x7060]  }
0x601: {  	v6 =	vld [tilespmem:s24+$0x6BF0];
	[tilespmem:s22+$0x13EA0] =	vst v7  }
0x602: {  	v7 =	vld [tilespmem:s24+$0x6CD0];
	[tilespmem:s22+$0x13F20] =	vst v3  }
0x603: {  	[tilespmem:s22+$0x13C30] =	vst v4;
	v3 =	vld [tilespmem:s24+$0x6DB0]  }
0x604: {  	v4 =	vld [tilespmem:s24+$0x6E90];
	[tilespmem:s22+$0x13CB0] =	vst v5  }
0x605: {  	v5 =	vld [tilespmem:s24+$0x6F70];
	[tilespmem:s22+$0x13FC0] =	vst v2  }
0x606: {  	[tilespmem:s22+$0x13D30] =	vst v6;
	v2 =	vld [tilespmem:s24+$0x7070]  }
0x607: {  	v6 =	vld [tilespmem:s24+$0x6A40];
	[tilespmem:s22+$0x13DB0] =	vst v7  }
0x608: {  	v7 =	vld [tilespmem:s24+$0x6B20];
	[tilespmem:s22+$0x13E30] =	vst v3  }
0x609: {  	v3 =	vld [tilespmem:s24+$0x6C00];
	[tilespmem:s22+$0x13EB0] =	vst v4  }
0x60a: {  	v4 =	vld [tilespmem:s24+$0x6CE0];
	[tilespmem:s22+$0x13F30] =	vst v5  }
0x60b: {  	v5 =	vld [tilespmem:s24+$0x6DC0];
	[tilespmem:s22+$0x13FD0] =	vst v2  }
0x60c: {  	[tilespmem:s22+$0x13C40] =	vst v6;
	v2 =	vld [tilespmem:s24+$0x7080]  }
0x60d: {  	v6 =	vld [tilespmem:s24+$0x6EA0];
	[tilespmem:s22+$0x13CC0] =	vst v7  }
0x60e: {  	v7 =	vld [tilespmem:s24+$0x6F80];
	[tilespmem:s22+$0x13D40] =	vst v3  }
0x60f: {  	v3 =	vld [tilespmem:s24+$0x6A50];
	[tilespmem:s22+$0x13DC0] =	vst v4  }
0x610: {  	v4 =	vld [tilespmem:s24+$0x6B30];
	[tilespmem:s22+$0x13E40] =	vst v5  }
0x611: {  	v5 =	vld [tilespmem:s24+$0x6C10];
	[tilespmem:s22+$0x13FE0] =	vst v2  }
0x612: {  	[tilespmem:s22+$0x13EC0] =	vst v6;
	v2 =	vld [tilespmem:s24+$0x7090]  }
0x613: {  	v6 =	vld [tilespmem:s24+$0x6CF0];
	[tilespmem:s22+$0x13F40] =	vst v7  }
0x614: {  	v7 =	vld [tilespmem:s24+$0x6DD0];
	[tilespmem:s22+$0x13C50] =	vst v3  }
0x615: {  	[tilespmem:s22+$0x13CD0] =	vst v4;
	v3 =	vld [tilespmem:s24+$0x6EB0]  }
0x616: {  	v4 =	vld [tilespmem:s24+$0x6F90];
	[tilespmem:s22+$0x13D50] =	vst v5  }
0x617: {  	v5 =	vld [tilespmem:s24+$0x6A60];
	[tilespmem:s22+$0x13FF0] =	vst v2  }
0x618: {  	[tilespmem:s22+$0x13DD0] =	vst v6;
	v2 =	vld [tilespmem:s24+$0x70A0]  }
0x619: {  	v6 =	vld [tilespmem:s24+$0x6B40];
	[tilespmem:s22+$0x13E50] =	vst v7  }
0x61a: {  	v7 =	vld [tilespmem:s24+$0x6C20];
	[tilespmem:s22+$0x13ED0] =	vst v3  }
0x61b: {  	v3 =	vld [tilespmem:s24+$0x6D00];
	[tilespmem:s22+$0x13F50] =	vst v4  }
0x61c: {  	v4 =	vld [tilespmem:s24+$0x6DE0];
	[tilespmem:s22+$0x13C60] =	vst v5  }
0x61d: {  	v5 =	vld [tilespmem:s24+$0x6EC0];
	[tilespmem:s22+$0x14380] =	vst v2  }
0x61e: {  	[tilespmem:s22+$0x13CE0] =	vst v6;
	v2 =	vld [tilespmem:s24+$0x70B0]  }
0x61f: {  	v6 =	vld [tilespmem:s24+$0x6FA0];
	[tilespmem:s22+$0x13D60] =	vst v7  }
0x620: {  	v7 =	vld [tilespmem:s24+$0x6A70];
	[tilespmem:s22+$0x13DE0] =	vst v3  }
0x621: {  	v3 =	vld [tilespmem:s24+$0x6B50];
	[tilespmem:s22+$0x13E60] =	vst v4  }
0x622: {  	v4 =	vld [tilespmem:s24+$0x6C30];
	[tilespmem:s22+$0x13EE0] =	vst v5  }
0x623: {  	v5 =	vld [tilespmem:s24+$0x6D10];
	[tilespmem:s22+$0x14390] =	vst v2  }
0x624: {  	[tilespmem:s22+$0x13F60] =	vst v6;
	v2 =	vld [tilespmem:s24+$0x70C0]  }
0x625: {  	v6 =	vld [tilespmem:s24+$0x6DF0];
	[tilespmem:s22+$0x13C70] =	vst v7  }
0x626: {  	v7 =	vld [tilespmem:s24+$0x6ED0];
	[tilespmem:s22+$0x13CF0] =	vst v3  }
0x627: {  	[tilespmem:s22+$0x13D70] =	vst v4;
	v3 =	vld [tilespmem:s24+$0x6FB0]  }
0x628: {  	v4 =	vld [tilespmem:s24+$0x6A80];
	[tilespmem:s22+$0x13DF0] =	vst v5  }
0x629: {  	v5 =	vld [tilespmem:s24+$0x6B60];
	[tilespmem:s22+$0x143A0] =	vst v2  }
0x62a: {  	[tilespmem:s22+$0x13E70] =	vst v6;
	v2 =	vld [tilespmem:s24+$0x70D0]  }
0x62b: {  	v6 =	vld [tilespmem:s24+$0x6C40];
	[tilespmem:s22+$0x13EF0] =	vst v7  }
0x62c: {  	v7 =	vld [tilespmem:s24+$0x6D20];
	[tilespmem:s22+$0x13F70] =	vst v3  }
0x62d: {  	[tilespmem:s22+$0x14000] =	vst v4;
	v3 =	vld [tilespmem:s24+$0x6E00]  }
0x62e: {  	v4 =	vld [tilespmem:s24+$0x6EE0];
	[tilespmem:s22+$0x14080] =	vst v5  }
0x62f: {  	v5 =	vld [tilespmem:s24+$0x6FC0];
	[tilespmem:s22+$0x143B0] =	vst v2  }
0x630: {  	[tilespmem:s22+$0x14100] =	vst v6;
	v2 =	vld [tilespmem:s24+$0x70E0]  }
0x631: {  	v6 =	vld [tilespmem:s24+$0x6A90];
	[tilespmem:s22+$0x14180] =	vst v7  }
0x632: {  	v7 =	vld [tilespmem:s24+$0x6B70];
	[tilespmem:s22+$0x14200] =	vst v3  }
0x633: {  	v3 =	vld [tilespmem:s24+$0x6C50];
	[tilespmem:s22+$0x14280] =	vst v4  }
0x634: {  	v4 =	vld [tilespmem:s24+$0x6D30];
	[tilespmem:s22+$0x14300] =	vst v5  }
0x635: {  	v5 =	vld [tilespmem:s24+$0x6E10];
	[tilespmem:s22+$0x143C0] =	vst v2  }
0x636: {  	[tilespmem:s22+$0x14010] =	vst v6;
	v2 =	vld [tilespmem:s24+$0x70F0]  }
0x637: {  	v6 =	vld [tilespmem:s24+$0x6EF0];
	[tilespmem:s22+$0x14090] =	vst v7  }
0x638: {  	v7 =	vld [tilespmem:s24+$0x6FD0];
	[tilespmem:s22+$0x14110] =	vst v3  }
0x639: {  	v3 =	vld [tilespmem:s24+$0x6B80];
	[tilespmem:s22+$0x14190] =	vst v4  }
0x63a: {  	v4 =	vld [tilespmem:s24+$0x6C60];
	[tilespmem:s22+$0x14210] =	vst v5  }
0x63b: {  	[tilespmem:s22+$0x143D0] =	vst v2;
	v2 =	vld [tilespmem:s24+$0x6AA0]  }
0x63c: {  	v5 =	vld [tilespmem:s24+$0x6D40];
	[tilespmem:s22+$0x14290] =	vst v6  }
0x63d: {  	v6 =	vld [tilespmem:s24+$0x6E20];
	[tilespmem:s22+$0x14310] =	vst v7  }
0x63e: {  	[tilespmem:s22+$0x140A0] =	vst v3;
	v3 =	vld [tilespmem:s24+$0x6FE0]  }
0x63f: {  	[tilespmem:s22+$0x14120] =	vst v4;
	v4 =	vld [tilespmem:s24+$0x6B90]  }
0x640: {  	[tilespmem:s22+$0x14020] =	vst v2;
	v2 =	vld [tilespmem:s24+$0x6F00]  }
0x641: {  	[tilespmem:s22+$0x141A0] =	vst v5;
	v7 =	vld [tilespmem:s24+$0x6AB0]  }
0x642: {  	v5 =	vld [tilespmem:s24+$0x6C70];
	[tilespmem:s22+$0x14220] =	vst v6  }
0x643: {  	v6 =	vld [tilespmem:s24+$0x6D50];
	[tilespmem:s22+$0x14320] =	vst v3  }
0x644: {  	[tilespmem:s22+$0x140B0] =	vst v4;
	v4 =	vld [tilespmem:s24+$0x6FF0]  }
0x645: {  	[tilespmem:s22+$0x142A0] =	vst v2;
	v2 =	vld [tilespmem:s24+$0x6E30]  }
0x646: {  	[tilespmem:s22+$0x14030] =	vst v7;
	v3 =	vld [tilespmem:s24+$0x6F10]  }
0x647: {  	[tilespmem:s22+$0x14130] =	vst v5;
	v7 =	vld [tilespmem:s24+$0x6AC0]  }
0x648: {  	v5 =	vld [tilespmem:s24+$0x6BA0];
	[tilespmem:s22+$0x141B0] =	vst v6  }
0x649: {  	v6 =	vld [tilespmem:s24+$0x6C80];
	[tilespmem:s22+$0x14330] =	vst v4  }
0x64a: {  	[tilespmem:s22+$0x14230] =	vst v2;
	v2 =	vld [tilespmem:s24+$0x6D60]  }
0x64b: {  	[tilespmem:s22+$0x142B0] =	vst v3;
	v3 =	vld [tilespmem:s24+$0x6E40]  }
0x64c: {  	[tilespmem:s22+$0x14040] =	vst v7;
	v7 =	vld [tilespmem:s24+$0x6F20]  }
0x64d: {  	[tilespmem:s22+$0x140C0] =	vst v5;
	v4 =	vld [tilespmem:s24+$0x7000]  }
0x64e: {  	[tilespmem:s22+$0x14140] =	vst v6;
	v5 =	vld [tilespmem:s24+$0x6AD0]  }
0x64f: {  	v6 =	vld [tilespmem:s24+$0x6BB0];
	[tilespmem:s22+$0x141C0] =	vst v2  }
0x650: {  	v2 =	vld [tilespmem:s24+$0x6C90];
	[tilespmem:s22+$0x14240] =	vst v3  }
0x651: {  	s26 =	simm.s32 $0x8;
	v3 =	vld [tilespmem:s24+$0x6D70];
	[tilespmem:s22+$0x142C0] =	vst v7  }
.LBB2_12:
0x652: {  	s18 =	smul.u32 $0x380, s26;
	p0 =	slt.u32 s26, $0x68;
	v7 =	vld [tilespmem:s24+$0x6E50];
	[tilespmem:s22+$0x14340] =	vst v4  }
0x653: {  	[tilespmem:s22+$0x14050] =	vst v5;
	v4 =	vld [tilespmem:s24+$0x6F30]  }
0x654: {  	[tilespmem:s22+$0x140D0] =	vst v6;
	v5 =	vld [tilespmem:s24+$0x7010];
	s24 =	sshra.s32 s18, $0x2  }
0x655: {  	v6 =	vld [tilespmem:s24+$0x7020];
	[tilespmem:s22+$0x14150] =	vst v2  }
0x656: {  	v2 =	vld [tilespmem:s24+$0x6A00];
	[tilespmem:s22+$0x141D0] =	vst v3  }
0x657: {  	v3 =	vld [tilespmem:s24+$0x6AE0];
	[tilespmem:s22+$0x14250] =	vst v7  }
0x658: {  	s18 =	sshll.u32 s26, $0x8;
	v7 =	vld [tilespmem:s24+$0x6BC0];
	[tilespmem:s22+$0x142D0] =	vst v4  }
0x659: {  	v4 =	vld [tilespmem:s24+$0x6CA0];
	[tilespmem:s22+$0x14350] =	vst v5;
	s22 =	sand.u32 $0x3FFFFF00, s18  }
0x65a: {  	v5 =	vld [tilespmem:s24+$0x6D80];
	[tilespmem:s22+$0x13F80] =	vst v6  }
0x65b: {  	[tilespmem:s22+$0x13C00] =	vst v2;
	v2 =	vld [tilespmem:s24+$0x7030]  }
0x65c: {  	[tilespmem:s22+$0x13C80] =	vst v3;
	v3 =	vld [tilespmem:s24+$0x6E60]  }
0x65d: {  	[tilespmem:s22+$0x13D00] =	vst v7;
	v6 =	vld [tilespmem:s24+$0x6F40]  }
0x65e: {  	v7 =	vld [tilespmem:s24+$0x6A10];
	[tilespmem:s22+$0x13D80] =	vst v4  }
0x65f: {  	v4 =	vld [tilespmem:s24+$0x6AF0];
	[tilespmem:s22+$0x13E00] =	vst v5  }
0x660: {  	v5 =	vld [tilespmem:s24+$0x6BD0];
	[tilespmem:s22+$0x13F90] =	vst v2  }
0x661: {  	[tilespmem:s22+$0x13E80] =	vst v3;
	v2 =	vld [tilespmem:s24+$0x7040]  }
0x662: {  	v3 =	vld [tilespmem:s24+$0x6CB0];
	[tilespmem:s22+$0x13F00] =	vst v6  }
0x663: {  	[tilespmem:s22+$0x13C10] =	vst v7;
	v6 =	vld [tilespmem:s24+$0x6D90]  }
0x664: {  	[tilespmem:s22+$0x13C90] =	vst v4;
	v4 =	vld [tilespmem:s24+$0x6E70]  }
0x665: {  	[tilespmem:s22+$0x13D10] =	vst v5;
	v5 =	vld [tilespmem:s24+$0x6F50]  }
0x666: {  	v7 =	vld [tilespmem:s24+$0x6A20];
	[tilespmem:s22+$0x13FA0] =	vst v2  }
0x667: {  	[tilespmem:s22+$0x13D90] =	vst v3;
	v2 =	vld [tilespmem:s24+$0x7050]  }
0x668: {  	v3 =	vld [tilespmem:s24+$0x6B00];
	[tilespmem:s22+$0x13E10] =	vst v6  }
0x669: {  	v6 =	vld [tilespmem:s24+$0x6BE0];
	[tilespmem:s22+$0x13E90] =	vst v4  }
0x66a: {  	v4 =	vld [tilespmem:s24+$0x6CC0];
	[tilespmem:s22+$0x13F10] =	vst v5  }
0x66b: {  	[tilespmem:s22+$0x13C20] =	vst v7;
	v5 =	vld [tilespmem:s24+$0x6DA0]  }
0x66c: {  	v7 =	vld [tilespmem:s24+$0x6E80];
	[tilespmem:s22+$0x13FB0] =	vst v2  }
0x66d: {  	[tilespmem:s22+$0x13CA0] =	vst v3;
	v2 =	vld [tilespmem:s24+$0x7060]  }
0x66e: {  	[tilespmem:s22+$0x13D20] =	vst v6;
	v3 =	vld [tilespmem:s24+$0x6F60]  }
0x66f: {  	v6 =	vld [tilespmem:s24+$0x6A30];
	[tilespmem:s22+$0x13DA0] =	vst v4  }
0x670: {  	v4 =	vld [tilespmem:s24+$0x6B10];
	[tilespmem:s22+$0x13E20] =	vst v5  }
0x671: {  	v5 =	vld [tilespmem:s24+$0x6BF0];
	[tilespmem:s22+$0x13EA0] =	vst v7  }
0x672: {  	v7 =	vld [tilespmem:s24+$0x6CD0];
	[tilespmem:s22+$0x13FC0] =	vst v2  }
0x673: {  	[tilespmem:s22+$0x13F20] =	vst v3;
	v2 =	vld [tilespmem:s24+$0x7070]  }
0x674: {  	[tilespmem:s22+$0x13C30] =	vst v6;
	v3 =	vld [tilespmem:s24+$0x6DB0]  }
0x675: {  	[tilespmem:s22+$0x13CB0] =	vst v4;
	v4 =	vld [tilespmem:s24+$0x6E90]  }
0x676: {  	[tilespmem:s22+$0x13D30] =	vst v5;
	v5 =	vld [tilespmem:s24+$0x6F70]  }
0x677: {  	v6 =	vld [tilespmem:s24+$0x6A40];
	[tilespmem:s22+$0x13DB0] =	vst v7  }
0x678: {  	v7 =	vld [tilespmem:s24+$0x6B20];
	[tilespmem:s22+$0x13FD0] =	vst v2  }
0x679: {  	[tilespmem:s22+$0x13E30] =	vst v3;
	v2 =	vld [tilespmem:s24+$0x7080]  }
0x67a: {  	v3 =	vld [tilespmem:s24+$0x6C00];
	[tilespmem:s22+$0x13EB0] =	vst v4  }
0x67b: {  	v4 =	vld [tilespmem:s24+$0x6CE0];
	[tilespmem:s22+$0x13F30] =	vst v5  }
0x67c: {  	[tilespmem:s22+$0x13C40] =	vst v6;
	v5 =	vld [tilespmem:s24+$0x6DC0]  }
0x67d: {  	[tilespmem:s22+$0x13CC0] =	vst v7;
	v6 =	vld [tilespmem:s24+$0x6EA0]  }
0x67e: {  	v7 =	vld [tilespmem:s24+$0x6F80];
	[tilespmem:s22+$0x13FE0] =	vst v2  }
0x67f: {  	[tilespmem:s22+$0x13D40] =	vst v3;
	v2 =	vld [tilespmem:s24+$0x7090]  }
0x680: {  	v3 =	vld [tilespmem:s24+$0x6A50];
	[tilespmem:s22+$0x13DC0] =	vst v4  }
0x681: {  	v4 =	vld [tilespmem:s24+$0x6B30];
	[tilespmem:s22+$0x13E40] =	vst v5  }
0x682: {  	v5 =	vld [tilespmem:s24+$0x6C10];
	[tilespmem:s22+$0x13EC0] =	vst v6  }
0x683: {  	v6 =	vld [tilespmem:s24+$0x6CF0];
	[tilespmem:s22+$0x13F40] =	vst v7  }
0x684: {  	v7 =	vld [tilespmem:s24+$0x6DD0];
	[tilespmem:s22+$0x13FF0] =	vst v2  }
0x685: {  	[tilespmem:s22+$0x13C50] =	vst v3;
	v2 =	vld [tilespmem:s24+$0x70A0]  }
0x686: {  	[tilespmem:s22+$0x13CD0] =	vst v4;
	v3 =	vld [tilespmem:s24+$0x6EB0]  }
0x687: {  	[tilespmem:s22+$0x13D50] =	vst v5;
	v4 =	vld [tilespmem:s24+$0x6F90]  }
0x688: {  	v5 =	vld [tilespmem:s24+$0x6A60];
	[tilespmem:s22+$0x13DD0] =	vst v6  }
0x689: {  	v6 =	vld [tilespmem:s24+$0x6B40];
	[tilespmem:s22+$0x13E50] =	vst v7  }
0x68a: {  	v7 =	vld [tilespmem:s24+$0x6C20];
	[tilespmem:s22+$0x14380] =	vst v2  }
0x68b: {  	[tilespmem:s22+$0x13ED0] =	vst v3;
	v2 =	vld [tilespmem:s24+$0x70B0]  }
0x68c: {  	v3 =	vld [tilespmem:s24+$0x6D00];
	[tilespmem:s22+$0x13F50] =	vst v4  }
0x68d: {  	[tilespmem:s22+$0x13C60] =	vst v5;
	v4 =	vld [tilespmem:s24+$0x6DE0]  }
0x68e: {  	[tilespmem:s22+$0x13CE0] =	vst v6;
	v5 =	vld [tilespmem:s24+$0x6EC0]  }
0x68f: {  	[tilespmem:s22+$0x13D60] =	vst v7;
	v6 =	vld [tilespmem:s24+$0x6FA0]  }
0x690: {  	v7 =	vld [tilespmem:s24+$0x6A70];
	[tilespmem:s22+$0x14390] =	vst v2  }
0x691: {  	[tilespmem:s22+$0x13DE0] =	vst v3;
	v2 =	vld [tilespmem:s24+$0x70C0]  }
0x692: {  	v3 =	vld [tilespmem:s24+$0x6B50];
	[tilespmem:s22+$0x13E60] =	vst v4  }
0x693: {  	v4 =	vld [tilespmem:s24+$0x6C30];
	[tilespmem:s22+$0x13EE0] =	vst v5  }
0x694: {  	v5 =	vld [tilespmem:s24+$0x6D10];
	[tilespmem:s22+$0x13F60] =	vst v6  }
0x695: {  	[tilespmem:s22+$0x13C70] =	vst v7;
	v6 =	vld [tilespmem:s24+$0x6DF0]  }
0x696: {  	v7 =	vld [tilespmem:s24+$0x6ED0];
	[tilespmem:s22+$0x143A0] =	vst v2  }
0x697: {  	[tilespmem:s22+$0x13CF0] =	vst v3;
	v2 =	vld [tilespmem:s24+$0x70D0]  }
0x698: {  	[tilespmem:s22+$0x13D70] =	vst v4;
	v3 =	vld [tilespmem:s24+$0x6FB0]  }
0x699: {  	v4 =	vld [tilespmem:s24+$0x6A80];
	[tilespmem:s22+$0x13DF0] =	vst v5  }
0x69a: {  	v5 =	vld [tilespmem:s24+$0x6B60];
	[tilespmem:s22+$0x13E70] =	vst v6  }
0x69b: {  	v6 =	vld [tilespmem:s24+$0x6C40];
	[tilespmem:s22+$0x13EF0] =	vst v7  }
0x69c: {  	v7 =	vld [tilespmem:s24+$0x6D20];
	[tilespmem:s22+$0x143B0] =	vst v2  }
0x69d: {  	[tilespmem:s22+$0x13F70] =	vst v3;
	v2 =	vld [tilespmem:s24+$0x70E0]  }
0x69e: {  	[tilespmem:s22+$0x14000] =	vst v4;
	v3 =	vld [tilespmem:s24+$0x6E00]  }
0x69f: {  	[tilespmem:s22+$0x14080] =	vst v5;
	v4 =	vld [tilespmem:s24+$0x6EE0]  }
0x6a0: {  	[tilespmem:s22+$0x14100] =	vst v6;
	v5 =	vld [tilespmem:s24+$0x6FC0]  }
0x6a1: {  	v6 =	vld [tilespmem:s24+$0x6A90];
	[tilespmem:s22+$0x14180] =	vst v7  }
0x6a2: {  	v7 =	vld [tilespmem:s24+$0x6B70];
	[tilespmem:s22+$0x143C0] =	vst v2  }
0x6a3: {  	[tilespmem:s22+$0x14200] =	vst v3;
	v2 =	vld [tilespmem:s24+$0x70F0]  }
0x6a4: {  	v3 =	vld [tilespmem:s24+$0x6C50];
	[tilespmem:s22+$0x14280] =	vst v4  }
0x6a5: {  	v4 =	vld [tilespmem:s24+$0x6D30];
	[tilespmem:s22+$0x14300] =	vst v5  }
0x6a6: {  	[tilespmem:s22+$0x14010] =	vst v6;
	v5 =	vld [tilespmem:s24+$0x6E10]  }
0x6a7: {  	[tilespmem:s22+$0x14090] =	vst v7;
	v6 =	vld [tilespmem:s24+$0x6EF0]  }
0x6a8: {  	v7 =	vld [tilespmem:s24+$0x6FD0];
	[tilespmem:s22+$0x143D0] =	vst v2  }
0x6a9: {  	v2 =	vld [tilespmem:s24+$0x6AA0];
	[tilespmem:s22+$0x14110] =	vst v3  }
0x6aa: {  	v3 =	vld [tilespmem:s24+$0x6B80];
	[tilespmem:s22+$0x14190] =	vst v4  }
0x6ab: {  	v4 =	vld [tilespmem:s24+$0x6C60];
	[tilespmem:s22+$0x14210] =	vst v5  }
0x6ac: {  	v5 =	vld [tilespmem:s24+$0x6D40];
	[tilespmem:s22+$0x14290] =	vst v6  }
0x6ad: {  	v6 =	vld [tilespmem:s24+$0x6E20];
	[tilespmem:s22+$0x14310] =	vst v7  }
0x6ae: {  	[tilespmem:s22+$0x14020] =	vst v2;
	v2 =	vld [tilespmem:s24+$0x6F00]  }
0x6af: {  	[tilespmem:s22+$0x140A0] =	vst v3;
	v3 =	vld [tilespmem:s24+$0x6FE0]  }
0x6b0: {  	v7 =	vld [tilespmem:s24+$0x6AB0];
	[tilespmem:s22+$0x14120] =	vst v4  }
0x6b1: {  	v4 =	vld [tilespmem:s24+$0x6B90];
	[tilespmem:s22+$0x141A0] =	vst v5  }
0x6b2: {  	v5 =	vld [tilespmem:s24+$0x6C70];
	[tilespmem:s22+$0x14220] =	vst v6  }
0x6b3: {  	v6 =	vld [tilespmem:s24+$0x6D50];
	[tilespmem:s22+$0x142A0] =	vst v2  }
0x6b4: {  	v2 =	vld [tilespmem:s24+$0x6E30];
	[tilespmem:s22+$0x14320] =	vst v3  }
0x6b5: {  	[tilespmem:s22+$0x14030] =	vst v7;
	v3 =	vld [tilespmem:s24+$0x6F10]  }
0x6b6: {  	[tilespmem:s22+$0x140B0] =	vst v4;
	v4 =	vld [tilespmem:s24+$0x6FF0]  }
0x6b7: {  	v7 =	vld [tilespmem:s24+$0x6AC0];
	[tilespmem:s22+$0x14130] =	vst v5  }
0x6b8: {  	v5 =	vld [tilespmem:s24+$0x6BA0];
	[tilespmem:s22+$0x141B0] =	vst v6  }
0x6b9: {  	v6 =	vld [tilespmem:s24+$0x6C80];
	[tilespmem:s22+$0x14230] =	vst v2  }
0x6ba: {  	v2 =	vld [tilespmem:s24+$0x6D60];
	[tilespmem:s22+$0x142B0] =	vst v3  }
0x6bb: {  	v3 =	vld [tilespmem:s24+$0x6E40];
	[tilespmem:s22+$0x14330] =	vst v4  }
0x6bc: {  	[tilespmem:s22+$0x14040] =	vst v7;
	v7 =	vld [tilespmem:s24+$0x6F20]  }
.Ltmp5:
0x6bd: {  	[tilespmem:s22+$0x140C0] =	vst v5;
	v4 =	vld [tilespmem:s24+$0x7000];
	(pc) =	sbr.rel @p0 .LBB2_12-.Ltmp5, $4  }
0x6be: {  	v5 =	vld [tilespmem:s24+$0x6AD0];
	[tilespmem:s22+$0x14140] =	vst v6  }
0x6bf: {  	v6 =	vld [tilespmem:s24+$0x6BB0];
	[tilespmem:s22+$0x141C0] =	vst v2  }
0x6c0: {  	v2 =	vld [tilespmem:s24+$0x6C90];
	[tilespmem:s22+$0x14240] =	vst v3  }
0x6c1: {  	s26 =	sadd.s32 $0x8, s26;
	v3 =	vld [tilespmem:s24+$0x6D70];
	[tilespmem:s22+$0x142C0] =	vst v7  }
0x6c2: {  	v7 =	vld [tilespmem:s24+$0x6E50];
	[tilespmem:s22+$0x14340] =	vst v4  }
0x6c3: {  	v4 =	vld [tilespmem:s24+$0x6F30];
	[tilespmem:s22+$0x14050] =	vst v5  }
0x6c4: {  	v5 =	vld [tilespmem:s24+$0x7010];
	[tilespmem:s22+$0x140D0] =	vst v6  }
0x6c5: {  	[tilespmem:s22+$0x14150] =	vst v2  }
0x6c6: {  	[tilespmem:s22+$0x141D0] =	vst v3  }
0x6c7: {  	[tilespmem:s22+$0x14250] =	vst v7  }
0x6c8: {  	[tilespmem:s22+$0x142D0] =	vst v4  }
0x6c9: {  	[tilespmem:s22+$0x14350] =	vst v5  }
0x6ca: {  	s18 =	simm.s32 $0x0;
	s22 =	rddreg [dreg:$0x15]  }
0x6cb: {  	[hbm4b:s22+s18] =	stream.linear.scatter [tilespmem:s25], [sflag:$0x5], $0x7000, $0x38;
	[tilespmem:$0x1AC00] =	vst v63  }
0x6cc: {  	v2 =	vld.msk [tilespmem:$0x180], $0x1;
	_ =	sdelay $0x4  }
0x6cd: {  	v3 =	vshrl.u32 v2, $0x3  }
0x6ce: {  	v3 =	vmul.u32 $0xC40, v3  }
0x6cf: {  	v2 =	vand.u32 $0x7, v2  }
0x6d0: {  	v2 =	vor.u32 v2, v3  }
0x6d1: {  	v2 =	vperm.xlane v2, v0;
	_ =	sdelay $0x1  }
0x6d2: {  	v2 =	vadd.s32 v1, v2;
	_ =	sdelay $0x3  }
0x6d3: {  	s26 =	simm.s32 $0x800;
	s24 =	rddreg [dreg:$0x1]  }
0x6d4: {  	[tilespmem:s26], [sflag:$0x1] =	stream.indirect_vreg.gather [hbm4b:s24+s18], $0x80, v2, vm0, $0xb8;
	[tilespmem:$0x1AC00] =	vst v63  }
0x6d5: {  	s24 =	sld [smem:$0x7E6];
	_ =	sdelay $0x1  }
0x6d6: {  	s26 =	simm.s32 $0x1000  }
0x6d7: {  	[tilespmem:s26], [sflag:$0x1] =	stream.indirect_vreg.gather [hbm4b:s24+s18], $0x80, v2, vm0, $0xb8;
	[tilespmem:$0x1AC00] =	vst v63  }
0x6d8: {  	s24 =	sld [smem:$0x7E7];
	_ =	sdelay $0x1  }
0x6d9: {  	s26 =	simm.s32 $0x1800  }
0x6da: {  	[tilespmem:s26], [sflag:$0x1] =	stream.indirect_vreg.gather [hbm4b:s24+s18], $0x80, v2, vm0, $0xb8;
	[tilespmem:$0x1AC00] =	vst v63  }
0x6db: {  	s24 =	sld [smem:$0x7E8];
	_ =	sdelay $0x1  }
0x6dc: {  	s26 =	simm.s32 $0x2000  }
0x6dd: {  	[tilespmem:s26], [sflag:$0x1] =	stream.indirect_vreg.gather [hbm4b:s24+s18], $0x80, v2, vm0, $0xb8;
	[tilespmem:$0x1AC00] =	vst v63  }
0x6de: {  	s24 =	sld [smem:$0x7E9];
	_ =	sdelay $0x1  }
0x6df: {  	s26 =	simm.s32 $0x2800  }
0x6e0: {  	[tilespmem:s26], [sflag:$0x1] =	stream.indirect_vreg.gather [hbm4b:s24+s18], $0x80, v2, vm0, $0xb8;
	[tilespmem:$0x1AC00] =	vst v63  }
0x6e1: {  	s24 =	sld [smem:$0x7EA];
	_ =	sdelay $0x1  }
0x6e2: {  	s26 =	simm.s32 $0x3000  }
0x6e3: {  	[tilespmem:s26], [sflag:$0x1] =	stream.indirect_vreg.gather [hbm4b:s24+s18], $0x80, v2, vm0, $0xb8;
	[tilespmem:$0x1AC00] =	vst v63  }
0x6e4: {  	s24 =	sld [smem:$0x7EB];
	_ =	sdelay $0x1  }
0x6e5: {  	s26 =	simm.s32 $0x3800  }
0x6e6: {  	[tilespmem:s26], [sflag:$0x1] =	stream.indirect_vreg.gather [hbm4b:s24+s18], $0x80, v2, vm0, $0xb8;
	[tilespmem:$0x1AC00] =	vst v63  }
0x6e7: {  	s24 =	sld [smem:$0x7EC];
	_ =	sdelay $0x1  }
0x6e8: {  	s26 =	simm.s32 $0x4000  }
0x6e9: {  	[tilespmem:s26], [sflag:$0x1] =	stream.indirect_vreg.gather [hbm4b:s24+s18], $0x80, v2, vm0, $0xb8;
	[tilespmem:$0x1AC00] =	vst v63  }
0x6ea: {  	s24 =	sld [smem:$0x7ED];
	_ =	sdelay $0x1  }
0x6eb: {  	s26 =	simm.s32 $0x4800  }
0x6ec: {  	[tilespmem:s26], [sflag:$0x1] =	stream.indirect_vreg.gather [hbm4b:s24+s18], $0x80, v2, vm0, $0xb8;
	[tilespmem:$0x1AC00] =	vst v63  }
0x6ed: {  	s24 =	sld [smem:$0x7EE];
	_ =	sdelay $0x1  }
0x6ee: {  	s26 =	simm.s32 $0x5000  }
0x6ef: {  	[tilespmem:s26], [sflag:$0x1] =	stream.indirect_vreg.gather [hbm4b:s24+s18], $0x80, v2, vm0, $0xb8;
	[tilespmem:$0x1AC00] =	vst v63  }
0x6f0: {  	s24 =	sld [smem:$0x7EF];
	_ =	sdelay $0x1  }
0x6f1: {  	s26 =	simm.s32 $0x5800  }
0x6f2: {  	[tilespmem:s26], [sflag:$0x1] =	stream.indirect_vreg.gather [hbm4b:s24+s18], $0x80, v2, vm0, $0xb8;
	[tilespmem:$0x1AC00] =	vst v63  }
0x6f3: {  	s24 =	sld [smem:$0x7F0];
	_ =	sdelay $0x1  }
0x6f4: {  	s26 =	simm.s32 $0x6000  }
0x6f5: {  	[tilespmem:s26], [sflag:$0x1] =	stream.indirect_vreg.gather [hbm4b:s24+s18], $0x80, v2, vm0, $0xb8;
	[tilespmem:$0x1AC00] =	vst v63  }
0x6f6: {  	s24 =	sld [smem:$0x7F1];
	_ =	sdelay $0x1  }
0x6f7: {  	s26 =	simm.s32 $0x6800  }
0x6f8: {  	[tilespmem:s26], [sflag:$0x1] =	stream.indirect_vreg.gather [hbm4b:s24+s18], $0x80, v2, vm0, $0xb8;
	[tilespmem:$0x1AC00] =	vst v63  }
0x6f9: {  	s24 =	sld [smem:$0x7F2];
	_ =	sdelay $0x1  }
0x6fa: {  	s26 =	simm.s32 $0x7000  }
0x6fb: {  	[tilespmem:s26], [sflag:$0x1] =	stream.indirect_vreg.gather [hbm4b:s24+s18], $0x80, v2, vm0, $0xb8;
	[tilespmem:$0x1AC00] =	vst v63  }
0x6fc: {  	s24 =	sld [smem:$0x7F3];
	_ =	sdelay $0x1  }
0x6fd: {  	s26 =	simm.s32 $0x7800  }
0x6fe: {  	[tilespmem:s26], [sflag:$0x1] =	stream.indirect_vreg.gather [hbm4b:s24+s18], $0x80, v2, vm0, $0xb8;
	[tilespmem:$0x1AC00] =	vst v63  }
0x6ff: {  	s26 =	simm.s32 $0x8000  }
0x700: {  	[tilespmem:s26], [sflag:$0x1] =	stream.indirect_vreg.gather [hbm4b:s28+s18], $0x80, v2, vm0, $0xb8;
	[tilespmem:$0x1AC00] =	vst v63  }
0x701: {  	s24 =	simm.s32 $0x8800  }
0x702: {  	[tilespmem:s24], [sflag:$0x1] =	stream.indirect_vreg.gather [hbm4b:s29+s18], $0x80, v2, vm0, $0xb8;
	[tilespmem:$0x1AC00] =	vst v63  }
0x703: {  	_ = 	snop  }
0x704: {  	[tilespmem:s17], [sflag:$0x1] =	stream.indirect_vreg.gather [hbm4b:s30+s18], $0x80, v2, vm0, $0xb8;
	[tilespmem:$0x1AC00] =	vst v63  }
0x705: {  	_ = 	snop  }
0x706: {  	[tilespmem:s0], [sflag:$0x1] =	stream.indirect_vreg.gather [hbm4b:s31+s18], $0x80, v2, vm0, $0xb8;
	[tilespmem:$0x1AC00] =	vst v63  }
0x707: {  	_ = 	snop  }
0x708: {  	[tilespmem:s19], [sflag:$0x1] =	stream.indirect_vreg.gather [hbm4b:s2+s18], $0x80, v2, vm0, $0xb8;
	[tilespmem:$0x1AC00] =	vst v63  }
0x709: {  	_ = 	snop  }
0x70a: {  	[tilespmem:s1], [sflag:$0x1] =	stream.indirect_vreg.gather [hbm4b:s3+s18], $0x80, v2, vm0, $0xb8;
	[tilespmem:$0x1AC00] =	vst v63  }
0x70b: {  	_ = 	snop  }
0x70c: {  	[tilespmem:s20], [sflag:$0x1] =	stream.indirect_vreg.gather [hbm4b:s5+s18], $0x80, v2, vm0, $0xb8;
	[tilespmem:$0x1AC00] =	vst v63  }
0x70d: {  	_ = 	snop  }
0x70e: {  	[tilespmem:s6], [sflag:$0x1] =	stream.indirect_vreg.gather [hbm4b:s12+s18], $0x80, v2, vm0, $0xb8;
	[tilespmem:$0x1AC00] =	vst v63  }
0x70f: {  	_ = 	snop  }
0x710: {  	[tilespmem:s23], [sflag:$0x1] =	stream.indirect_vreg.gather [hbm4b:s14+s18], $0x80, v2, vm0, $0xb8;
	[tilespmem:$0x1AC00] =	vst v63  }
0x711: {  	_ = 	snop  }
0x712: {  	[tilespmem:s7], [sflag:$0x1] =	stream.indirect_vreg.gather [hbm4b:s15+s18], $0x80, v2, vm1, $0xb8;
	[tilespmem:$0x1AC00] =	vst v63  }
0x713: {  	_ =	swait.ge [sflag:s16], $0x7000  }
0x714: {  	[sflag:s16] =	ssyncset.done $0x0  }
0x715: {  	s26 =	rddreg [dreg:$0x18];
	[sflag:s16] =	ssyncadd.s32 $0xFFFF9000  }
0x716: {  	[tilespmem:s21], [sflag:$0x2] =	stream.linear.gather [hbm4b:s26+s18], $0x7000, $0x38;
	[tilespmem:$0x1AC00] =	vst v63  }
0x717: {  	_ =	swait.ge [sflag:s8], $0x7000  }
0x718: {  	s24 =	sld [smem:$0x7FA]  }
0x719: {  	[sflag:s8] =	ssyncset.done $0x0  }
0x71a: {  	[sflag:s8] =	ssyncadd.s32 $0xFFFF9000  }
0x71b: {  	[hbm4b:s24+s18] =	stream.linear.scatter [tilespmem:s21], [sflag:$0x4], $0x7000, $0x38;
	[tilespmem:$0x1AC00] =	vst v63  }
0x71c: {  	_ =	swait.ge [sflag:s11], $0x7000  }
0x71d: {  	[sflag:s11] =	ssyncset.done $0x0  }
0x71e: {  	s26 =	rddreg [dreg:$0x19];
	[sflag:s11] =	ssyncadd.s32 $0xFFFF9000  }
0x71f: {  	[tilespmem:s25], [sflag:$0x3] =	stream.linear.gather [hbm4b:s26+s18], $0x7000, $0x38;
	[tilespmem:$0x1AC00] =	vst v63  }
0x720: {  	_ =	swait.ge [sflag:s9], $0x7000  }
0x721: {  	s24 =	sld [smem:$0x7FB]  }
0x722: {  	[sflag:s9] =	ssyncset.done $0x0  }
0x723: {  	[sflag:s9] =	ssyncadd.s32 $0xFFFF9000  }
0x724: {  	[hbm4b:s24+s18] =	stream.linear.scatter [tilespmem:s25], [sflag:$0x5], $0x7000, $0x38;
	[tilespmem:$0x1AC00] =	vst v63  }
0x725: {  	_ =	swait.ge [sflag:s10], $0xC400  }
0x726: {  	[sflag:s10] =	ssyncset.done $0x0  }
0x727: {  	[sflag:s10] =	ssyncadd.s32 $0xFFFF3C00  }
0x728: {  	s18 =	smul.u32 $0x380, s18;
	_ =	swait.ge [sflag:s16], $0x7000  }
0x729: {  	[sflag:s16] =	ssyncset.done $0x0  }
0x72a: {  	s24 =	sshra.s32 s18, $0x2;
	[sflag:s16] =	ssyncadd.s32 $0xFFFF9000  }
0x72b: {  	v2 =	vld [tilespmem:s24+$0xE20]  }
0x72c: {  	v3 =	vld [tilespmem:s24+$0x800]  }
0x72d: {  	v4 =	vld [tilespmem:s24+$0x8E0]  }
0x72e: {  	s26 =	simm.s32 $0x0;
	v5 =	vld [tilespmem:s24+$0x9C0]  }
0x72f: {  	s22 =	sand.u32 $0x3FFFFF00, s26;
	v6 =	vld [tilespmem:s24+$0xAA0]  }
0x730: {  	v7 =	vld [tilespmem:s24+$0xB80];
	[tilespmem:s22+$0xCF80] =	vst v2  }
0x731: {  	[tilespmem:s22+$0xCC00] =	vst v3;
	v3 =	vld [tilespmem:s24+$0xC60]  }
0x732: {  	[tilespmem:s22+$0xCC80] =	vst v4;
	v4 =	vld [tilespmem:s24+$0xD40]  }
0x733: {  	[tilespmem:s22+$0xCD00] =	vst v5;
	v2 =	vld [tilespmem:s24+$0xE30]  }
0x734: {  	[tilespmem:s22+$0xCD80] =	vst v6;
	v5 =	vld [tilespmem:s24+$0x810]  }
0x735: {  	[tilespmem:s22+$0xCE00] =	vst v7;
	v6 =	vld [tilespmem:s24+$0x8F0]  }
0x736: {  	v7 =	vld [tilespmem:s24+$0x9D0];
	[tilespmem:s22+$0xCE80] =	vst v3  }
0x737: {  	v3 =	vld [tilespmem:s24+$0xAB0];
	[tilespmem:s22+$0xCF00] =	vst v4  }
0x738: {  	v4 =	vld [tilespmem:s24+$0xB90];
	[tilespmem:s22+$0xCF90] =	vst v2  }
0x739: {  	[tilespmem:s22+$0xCC10] =	vst v5;
	v5 =	vld [tilespmem:s24+$0xC70]  }
0x73a: {  	[tilespmem:s22+$0xCC90] =	vst v6;
	v2 =	vld [tilespmem:s24+$0xE40]  }
0x73b: {  	[tilespmem:s22+$0xCD10] =	vst v7;
	v6 =	vld [tilespmem:s24+$0xD50]  }
0x73c: {  	v7 =	vld [tilespmem:s24+$0x820];
	[tilespmem:s22+$0xCD90] =	vst v3  }
0x73d: {  	v3 =	vld [tilespmem:s24+$0x900];
	[tilespmem:s22+$0xCE10] =	vst v4  }
0x73e: {  	v4 =	vld [tilespmem:s24+$0x9E0];
	[tilespmem:s22+$0xCE90] =	vst v5  }
0x73f: {  	v5 =	vld [tilespmem:s24+$0xAC0];
	[tilespmem:s22+$0xCFA0] =	vst v2  }
0x740: {  	[tilespmem:s22+$0xCF10] =	vst v6;
	v2 =	vld [tilespmem:s24+$0xE50]  }
0x741: {  	v6 =	vld [tilespmem:s24+$0xBA0];
	[tilespmem:s22+$0xCC20] =	vst v7  }
0x742: {  	v7 =	vld [tilespmem:s24+$0xC80];
	[tilespmem:s22+$0xCCA0] =	vst v3  }
0x743: {  	[tilespmem:s22+$0xCD20] =	vst v4;
	v3 =	vld [tilespmem:s24+$0xD60]  }
0x744: {  	v4 =	vld [tilespmem:s24+$0x830];
	[tilespmem:s22+$0xCDA0] =	vst v5  }
0x745: {  	v5 =	vld [tilespmem:s24+$0x910];
	[tilespmem:s22+$0xCFB0] =	vst v2  }
0x746: {  	[tilespmem:s22+$0xCE20] =	vst v6;
	v2 =	vld [tilespmem:s24+$0xE60]  }
0x747: {  	v6 =	vld [tilespmem:s24+$0x9F0];
	[tilespmem:s22+$0xCEA0] =	vst v7  }
0x748: {  	v7 =	vld [tilespmem:s24+$0xAD0];
	[tilespmem:s22+$0xCF20] =	vst v3  }
0x749: {  	[tilespmem:s22+$0xCC30] =	vst v4;
	v3 =	vld [tilespmem:s24+$0xBB0]  }
0x74a: {  	v4 =	vld [tilespmem:s24+$0xC90];
	[tilespmem:s22+$0xCCB0] =	vst v5  }
0x74b: {  	v5 =	vld [tilespmem:s24+$0xD70];
	[tilespmem:s22+$0xCFC0] =	vst v2  }
0x74c: {  	[tilespmem:s22+$0xCD30] =	vst v6;
	v2 =	vld [tilespmem:s24+$0xE70]  }
0x74d: {  	v6 =	vld [tilespmem:s24+$0x840];
	[tilespmem:s22+$0xCDB0] =	vst v7  }
0x74e: {  	v7 =	vld [tilespmem:s24+$0x920];
	[tilespmem:s22+$0xCE30] =	vst v3  }
0x74f: {  	v3 =	vld [tilespmem:s24+$0xA00];
	[tilespmem:s22+$0xCEB0] =	vst v4  }
0x750: {  	v4 =	vld [tilespmem:s24+$0xAE0];
	[tilespmem:s22+$0xCF30] =	vst v5  }
0x751: {  	v5 =	vld [tilespmem:s24+$0xBC0];
	[tilespmem:s22+$0xCFD0] =	vst v2  }
0x752: {  	[tilespmem:s22+$0xCC40] =	vst v6;
	v2 =	vld [tilespmem:s24+$0xE80]  }
0x753: {  	v6 =	vld [tilespmem:s24+$0xCA0];
	[tilespmem:s22+$0xCCC0] =	vst v7  }
0x754: {  	v7 =	vld [tilespmem:s24+$0xD80];
	[tilespmem:s22+$0xCD40] =	vst v3  }
0x755: {  	v3 =	vld [tilespmem:s24+$0x850];
	[tilespmem:s22+$0xCDC0] =	vst v4  }
0x756: {  	v4 =	vld [tilespmem:s24+$0x930];
	[tilespmem:s22+$0xCE40] =	vst v5  }
0x757: {  	v5 =	vld [tilespmem:s24+$0xA10];
	[tilespmem:s22+$0xCFE0] =	vst v2  }
0x758: {  	[tilespmem:s22+$0xCEC0] =	vst v6;
	v2 =	vld [tilespmem:s24+$0xE90]  }
0x759: {  	v6 =	vld [tilespmem:s24+$0xAF0];
	[tilespmem:s22+$0xCF40] =	vst v7  }
0x75a: {  	v7 =	vld [tilespmem:s24+$0xBD0];
	[tilespmem:s22+$0xCC50] =	vst v3  }
0x75b: {  	[tilespmem:s22+$0xCCD0] =	vst v4;
	v3 =	vld [tilespmem:s24+$0xCB0]  }
0x75c: {  	v4 =	vld [tilespmem:s24+$0xD90];
	[tilespmem:s22+$0xCD50] =	vst v5  }
0x75d: {  	v5 =	vld [tilespmem:s24+$0x860];
	[tilespmem:s22+$0xCFF0] =	vst v2  }
0x75e: {  	[tilespmem:s22+$0xCDD0] =	vst v6;
	v2 =	vld [tilespmem:s24+$0xEA0]  }
0x75f: {  	v6 =	vld [tilespmem:s24+$0x940];
	[tilespmem:s22+$0xCE50] =	vst v7  }
0x760: {  	v7 =	vld [tilespmem:s24+$0xA20];
	[tilespmem:s22+$0xCED0] =	vst v3  }
0x761: {  	v3 =	vld [tilespmem:s24+$0xB00];
	[tilespmem:s22+$0xCF50] =	vst v4  }
0x762: {  	v4 =	vld [tilespmem:s24+$0xBE0];
	[tilespmem:s22+$0xCC60] =	vst v5  }
0x763: {  	v5 =	vld [tilespmem:s24+$0xCC0];
	[tilespmem:s22+$0xD380] =	vst v2  }
0x764: {  	[tilespmem:s22+$0xCCE0] =	vst v6;
	v2 =	vld [tilespmem:s24+$0xEB0]  }
0x765: {  	v6 =	vld [tilespmem:s24+$0xDA0];
	[tilespmem:s22+$0xCD60] =	vst v7  }
0x766: {  	v7 =	vld [tilespmem:s24+$0x870];
	[tilespmem:s22+$0xCDE0] =	vst v3  }
0x767: {  	v3 =	vld [tilespmem:s24+$0x950];
	[tilespmem:s22+$0xCE60] =	vst v4  }
0x768: {  	v4 =	vld [tilespmem:s24+$0xA30];
	[tilespmem:s22+$0xCEE0] =	vst v5  }
0x769: {  	v5 =	vld [tilespmem:s24+$0xB10];
	[tilespmem:s22+$0xD390] =	vst v2  }
0x76a: {  	[tilespmem:s22+$0xCF60] =	vst v6;
	v2 =	vld [tilespmem:s24+$0xEC0]  }
0x76b: {  	v6 =	vld [tilespmem:s24+$0xBF0];
	[tilespmem:s22+$0xCC70] =	vst v7  }
0x76c: {  	v7 =	vld [tilespmem:s24+$0xCD0];
	[tilespmem:s22+$0xCCF0] =	vst v3  }
0x76d: {  	[tilespmem:s22+$0xCD70] =	vst v4;
	v3 =	vld [tilespmem:s24+$0xDB0]  }
0x76e: {  	v4 =	vld [tilespmem:s24+$0x880];
	[tilespmem:s22+$0xCDF0] =	vst v5  }
0x76f: {  	v5 =	vld [tilespmem:s24+$0x960];
	[tilespmem:s22+$0xD3A0] =	vst v2  }
0x770: {  	[tilespmem:s22+$0xCE70] =	vst v6;
	v2 =	vld [tilespmem:s24+$0xED0]  }
0x771: {  	v6 =	vld [tilespmem:s24+$0xA40];
	[tilespmem:s22+$0xCEF0] =	vst v7  }
0x772: {  	v7 =	vld [tilespmem:s24+$0xB20];
	[tilespmem:s22+$0xCF70] =	vst v3  }
0x773: {  	[tilespmem:s22+$0xD000] =	vst v4;
	v3 =	vld [tilespmem:s24+$0xC00]  }
0x774: {  	v4 =	vld [tilespmem:s24+$0xCE0];
	[tilespmem:s22+$0xD080] =	vst v5  }
0x775: {  	v5 =	vld [tilespmem:s24+$0xDC0];
	[tilespmem:s22+$0xD3B0] =	vst v2  }
0x776: {  	[tilespmem:s22+$0xD100] =	vst v6;
	v2 =	vld [tilespmem:s24+$0xEE0]  }
0x777: {  	v6 =	vld [tilespmem:s24+$0x890];
	[tilespmem:s22+$0xD180] =	vst v7  }
0x778: {  	v7 =	vld [tilespmem:s24+$0x970];
	[tilespmem:s22+$0xD200] =	vst v3  }
0x779: {  	v3 =	vld [tilespmem:s24+$0xA50];
	[tilespmem:s22+$0xD280] =	vst v4  }
0x77a: {  	v4 =	vld [tilespmem:s24+$0xB30];
	[tilespmem:s22+$0xD300] =	vst v5  }
0x77b: {  	v5 =	vld [tilespmem:s24+$0xC10];
	[tilespmem:s22+$0xD3C0] =	vst v2  }
0x77c: {  	[tilespmem:s22+$0xD010] =	vst v6;
	v2 =	vld [tilespmem:s24+$0xEF0]  }
0x77d: {  	v6 =	vld [tilespmem:s24+$0xCF0];
	[tilespmem:s22+$0xD090] =	vst v7  }
0x77e: {  	v7 =	vld [tilespmem:s24+$0xDD0];
	[tilespmem:s22+$0xD110] =	vst v3  }
0x77f: {  	v3 =	vld [tilespmem:s24+$0x980];
	[tilespmem:s22+$0xD190] =	vst v4  }
0x780: {  	v4 =	vld [tilespmem:s24+$0xA60];
	[tilespmem:s22+$0xD210] =	vst v5  }
0x781: {  	[tilespmem:s22+$0xD3D0] =	vst v2;
	v2 =	vld [tilespmem:s24+$0x8A0]  }
0x782: {  	v5 =	vld [tilespmem:s24+$0xB40];
	[tilespmem:s22+$0xD290] =	vst v6  }
0x783: {  	v6 =	vld [tilespmem:s24+$0xC20];
	[tilespmem:s22+$0xD310] =	vst v7  }
0x784: {  	[tilespmem:s22+$0xD0A0] =	vst v3;
	v3 =	vld [tilespmem:s24+$0xDE0]  }
0x785: {  	[tilespmem:s22+$0xD120] =	vst v4;
	v4 =	vld [tilespmem:s24+$0x990]  }
0x786: {  	[tilespmem:s22+$0xD020] =	vst v2;
	v2 =	vld [tilespmem:s24+$0xD00]  }
0x787: {  	[tilespmem:s22+$0xD1A0] =	vst v5;
	v7 =	vld [tilespmem:s24+$0x8B0]  }
0x788: {  	v5 =	vld [tilespmem:s24+$0xA70];
	[tilespmem:s22+$0xD220] =	vst v6  }
0x789: {  	v6 =	vld [tilespmem:s24+$0xB50];
	[tilespmem:s22+$0xD320] =	vst v3  }
0x78a: {  	[tilespmem:s22+$0xD0B0] =	vst v4;
	v4 =	vld [tilespmem:s24+$0xDF0]  }
0x78b: {  	[tilespmem:s22+$0xD2A0] =	vst v2;
	v2 =	vld [tilespmem:s24+$0xC30]  }
0x78c: {  	[tilespmem:s22+$0xD030] =	vst v7;
	v3 =	vld [tilespmem:s24+$0xD10]  }
0x78d: {  	[tilespmem:s22+$0xD130] =	vst v5;
	v7 =	vld [tilespmem:s24+$0x8C0]  }
0x78e: {  	v5 =	vld [tilespmem:s24+$0x9A0];
	[tilespmem:s22+$0xD1B0] =	vst v6  }
0x78f: {  	v6 =	vld [tilespmem:s24+$0xA80];
	[tilespmem:s22+$0xD330] =	vst v4  }
0x790: {  	[tilespmem:s22+$0xD230] =	vst v2;
	v2 =	vld [tilespmem:s24+$0xB60]  }
0x791: {  	[tilespmem:s22+$0xD2B0] =	vst v3;
	v3 =	vld [tilespmem:s24+$0xC40]  }
0x792: {  	[tilespmem:s22+$0xD040] =	vst v7;
	v7 =	vld [tilespmem:s24+$0xD20]  }
0x793: {  	[tilespmem:s22+$0xD0C0] =	vst v5;
	v4 =	vld [tilespmem:s24+$0xE00]  }
0x794: {  	[tilespmem:s22+$0xD140] =	vst v6;
	v5 =	vld [tilespmem:s24+$0x8D0]  }
0x795: {  	v6 =	vld [tilespmem:s24+$0x9B0];
	[tilespmem:s22+$0xD1C0] =	vst v2  }
0x796: {  	v2 =	vld [tilespmem:s24+$0xA90];
	[tilespmem:s22+$0xD240] =	vst v3  }
0x797: {  	s26 =	simm.s32 $0x8;
	v3 =	vld [tilespmem:s24+$0xB70];
	[tilespmem:s22+$0xD2C0] =	vst v7  }
.LBB2_14:
0x798: {  	s18 =	smul.u32 $0x380, s26;
	p0 =	slt.u32 s26, $0x68;
	v7 =	vld [tilespmem:s24+$0xC50];
	[tilespmem:s22+$0xD340] =	vst v4  }
0x799: {  	[tilespmem:s22+$0xD050] =	vst v5;
	v4 =	vld [tilespmem:s24+$0xD30]  }
0x79a: {  	[tilespmem:s22+$0xD0D0] =	vst v6;
	v5 =	vld [tilespmem:s24+$0xE10];
	s24 =	sshra.s32 s18, $0x2  }
0x79b: {  	v6 =	vld [tilespmem:s24+$0xE20];
	[tilespmem:s22+$0xD150] =	vst v2  }
0x79c: {  	v2 =	vld [tilespmem:s24+$0x800];
	[tilespmem:s22+$0xD1D0] =	vst v3  }
0x79d: {  	v3 =	vld [tilespmem:s24+$0x8E0];
	[tilespmem:s22+$0xD250] =	vst v7  }
0x79e: {  	s18 =	sshll.u32 s26, $0x8;
	v7 =	vld [tilespmem:s24+$0x9C0];
	[tilespmem:s22+$0xD2D0] =	vst v4  }
0x79f: {  	v4 =	vld [tilespmem:s24+$0xAA0];
	[tilespmem:s22+$0xD350] =	vst v5;
	s22 =	sand.u32 $0x3FFFFF00, s18  }
0x7a0: {  	v5 =	vld [tilespmem:s24+$0xB80];
	[tilespmem:s22+$0xCF80] =	vst v6  }
0x7a1: {  	[tilespmem:s22+$0xCC00] =	vst v2;
	v2 =	vld [tilespmem:s24+$0xE30]  }
0x7a2: {  	[tilespmem:s22+$0xCC80] =	vst v3;
	v3 =	vld [tilespmem:s24+$0xC60]  }
0x7a3: {  	[tilespmem:s22+$0xCD00] =	vst v7;
	v6 =	vld [tilespmem:s24+$0xD40]  }
0x7a4: {  	v7 =	vld [tilespmem:s24+$0x810];
	[tilespmem:s22+$0xCD80] =	vst v4  }
0x7a5: {  	v4 =	vld [tilespmem:s24+$0x8F0];
	[tilespmem:s22+$0xCE00] =	vst v5  }
0x7a6: {  	v5 =	vld [tilespmem:s24+$0x9D0];
	[tilespmem:s22+$0xCF90] =	vst v2  }
0x7a7: {  	[tilespmem:s22+$0xCE80] =	vst v3;
	v2 =	vld [tilespmem:s24+$0xE40]  }
0x7a8: {  	v3 =	vld [tilespmem:s24+$0xAB0];
	[tilespmem:s22+$0xCF00] =	vst v6  }
0x7a9: {  	[tilespmem:s22+$0xCC10] =	vst v7;
	v6 =	vld [tilespmem:s24+$0xB90]  }
0x7aa: {  	[tilespmem:s22+$0xCC90] =	vst v4;
	v4 =	vld [tilespmem:s24+$0xC70]  }
0x7ab: {  	[tilespmem:s22+$0xCD10] =	vst v5;
	v5 =	vld [tilespmem:s24+$0xD50]  }
0x7ac: {  	v7 =	vld [tilespmem:s24+$0x820];
	[tilespmem:s22+$0xCFA0] =	vst v2  }
0x7ad: {  	[tilespmem:s22+$0xCD90] =	vst v3;
	v2 =	vld [tilespmem:s24+$0xE50]  }
0x7ae: {  	v3 =	vld [tilespmem:s24+$0x900];
	[tilespmem:s22+$0xCE10] =	vst v6  }
0x7af: {  	v6 =	vld [tilespmem:s24+$0x9E0];
	[tilespmem:s22+$0xCE90] =	vst v4  }
0x7b0: {  	v4 =	vld [tilespmem:s24+$0xAC0];
	[tilespmem:s22+$0xCF10] =	vst v5  }
0x7b1: {  	[tilespmem:s22+$0xCC20] =	vst v7;
	v5 =	vld [tilespmem:s24+$0xBA0]  }
0x7b2: {  	v7 =	vld [tilespmem:s24+$0xC80];
	[tilespmem:s22+$0xCFB0] =	vst v2  }
0x7b3: {  	[tilespmem:s22+$0xCCA0] =	vst v3;
	v2 =	vld [tilespmem:s24+$0xE60]  }
0x7b4: {  	[tilespmem:s22+$0xCD20] =	vst v6;
	v3 =	vld [tilespmem:s24+$0xD60]  }
0x7b5: {  	v6 =	vld [tilespmem:s24+$0x830];
	[tilespmem:s22+$0xCDA0] =	vst v4  }
0x7b6: {  	v4 =	vld [tilespmem:s24+$0x910];
	[tilespmem:s22+$0xCE20] =	vst v5  }
0x7b7: {  	v5 =	vld [tilespmem:s24+$0x9F0];
	[tilespmem:s22+$0xCEA0] =	vst v7  }
0x7b8: {  	v7 =	vld [tilespmem:s24+$0xAD0];
	[tilespmem:s22+$0xCFC0] =	vst v2  }
0x7b9: {  	[tilespmem:s22+$0xCF20] =	vst v3;
	v2 =	vld [tilespmem:s24+$0xE70]  }
0x7ba: {  	[tilespmem:s22+$0xCC30] =	vst v6;
	v3 =	vld [tilespmem:s24+$0xBB0]  }
0x7bb: {  	[tilespmem:s22+$0xCCB0] =	vst v4;
	v4 =	vld [tilespmem:s24+$0xC90]  }
0x7bc: {  	[tilespmem:s22+$0xCD30] =	vst v5;
	v5 =	vld [tilespmem:s24+$0xD70]  }
0x7bd: {  	v6 =	vld [tilespmem:s24+$0x840];
	[tilespmem:s22+$0xCDB0] =	vst v7  }
0x7be: {  	v7 =	vld [tilespmem:s24+$0x920];
	[tilespmem:s22+$0xCFD0] =	vst v2  }
0x7bf: {  	[tilespmem:s22+$0xCE30] =	vst v3;
	v2 =	vld [tilespmem:s24+$0xE80]  }
0x7c0: {  	v3 =	vld [tilespmem:s24+$0xA00];
	[tilespmem:s22+$0xCEB0] =	vst v4  }
0x7c1: {  	v4 =	vld [tilespmem:s24+$0xAE0];
	[tilespmem:s22+$0xCF30] =	vst v5  }
0x7c2: {  	[tilespmem:s22+$0xCC40] =	vst v6;
	v5 =	vld [tilespmem:s24+$0xBC0]  }
0x7c3: {  	[tilespmem:s22+$0xCCC0] =	vst v7;
	v6 =	vld [tilespmem:s24+$0xCA0]  }
0x7c4: {  	v7 =	vld [tilespmem:s24+$0xD80];
	[tilespmem:s22+$0xCFE0] =	vst v2  }
0x7c5: {  	[tilespmem:s22+$0xCD40] =	vst v3;
	v2 =	vld [tilespmem:s24+$0xE90]  }
0x7c6: {  	v3 =	vld [tilespmem:s24+$0x850];
	[tilespmem:s22+$0xCDC0] =	vst v4  }
0x7c7: {  	v4 =	vld [tilespmem:s24+$0x930];
	[tilespmem:s22+$0xCE40] =	vst v5  }
0x7c8: {  	v5 =	vld [tilespmem:s24+$0xA10];
	[tilespmem:s22+$0xCEC0] =	vst v6  }
0x7c9: {  	v6 =	vld [tilespmem:s24+$0xAF0];
	[tilespmem:s22+$0xCF40] =	vst v7  }
0x7ca: {  	v7 =	vld [tilespmem:s24+$0xBD0];
	[tilespmem:s22+$0xCFF0] =	vst v2  }
0x7cb: {  	[tilespmem:s22+$0xCC50] =	vst v3;
	v2 =	vld [tilespmem:s24+$0xEA0]  }
0x7cc: {  	[tilespmem:s22+$0xCCD0] =	vst v4;
	v3 =	vld [tilespmem:s24+$0xCB0]  }
0x7cd: {  	[tilespmem:s22+$0xCD50] =	vst v5;
	v4 =	vld [tilespmem:s24+$0xD90]  }
0x7ce: {  	v5 =	vld [tilespmem:s24+$0x860];
	[tilespmem:s22+$0xCDD0] =	vst v6  }
0x7cf: {  	v6 =	vld [tilespmem:s24+$0x940];
	[tilespmem:s22+$0xCE50] =	vst v7  }
0x7d0: {  	v7 =	vld [tilespmem:s24+$0xA20];
	[tilespmem:s22+$0xD380] =	vst v2  }
0x7d1: {  	[tilespmem:s22+$0xCED0] =	vst v3;
	v2 =	vld [tilespmem:s24+$0xEB0]  }
0x7d2: {  	v3 =	vld [tilespmem:s24+$0xB00];
	[tilespmem:s22+$0xCF50] =	vst v4  }
0x7d3: {  	[tilespmem:s22+$0xCC60] =	vst v5;
	v4 =	vld [tilespmem:s24+$0xBE0]  }
0x7d4: {  	[tilespmem:s22+$0xCCE0] =	vst v6;
	v5 =	vld [tilespmem:s24+$0xCC0]  }
0x7d5: {  	[tilespmem:s22+$0xCD60] =	vst v7;
	v6 =	vld [tilespmem:s24+$0xDA0]  }
0x7d6: {  	v7 =	vld [tilespmem:s24+$0x870];
	[tilespmem:s22+$0xD390] =	vst v2  }
0x7d7: {  	[tilespmem:s22+$0xCDE0] =	vst v3;
	v2 =	vld [tilespmem:s24+$0xEC0]  }
0x7d8: {  	v3 =	vld [tilespmem:s24+$0x950];
	[tilespmem:s22+$0xCE60] =	vst v4  }
0x7d9: {  	v4 =	vld [tilespmem:s24+$0xA30];
	[tilespmem:s22+$0xCEE0] =	vst v5  }
0x7da: {  	v5 =	vld [tilespmem:s24+$0xB10];
	[tilespmem:s22+$0xCF60] =	vst v6  }
0x7db: {  	[tilespmem:s22+$0xCC70] =	vst v7;
	v6 =	vld [tilespmem:s24+$0xBF0]  }
0x7dc: {  	v7 =	vld [tilespmem:s24+$0xCD0];
	[tilespmem:s22+$0xD3A0] =	vst v2  }
0x7dd: {  	[tilespmem:s22+$0xCCF0] =	vst v3;
	v2 =	vld [tilespmem:s24+$0xED0]  }
0x7de: {  	[tilespmem:s22+$0xCD70] =	vst v4;
	v3 =	vld [tilespmem:s24+$0xDB0]  }
0x7df: {  	v4 =	vld [tilespmem:s24+$0x880];
	[tilespmem:s22+$0xCDF0] =	vst v5  }
0x7e0: {  	v5 =	vld [tilespmem:s24+$0x960];
	[tilespmem:s22+$0xCE70] =	vst v6  }
0x7e1: {  	v6 =	vld [tilespmem:s24+$0xA40];
	[tilespmem:s22+$0xCEF0] =	vst v7  }
0x7e2: {  	v7 =	vld [tilespmem:s24+$0xB20];
	[tilespmem:s22+$0xD3B0] =	vst v2  }
0x7e3: {  	[tilespmem:s22+$0xCF70] =	vst v3;
	v2 =	vld [tilespmem:s24+$0xEE0]  }
0x7e4: {  	[tilespmem:s22+$0xD000] =	vst v4;
	v3 =	vld [tilespmem:s24+$0xC00]  }
0x7e5: {  	[tilespmem:s22+$0xD080] =	vst v5;
	v4 =	vld [tilespmem:s24+$0xCE0]  }
0x7e6: {  	[tilespmem:s22+$0xD100] =	vst v6;
	v5 =	vld [tilespmem:s24+$0xDC0]  }
0x7e7: {  	v6 =	vld [tilespmem:s24+$0x890];
	[tilespmem:s22+$0xD180] =	vst v7  }
0x7e8: {  	v7 =	vld [tilespmem:s24+$0x970];
	[tilespmem:s22+$0xD3C0] =	vst v2  }
0x7e9: {  	[tilespmem:s22+$0xD200] =	vst v3;
	v2 =	vld [tilespmem:s24+$0xEF0]  }
0x7ea: {  	v3 =	vld [tilespmem:s24+$0xA50];
	[tilespmem:s22+$0xD280] =	vst v4  }
0x7eb: {  	v4 =	vld [tilespmem:s24+$0xB30];
	[tilespmem:s22+$0xD300] =	vst v5  }
0x7ec: {  	[tilespmem:s22+$0xD010] =	vst v6;
	v5 =	vld [tilespmem:s24+$0xC10]  }
0x7ed: {  	[tilespmem:s22+$0xD090] =	vst v7;
	v6 =	vld [tilespmem:s24+$0xCF0]  }
0x7ee: {  	v7 =	vld [tilespmem:s24+$0xDD0];
	[tilespmem:s22+$0xD3D0] =	vst v2  }
0x7ef: {  	v2 =	vld [tilespmem:s24+$0x8A0];
	[tilespmem:s22+$0xD110] =	vst v3  }
0x7f0: {  	v3 =	vld [tilespmem:s24+$0x980];
	[tilespmem:s22+$0xD190] =	vst v4  }
0x7f1: {  	v4 =	vld [tilespmem:s24+$0xA60];
	[tilespmem:s22+$0xD210] =	vst v5  }
0x7f2: {  	v5 =	vld [tilespmem:s24+$0xB40];
	[tilespmem:s22+$0xD290] =	vst v6  }
0x7f3: {  	v6 =	vld [tilespmem:s24+$0xC20];
	[tilespmem:s22+$0xD310] =	vst v7  }
0x7f4: {  	[tilespmem:s22+$0xD020] =	vst v2;
	v2 =	vld [tilespmem:s24+$0xD00]  }
0x7f5: {  	[tilespmem:s22+$0xD0A0] =	vst v3;
	v3 =	vld [tilespmem:s24+$0xDE0]  }
0x7f6: {  	v7 =	vld [tilespmem:s24+$0x8B0];
	[tilespmem:s22+$0xD120] =	vst v4  }
0x7f7: {  	v4 =	vld [tilespmem:s24+$0x990];
	[tilespmem:s22+$0xD1A0] =	vst v5  }
0x7f8: {  	v5 =	vld [tilespmem:s24+$0xA70];
	[tilespmem:s22+$0xD220] =	vst v6  }
0x7f9: {  	v6 =	vld [tilespmem:s24+$0xB50];
	[tilespmem:s22+$0xD2A0] =	vst v2  }
0x7fa: {  	v2 =	vld [tilespmem:s24+$0xC30];
	[tilespmem:s22+$0xD320] =	vst v3  }
0x7fb: {  	[tilespmem:s22+$0xD030] =	vst v7;
	v3 =	vld [tilespmem:s24+$0xD10]  }
0x7fc: {  	[tilespmem:s22+$0xD0B0] =	vst v4;
	v4 =	vld [tilespmem:s24+$0xDF0]  }
0x7fd: {  	v7 =	vld [tilespmem:s24+$0x8C0];
	[tilespmem:s22+$0xD130] =	vst v5  }
0x7fe: {  	v5 =	vld [tilespmem:s24+$0x9A0];
	[tilespmem:s22+$0xD1B0] =	vst v6  }
0x7ff: {  	v6 =	vld [tilespmem:s24+$0xA80];
	[tilespmem:s22+$0xD230] =	vst v2  }
0x800: {  	v2 =	vld [tilespmem:s24+$0xB60];
	[tilespmem:s22+$0xD2B0] =	vst v3  }
0x801: {  	v3 =	vld [tilespmem:s24+$0xC40];
	[tilespmem:s22+$0xD330] =	vst v4  }
0x802: {  	[tilespmem:s22+$0xD040] =	vst v7;
	v7 =	vld [tilespmem:s24+$0xD20]  }
.Ltmp6:
0x803: {  	[tilespmem:s22+$0xD0C0] =	vst v5;
	v4 =	vld [tilespmem:s24+$0xE00];
	(pc) =	sbr.rel @p0 .LBB2_14-.Ltmp6, $4  }
0x804: {  	v5 =	vld [tilespmem:s24+$0x8D0];
	[tilespmem:s22+$0xD140] =	vst v6  }
0x805: {  	v6 =	vld [tilespmem:s24+$0x9B0];
	[tilespmem:s22+$0xD1C0] =	vst v2  }
0x806: {  	v2 =	vld [tilespmem:s24+$0xA90];
	[tilespmem:s22+$0xD240] =	vst v3  }
0x807: {  	s26 =	sadd.s32 $0x8, s26;
	v3 =	vld [tilespmem:s24+$0xB70];
	[tilespmem:s22+$0xD2C0] =	vst v7  }
0x808: {  	v7 =	vld [tilespmem:s24+$0xC50];
	[tilespmem:s22+$0xD340] =	vst v4  }
0x809: {  	v4 =	vld [tilespmem:s24+$0xD30];
	[tilespmem:s22+$0xD050] =	vst v5  }
0x80a: {  	v5 =	vld [tilespmem:s24+$0xE10];
	[tilespmem:s22+$0xD0D0] =	vst v6  }
0x80b: {  	[tilespmem:s22+$0xD150] =	vst v2  }
0x80c: {  	[tilespmem:s22+$0xD1D0] =	vst v3  }
0x80d: {  	[tilespmem:s22+$0xD250] =	vst v7  }
0x80e: {  	[tilespmem:s22+$0xD2D0] =	vst v4  }
0x80f: {  	[tilespmem:s22+$0xD350] =	vst v5  }
0x810: {  	s22 =	sld [smem:$0x7FC];
	_ =	sdelay $0x1  }
0x811: {  	s18 =	simm.s32 $0x0  }
0x812: {  	[hbm4b:s22+s18] =	stream.linear.scatter [tilespmem:s21], [sflag:$0x4], $0x7000, $0x38;
	[tilespmem:$0x1AC00] =	vst v63  }
0x813: {  	s18 =	smul.u32 $0x380, s18;
	_ =	swait.ge [sflag:s11], $0x7000  }
0x814: {  	[sflag:s11] =	ssyncset.done $0x0  }
0x815: {  	s24 =	sshra.s32 s18, $0x2;
	[sflag:s11] =	ssyncadd.s32 $0xFFFF9000  }
0x816: {  	v2 =	vld [tilespmem:s24+$0x7020]  }
0x817: {  	v3 =	vld [tilespmem:s24+$0x6A00]  }
0x818: {  	v4 =	vld [tilespmem:s24+$0x6AE0]  }
0x819: {  	s26 =	simm.s32 $0x0;
	v5 =	vld [tilespmem:s24+$0x6BC0]  }
0x81a: {  	s22 =	sand.u32 $0x3FFFFF00, s26;
	v6 =	vld [tilespmem:s24+$0x6CA0]  }
0x81b: {  	v7 =	vld [tilespmem:s24+$0x6D80];
	[tilespmem:s22+$0x13F80] =	vst v2  }
0x81c: {  	[tilespmem:s22+$0x13C00] =	vst v3;
	v3 =	vld [tilespmem:s24+$0x6E60]  }
0x81d: {  	[tilespmem:s22+$0x13C80] =	vst v4;
	v4 =	vld [tilespmem:s24+$0x6F40]  }
0x81e: {  	[tilespmem:s22+$0x13D00] =	vst v5;
	v2 =	vld [tilespmem:s24+$0x7030]  }
0x81f: {  	[tilespmem:s22+$0x13D80] =	vst v6;
	v5 =	vld [tilespmem:s24+$0x6A10]  }
0x820: {  	[tilespmem:s22+$0x13E00] =	vst v7;
	v6 =	vld [tilespmem:s24+$0x6AF0]  }
0x821: {  	v7 =	vld [tilespmem:s24+$0x6BD0];
	[tilespmem:s22+$0x13E80] =	vst v3  }
0x822: {  	v3 =	vld [tilespmem:s24+$0x6CB0];
	[tilespmem:s22+$0x13F00] =	vst v4  }
0x823: {  	v4 =	vld [tilespmem:s24+$0x6D90];
	[tilespmem:s22+$0x13F90] =	vst v2  }
0x824: {  	[tilespmem:s22+$0x13C10] =	vst v5;
	v5 =	vld [tilespmem:s24+$0x6E70]  }
0x825: {  	[tilespmem:s22+$0x13C90] =	vst v6;
	v2 =	vld [tilespmem:s24+$0x7040]  }
0x826: {  	[tilespmem:s22+$0x13D10] =	vst v7;
	v6 =	vld [tilespmem:s24+$0x6F50]  }
0x827: {  	v7 =	vld [tilespmem:s24+$0x6A20];
	[tilespmem:s22+$0x13D90] =	vst v3  }
0x828: {  	v3 =	vld [tilespmem:s24+$0x6B00];
	[tilespmem:s22+$0x13E10] =	vst v4  }
0x829: {  	v4 =	vld [tilespmem:s24+$0x6BE0];
	[tilespmem:s22+$0x13E90] =	vst v5  }
0x82a: {  	v5 =	vld [tilespmem:s24+$0x6CC0];
	[tilespmem:s22+$0x13FA0] =	vst v2  }
0x82b: {  	[tilespmem:s22+$0x13F10] =	vst v6;
	v2 =	vld [tilespmem:s24+$0x7050]  }
0x82c: {  	v6 =	vld [tilespmem:s24+$0x6DA0];
	[tilespmem:s22+$0x13C20] =	vst v7  }
0x82d: {  	v7 =	vld [tilespmem:s24+$0x6E80];
	[tilespmem:s22+$0x13CA0] =	vst v3  }
0x82e: {  	[tilespmem:s22+$0x13D20] =	vst v4;
	v3 =	vld [tilespmem:s24+$0x6F60]  }
0x82f: {  	v4 =	vld [tilespmem:s24+$0x6A30];
	[tilespmem:s22+$0x13DA0] =	vst v5  }
0x830: {  	v5 =	vld [tilespmem:s24+$0x6B10];
	[tilespmem:s22+$0x13FB0] =	vst v2  }
0x831: {  	[tilespmem:s22+$0x13E20] =	vst v6;
	v2 =	vld [tilespmem:s24+$0x7060]  }
0x832: {  	v6 =	vld [tilespmem:s24+$0x6BF0];
	[tilespmem:s22+$0x13EA0] =	vst v7  }
0x833: {  	v7 =	vld [tilespmem:s24+$0x6CD0];
	[tilespmem:s22+$0x13F20] =	vst v3  }
0x834: {  	[tilespmem:s22+$0x13C30] =	vst v4;
	v3 =	vld [tilespmem:s24+$0x6DB0]  }
0x835: {  	v4 =	vld [tilespmem:s24+$0x6E90];
	[tilespmem:s22+$0x13CB0] =	vst v5  }
0x836: {  	v5 =	vld [tilespmem:s24+$0x6F70];
	[tilespmem:s22+$0x13FC0] =	vst v2  }
0x837: {  	[tilespmem:s22+$0x13D30] =	vst v6;
	v2 =	vld [tilespmem:s24+$0x7070]  }
0x838: {  	v6 =	vld [tilespmem:s24+$0x6A40];
	[tilespmem:s22+$0x13DB0] =	vst v7  }
0x839: {  	v7 =	vld [tilespmem:s24+$0x6B20];
	[tilespmem:s22+$0x13E30] =	vst v3  }
0x83a: {  	v3 =	vld [tilespmem:s24+$0x6C00];
	[tilespmem:s22+$0x13EB0] =	vst v4  }
0x83b: {  	v4 =	vld [tilespmem:s24+$0x6CE0];
	[tilespmem:s22+$0x13F30] =	vst v5  }
0x83c: {  	v5 =	vld [tilespmem:s24+$0x6DC0];
	[tilespmem:s22+$0x13FD0] =	vst v2  }
0x83d: {  	[tilespmem:s22+$0x13C40] =	vst v6;
	v2 =	vld [tilespmem:s24+$0x7080]  }
0x83e: {  	v6 =	vld [tilespmem:s24+$0x6EA0];
	[tilespmem:s22+$0x13CC0] =	vst v7  }
0x83f: {  	v7 =	vld [tilespmem:s24+$0x6F80];
	[tilespmem:s22+$0x13D40] =	vst v3  }
0x840: {  	v3 =	vld [tilespmem:s24+$0x6A50];
	[tilespmem:s22+$0x13DC0] =	vst v4  }
0x841: {  	v4 =	vld [tilespmem:s24+$0x6B30];
	[tilespmem:s22+$0x13E40] =	vst v5  }
0x842: {  	v5 =	vld [tilespmem:s24+$0x6C10];
	[tilespmem:s22+$0x13FE0] =	vst v2  }
0x843: {  	[tilespmem:s22+$0x13EC0] =	vst v6;
	v2 =	vld [tilespmem:s24+$0x7090]  }
0x844: {  	v6 =	vld [tilespmem:s24+$0x6CF0];
	[tilespmem:s22+$0x13F40] =	vst v7  }
0x845: {  	v7 =	vld [tilespmem:s24+$0x6DD0];
	[tilespmem:s22+$0x13C50] =	vst v3  }
0x846: {  	[tilespmem:s22+$0x13CD0] =	vst v4;
	v3 =	vld [tilespmem:s24+$0x6EB0]  }
0x847: {  	v4 =	vld [tilespmem:s24+$0x6F90];
	[tilespmem:s22+$0x13D50] =	vst v5  }
0x848: {  	v5 =	vld [tilespmem:s24+$0x6A60];
	[tilespmem:s22+$0x13FF0] =	vst v2  }
0x849: {  	[tilespmem:s22+$0x13DD0] =	vst v6;
	v2 =	vld [tilespmem:s24+$0x70A0]  }
0x84a: {  	v6 =	vld [tilespmem:s24+$0x6B40];
	[tilespmem:s22+$0x13E50] =	vst v7  }
0x84b: {  	v7 =	vld [tilespmem:s24+$0x6C20];
	[tilespmem:s22+$0x13ED0] =	vst v3  }
0x84c: {  	v3 =	vld [tilespmem:s24+$0x6D00];
	[tilespmem:s22+$0x13F50] =	vst v4  }
0x84d: {  	v4 =	vld [tilespmem:s24+$0x6DE0];
	[tilespmem:s22+$0x13C60] =	vst v5  }
0x84e: {  	v5 =	vld [tilespmem:s24+$0x6EC0];
	[tilespmem:s22+$0x14380] =	vst v2  }
0x84f: {  	[tilespmem:s22+$0x13CE0] =	vst v6;
	v2 =	vld [tilespmem:s24+$0x70B0]  }
0x850: {  	v6 =	vld [tilespmem:s24+$0x6FA0];
	[tilespmem:s22+$0x13D60] =	vst v7  }
0x851: {  	v7 =	vld [tilespmem:s24+$0x6A70];
	[tilespmem:s22+$0x13DE0] =	vst v3  }
0x852: {  	v3 =	vld [tilespmem:s24+$0x6B50];
	[tilespmem:s22+$0x13E60] =	vst v4  }
0x853: {  	v4 =	vld [tilespmem:s24+$0x6C30];
	[tilespmem:s22+$0x13EE0] =	vst v5  }
0x854: {  	v5 =	vld [tilespmem:s24+$0x6D10];
	[tilespmem:s22+$0x14390] =	vst v2  }
0x855: {  	[tilespmem:s22+$0x13F60] =	vst v6;
	v2 =	vld [tilespmem:s24+$0x70C0]  }
0x856: {  	v6 =	vld [tilespmem:s24+$0x6DF0];
	[tilespmem:s22+$0x13C70] =	vst v7  }
0x857: {  	v7 =	vld [tilespmem:s24+$0x6ED0];
	[tilespmem:s22+$0x13CF0] =	vst v3  }
0x858: {  	[tilespmem:s22+$0x13D70] =	vst v4;
	v3 =	vld [tilespmem:s24+$0x6FB0]  }
0x859: {  	v4 =	vld [tilespmem:s24+$0x6A80];
	[tilespmem:s22+$0x13DF0] =	vst v5  }
0x85a: {  	v5 =	vld [tilespmem:s24+$0x6B60];
	[tilespmem:s22+$0x143A0] =	vst v2  }
0x85b: {  	[tilespmem:s22+$0x13E70] =	vst v6;
	v2 =	vld [tilespmem:s24+$0x70D0]  }
0x85c: {  	v6 =	vld [tilespmem:s24+$0x6C40];
	[tilespmem:s22+$0x13EF0] =	vst v7  }
0x85d: {  	v7 =	vld [tilespmem:s24+$0x6D20];
	[tilespmem:s22+$0x13F70] =	vst v3  }
0x85e: {  	[tilespmem:s22+$0x14000] =	vst v4;
	v3 =	vld [tilespmem:s24+$0x6E00]  }
0x85f: {  	v4 =	vld [tilespmem:s24+$0x6EE0];
	[tilespmem:s22+$0x14080] =	vst v5  }
0x860: {  	v5 =	vld [tilespmem:s24+$0x6FC0];
	[tilespmem:s22+$0x143B0] =	vst v2  }
0x861: {  	[tilespmem:s22+$0x14100] =	vst v6;
	v2 =	vld [tilespmem:s24+$0x70E0]  }
0x862: {  	v6 =	vld [tilespmem:s24+$0x6A90];
	[tilespmem:s22+$0x14180] =	vst v7  }
0x863: {  	v7 =	vld [tilespmem:s24+$0x6B70];
	[tilespmem:s22+$0x14200] =	vst v3  }
0x864: {  	v3 =	vld [tilespmem:s24+$0x6C50];
	[tilespmem:s22+$0x14280] =	vst v4  }
0x865: {  	v4 =	vld [tilespmem:s24+$0x6D30];
	[tilespmem:s22+$0x14300] =	vst v5  }
0x866: {  	v5 =	vld [tilespmem:s24+$0x6E10];
	[tilespmem:s22+$0x143C0] =	vst v2  }
0x867: {  	[tilespmem:s22+$0x14010] =	vst v6;
	v2 =	vld [tilespmem:s24+$0x70F0]  }
0x868: {  	v6 =	vld [tilespmem:s24+$0x6EF0];
	[tilespmem:s22+$0x14090] =	vst v7  }
0x869: {  	v7 =	vld [tilespmem:s24+$0x6FD0];
	[tilespmem:s22+$0x14110] =	vst v3  }
0x86a: {  	v3 =	vld [tilespmem:s24+$0x6B80];
	[tilespmem:s22+$0x14190] =	vst v4  }
0x86b: {  	v4 =	vld [tilespmem:s24+$0x6C60];
	[tilespmem:s22+$0x14210] =	vst v5  }
0x86c: {  	[tilespmem:s22+$0x143D0] =	vst v2;
	v2 =	vld [tilespmem:s24+$0x6AA0]  }
0x86d: {  	v5 =	vld [tilespmem:s24+$0x6D40];
	[tilespmem:s22+$0x14290] =	vst v6  }
0x86e: {  	v6 =	vld [tilespmem:s24+$0x6E20];
	[tilespmem:s22+$0x14310] =	vst v7  }
0x86f: {  	[tilespmem:s22+$0x140A0] =	vst v3;
	v3 =	vld [tilespmem:s24+$0x6FE0]  }
0x870: {  	[tilespmem:s22+$0x14120] =	vst v4;
	v4 =	vld [tilespmem:s24+$0x6B90]  }
0x871: {  	[tilespmem:s22+$0x14020] =	vst v2;
	v2 =	vld [tilespmem:s24+$0x6F00]  }
0x872: {  	[tilespmem:s22+$0x141A0] =	vst v5;
	v7 =	vld [tilespmem:s24+$0x6AB0]  }
0x873: {  	v5 =	vld [tilespmem:s24+$0x6C70];
	[tilespmem:s22+$0x14220] =	vst v6  }
0x874: {  	v6 =	vld [tilespmem:s24+$0x6D50];
	[tilespmem:s22+$0x14320] =	vst v3  }
0x875: {  	[tilespmem:s22+$0x140B0] =	vst v4;
	v4 =	vld [tilespmem:s24+$0x6FF0]  }
0x876: {  	[tilespmem:s22+$0x142A0] =	vst v2;
	v2 =	vld [tilespmem:s24+$0x6E30]  }
0x877: {  	[tilespmem:s22+$0x14030] =	vst v7;
	v3 =	vld [tilespmem:s24+$0x6F10]  }
0x878: {  	[tilespmem:s22+$0x14130] =	vst v5;
	v7 =	vld [tilespmem:s24+$0x6AC0]  }
0x879: {  	v5 =	vld [tilespmem:s24+$0x6BA0];
	[tilespmem:s22+$0x141B0] =	vst v6  }
0x87a: {  	v6 =	vld [tilespmem:s24+$0x6C80];
	[tilespmem:s22+$0x14330] =	vst v4  }
0x87b: {  	[tilespmem:s22+$0x14230] =	vst v2;
	v2 =	vld [tilespmem:s24+$0x6D60]  }
0x87c: {  	[tilespmem:s22+$0x142B0] =	vst v3;
	v3 =	vld [tilespmem:s24+$0x6E40]  }
0x87d: {  	[tilespmem:s22+$0x14040] =	vst v7;
	v7 =	vld [tilespmem:s24+$0x6F20]  }
0x87e: {  	[tilespmem:s22+$0x140C0] =	vst v5;
	v4 =	vld [tilespmem:s24+$0x7000]  }
0x87f: {  	[tilespmem:s22+$0x14140] =	vst v6;
	v5 =	vld [tilespmem:s24+$0x6AD0]  }
0x880: {  	v6 =	vld [tilespmem:s24+$0x6BB0];
	[tilespmem:s22+$0x141C0] =	vst v2  }
0x881: {  	v2 =	vld [tilespmem:s24+$0x6C90];
	[tilespmem:s22+$0x14240] =	vst v3  }
0x882: {  	s26 =	simm.s32 $0x8;
	v3 =	vld [tilespmem:s24+$0x6D70];
	[tilespmem:s22+$0x142C0] =	vst v7  }
.LBB2_16:
0x883: {  	s18 =	smul.u32 $0x380, s26;
	p0 =	slt.u32 s26, $0x68;
	v7 =	vld [tilespmem:s24+$0x6E50];
	[tilespmem:s22+$0x14340] =	vst v4  }
0x884: {  	[tilespmem:s22+$0x14050] =	vst v5;
	v4 =	vld [tilespmem:s24+$0x6F30]  }
0x885: {  	[tilespmem:s22+$0x140D0] =	vst v6;
	v5 =	vld [tilespmem:s24+$0x7010];
	s24 =	sshra.s32 s18, $0x2  }
0x886: {  	v6 =	vld [tilespmem:s24+$0x7020];
	[tilespmem:s22+$0x14150] =	vst v2  }
0x887: {  	v2 =	vld [tilespmem:s24+$0x6A00];
	[tilespmem:s22+$0x141D0] =	vst v3  }
0x888: {  	v3 =	vld [tilespmem:s24+$0x6AE0];
	[tilespmem:s22+$0x14250] =	vst v7  }
0x889: {  	s18 =	sshll.u32 s26, $0x8;
	v7 =	vld [tilespmem:s24+$0x6BC0];
	[tilespmem:s22+$0x142D0] =	vst v4  }
0x88a: {  	v4 =	vld [tilespmem:s24+$0x6CA0];
	[tilespmem:s22+$0x14350] =	vst v5;
	s22 =	sand.u32 $0x3FFFFF00, s18  }
0x88b: {  	v5 =	vld [tilespmem:s24+$0x6D80];
	[tilespmem:s22+$0x13F80] =	vst v6  }
0x88c: {  	[tilespmem:s22+$0x13C00] =	vst v2;
	v2 =	vld [tilespmem:s24+$0x7030]  }
0x88d: {  	[tilespmem:s22+$0x13C80] =	vst v3;
	v3 =	vld [tilespmem:s24+$0x6E60]  }
0x88e: {  	[tilespmem:s22+$0x13D00] =	vst v7;
	v6 =	vld [tilespmem:s24+$0x6F40]  }
0x88f: {  	v7 =	vld [tilespmem:s24+$0x6A10];
	[tilespmem:s22+$0x13D80] =	vst v4  }
0x890: {  	v4 =	vld [tilespmem:s24+$0x6AF0];
	[tilespmem:s22+$0x13E00] =	vst v5  }
0x891: {  	v5 =	vld [tilespmem:s24+$0x6BD0];
	[tilespmem:s22+$0x13F90] =	vst v2  }
0x892: {  	[tilespmem:s22+$0x13E80] =	vst v3;
	v2 =	vld [tilespmem:s24+$0x7040]  }
0x893: {  	v3 =	vld [tilespmem:s24+$0x6CB0];
	[tilespmem:s22+$0x13F00] =	vst v6  }
0x894: {  	[tilespmem:s22+$0x13C10] =	vst v7;
	v6 =	vld [tilespmem:s24+$0x6D90]  }
0x895: {  	[tilespmem:s22+$0x13C90] =	vst v4;
	v4 =	vld [tilespmem:s24+$0x6E70]  }
0x896: {  	[tilespmem:s22+$0x13D10] =	vst v5;
	v5 =	vld [tilespmem:s24+$0x6F50]  }
0x897: {  	v7 =	vld [tilespmem:s24+$0x6A20];
	[tilespmem:s22+$0x13FA0] =	vst v2  }
0x898: {  	[tilespmem:s22+$0x13D90] =	vst v3;
	v2 =	vld [tilespmem:s24+$0x7050]  }
0x899: {  	v3 =	vld [tilespmem:s24+$0x6B00];
	[tilespmem:s22+$0x13E10] =	vst v6  }
0x89a: {  	v6 =	vld [tilespmem:s24+$0x6BE0];
	[tilespmem:s22+$0x13E90] =	vst v4  }
0x89b: {  	v4 =	vld [tilespmem:s24+$0x6CC0];
	[tilespmem:s22+$0x13F10] =	vst v5  }
0x89c: {  	[tilespmem:s22+$0x13C20] =	vst v7;
	v5 =	vld [tilespmem:s24+$0x6DA0]  }
0x89d: {  	v7 =	vld [tilespmem:s24+$0x6E80];
	[tilespmem:s22+$0x13FB0] =	vst v2  }
0x89e: {  	[tilespmem:s22+$0x13CA0] =	vst v3;
	v2 =	vld [tilespmem:s24+$0x7060]  }
0x89f: {  	[tilespmem:s22+$0x13D20] =	vst v6;
	v3 =	vld [tilespmem:s24+$0x6F60]  }
0x8a0: {  	v6 =	vld [tilespmem:s24+$0x6A30];
	[tilespmem:s22+$0x13DA0] =	vst v4  }
0x8a1: {  	v4 =	vld [tilespmem:s24+$0x6B10];
	[tilespmem:s22+$0x13E20] =	vst v5  }
0x8a2: {  	v5 =	vld [tilespmem:s24+$0x6BF0];
	[tilespmem:s22+$0x13EA0] =	vst v7  }
0x8a3: {  	v7 =	vld [tilespmem:s24+$0x6CD0];
	[tilespmem:s22+$0x13FC0] =	vst v2  }
0x8a4: {  	[tilespmem:s22+$0x13F20] =	vst v3;
	v2 =	vld [tilespmem:s24+$0x7070]  }
0x8a5: {  	[tilespmem:s22+$0x13C30] =	vst v6;
	v3 =	vld [tilespmem:s24+$0x6DB0]  }
0x8a6: {  	[tilespmem:s22+$0x13CB0] =	vst v4;
	v4 =	vld [tilespmem:s24+$0x6E90]  }
0x8a7: {  	[tilespmem:s22+$0x13D30] =	vst v5;
	v5 =	vld [tilespmem:s24+$0x6F70]  }
0x8a8: {  	v6 =	vld [tilespmem:s24+$0x6A40];
	[tilespmem:s22+$0x13DB0] =	vst v7  }
0x8a9: {  	v7 =	vld [tilespmem:s24+$0x6B20];
	[tilespmem:s22+$0x13FD0] =	vst v2  }
0x8aa: {  	[tilespmem:s22+$0x13E30] =	vst v3;
	v2 =	vld [tilespmem:s24+$0x7080]  }
0x8ab: {  	v3 =	vld [tilespmem:s24+$0x6C00];
	[tilespmem:s22+$0x13EB0] =	vst v4  }
0x8ac: {  	v4 =	vld [tilespmem:s24+$0x6CE0];
	[tilespmem:s22+$0x13F30] =	vst v5  }
0x8ad: {  	[tilespmem:s22+$0x13C40] =	vst v6;
	v5 =	vld [tilespmem:s24+$0x6DC0]  }
0x8ae: {  	[tilespmem:s22+$0x13CC0] =	vst v7;
	v6 =	vld [tilespmem:s24+$0x6EA0]  }
0x8af: {  	v7 =	vld [tilespmem:s24+$0x6F80];
	[tilespmem:s22+$0x13FE0] =	vst v2  }
0x8b0: {  	[tilespmem:s22+$0x13D40] =	vst v3;
	v2 =	vld [tilespmem:s24+$0x7090]  }
0x8b1: {  	v3 =	vld [tilespmem:s24+$0x6A50];
	[tilespmem:s22+$0x13DC0] =	vst v4  }
0x8b2: {  	v4 =	vld [tilespmem:s24+$0x6B30];
	[tilespmem:s22+$0x13E40] =	vst v5  }
0x8b3: {  	v5 =	vld [tilespmem:s24+$0x6C10];
	[tilespmem:s22+$0x13EC0] =	vst v6  }
0x8b4: {  	v6 =	vld [tilespmem:s24+$0x6CF0];
	[tilespmem:s22+$0x13F40] =	vst v7  }
0x8b5: {  	v7 =	vld [tilespmem:s24+$0x6DD0];
	[tilespmem:s22+$0x13FF0] =	vst v2  }
0x8b6: {  	[tilespmem:s22+$0x13C50] =	vst v3;
	v2 =	vld [tilespmem:s24+$0x70A0]  }
0x8b7: {  	[tilespmem:s22+$0x13CD0] =	vst v4;
	v3 =	vld [tilespmem:s24+$0x6EB0]  }
0x8b8: {  	[tilespmem:s22+$0x13D50] =	vst v5;
	v4 =	vld [tilespmem:s24+$0x6F90]  }
0x8b9: {  	v5 =	vld [tilespmem:s24+$0x6A60];
	[tilespmem:s22+$0x13DD0] =	vst v6  }
0x8ba: {  	v6 =	vld [tilespmem:s24+$0x6B40];
	[tilespmem:s22+$0x13E50] =	vst v7  }
0x8bb: {  	v7 =	vld [tilespmem:s24+$0x6C20];
	[tilespmem:s22+$0x14380] =	vst v2  }
0x8bc: {  	[tilespmem:s22+$0x13ED0] =	vst v3;
	v2 =	vld [tilespmem:s24+$0x70B0]  }
0x8bd: {  	v3 =	vld [tilespmem:s24+$0x6D00];
	[tilespmem:s22+$0x13F50] =	vst v4  }
0x8be: {  	[tilespmem:s22+$0x13C60] =	vst v5;
	v4 =	vld [tilespmem:s24+$0x6DE0]  }
0x8bf: {  	[tilespmem:s22+$0x13CE0] =	vst v6;
	v5 =	vld [tilespmem:s24+$0x6EC0]  }
0x8c0: {  	[tilespmem:s22+$0x13D60] =	vst v7;
	v6 =	vld [tilespmem:s24+$0x6FA0]  }
0x8c1: {  	v7 =	vld [tilespmem:s24+$0x6A70];
	[tilespmem:s22+$0x14390] =	vst v2  }
0x8c2: {  	[tilespmem:s22+$0x13DE0] =	vst v3;
	v2 =	vld [tilespmem:s24+$0x70C0]  }
0x8c3: {  	v3 =	vld [tilespmem:s24+$0x6B50];
	[tilespmem:s22+$0x13E60] =	vst v4  }
0x8c4: {  	v4 =	vld [tilespmem:s24+$0x6C30];
	[tilespmem:s22+$0x13EE0] =	vst v5  }
0x8c5: {  	v5 =	vld [tilespmem:s24+$0x6D10];
	[tilespmem:s22+$0x13F60] =	vst v6  }
0x8c6: {  	[tilespmem:s22+$0x13C70] =	vst v7;
	v6 =	vld [tilespmem:s24+$0x6DF0]  }
0x8c7: {  	v7 =	vld [tilespmem:s24+$0x6ED0];
	[tilespmem:s22+$0x143A0] =	vst v2  }
0x8c8: {  	[tilespmem:s22+$0x13CF0] =	vst v3;
	v2 =	vld [tilespmem:s24+$0x70D0]  }
0x8c9: {  	[tilespmem:s22+$0x13D70] =	vst v4;
	v3 =	vld [tilespmem:s24+$0x6FB0]  }
0x8ca: {  	v4 =	vld [tilespmem:s24+$0x6A80];
	[tilespmem:s22+$0x13DF0] =	vst v5  }
0x8cb: {  	v5 =	vld [tilespmem:s24+$0x6B60];
	[tilespmem:s22+$0x13E70] =	vst v6  }
0x8cc: {  	v6 =	vld [tilespmem:s24+$0x6C40];
	[tilespmem:s22+$0x13EF0] =	vst v7  }
0x8cd: {  	v7 =	vld [tilespmem:s24+$0x6D20];
	[tilespmem:s22+$0x143B0] =	vst v2  }
0x8ce: {  	[tilespmem:s22+$0x13F70] =	vst v3;
	v2 =	vld [tilespmem:s24+$0x70E0]  }
0x8cf: {  	[tilespmem:s22+$0x14000] =	vst v4;
	v3 =	vld [tilespmem:s24+$0x6E00]  }
0x8d0: {  	[tilespmem:s22+$0x14080] =	vst v5;
	v4 =	vld [tilespmem:s24+$0x6EE0]  }
0x8d1: {  	[tilespmem:s22+$0x14100] =	vst v6;
	v5 =	vld [tilespmem:s24+$0x6FC0]  }
0x8d2: {  	v6 =	vld [tilespmem:s24+$0x6A90];
	[tilespmem:s22+$0x14180] =	vst v7  }
0x8d3: {  	v7 =	vld [tilespmem:s24+$0x6B70];
	[tilespmem:s22+$0x143C0] =	vst v2  }
0x8d4: {  	[tilespmem:s22+$0x14200] =	vst v3;
	v2 =	vld [tilespmem:s24+$0x70F0]  }
0x8d5: {  	v3 =	vld [tilespmem:s24+$0x6C50];
	[tilespmem:s22+$0x14280] =	vst v4  }
0x8d6: {  	v4 =	vld [tilespmem:s24+$0x6D30];
	[tilespmem:s22+$0x14300] =	vst v5  }
0x8d7: {  	[tilespmem:s22+$0x14010] =	vst v6;
	v5 =	vld [tilespmem:s24+$0x6E10]  }
0x8d8: {  	[tilespmem:s22+$0x14090] =	vst v7;
	v6 =	vld [tilespmem:s24+$0x6EF0]  }
0x8d9: {  	v7 =	vld [tilespmem:s24+$0x6FD0];
	[tilespmem:s22+$0x143D0] =	vst v2  }
0x8da: {  	v2 =	vld [tilespmem:s24+$0x6AA0];
	[tilespmem:s22+$0x14110] =	vst v3  }
0x8db: {  	v3 =	vld [tilespmem:s24+$0x6B80];
	[tilespmem:s22+$0x14190] =	vst v4  }
0x8dc: {  	v4 =	vld [tilespmem:s24+$0x6C60];
	[tilespmem:s22+$0x14210] =	vst v5  }
0x8dd: {  	v5 =	vld [tilespmem:s24+$0x6D40];
	[tilespmem:s22+$0x14290] =	vst v6  }
0x8de: {  	v6 =	vld [tilespmem:s24+$0x6E20];
	[tilespmem:s22+$0x14310] =	vst v7  }
0x8df: {  	[tilespmem:s22+$0x14020] =	vst v2;
	v2 =	vld [tilespmem:s24+$0x6F00]  }
0x8e0: {  	[tilespmem:s22+$0x140A0] =	vst v3;
	v3 =	vld [tilespmem:s24+$0x6FE0]  }
0x8e1: {  	v7 =	vld [tilespmem:s24+$0x6AB0];
	[tilespmem:s22+$0x14120] =	vst v4  }
0x8e2: {  	v4 =	vld [tilespmem:s24+$0x6B90];
	[tilespmem:s22+$0x141A0] =	vst v5  }
0x8e3: {  	v5 =	vld [tilespmem:s24+$0x6C70];
	[tilespmem:s22+$0x14220] =	vst v6  }
0x8e4: {  	v6 =	vld [tilespmem:s24+$0x6D50];
	[tilespmem:s22+$0x142A0] =	vst v2  }
0x8e5: {  	v2 =	vld [tilespmem:s24+$0x6E30];
	[tilespmem:s22+$0x14320] =	vst v3  }
0x8e6: {  	[tilespmem:s22+$0x14030] =	vst v7;
	v3 =	vld [tilespmem:s24+$0x6F10]  }
0x8e7: {  	[tilespmem:s22+$0x140B0] =	vst v4;
	v4 =	vld [tilespmem:s24+$0x6FF0]  }
0x8e8: {  	v7 =	vld [tilespmem:s24+$0x6AC0];
	[tilespmem:s22+$0x14130] =	vst v5  }
0x8e9: {  	v5 =	vld [tilespmem:s24+$0x6BA0];
	[tilespmem:s22+$0x141B0] =	vst v6  }
0x8ea: {  	v6 =	vld [tilespmem:s24+$0x6C80];
	[tilespmem:s22+$0x14230] =	vst v2  }
0x8eb: {  	v2 =	vld [tilespmem:s24+$0x6D60];
	[tilespmem:s22+$0x142B0] =	vst v3  }
0x8ec: {  	v3 =	vld [tilespmem:s24+$0x6E40];
	[tilespmem:s22+$0x14330] =	vst v4  }
0x8ed: {  	[tilespmem:s22+$0x14040] =	vst v7;
	v7 =	vld [tilespmem:s24+$0x6F20]  }
.Ltmp7:
0x8ee: {  	[tilespmem:s22+$0x140C0] =	vst v5;
	v4 =	vld [tilespmem:s24+$0x7000];
	(pc) =	sbr.rel @p0 .LBB2_16-.Ltmp7, $4  }
0x8ef: {  	v5 =	vld [tilespmem:s24+$0x6AD0];
	[tilespmem:s22+$0x14140] =	vst v6  }
0x8f0: {  	v6 =	vld [tilespmem:s24+$0x6BB0];
	[tilespmem:s22+$0x141C0] =	vst v2  }
0x8f1: {  	v2 =	vld [tilespmem:s24+$0x6C90];
	[tilespmem:s22+$0x14240] =	vst v3  }
0x8f2: {  	s26 =	sadd.s32 $0x8, s26;
	v3 =	vld [tilespmem:s24+$0x6D70];
	[tilespmem:s22+$0x142C0] =	vst v7  }
0x8f3: {  	v7 =	vld [tilespmem:s24+$0x6E50];
	[tilespmem:s22+$0x14340] =	vst v4  }
0x8f4: {  	v62 =	vld [tilespmem:s24+$0x6F30];
	[tilespmem:s22+$0x14050] =	vst v5  }
0x8f5: {  	v63 =	vld [tilespmem:s24+$0x7010];
	[tilespmem:s22+$0x140D0] =	vst v6  }
0x8f6: {  	[tilespmem:s22+$0x14150] =	vst v2  }
0x8f7: {  	[tilespmem:s22+$0x141D0] =	vst v3  }
0x8f8: {  	[tilespmem:s22+$0x14250] =	vst v7  }
0x8f9: {  	[tilespmem:s22+$0x142D0] =	vst v62  }
0x8fa: {  	[tilespmem:s22+$0x14350] =	vst v63  }
0x8fb: {  	s18 =	sld [smem:$0x7FD];
	_ =	sdelay $0x2  }
0x8fc: {  	[hbm4b:s18+s4] =	stream.linear.scatter [tilespmem:s25], [sflag:$0x5], $0x7000, $0x38;
	[tilespmem:$0x1AC00] =	vst v63  }
0x8fd: {  	_ =	swait.ge [sflag:s16], $0x7000  }
0x8fe: {  	[sflag:s16] =	ssyncset.done $0x0  }
0x8ff: {  	[sflag:s16] =	ssyncadd.s32 $0xFFFF9000  }
0x900: {  	_ =	swait.ge [sflag:s11], $0x7000  }
0x901: {  	s13 =	sadd.s32 $0x1, s13;
	s26 =	rddreg [dreg:$0x1b]  }
0x902: {  	p0 =	sne.s32 s13, s26  }
.Ltmp8:
0x903: {  	_ = 	snop;
	(pc) =	sbr.rel @p0 .LBB2_1-.Ltmp8, $3  }
0x904: {  	_ =	sdelay $0x1  }
0x905: {  	[sflag:s11] =	ssyncset.done $0x0  }
0x906: {  	[sflag:s11] =	ssyncadd.s32 $0xFFFF9000  }
0x907: {  	_ =	sfence.sel $0x180000  }
0x908: {  	[bflag:$0x0] =	sbarrier.arrive $0xFFFF  }
0x909: {  	_ =	strace $0x90000047  }
0x90a: {  	s0 =	stileid.u32;
	[bflag:$0x2] =	sbarrier.arrive $0xFFFF  }
0x90b: {  	p0 =	sne.s32 s0, $0x0;
	s0 =	rddreg [dreg:$0x6]  }
0x90c: {  	s0 =	sadd.s32 @!p0 $0x100000, s0  }
0x90d: {  	[sflag:s0] =	ssyncadd.tile.s32 @!p0 $0x1;
	_ =	shalt  }
.Lfunc_end2:
_tile_overlayer_lowered:
.L_overlay_start_2:
0x90e: {  	(tag) =	ssettag $0x2  }
0x90f: {  	s0 =	rddreg [dreg:$0x0];
	s2 =	stileid.u32  }
0x910: {  	s1 =	rddreg [dreg:$0x1];
	p0 =	sne.s32 s2, $0x0  }
0x911: {  	s3 =	rddreg [dreg:$0x2];
	[bflag:$0x3] =	sbarrier.arrive $0xFFFF;
	s2 =	simm.s32 @!p0 $0x1C06  }
0x912: {  	[timem:s3], [sflag:s2] =	dma.local @!p0 [hbm:s0], s1  }
0x913: {  	s0 =	simm.s32 @!p0 $0x6  }
0x914: {  	_ =	swait.ge @!p0 [sflag:s0], s1  }
0x915: {  	s1 =	ssub.s32 @!p0 $0x0, s1;
	[sflag:s0] =	ssyncset.done @!p0 $0x0  }
0x916: {  	[sflag:s0] =	ssyncadd.s32 @!p0 s1  }
0x917: {  	[bflag:$0x3] =	sbarrier.arrive $0xFFFF  }
0x918: {  	_ =	shalt  }

</sc_bundles>
